<compile_context>
chip_gen: v7x
topology: tpu7x:2x2x1
jax: 0.10.2.dev20260603
libtpu: 0.0.44.dev20260713+nightly
codegen_flags: <defaults>
</compile_context>

<pallas_src>
import functools

import jax
import jax.numpy as jnp
from jax import lax
from jax.experimental import pallas as pl
from jax.experimental.pallas import tpu as pltpu
from jax.experimental.pallas import tpu_sc as plsc

_D = 64
_B = 16384
_L = 16
_NC = 2
_NS = 16
_NW = _NC * _NS
_BPW = _B // _NW
_C = 64
_NCHUNK = _BPW // _C
_G = _D // _L

_mesh = plsc.VectorSubcoreMesh(core_axis_name="c", subcore_axis_name="s")

_ROWBUF = [pltpu.VMEM((_C, _D), jnp.float32)] * 12


@functools.partial(
    pl.kernel,
    mesh=_mesh,
    compiler_params=pltpu.CompilerParams(
        needs_layout_passes=False, use_tc_tiling_on_sc=True),
    out_type=[
        jax.ShapeDtypeStruct((_B * _L,), jnp.float32),
        jax.ShapeDtypeStruct((_NW, _L), jnp.float32),
    ],
    scratch_types=[
        pltpu.SMEM((3 * _BPW,), jnp.int32),
        pltpu.VMEM((_BPW,), jnp.int32),
        pltpu.VMEM((_BPW,), jnp.int32),
        pltpu.VMEM((_BPW,), jnp.int32),
        pltpu.VMEM_SHARED((_NS, 3 * _BPW), jnp.int32),
    ] + _ROWBUF + [
        pltpu.VMEM((_C * _L,), jnp.float32),
        pltpu.VMEM((_L,), jnp.float32),
        pltpu.SemaphoreType.DMA,
        pltpu.SemaphoreType.DMA,
    ],
)
def _sc_score(heads, rels, tails, ent_re, ent_im, rel_re, rel_im,
              score_out, sq_out,
              idx_s, idx_vh, idx_vr, idx_vt, idx_sh,
              ahre, ahim, atre, atim, arre, arim,
              bhre, bhim, btre, btim, brre, brim,
              score_buf, sq_buf, sem_a, sem_b):
    sid = lax.axis_index("s")
    wid = sid * _NC + lax.axis_index("c")
    base = wid * _BPW

    pltpu.sync_copy(heads.at[pl.ds(base, _BPW)], idx_vh)
    pltpu.sync_copy(rels.at[pl.ds(base, _BPW)], idx_vr)
    pltpu.sync_copy(tails.at[pl.ds(base, _BPW)], idx_vt)
    pltpu.sync_copy(idx_vh, idx_sh.at[sid, pl.ds(0, _BPW)])
    pltpu.sync_copy(idx_vr, idx_sh.at[sid, pl.ds(_BPW, _BPW)])
    pltpu.sync_copy(idx_vt, idx_sh.at[sid, pl.ds(2 * _BPW, _BPW)])
    pltpu.sync_copy(idx_sh.at[sid], idx_s)

    bufs_a = (ahre, ahim, atre, atim, arre, arim)
    bufs_b = (bhre, bhim, btre, btim, brre, brim)

    def issue(ci, bufs, sem):
        hre, him, tre, tim, rre, rim = bufs
        loc = ci * _C

        def issue_body(i, _):
            h = idx_s[loc + i]
            r = idx_s[_BPW + loc + i]
            t = idx_s[2 * _BPW + loc + i]
            pltpu.async_copy(ent_re.at[h], hre.at[i], sem)
            pltpu.async_copy(ent_im.at[h], him.at[i], sem)
            pltpu.async_copy(ent_re.at[t], tre.at[i], sem)
            pltpu.async_copy(ent_im.at[t], tim.at[i], sem)
            pltpu.async_copy(rel_re.at[r], rre.at[i], sem)
            pltpu.async_copy(rel_im.at[r], rim.at[i], sem)
            return 0

        lax.fori_loop(0, _C, issue_body, 0)

    def drain(bufs, sem):
        for buf in bufs:
            pltpu.make_async_copy(ent_re.at[pl.ds(0, _C)], buf, sem).wait()

    def compute(ci, bufs, sq_carry):
        hreb, himb, treb, timb, rreb, rimb = bufs
        off = base + ci * _C

        def tri_body(i, carry):
            sq1, sq2, sq3 = carry
            score16 = jnp.zeros((_L,), jnp.float32)
            for g in range(_G):
                sl = pl.ds(g * _L, _L)
                hre = hreb[i, sl]
                him = himb[i, sl]
                tre = treb[i, sl]
                tim = timb[i, sl]
                rre = rreb[i, sl]
                rim = rimb[i, sl]
                score16 = score16 + rre * (hre * tre + him * tim)
                score16 = score16 + rim * (hre * tim - him * tre)
                sq1 = sq1 + (hre * hre + him * him)
                sq2 = sq2 + (tre * tre + tim * tim)
                sq3 = sq3 + (rre * rre + rim * rim)
            score_buf[pl.ds(i * _L, _L)] = score16
            return (sq1, sq2, sq3)

        sq_carry = lax.fori_loop(0, _C, tri_body, sq_carry)
        pltpu.sync_copy(score_buf, score_out.at[pl.ds(off * _L, _C * _L)])
        return sq_carry

    zero = jnp.zeros((_L,), jnp.float32)
    sq = (zero, zero, zero)
    issue(0, bufs_a, sem_a)
    for ci in range(_NCHUNK):
        cur, csem = (bufs_a, sem_a) if ci % 2 == 0 else (bufs_b, sem_b)
        nxt, nsem = (bufs_b, sem_b) if ci % 2 == 0 else (bufs_a, sem_a)
        if ci + 1 < _NCHUNK:
            issue(ci + 1, nxt, nsem)
        drain(cur, csem)
        sq = compute(ci, cur, sq)
    sq_buf[...] = sq[0] + sq[1] + sq[2]
    pltpu.sync_copy(sq_buf, sq_out.at[wid])


def _tc_finish_body(part_ref, labels_ref, sq_ref, out_ref):
    part = part_ref[...]
    row = lax.broadcasted_iota(jnp.int32, (128, 8), 0)
    col = lax.broadcasted_iota(jnp.int32, (128, 8), 1)
    sel = (row // _L == col).astype(jnp.float32)
    score8 = -jax.lax.dot_general(
        part, sel, (((1,), (0,)), ((), ())),
        preferred_element_type=jnp.float32)
    x = score8 * labels_ref[...]
    sp = jnp.maximum(x, 0.0) + jnp.log(1.0 + jnp.exp(-jnp.abs(x)))
    regul = jnp.sum(sq_ref[...]) * (0.01 / (_B * _D))
    total = jnp.sum(sp) * (1.0 / _B) + regul
    out_ref[...] = jnp.broadcast_to(total, (1, 1))


def _tc_finish(part, labels8, sq):
    return pl.pallas_call(
        _tc_finish_body,
        out_shape=jax.ShapeDtypeStruct((1, 1), jnp.float32),
    )(part, labels8, sq)


def kernel(batch, labels, ent_re, ent_im, rel_re, rel_im):
    heads = batch[:, 0]
    rels = batch[:, 1]
    tails = batch[:, 2]
    part, sq = _sc_score(heads, rels, tails, ent_re, ent_im, rel_re, rel_im)
    loss = _tc_finish(
        part.reshape(_B // 8, 128), labels.reshape(_B // 8, 8), sq)
    return loss[0, 0]

# --- scband reference (transcript-rebuilt; emitter-appended) ---
"""Pipeline reference for scband-compl-ex-21148418965686 (READ-ONLY COPY).

The authoritative reference and input builder live on the scoring server;
editing this copy changes nothing except your own understanding.
"""

import jax, jax.numpy as jnp
import numpy as np

NUM_ENTITIES = 100000
NUM_RELATIONS = 100000
EMBED_DIM = 64
BATCH = 16384


def setup_inputs(seed: int = 0) -> dict:
    key = jax.random.key(seed)
    ks = jax.random.split(key, 6)
    batch = jax.random.randint(ks[0], (BATCH, 3), 0, NUM_ENTITIES, dtype=jnp.int32)
    labels = jax.random.normal(ks[1], (BATCH, 1), dtype=jnp.float32)
    scale = 1.0 / np.sqrt(EMBED_DIM)
    ent_re = jax.random.normal(ks[2], (NUM_ENTITIES, EMBED_DIM), dtype=jnp.float32) * scale
    ent_im = jax.random.normal(ks[3], (NUM_ENTITIES, EMBED_DIM), dtype=jnp.float32) * scale
    rel_re = jax.random.normal(ks[4], (NUM_RELATIONS, EMBED_DIM), dtype=jnp.float32) * scale
    rel_im = jax.random.normal(ks[5], (NUM_RELATIONS, EMBED_DIM), dtype=jnp.float32) * scale
    return {"batch": batch, "labels": labels, "ent_re": ent_re, "ent_im": ent_im, "rel_re": rel_re, "rel_im": rel_im}


def reference(batch, labels, ent_re, ent_im, rel_re, rel_im):
    heads = batch[:, 0:1]
    rels = batch[:, 1:2]
    tails = batch[:, 2:3]
    h_re = jnp.take(ent_re, heads, axis=0)
    h_im = jnp.take(ent_im, heads, axis=0)
    t_re = jnp.take(ent_re, tails, axis=0)
    t_im = jnp.take(ent_im, tails, axis=0)
    r_re = jnp.take(rel_re, rels, axis=0)
    r_im = jnp.take(rel_im, rels, axis=0)
    score = -jnp.sum(h_re * t_re * r_re + h_im * t_im * r_re + h_re * t_im * r_im - h_im * t_re * r_im, axis=-1)
    regul = (jnp.mean(h_re ** 2) + jnp.mean(h_im ** 2) + jnp.mean(t_re ** 2)
             + jnp.mean(t_im ** 2) + jnp.mean(r_re ** 2) + jnp.mean(r_im ** 2))
    loss = jnp.mean(jax.nn.softplus(score * labels)) + 0.01 * regul
    return loss

if __name__ == "__main__":
    import jax
    _d = setup_inputs()
    print(jax.jit(kernel)(*tuple(_d.values())))

</pallas_src>

<mosaic_0001>
#map = affine_map<(d0, d1) -> (0)>
#map1 = affine_map<(d0, d1) -> (0, 0)>
module attributes {stable_mosaic.version = 14 : i64} {
  func.func @_sc_score(%arg0: i32, %arg1: i32, %arg2: memref<16384xi32, #tpu.memory_space<hbm>>, %arg3: memref<16384xi32, #tpu.memory_space<hbm>>, %arg4: memref<16384xi32, #tpu.memory_space<hbm>>, %arg5: memref<100000x64xf32, #tpu.memory_space<hbm>>, %arg6: memref<100000x64xf32, #tpu.memory_space<hbm>>, %arg7: memref<100000x64xf32, #tpu.memory_space<hbm>>, %arg8: memref<100000x64xf32, #tpu.memory_space<hbm>>, %arg9: memref<262144xf32, #tpu.memory_space<hbm>>, %arg10: memref<32x16xf32, #tpu.memory_space<hbm>>, %arg11: memref<1536xi32, #tpu.memory_space<smem>>, %arg12: memref<512xi32, #tpu.memory_space<vmem>>, %arg13: memref<512xi32, #tpu.memory_space<vmem>>, %arg14: memref<512xi32, #tpu.memory_space<vmem>>, %arg15: memref<16x1536xi32, #tpu.memory_space<vmem_shared>>, %arg16: memref<64x64xf32, #tpu.memory_space<vmem>>, %arg17: memref<64x64xf32, #tpu.memory_space<vmem>>, %arg18: memref<64x64xf32, #tpu.memory_space<vmem>>, %arg19: memref<64x64xf32, #tpu.memory_space<vmem>>, %arg20: memref<64x64xf32, #tpu.memory_space<vmem>>, %arg21: memref<64x64xf32, #tpu.memory_space<vmem>>, %arg22: memref<64x64xf32, #tpu.memory_space<vmem>>, %arg23: memref<64x64xf32, #tpu.memory_space<vmem>>, %arg24: memref<64x64xf32, #tpu.memory_space<vmem>>, %arg25: memref<64x64xf32, #tpu.memory_space<vmem>>, %arg26: memref<64x64xf32, #tpu.memory_space<vmem>>, %arg27: memref<64x64xf32, #tpu.memory_space<vmem>>, %arg28: memref<1024xf32, #tpu.memory_space<vmem>>, %arg29: memref<16xf32, #tpu.memory_space<vmem>>, %arg30: memref<!tpu.dma_semaphore, #tpu.memory_space<semaphore_mem>>, %arg31: memref<!tpu.dma_semaphore, #tpu.memory_space<semaphore_mem>>) attributes {dimension_semantics = [#tpu.dimension_semantics<core_parallel>, #tpu.dimension_semantics<subcore_parallel>], iteration_bounds = array<i64: 2, 16>, scalar_prefetch = 0 : i64, scratch_operands = 21 : i64, tpu.core_type = #tpu.core_type<sc_vector_subcore>, window_params = [{transform_indices = #map}, {transform_indices = #map}, {transform_indices = #map}, {transform_indices = #map1}, {transform_indices = #map1}, {transform_indices = #map1}, {transform_indices = #map1}, {transform_indices = #map}, {transform_indices = #map1}]} {
    %mul3A = arith.constant 2 : i32
    %mul3A_0 = arith.muli %arg1, %mul3A : i32
    %add3A = arith.addi %mul3A_0, %arg0 : i32
    %mul3A_1 = arith.constant 512 : i32
    %mul3A_2 = arith.muli %add3A, %mul3A_1 : i32
    "tpu.region"() ({
      %run_scoped3A = tpu.sem_alloc : memref<!tpu.dma_semaphore, #tpu.memory_space<semaphore_mem>>
      %dma_start3A = tpu.memref_slice %arg2[%mul3A_2] : memref<16384xi32, #tpu.memory_space<hbm>> -> memref<512xi32, #tpu.memory_space<hbm>>
      %dma_start3A_429 = tpu.memref_slice %arg2[%mul3A_2] : memref<16384xi32, #tpu.memory_space<hbm>> -> memref<512xi32, #tpu.memory_space<hbm>>
      tpu.enqueue_dma source(%dma_start3A_429 : memref<512xi32, #tpu.memory_space<hbm>>) target(%arg12 : memref<512xi32, #tpu.memory_space<vmem>>) target_semaphore(%run_scoped3A : memref<!tpu.dma_semaphore, #tpu.memory_space<semaphore_mem>>)
      %dma_wait3A_430 = tpu.memref_slice %arg2[%mul3A_2] : memref<16384xi32, #tpu.memory_space<hbm>> -> memref<512xi32, #tpu.memory_space<hbm>>
      %dma_wait3A_431 = tpu.memref_slice %arg2[%mul3A_2] : memref<16384xi32, #tpu.memory_space<hbm>> -> memref<512xi32, #tpu.memory_space<hbm>>
      tpu.wait_dma2 semaphore(%run_scoped3A : memref<!tpu.dma_semaphore, #tpu.memory_space<semaphore_mem>>) src(%dma_wait3A_431 : memref<512xi32, #tpu.memory_space<hbm>>) dst(%arg12 : memref<512xi32, #tpu.memory_space<vmem>>)
      tpu.yield
    }) : () -> ()
    "tpu.region"() ({
      %run_scoped3A = tpu.sem_alloc : memref<!tpu.dma_semaphore, #tpu.memory_space<semaphore_mem>>
      %dma_start3A = tpu.memref_slice %arg3[%mul3A_2] : memref<16384xi32, #tpu.memory_space<hbm>> -> memref<512xi32, #tpu.memory_space<hbm>>
      %dma_start3A_429 = tpu.memref_slice %arg3[%mul3A_2] : memref<16384xi32, #tpu.memory_space<hbm>> -> memref<512xi32, #tpu.memory_space<hbm>>
      tpu.enqueue_dma source(%dma_start3A_429 : memref<512xi32, #tpu.memory_space<hbm>>) target(%arg13 : memref<512xi32, #tpu.memory_space<vmem>>) target_semaphore(%run_scoped3A : memref<!tpu.dma_semaphore, #tpu.memory_space<semaphore_mem>>)
      %dma_wait3A_430 = tpu.memref_slice %arg3[%mul3A_2] : memref<16384xi32, #tpu.memory_space<hbm>> -> memref<512xi32, #tpu.memory_space<hbm>>
      %dma_wait3A_431 = tpu.memref_slice %arg3[%mul3A_2] : memref<16384xi32, #tpu.memory_space<hbm>> -> memref<512xi32, #tpu.memory_space<hbm>>
      tpu.wait_dma2 semaphore(%run_scoped3A : memref<!tpu.dma_semaphore, #tpu.memory_space<semaphore_mem>>) src(%dma_wait3A_431 : memref<512xi32, #tpu.memory_space<hbm>>) dst(%arg13 : memref<512xi32, #tpu.memory_space<vmem>>)
      tpu.yield
    }) : () -> ()
    "tpu.region"() ({
      %run_scoped3A = tpu.sem_alloc : memref<!tpu.dma_semaphore, #tpu.memory_space<semaphore_mem>>
      %dma_start3A = tpu.memref_slice %arg4[%mul3A_2] : memref<16384xi32, #tpu.memory_space<hbm>> -> memref<512xi32, #tpu.memory_space<hbm>>
      %dma_start3A_429 = tpu.memref_slice %arg4[%mul3A_2] : memref<16384xi32, #tpu.memory_space<hbm>> -> memref<512xi32, #tpu.memory_space<hbm>>
      tpu.enqueue_dma source(%dma_start3A_429 : memref<512xi32, #tpu.memory_space<hbm>>) target(%arg14 : memref<512xi32, #tpu.memory_space<vmem>>) target_semaphore(%run_scoped3A : memref<!tpu.dma_semaphore, #tpu.memory_space<semaphore_mem>>)
      %dma_wait3A_430 = tpu.memref_slice %arg4[%mul3A_2] : memref<16384xi32, #tpu.memory_space<hbm>> -> memref<512xi32, #tpu.memory_space<hbm>>
      %dma_wait3A_431 = tpu.memref_slice %arg4[%mul3A_2] : memref<16384xi32, #tpu.memory_space<hbm>> -> memref<512xi32, #tpu.memory_space<hbm>>
      tpu.wait_dma2 semaphore(%run_scoped3A : memref<!tpu.dma_semaphore, #tpu.memory_space<semaphore_mem>>) src(%dma_wait3A_431 : memref<512xi32, #tpu.memory_space<hbm>>) dst(%arg14 : memref<512xi32, #tpu.memory_space<vmem>>)
      tpu.yield
    }) : () -> ()
    "tpu.region"() ({
      %run_scoped3A = tpu.sem_alloc : memref<!tpu.dma_semaphore, #tpu.memory_space<semaphore_mem>>
      %dma_start3A = arith.constant 0 : i32
      %dma_start3A_429 = tpu.memref_slice %arg15[%arg1, %dma_start3A] : memref<16x1536xi32, #tpu.memory_space<vmem_shared>> -> memref<1x512xi32, #tpu.memory_space<vmem_shared>>
      %dma_start3A_430 = tpu.memref_squeeze %dma_start3A_429 : memref<1x512xi32, #tpu.memory_space<vmem_shared>> -> memref<512xi32, #tpu.memory_space<vmem_shared>>
      %dma_start3A_431 = arith.constant 0 : i32
      %dma_start3A_432 = tpu.memref_slice %arg15[%arg1, %dma_start3A_431] : memref<16x1536xi32, #tpu.memory_space<vmem_shared>> -> memref<1x512xi32, #tpu.memory_space<vmem_shared>>
      %dma_start3A_433 = tpu.memref_squeeze %dma_start3A_432 : memref<1x512xi32, #tpu.memory_space<vmem_shared>> -> memref<512xi32, #tpu.memory_space<vmem_shared>>
      tpu.enqueue_dma source(%arg12 : memref<512xi32, #tpu.memory_space<vmem>>) target(%dma_start3A_433 : memref<512xi32, #tpu.memory_space<vmem_shared>>) target_semaphore(%run_scoped3A : memref<!tpu.dma_semaphore, #tpu.memory_space<semaphore_mem>>)
      %dma_wait3A_434 = arith.constant 0 : i32
      %dma_wait3A_435 = tpu.memref_slice %arg15[%arg1, %dma_wait3A_434] : memref<16x1536xi32, #tpu.memory_space<vmem_shared>> -> memref<1x512xi32, #tpu.memory_space<vmem_shared>>
      %dma_wait3A_436 = tpu.memref_squeeze %dma_wait3A_435 : memref<1x512xi32, #tpu.memory_space<vmem_shared>> -> memref<512xi32, #tpu.memory_space<vmem_shared>>
      %dma_wait3A_437 = arith.constant 0 : i32
      %dma_wait3A_438 = tpu.memref_slice %arg15[%arg1, %dma_wait3A_437] : memref<16x1536xi32, #tpu.memory_space<vmem_shared>> -> memref<1x512xi32, #tpu.memory_space<vmem_shared>>
      %dma_wait3A_439 = tpu.memref_squeeze %dma_wait3A_438 : memref<1x512xi32, #tpu.memory_space<vmem_shared>> -> memref<512xi32, #tpu.memory_space<vmem_shared>>
      tpu.wait_dma2 semaphore(%run_scoped3A : memref<!tpu.dma_semaphore, #tpu.memory_space<semaphore_mem>>) src(%arg12 : memref<512xi32, #tpu.memory_space<vmem>>) dst(%dma_wait3A_439 : memref<512xi32, #tpu.memory_space<vmem_shared>>)
      tpu.yield
    }) : () -> ()
    "tpu.region"() ({
      %run_scoped3A = tpu.sem_alloc : memref<!tpu.dma_semaphore, #tpu.memory_space<semaphore_mem>>
      %dma_start3A = arith.constant 512 : i32
      %dma_start3A_429 = tpu.memref_slice %arg15[%arg1, %dma_start3A] : memref<16x1536xi32, #tpu.memory_space<vmem_shared>> -> memref<1x512xi32, #tpu.memory_space<vmem_shared>>
      %dma_start3A_430 = tpu.memref_squeeze %dma_start3A_429 : memref<1x512xi32, #tpu.memory_space<vmem_shared>> -> memref<512xi32, #tpu.memory_space<vmem_shared>>
      %dma_start3A_431 = arith.constant 512 : i32
      %dma_start3A_432 = tpu.memref_slice %arg15[%arg1, %dma_start3A_431] : memref<16x1536xi32, #tpu.memory_space<vmem_shared>> -> memref<1x512xi32, #tpu.memory_space<vmem_shared>>
      %dma_start3A_433 = tpu.memref_squeeze %dma_start3A_432 : memref<1x512xi32, #tpu.memory_space<vmem_shared>> -> memref<512xi32, #tpu.memory_space<vmem_shared>>
      tpu.enqueue_dma source(%arg13 : memref<512xi32, #tpu.memory_space<vmem>>) target(%dma_start3A_433 : memref<512xi32, #tpu.memory_space<vmem_shared>>) target_semaphore(%run_scoped3A : memref<!tpu.dma_semaphore, #tpu.memory_space<semaphore_mem>>)
      %dma_wait3A_434 = arith.constant 512 : i32
      %dma_wait3A_435 = tpu.memref_slice %arg15[%arg1, %dma_wait3A_434] : memref<16x1536xi32, #tpu.memory_space<vmem_shared>> -> memref<1x512xi32, #tpu.memory_space<vmem_shared>>
      %dma_wait3A_436 = tpu.memref_squeeze %dma_wait3A_435 : memref<1x512xi32, #tpu.memory_space<vmem_shared>> -> memref<512xi32, #tpu.memory_space<vmem_shared>>
      %dma_wait3A_437 = arith.constant 512 : i32
      %dma_wait3A_438 = tpu.memref_slice %arg15[%arg1, %dma_wait3A_437] : memref<16x1536xi32, #tpu.memory_space<vmem_shared>> -> memref<1x512xi32, #tpu.memory_space<vmem_shared>>
      %dma_wait3A_439 = tpu.memref_squeeze %dma_wait3A_438 : memref<1x512xi32, #tpu.memory_space<vmem_shared>> -> memref<512xi32, #tpu.memory_space<vmem_shared>>
      tpu.wait_dma2 semaphore(%run_scoped3A : memref<!tpu.dma_semaphore, #tpu.memory_space<semaphore_mem>>) src(%arg13 : memref<512xi32, #tpu.memory_space<vmem>>) dst(%dma_wait3A_439 : memref<512xi32, #tpu.memory_space<vmem_shared>>)
      tpu.yield
    }) : () -> ()
    "tpu.region"() ({
      %run_scoped3A = tpu.sem_alloc : memref<!tpu.dma_semaphore, #tpu.memory_space<semaphore_mem>>
      %dma_start3A = arith.constant 1024 : i32
      %dma_start3A_429 = tpu.memref_slice %arg15[%arg1, %dma_start3A] : memref<16x1536xi32, #tpu.memory_space<vmem_shared>> -> memref<1x512xi32, #tpu.memory_space<vmem_shared>>
      %dma_start3A_430 = tpu.memref_squeeze %dma_start3A_429 : memref<1x512xi32, #tpu.memory_space<vmem_shared>> -> memref<512xi32, #tpu.memory_space<vmem_shared>>
      %dma_start3A_431 = arith.constant 1024 : i32
      %dma_start3A_432 = tpu.memref_slice %arg15[%arg1, %dma_start3A_431] : memref<16x1536xi32, #tpu.memory_space<vmem_shared>> -> memref<1x512xi32, #tpu.memory_space<vmem_shared>>
      %dma_start3A_433 = tpu.memref_squeeze %dma_start3A_432 : memref<1x512xi32, #tpu.memory_space<vmem_shared>> -> memref<512xi32, #tpu.memory_space<vmem_shared>>
      tpu.enqueue_dma source(%arg14 : memref<512xi32, #tpu.memory_space<vmem>>) target(%dma_start3A_433 : memref<512xi32, #tpu.memory_space<vmem_shared>>) target_semaphore(%run_scoped3A : memref<!tpu.dma_semaphore, #tpu.memory_space<semaphore_mem>>)
      %dma_wait3A_434 = arith.constant 1024 : i32
      %dma_wait3A_435 = tpu.memref_slice %arg15[%arg1, %dma_wait3A_434] : memref<16x1536xi32, #tpu.memory_space<vmem_shared>> -> memref<1x512xi32, #tpu.memory_space<vmem_shared>>
      %dma_wait3A_436 = tpu.memref_squeeze %dma_wait3A_435 : memref<1x512xi32, #tpu.memory_space<vmem_shared>> -> memref<512xi32, #tpu.memory_space<vmem_shared>>
      %dma_wait3A_437 = arith.constant 1024 : i32
      %dma_wait3A_438 = tpu.memref_slice %arg15[%arg1, %dma_wait3A_437] : memref<16x1536xi32, #tpu.memory_space<vmem_shared>> -> memref<1x512xi32, #tpu.memory_space<vmem_shared>>
      %dma_wait3A_439 = tpu.memref_squeeze %dma_wait3A_438 : memref<1x512xi32, #tpu.memory_space<vmem_shared>> -> memref<512xi32, #tpu.memory_space<vmem_shared>>
      tpu.wait_dma2 semaphore(%run_scoped3A : memref<!tpu.dma_semaphore, #tpu.memory_space<semaphore_mem>>) src(%arg14 : memref<512xi32, #tpu.memory_space<vmem>>) dst(%dma_wait3A_439 : memref<512xi32, #tpu.memory_space<vmem_shared>>)
      tpu.yield
    }) : () -> ()
    "tpu.region"() ({
      %run_scoped3A = tpu.sem_alloc : memref<!tpu.dma_semaphore, #tpu.memory_space<semaphore_mem>>
      %dma_start3A = arith.constant 0 : i32
      %dma_start3A_429 = tpu.memref_slice %arg15[%arg1, %dma_start3A] : memref<16x1536xi32, #tpu.memory_space<vmem_shared>> -> memref<1x1536xi32, #tpu.memory_space<vmem_shared>>
      %dma_start3A_430 = tpu.memref_squeeze %dma_start3A_429 : memref<1x1536xi32, #tpu.memory_space<vmem_shared>> -> memref<1536xi32, #tpu.memory_space<vmem_shared>>
      tpu.enqueue_dma source(%dma_start3A_430 : memref<1536xi32, #tpu.memory_space<vmem_shared>>) target(%arg11 : memref<1536xi32, #tpu.memory_space<smem>>) target_semaphore(%run_scoped3A : memref<!tpu.dma_semaphore, #tpu.memory_space<semaphore_mem>>)
      %dma_wait3A_431 = arith.constant 0 : i32
      %dma_wait3A_432 = tpu.memref_slice %arg15[%arg1, %dma_wait3A_431] : memref<16x1536xi32, #tpu.memory_space<vmem_shared>> -> memref<1x1536xi32, #tpu.memory_space<vmem_shared>>
      %dma_wait3A_433 = tpu.memref_squeeze %dma_wait3A_432 : memref<1x1536xi32, #tpu.memory_space<vmem_shared>> -> memref<1536xi32, #tpu.memory_space<vmem_shared>>
      tpu.wait_dma2 semaphore(%run_scoped3A : memref<!tpu.dma_semaphore, #tpu.memory_space<semaphore_mem>>) src(%dma_wait3A_433 : memref<1536xi32, #tpu.memory_space<vmem_shared>>) dst(%arg11 : memref<1536xi32, #tpu.memory_space<smem>>)
      tpu.yield
    }) : () -> ()
    %broadcast_in_dim3A = arith.constant 0.000000e+00 : f32
    %broadcast_in_dim3A_3 = vector.broadcast %broadcast_in_dim3A : f32 to vector<16xf32>
    %scan3A = arith.constant 0 : i32
    %scan3A_4 = arith.constant 0 : i32
    %scan3A_5 = arith.constant 64 : i32
    %scan3A_6 = arith.addi %scan3A_4, %scan3A_5 : i32
    %scan3A_7 = arith.constant 1 : i32
    %scan3A_8 = scf.for %scan3A_429 = %scan3A_4 to %scan3A_6 step %scan3A_7 iter_args(%scan3A_430 = %scan3A) -> (i32)  : i32 {
      %add3A_431 = arith.constant 0 : i32
      %add3A_432 = arith.addi %add3A_431, %scan3A_429 : i32
      %get3A = arith.index_cast %add3A_432 : i32 to index
      %get3A_433 = memref.load %arg11[%get3A] : memref<1536xi32, #tpu.memory_space<smem>>
      %add3A_434 = arith.constant 512 : i32
      %add3A_435 = arith.addi %add3A_434, %scan3A_429 : i32
      %get3A_436 = arith.index_cast %add3A_435 : i32 to index
      %get3A_437 = memref.load %arg11[%get3A_436] : memref<1536xi32, #tpu.memory_space<smem>>
      %add3A_438 = arith.constant 1024 : i32
      %add3A_439 = arith.addi %add3A_438, %scan3A_429 : i32
      %get3A_440 = arith.index_cast %add3A_439 : i32 to index
      %get3A_441 = memref.load %arg11[%get3A_440] : memref<1536xi32, #tpu.memory_space<smem>>
      %dma_start3A = arith.constant 0 : i32
      %dma_start3A_442 = tpu.memref_slice %arg16[%scan3A_429, %dma_start3A] : memref<64x64xf32, #tpu.memory_space<vmem>> -> memref<1x64xf32, #tpu.memory_space<vmem>>
      %dma_start3A_443 = tpu.memref_squeeze %dma_start3A_442 : memref<1x64xf32, #tpu.memory_space<vmem>> -> memref<64xf32, #tpu.memory_space<vmem>>
      %dma_start3A_444 = arith.constant 0 : i32
      %dma_start3A_445 = tpu.memref_slice %arg5[%get3A_433, %dma_start3A_444] : memref<100000x64xf32, #tpu.memory_space<hbm>> -> memref<1x64xf32, #tpu.memory_space<hbm>>
      %dma_start3A_446 = tpu.memref_squeeze %dma_start3A_445 : memref<1x64xf32, #tpu.memory_space<hbm>> -> memref<64xf32, #tpu.memory_space<hbm>>
      %dma_start3A_447 = arith.constant 0 : i32
      %dma_start3A_448 = tpu.memref_slice %arg16[%scan3A_429, %dma_start3A_447] : memref<64x64xf32, #tpu.memory_space<vmem>> -> memref<1x64xf32, #tpu.memory_space<vmem>>
      %dma_start3A_449 = tpu.memref_squeeze %dma_start3A_448 : memref<1x64xf32, #tpu.memory_space<vmem>> -> memref<64xf32, #tpu.memory_space<vmem>>
      %dma_start3A_450 = arith.constant 0 : i32
      %dma_start3A_451 = tpu.memref_slice %arg5[%get3A_433, %dma_start3A_450] : memref<100000x64xf32, #tpu.memory_space<hbm>> -> memref<1x64xf32, #tpu.memory_space<hbm>>
      %dma_start3A_452 = tpu.memref_squeeze %dma_start3A_451 : memref<1x64xf32, #tpu.memory_space<hbm>> -> memref<64xf32, #tpu.memory_space<hbm>>
      tpu.enqueue_dma source(%dma_start3A_452 : memref<64xf32, #tpu.memory_space<hbm>>) target(%dma_start3A_449 : memref<64xf32, #tpu.memory_space<vmem>>) target_semaphore(%arg30 : memref<!tpu.dma_semaphore, #tpu.memory_space<semaphore_mem>>)
      %dma_start3A_453 = arith.constant 0 : i32
      %dma_start3A_454 = tpu.memref_slice %arg17[%scan3A_429, %dma_start3A_453] : memref<64x64xf32, #tpu.memory_space<vmem>> -> memref<1x64xf32, #tpu.memory_space<vmem>>
      %dma_start3A_455 = tpu.memref_squeeze %dma_start3A_454 : memref<1x64xf32, #tpu.memory_space<vmem>> -> memref<64xf32, #tpu.memory_space<vmem>>
      %dma_start3A_456 = arith.constant 0 : i32
      %dma_start3A_457 = tpu.memref_slice %arg6[%get3A_433, %dma_start3A_456] : memref<100000x64xf32, #tpu.memory_space<hbm>> -> memref<1x64xf32, #tpu.memory_space<hbm>>
      %dma_start3A_458 = tpu.memref_squeeze %dma_start3A_457 : memref<1x64xf32, #tpu.memory_space<hbm>> -> memref<64xf32, #tpu.memory_space<hbm>>
      %dma_start3A_459 = arith.constant 0 : i32
      %dma_start3A_460 = tpu.memref_slice %arg17[%scan3A_429, %dma_start3A_459] : memref<64x64xf32, #tpu.memory_space<vmem>> -> memref<1x64xf32, #tpu.memory_space<vmem>>
      %dma_start3A_461 = tpu.memref_squeeze %dma_start3A_460 : memref<1x64xf32, #tpu.memory_space<vmem>> -> memref<64xf32, #tpu.memory_space<vmem>>
      %dma_start3A_462 = arith.constant 0 : i32
      %dma_start3A_463 = tpu.memref_slice %arg6[%get3A_433, %dma_start3A_462] : memref<100000x64xf32, #tpu.memory_space<hbm>> -> memref<1x64xf32, #tpu.memory_space<hbm>>
      %dma_start3A_464 = tpu.memref_squeeze %dma_start3A_463 : memref<1x64xf32, #tpu.memory_space<hbm>> -> memref<64xf32, #tpu.memory_space<hbm>>
      tpu.enqueue_dma source(%dma_start3A_464 : memref<64xf32, #tpu.memory_space<hbm>>) target(%dma_start3A_461 : memref<64xf32, #tpu.memory_space<vmem>>) target_semaphore(%arg30 : memref<!tpu.dma_semaphore, #tpu.memory_space<semaphore_mem>>)
      %dma_start3A_465 = arith.constant 0 : i32
      %dma_start3A_466 = tpu.memref_slice %arg18[%scan3A_429, %dma_start3A_465] : memref<64x64xf32, #tpu.memory_space<vmem>> -> memref<1x64xf32, #tpu.memory_space<vmem>>
      %dma_start3A_467 = tpu.memref_squeeze %dma_start3A_466 : memref<1x64xf32, #tpu.memory_space<vmem>> -> memref<64xf32, #tpu.memory_space<vmem>>
      %dma_start3A_468 = arith.constant 0 : i32
      %dma_start3A_469 = tpu.memref_slice %arg5[%get3A_441, %dma_start3A_468] : memref<100000x64xf32, #tpu.memory_space<hbm>> -> memref<1x64xf32, #tpu.memory_space<hbm>>
      %dma_start3A_470 = tpu.memref_squeeze %dma_start3A_469 : memref<1x64xf32, #tpu.memory_space<hbm>> -> memref<64xf32, #tpu.memory_space<hbm>>
      %dma_start3A_471 = arith.constant 0 : i32
      %dma_start3A_472 = tpu.memref_slice %arg18[%scan3A_429, %dma_start3A_471] : memref<64x64xf32, #tpu.memory_space<vmem>> -> memref<1x64xf32, #tpu.memory_space<vmem>>
      %dma_start3A_473 = tpu.memref_squeeze %dma_start3A_472 : memref<1x64xf32, #tpu.memory_space<vmem>> -> memref<64xf32, #tpu.memory_space<vmem>>
      %dma_start3A_474 = arith.constant 0 : i32
      %dma_start3A_475 = tpu.memref_slice %arg5[%get3A_441, %dma_start3A_474] : memref<100000x64xf32, #tpu.memory_space<hbm>> -> memref<1x64xf32, #tpu.memory_space<hbm>>
      %dma_start3A_476 = tpu.memref_squeeze %dma_start3A_475 : memref<1x64xf32, #tpu.memory_space<hbm>> -> memref<64xf32, #tpu.memory_space<hbm>>
      tpu.enqueue_dma source(%dma_start3A_476 : memref<64xf32, #tpu.memory_space<hbm>>) target(%dma_start3A_473 : memref<64xf32, #tpu.memory_space<vmem>>) target_semaphore(%arg30 : memref<!tpu.dma_semaphore, #tpu.memory_space<semaphore_mem>>)
      %dma_start3A_477 = arith.constant 0 : i32
      %dma_start3A_478 = tpu.memref_slice %arg19[%scan3A_429, %dma_start3A_477] : memref<64x64xf32, #tpu.memory_space<vmem>> -> memref<1x64xf32, #tpu.memory_space<vmem>>
      %dma_start3A_479 = tpu.memref_squeeze %dma_start3A_478 : memref<1x64xf32, #tpu.memory_space<vmem>> -> memref<64xf32, #tpu.memory_space<vmem>>
      %dma_start3A_480 = arith.constant 0 : i32
      %dma_start3A_481 = tpu.memref_slice %arg6[%get3A_441, %dma_start3A_480] : memref<100000x64xf32, #tpu.memory_space<hbm>> -> memref<1x64xf32, #tpu.memory_space<hbm>>
      %dma_start3A_482 = tpu.memref_squeeze %dma_start3A_481 : memref<1x64xf32, #tpu.memory_space<hbm>> -> memref<64xf32, #tpu.memory_space<hbm>>
      %dma_start3A_483 = arith.constant 0 : i32
      %dma_start3A_484 = tpu.memref_slice %arg19[%scan3A_429, %dma_start3A_483] : memref<64x64xf32, #tpu.memory_space<vmem>> -> memref<1x64xf32, #tpu.memory_space<vmem>>
      %dma_start3A_485 = tpu.memref_squeeze %dma_start3A_484 : memref<1x64xf32, #tpu.memory_space<vmem>> -> memref<64xf32, #tpu.memory_space<vmem>>
      %dma_start3A_486 = arith.constant 0 : i32
      %dma_start3A_487 = tpu.memref_slice %arg6[%get3A_441, %dma_start3A_486] : memref<100000x64xf32, #tpu.memory_space<hbm>> -> memref<1x64xf32, #tpu.memory_space<hbm>>
      %dma_start3A_488 = tpu.memref_squeeze %dma_start3A_487 : memref<1x64xf32, #tpu.memory_space<hbm>> -> memref<64xf32, #tpu.memory_space<hbm>>
      tpu.enqueue_dma source(%dma_start3A_488 : memref<64xf32, #tpu.memory_space<hbm>>) target(%dma_start3A_485 : memref<64xf32, #tpu.memory_space<vmem>>) target_semaphore(%arg30 : memref<!tpu.dma_semaphore, #tpu.memory_space<semaphore_mem>>)
      %dma_start3A_489 = arith.constant 0 : i32
      %dma_start3A_490 = tpu.memref_slice %arg20[%scan3A_429, %dma_start3A_489] : memref<64x64xf32, #tpu.memory_space<vmem>> -> memref<1x64xf32, #tpu.memory_space<vmem>>
      %dma_start3A_491 = tpu.memref_squeeze %dma_start3A_490 : memref<1x64xf32, #tpu.memory_space<vmem>> -> memref<64xf32, #tpu.memory_space<vmem>>
      %dma_start3A_492 = arith.constant 0 : i32
      %dma_start3A_493 = tpu.memref_slice %arg7[%get3A_437, %dma_start3A_492] : memref<100000x64xf32, #tpu.memory_space<hbm>> -> memref<1x64xf32, #tpu.memory_space<hbm>>
      %dma_start3A_494 = tpu.memref_squeeze %dma_start3A_493 : memref<1x64xf32, #tpu.memory_space<hbm>> -> memref<64xf32, #tpu.memory_space<hbm>>
      %dma_start3A_495 = arith.constant 0 : i32
      %dma_start3A_496 = tpu.memref_slice %arg20[%scan3A_429, %dma_start3A_495] : memref<64x64xf32, #tpu.memory_space<vmem>> -> memref<1x64xf32, #tpu.memory_space<vmem>>
      %dma_start3A_497 = tpu.memref_squeeze %dma_start3A_496 : memref<1x64xf32, #tpu.memory_space<vmem>> -> memref<64xf32, #tpu.memory_space<vmem>>
      %dma_start3A_498 = arith.constant 0 : i32
      %dma_start3A_499 = tpu.memref_slice %arg7[%get3A_437, %dma_start3A_498] : memref<100000x64xf32, #tpu.memory_space<hbm>> -> memref<1x64xf32, #tpu.memory_space<hbm>>
      %dma_start3A_500 = tpu.memref_squeeze %dma_start3A_499 : memref<1x64xf32, #tpu.memory_space<hbm>> -> memref<64xf32, #tpu.memory_space<hbm>>
      tpu.enqueue_dma source(%dma_start3A_500 : memref<64xf32, #tpu.memory_space<hbm>>) target(%dma_start3A_497 : memref<64xf32, #tpu.memory_space<vmem>>) target_semaphore(%arg30 : memref<!tpu.dma_semaphore, #tpu.memory_space<semaphore_mem>>)
      %dma_start3A_501 = arith.constant 0 : i32
      %dma_start3A_502 = tpu.memref_slice %arg21[%scan3A_429, %dma_start3A_501] : memref<64x64xf32, #tpu.memory_space<vmem>> -> memref<1x64xf32, #tpu.memory_space<vmem>>
      %dma_start3A_503 = tpu.memref_squeeze %dma_start3A_502 : memref<1x64xf32, #tpu.memory_space<vmem>> -> memref<64xf32, #tpu.memory_space<vmem>>
      %dma_start3A_504 = arith.constant 0 : i32
      %dma_start3A_505 = tpu.memref_slice %arg8[%get3A_437, %dma_start3A_504] : memref<100000x64xf32, #tpu.memory_space<hbm>> -> memref<1x64xf32, #tpu.memory_space<hbm>>
      %dma_start3A_506 = tpu.memref_squeeze %dma_start3A_505 : memref<1x64xf32, #tpu.memory_space<hbm>> -> memref<64xf32, #tpu.memory_space<hbm>>
      %dma_start3A_507 = arith.constant 0 : i32
      %dma_start3A_508 = tpu.memref_slice %arg21[%scan3A_429, %dma_start3A_507] : memref<64x64xf32, #tpu.memory_space<vmem>> -> memref<1x64xf32, #tpu.memory_space<vmem>>
      %dma_start3A_509 = tpu.memref_squeeze %dma_start3A_508 : memref<1x64xf32, #tpu.memory_space<vmem>> -> memref<64xf32, #tpu.memory_space<vmem>>
      %dma_start3A_510 = arith.constant 0 : i32
      %dma_start3A_511 = tpu.memref_slice %arg8[%get3A_437, %dma_start3A_510] : memref<100000x64xf32, #tpu.memory_space<hbm>> -> memref<1x64xf32, #tpu.memory_space<hbm>>
      %dma_start3A_512 = tpu.memref_squeeze %dma_start3A_511 : memref<1x64xf32, #tpu.memory_space<hbm>> -> memref<64xf32, #tpu.memory_space<hbm>>
      tpu.enqueue_dma source(%dma_start3A_512 : memref<64xf32, #tpu.memory_space<hbm>>) target(%dma_start3A_509 : memref<64xf32, #tpu.memory_space<vmem>>) target_semaphore(%arg30 : memref<!tpu.dma_semaphore, #tpu.memory_space<semaphore_mem>>)
      %scan3A_513 = arith.constant 0 : i32
      scf.yield %scan3A_513 : i32
    }
    %scan3A_9 = arith.constant 64 : i32
    %scan3A_10 = arith.constant 0 : i32
    %scan3A_11 = arith.constant 0 : i32
    %scan3A_12 = arith.constant 64 : i32
    %scan3A_13 = arith.addi %scan3A_11, %scan3A_12 : i32
    %scan3A_14 = arith.constant 1 : i32
    %scan3A_15 = scf.for %scan3A_429 = %scan3A_11 to %scan3A_13 step %scan3A_14 iter_args(%scan3A_430 = %scan3A_10) -> (i32)  : i32 {
      %add3A_431 = arith.constant 64 : i32
      %add3A_432 = arith.addi %add3A_431, %scan3A_429 : i32
      %get3A = arith.index_cast %add3A_432 : i32 to index
      %get3A_433 = memref.load %arg11[%get3A] : memref<1536xi32, #tpu.memory_space<smem>>
      %add3A_434 = arith.constant 576 : i32
      %add3A_435 = arith.addi %add3A_434, %scan3A_429 : i32
      %get3A_436 = arith.index_cast %add3A_435 : i32 to index
      %get3A_437 = memref.load %arg11[%get3A_436] : memref<1536xi32, #tpu.memory_space<smem>>
      %add3A_438 = arith.constant 1088 : i32
      %add3A_439 = arith.addi %add3A_438, %scan3A_429 : i32
      %get3A_440 = arith.index_cast %add3A_439 : i32 to index
      %get3A_441 = memref.load %arg11[%get3A_440] : memref<1536xi32, #tpu.memory_space<smem>>
      %dma_start3A = arith.constant 0 : i32
      %dma_start3A_442 = tpu.memref_slice %arg22[%scan3A_429, %dma_start3A] : memref<64x64xf32, #tpu.memory_space<vmem>> -> memref<1x64xf32, #tpu.memory_space<vmem>>
      %dma_start3A_443 = tpu.memref_squeeze %dma_start3A_442 : memref<1x64xf32, #tpu.memory_space<vmem>> -> memref<64xf32, #tpu.memory_space<vmem>>
      %dma_start3A_444 = arith.constant 0 : i32
      %dma_start3A_445 = tpu.memref_slice %arg5[%get3A_433, %dma_start3A_444] : memref<100000x64xf32, #tpu.memory_space<hbm>> -> memref<1x64xf32, #tpu.memory_space<hbm>>
      %dma_start3A_446 = tpu.memref_squeeze %dma_start3A_445 : memref<1x64xf32, #tpu.memory_space<hbm>> -> memref<64xf32, #tpu.memory_space<hbm>>
      %dma_start3A_447 = arith.constant 0 : i32
      %dma_start3A_448 = tpu.memref_slice %arg22[%scan3A_429, %dma_start3A_447] : memref<64x64xf32, #tpu.memory_space<vmem>> -> memref<1x64xf32, #tpu.memory_space<vmem>>
      %dma_start3A_449 = tpu.memref_squeeze %dma_start3A_448 : memref<1x64xf32, #tpu.memory_space<vmem>> -> memref<64xf32, #tpu.memory_space<vmem>>
      %dma_start3A_450 = arith.constant 0 : i32
      %dma_start3A_451 = tpu.memref_slice %arg5[%get3A_433, %dma_start3A_450] : memref<100000x64xf32, #tpu.memory_space<hbm>> -> memref<1x64xf32, #tpu.memory_space<hbm>>
      %dma_start3A_452 = tpu.memref_squeeze %dma_start3A_451 : memref<1x64xf32, #tpu.memory_space<hbm>> -> memref<64xf32, #tpu.memory_space<hbm>>
      tpu.enqueue_dma source(%dma_start3A_452 : memref<64xf32, #tpu.memory_space<hbm>>) target(%dma_start3A_449 : memref<64xf32, #tpu.memory_space<vmem>>) target_semaphore(%arg31 : memref<!tpu.dma_semaphore, #tpu.memory_space<semaphore_mem>>)
      %dma_start3A_453 = arith.constant 0 : i32
      %dma_start3A_454 = tpu.memref_slice %arg23[%scan3A_429, %dma_start3A_453] : memref<64x64xf32, #tpu.memory_space<vmem>> -> memref<1x64xf32, #tpu.memory_space<vmem>>
      %dma_start3A_455 = tpu.memref_squeeze %dma_start3A_454 : memref<1x64xf32, #tpu.memory_space<vmem>> -> memref<64xf32, #tpu.memory_space<vmem>>
      %dma_start3A_456 = arith.constant 0 : i32
      %dma_start3A_457 = tpu.memref_slice %arg6[%get3A_433, %dma_start3A_456] : memref<100000x64xf32, #tpu.memory_space<hbm>> -> memref<1x64xf32, #tpu.memory_space<hbm>>
      %dma_start3A_458 = tpu.memref_squeeze %dma_start3A_457 : memref<1x64xf32, #tpu.memory_space<hbm>> -> memref<64xf32, #tpu.memory_space<hbm>>
      %dma_start3A_459 = arith.constant 0 : i32
      %dma_start3A_460 = tpu.memref_slice %arg23[%scan3A_429, %dma_start3A_459] : memref<64x64xf32, #tpu.memory_space<vmem>> -> memref<1x64xf32, #tpu.memory_space<vmem>>
      %dma_start3A_461 = tpu.memref_squeeze %dma_start3A_460 : memref<1x64xf32, #tpu.memory_space<vmem>> -> memref<64xf32, #tpu.memory_space<vmem>>
      %dma_start3A_462 = arith.constant 0 : i32
      %dma_start3A_463 = tpu.memref_slice %arg6[%get3A_433, %dma_start3A_462] : memref<100000x64xf32, #tpu.memory_space<hbm>> -> memref<1x64xf32, #tpu.memory_space<hbm>>
      %dma_start3A_464 = tpu.memref_squeeze %dma_start3A_463 : memref<1x64xf32, #tpu.memory_space<hbm>> -> memref<64xf32, #tpu.memory_space<hbm>>
      tpu.enqueue_dma source(%dma_start3A_464 : memref<64xf32, #tpu.memory_space<hbm>>) target(%dma_start3A_461 : memref<64xf32, #tpu.memory_space<vmem>>) target_semaphore(%arg31 : memref<!tpu.dma_semaphore, #tpu.memory_space<semaphore_mem>>)
      %dma_start3A_465 = arith.constant 0 : i32
      %dma_start3A_466 = tpu.memref_slice %arg24[%scan3A_429, %dma_start3A_465] : memref<64x64xf32, #tpu.memory_space<vmem>> -> memref<1x64xf32, #tpu.memory_space<vmem>>
      %dma_start3A_467 = tpu.memref_squeeze %dma_start3A_466 : memref<1x64xf32, #tpu.memory_space<vmem>> -> memref<64xf32, #tpu.memory_space<vmem>>
      %dma_start3A_468 = arith.constant 0 : i32
      %dma_start3A_469 = tpu.memref_slice %arg5[%get3A_441, %dma_start3A_468] : memref<100000x64xf32, #tpu.memory_space<hbm>> -> memref<1x64xf32, #tpu.memory_space<hbm>>
      %dma_start3A_470 = tpu.memref_squeeze %dma_start3A_469 : memref<1x64xf32, #tpu.memory_space<hbm>> -> memref<64xf32, #tpu.memory_space<hbm>>
      %dma_start3A_471 = arith.constant 0 : i32
      %dma_start3A_472 = tpu.memref_slice %arg24[%scan3A_429, %dma_start3A_471] : memref<64x64xf32, #tpu.memory_space<vmem>> -> memref<1x64xf32, #tpu.memory_space<vmem>>
      %dma_start3A_473 = tpu.memref_squeeze %dma_start3A_472 : memref<1x64xf32, #tpu.memory_space<vmem>> -> memref<64xf32, #tpu.memory_space<vmem>>
      %dma_start3A_474 = arith.constant 0 : i32
      %dma_start3A_475 = tpu.memref_slice %arg5[%get3A_441, %dma_start3A_474] : memref<100000x64xf32, #tpu.memory_space<hbm>> -> memref<1x64xf32, #tpu.memory_space<hbm>>
      %dma_start3A_476 = tpu.memref_squeeze %dma_start3A_475 : memref<1x64xf32, #tpu.memory_space<hbm>> -> memref<64xf32, #tpu.memory_space<hbm>>
      tpu.enqueue_dma source(%dma_start3A_476 : memref<64xf32, #tpu.memory_space<hbm>>) target(%dma_start3A_473 : memref<64xf32, #tpu.memory_space<vmem>>) target_semaphore(%arg31 : memref<!tpu.dma_semaphore, #tpu.memory_space<semaphore_mem>>)
      %dma_start3A_477 = arith.constant 0 : i32
      %dma_start3A_478 = tpu.memref_slice %arg25[%scan3A_429, %dma_start3A_477] : memref<64x64xf32, #tpu.memory_space<vmem>> -> memref<1x64xf32, #tpu.memory_space<vmem>>
      %dma_start3A_479 = tpu.memref_squeeze %dma_start3A_478 : memref<1x64xf32, #tpu.memory_space<vmem>> -> memref<64xf32, #tpu.memory_space<vmem>>
      %dma_start3A_480 = arith.constant 0 : i32
      %dma_start3A_481 = tpu.memref_slice %arg6[%get3A_441, %dma_start3A_480] : memref<100000x64xf32, #tpu.memory_space<hbm>> -> memref<1x64xf32, #tpu.memory_space<hbm>>
      %dma_start3A_482 = tpu.memref_squeeze %dma_start3A_481 : memref<1x64xf32, #tpu.memory_space<hbm>> -> memref<64xf32, #tpu.memory_space<hbm>>
      %dma_start3A_483 = arith.constant 0 : i32
      %dma_start3A_484 = tpu.memref_slice %arg25[%scan3A_429, %dma_start3A_483] : memref<64x64xf32, #tpu.memory_space<vmem>> -> memref<1x64xf32, #tpu.memory_space<vmem>>
      %dma_start3A_485 = tpu.memref_squeeze %dma_start3A_484 : memref<1x64xf32, #tpu.memory_space<vmem>> -> memref<64xf32, #tpu.memory_space<vmem>>
      %dma_start3A_486 = arith.constant 0 : i32
      %dma_start3A_487 = tpu.memref_slice %arg6[%get3A_441, %dma_start3A_486] : memref<100000x64xf32, #tpu.memory_space<hbm>> -> memref<1x64xf32, #tpu.memory_space<hbm>>
      %dma_start3A_488 = tpu.memref_squeeze %dma_start3A_487 : memref<1x64xf32, #tpu.memory_space<hbm>> -> memref<64xf32, #tpu.memory_space<hbm>>
      tpu.enqueue_dma source(%dma_start3A_488 : memref<64xf32, #tpu.memory_space<hbm>>) target(%dma_start3A_485 : memref<64xf32, #tpu.memory_space<vmem>>) target_semaphore(%arg31 : memref<!tpu.dma_semaphore, #tpu.memory_space<semaphore_mem>>)
      %dma_start3A_489 = arith.constant 0 : i32
      %dma_start3A_490 = tpu.memref_slice %arg26[%scan3A_429, %dma_start3A_489] : memref<64x64xf32, #tpu.memory_space<vmem>> -> memref<1x64xf32, #tpu.memory_space<vmem>>
      %dma_start3A_491 = tpu.memref_squeeze %dma_start3A_490 : memref<1x64xf32, #tpu.memory_space<vmem>> -> memref<64xf32, #tpu.memory_space<vmem>>
      %dma_start3A_492 = arith.constant 0 : i32
      %dma_start3A_493 = tpu.memref_slice %arg7[%get3A_437, %dma_start3A_492] : memref<100000x64xf32, #tpu.memory_space<hbm>> -> memref<1x64xf32, #tpu.memory_space<hbm>>
      %dma_start3A_494 = tpu.memref_squeeze %dma_start3A_493 : memref<1x64xf32, #tpu.memory_space<hbm>> -> memref<64xf32, #tpu.memory_space<hbm>>
      %dma_start3A_495 = arith.constant 0 : i32
      %dma_start3A_496 = tpu.memref_slice %arg26[%scan3A_429, %dma_start3A_495] : memref<64x64xf32, #tpu.memory_space<vmem>> -> memref<1x64xf32, #tpu.memory_space<vmem>>
      %dma_start3A_497 = tpu.memref_squeeze %dma_start3A_496 : memref<1x64xf32, #tpu.memory_space<vmem>> -> memref<64xf32, #tpu.memory_space<vmem>>
      %dma_start3A_498 = arith.constant 0 : i32
      %dma_start3A_499 = tpu.memref_slice %arg7[%get3A_437, %dma_start3A_498] : memref<100000x64xf32, #tpu.memory_space<hbm>> -> memref<1x64xf32, #tpu.memory_space<hbm>>
      %dma_start3A_500 = tpu.memref_squeeze %dma_start3A_499 : memref<1x64xf32, #tpu.memory_space<hbm>> -> memref<64xf32, #tpu.memory_space<hbm>>
      tpu.enqueue_dma source(%dma_start3A_500 : memref<64xf32, #tpu.memory_space<hbm>>) target(%dma_start3A_497 : memref<64xf32, #tpu.memory_space<vmem>>) target_semaphore(%arg31 : memref<!tpu.dma_semaphore, #tpu.memory_space<semaphore_mem>>)
      %dma_start3A_501 = arith.constant 0 : i32
      %dma_start3A_502 = tpu.memref_slice %arg27[%scan3A_429, %dma_start3A_501] : memref<64x64xf32, #tpu.memory_space<vmem>> -> memref<1x64xf32, #tpu.memory_space<vmem>>
      %dma_start3A_503 = tpu.memref_squeeze %dma_start3A_502 : memref<1x64xf32, #tpu.memory_space<vmem>> -> memref<64xf32, #tpu.memory_space<vmem>>
      %dma_start3A_504 = arith.constant 0 : i32
      %dma_start3A_505 = tpu.memref_slice %arg8[%get3A_437, %dma_start3A_504] : memref<100000x64xf32, #tpu.memory_space<hbm>> -> memref<1x64xf32, #tpu.memory_space<hbm>>
      %dma_start3A_506 = tpu.memref_squeeze %dma_start3A_505 : memref<1x64xf32, #tpu.memory_space<hbm>> -> memref<64xf32, #tpu.memory_space<hbm>>
      %dma_start3A_507 = arith.constant 0 : i32
      %dma_start3A_508 = tpu.memref_slice %arg27[%scan3A_429, %dma_start3A_507] : memref<64x64xf32, #tpu.memory_space<vmem>> -> memref<1x64xf32, #tpu.memory_space<vmem>>
      %dma_start3A_509 = tpu.memref_squeeze %dma_start3A_508 : memref<1x64xf32, #tpu.memory_space<vmem>> -> memref<64xf32, #tpu.memory_space<vmem>>
      %dma_start3A_510 = arith.constant 0 : i32
      %dma_start3A_511 = tpu.memref_slice %arg8[%get3A_437, %dma_start3A_510] : memref<100000x64xf32, #tpu.memory_space<hbm>> -> memref<1x64xf32, #tpu.memory_space<hbm>>
      %dma_start3A_512 = tpu.memref_squeeze %dma_start3A_511 : memref<1x64xf32, #tpu.memory_space<hbm>> -> memref<64xf32, #tpu.memory_space<hbm>>
      tpu.enqueue_dma source(%dma_start3A_512 : memref<64xf32, #tpu.memory_space<hbm>>) target(%dma_start3A_509 : memref<64xf32, #tpu.memory_space<vmem>>) target_semaphore(%arg31 : memref<!tpu.dma_semaphore, #tpu.memory_space<semaphore_mem>>)
      %scan3A_513 = arith.constant 0 : i32
      scf.yield %scan3A_513 : i32
    }
    %scan3A_16 = arith.constant 64 : i32
    %dma_wait3A = arith.constant 0 : i32
    %dma_wait3A_17 = arith.constant 0 : i32
    %dma_wait3A_18 = tpu.memref_slice %arg5[%dma_wait3A, %dma_wait3A_17] : memref<100000x64xf32, #tpu.memory_space<hbm>> -> memref<64x64xf32, #tpu.memory_space<hbm>>
    %dma_wait3A_19 = arith.constant 0 : i32
    %dma_wait3A_20 = arith.constant 0 : i32
    %dma_wait3A_21 = tpu.memref_slice %arg5[%dma_wait3A_19, %dma_wait3A_20] : memref<100000x64xf32, #tpu.memory_space<hbm>> -> memref<64x64xf32, #tpu.memory_space<hbm>>
    tpu.wait_dma2 semaphore(%arg30 : memref<!tpu.dma_semaphore, #tpu.memory_space<semaphore_mem>>) src(%dma_wait3A_21 : memref<64x64xf32, #tpu.memory_space<hbm>>) dst(%arg16 : memref<64x64xf32, #tpu.memory_space<vmem>>)
    %dma_wait3A_22 = arith.constant 0 : i32
    %dma_wait3A_23 = arith.constant 0 : i32
    %dma_wait3A_24 = tpu.memref_slice %arg5[%dma_wait3A_22, %dma_wait3A_23] : memref<100000x64xf32, #tpu.memory_space<hbm>> -> memref<64x64xf32, #tpu.memory_space<hbm>>
    %dma_wait3A_25 = arith.constant 0 : i32
    %dma_wait3A_26 = arith.constant 0 : i32
    %dma_wait3A_27 = tpu.memref_slice %arg5[%dma_wait3A_25, %dma_wait3A_26] : memref<100000x64xf32, #tpu.memory_space<hbm>> -> memref<64x64xf32, #tpu.memory_space<hbm>>
    tpu.wait_dma2 semaphore(%arg30 : memref<!tpu.dma_semaphore, #tpu.memory_space<semaphore_mem>>) src(%dma_wait3A_27 : memref<64x64xf32, #tpu.memory_space<hbm>>) dst(%arg17 : memref<64x64xf32, #tpu.memory_space<vmem>>)
    %dma_wait3A_28 = arith.constant 0 : i32
    %dma_wait3A_29 = arith.constant 0 : i32
    %dma_wait3A_30 = tpu.memref_slice %arg5[%dma_wait3A_28, %dma_wait3A_29] : memref<100000x64xf32, #tpu.memory_space<hbm>> -> memref<64x64xf32, #tpu.memory_space<hbm>>
    %dma_wait3A_31 = arith.constant 0 : i32
    %dma_wait3A_32 = arith.constant 0 : i32
    %dma_wait3A_33 = tpu.memref_slice %arg5[%dma_wait3A_31, %dma_wait3A_32] : memref<100000x64xf32, #tpu.memory_space<hbm>> -> memref<64x64xf32, #tpu.memory_space<hbm>>
    tpu.wait_dma2 semaphore(%arg30 : memref<!tpu.dma_semaphore, #tpu.memory_space<semaphore_mem>>) src(%dma_wait3A_33 : memref<64x64xf32, #tpu.memory_space<hbm>>) dst(%arg18 : memref<64x64xf32, #tpu.memory_space<vmem>>)
    %dma_wait3A_34 = arith.constant 0 : i32
    %dma_wait3A_35 = arith.constant 0 : i32
    %dma_wait3A_36 = tpu.memref_slice %arg5[%dma_wait3A_34, %dma_wait3A_35] : memref<100000x64xf32, #tpu.memory_space<hbm>> -> memref<64x64xf32, #tpu.memory_space<hbm>>
    %dma_wait3A_37 = arith.constant 0 : i32
    %dma_wait3A_38 = arith.constant 0 : i32
    %dma_wait3A_39 = tpu.memref_slice %arg5[%dma_wait3A_37, %dma_wait3A_38] : memref<100000x64xf32, #tpu.memory_space<hbm>> -> memref<64x64xf32, #tpu.memory_space<hbm>>
    tpu.wait_dma2 semaphore(%arg30 : memref<!tpu.dma_semaphore, #tpu.memory_space<semaphore_mem>>) src(%dma_wait3A_39 : memref<64x64xf32, #tpu.memory_space<hbm>>) dst(%arg19 : memref<64x64xf32, #tpu.memory_space<vmem>>)
    %dma_wait3A_40 = arith.constant 0 : i32
    %dma_wait3A_41 = arith.constant 0 : i32
    %dma_wait3A_42 = tpu.memref_slice %arg5[%dma_wait3A_40, %dma_wait3A_41] : memref<100000x64xf32, #tpu.memory_space<hbm>> -> memref<64x64xf32, #tpu.memory_space<hbm>>
    %dma_wait3A_43 = arith.constant 0 : i32
    %dma_wait3A_44 = arith.constant 0 : i32
    %dma_wait3A_45 = tpu.memref_slice %arg5[%dma_wait3A_43, %dma_wait3A_44] : memref<100000x64xf32, #tpu.memory_space<hbm>> -> memref<64x64xf32, #tpu.memory_space<hbm>>
    tpu.wait_dma2 semaphore(%arg30 : memref<!tpu.dma_semaphore, #tpu.memory_space<semaphore_mem>>) src(%dma_wait3A_45 : memref<64x64xf32, #tpu.memory_space<hbm>>) dst(%arg20 : memref<64x64xf32, #tpu.memory_space<vmem>>)
    %dma_wait3A_46 = arith.constant 0 : i32
    %dma_wait3A_47 = arith.constant 0 : i32
    %dma_wait3A_48 = tpu.memref_slice %arg5[%dma_wait3A_46, %dma_wait3A_47] : memref<100000x64xf32, #tpu.memory_space<hbm>> -> memref<64x64xf32, #tpu.memory_space<hbm>>
    %dma_wait3A_49 = arith.constant 0 : i32
    %dma_wait3A_50 = arith.constant 0 : i32
    %dma_wait3A_51 = tpu.memref_slice %arg5[%dma_wait3A_49, %dma_wait3A_50] : memref<100000x64xf32, #tpu.memory_space<hbm>> -> memref<64x64xf32, #tpu.memory_space<hbm>>
    tpu.wait_dma2 semaphore(%arg30 : memref<!tpu.dma_semaphore, #tpu.memory_space<semaphore_mem>>) src(%dma_wait3A_51 : memref<64x64xf32, #tpu.memory_space<hbm>>) dst(%arg21 : memref<64x64xf32, #tpu.memory_space<vmem>>)
    %add3A_52 = arith.constant 0 : i32
    %add3A_53 = arith.addi %mul3A_2, %add3A_52 : i32
    %scan3A_54 = arith.constant 0 : i32
    %scan3A_55 = arith.constant 64 : i32
    %scan3A_56 = arith.addi %scan3A_54, %scan3A_55 : i32
    %scan3A_57 = arith.constant 1 : i32
    %scan3A_58:3 = scf.for %scan3A_429 = %scan3A_54 to %scan3A_56 step %scan3A_57 iter_args(%scan3A_430 = %broadcast_in_dim3A_3, %scan3A_431 = %broadcast_in_dim3A_3, %scan3A_432 = %broadcast_in_dim3A_3) -> (vector<16xf32>, vector<16xf32>, vector<16xf32>)  : i32 {
      %broadcast_in_dim3A_433 = arith.constant 0.000000e+00 : f32
      %broadcast_in_dim3A_434 = vector.broadcast %broadcast_in_dim3A_433 : f32 to vector<16xf32>
      %get3A = arith.index_cast %scan3A_429 : i32 to index
      %get3A_435 = arith.constant 0 : index
      %get3A_436 = tpu.vector_load %arg16[%get3A, %get3A_435] {strides = array<i32>} : memref<64x64xf32, #tpu.memory_space<vmem>>, vector<16xf32>,
      %get3A_437 = arith.index_cast %scan3A_429 : i32 to index
      %get3A_438 = arith.constant 0 : index
      %get3A_439 = tpu.vector_load %arg17[%get3A_437, %get3A_438] {strides = array<i32>} : memref<64x64xf32, #tpu.memory_space<vmem>>, vector<16xf32>,
      %get3A_440 = arith.index_cast %scan3A_429 : i32 to index
      %get3A_441 = arith.constant 0 : index
      %get3A_442 = tpu.vector_load %arg18[%get3A_440, %get3A_441] {strides = array<i32>} : memref<64x64xf32, #tpu.memory_space<vmem>>, vector<16xf32>,
      %get3A_443 = arith.index_cast %scan3A_429 : i32 to index
      %get3A_444 = arith.constant 0 : index
      %get3A_445 = tpu.vector_load %arg19[%get3A_443, %get3A_444] {strides = array<i32>} : memref<64x64xf32, #tpu.memory_space<vmem>>, vector<16xf32>,
      %get3A_446 = arith.index_cast %scan3A_429 : i32 to index
      %get3A_447 = arith.constant 0 : index
      %get3A_448 = tpu.vector_load %arg20[%get3A_446, %get3A_447] {strides = array<i32>} : memref<64x64xf32, #tpu.memory_space<vmem>>, vector<16xf32>,
      %get3A_449 = arith.index_cast %scan3A_429 : i32 to index
      %get3A_450 = arith.constant 0 : index
      %get3A_451 = tpu.vector_load %arg21[%get3A_449, %get3A_450] {strides = array<i32>} : memref<64x64xf32, #tpu.memory_space<vmem>>, vector<16xf32>,
      %mul3A_452 = arith.mulf %get3A_436, %get3A_442 : vector<16xf32>
      %mul3A_453 = arith.mulf %get3A_439, %get3A_445 : vector<16xf32>
      %add3A_454 = arith.addf %mul3A_452, %mul3A_453 : vector<16xf32>
      %mul3A_455 = arith.mulf %get3A_448, %add3A_454 : vector<16xf32>
      %add3A_456 = arith.addf %broadcast_in_dim3A_434, %mul3A_455 : vector<16xf32>
      %mul3A_457 = arith.mulf %get3A_436, %get3A_445 : vector<16xf32>
      %mul3A_458 = arith.mulf %get3A_439, %get3A_442 : vector<16xf32>
      %sub3A = arith.subf %mul3A_457, %mul3A_458 : vector<16xf32>
      %mul3A_459 = arith.mulf %get3A_451, %sub3A : vector<16xf32>
      %add3A_460 = arith.addf %add3A_456, %mul3A_459 : vector<16xf32>
      %mul3A_461 = arith.mulf %get3A_436, %get3A_436 : vector<16xf32>
      %mul3A_462 = arith.mulf %get3A_439, %get3A_439 : vector<16xf32>
      %add3A_463 = arith.addf %mul3A_461, %mul3A_462 : vector<16xf32>
      %add3A_464 = arith.addf %scan3A_430, %add3A_463 : vector<16xf32>
      %mul3A_465 = arith.mulf %get3A_442, %get3A_442 : vector<16xf32>
      %mul3A_466 = arith.mulf %get3A_445, %get3A_445 : vector<16xf32>
      %add3A_467 = arith.addf %mul3A_465, %mul3A_466 : vector<16xf32>
      %add3A_468 = arith.addf %scan3A_431, %add3A_467 : vector<16xf32>
      %mul3A_469 = arith.mulf %get3A_448, %get3A_448 : vector<16xf32>
      %mul3A_470 = arith.mulf %get3A_451, %get3A_451 : vector<16xf32>
      %add3A_471 = arith.addf %mul3A_469, %mul3A_470 : vector<16xf32>
      %add3A_472 = arith.addf %scan3A_432, %add3A_471 : vector<16xf32>
      %get3A_473 = arith.index_cast %scan3A_429 : i32 to index
      %get3A_474 = arith.constant 16 : index
      %get3A_475 = tpu.vector_load %arg16[%get3A_473, %get3A_474] {strides = array<i32>} : memref<64x64xf32, #tpu.memory_space<vmem>>, vector<16xf32>,
      %get3A_476 = arith.index_cast %scan3A_429 : i32 to index
      %get3A_477 = arith.constant 16 : index
      %get3A_478 = tpu.vector_load %arg17[%get3A_476, %get3A_477] {strides = array<i32>} : memref<64x64xf32, #tpu.memory_space<vmem>>, vector<16xf32>,
      %get3A_479 = arith.index_cast %scan3A_429 : i32 to index
      %get3A_480 = arith.constant 16 : index
      %get3A_481 = tpu.vector_load %arg18[%get3A_479, %get3A_480] {strides = array<i32>} : memref<64x64xf32, #tpu.memory_space<vmem>>, vector<16xf32>,
      %get3A_482 = arith.index_cast %scan3A_429 : i32 to index
      %get3A_483 = arith.constant 16 : index
      %get3A_484 = tpu.vector_load %arg19[%get3A_482, %get3A_483] {strides = array<i32>} : memref<64x64xf32, #tpu.memory_space<vmem>>, vector<16xf32>,
      %get3A_485 = arith.index_cast %scan3A_429 : i32 to index
      %get3A_486 = arith.constant 16 : index
      %get3A_487 = tpu.vector_load %arg20[%get3A_485, %get3A_486] {strides = array<i32>} : memref<64x64xf32, #tpu.memory_space<vmem>>, vector<16xf32>,
      %get3A_488 = arith.index_cast %scan3A_429 : i32 to index
      %get3A_489 = arith.constant 16 : index
      %get3A_490 = tpu.vector_load %arg21[%get3A_488, %get3A_489] {strides = array<i32>} : memref<64x64xf32, #tpu.memory_space<vmem>>, vector<16xf32>,
      %mul3A_491 = arith.mulf %get3A_475, %get3A_481 : vector<16xf32>
      %mul3A_492 = arith.mulf %get3A_478, %get3A_484 : vector<16xf32>
      %add3A_493 = arith.addf %mul3A_491, %mul3A_492 : vector<16xf32>
      %mul3A_494 = arith.mulf %get3A_487, %add3A_493 : vector<16xf32>
      %add3A_495 = arith.addf %add3A_460, %mul3A_494 : vector<16xf32>
      %mul3A_496 = arith.mulf %get3A_475, %get3A_484 : vector<16xf32>
      %mul3A_497 = arith.mulf %get3A_478, %get3A_481 : vector<16xf32>
      %sub3A_498 = arith.subf %mul3A_496, %mul3A_497 : vector<16xf32>
      %mul3A_499 = arith.mulf %get3A_490, %sub3A_498 : vector<16xf32>
      %add3A_500 = arith.addf %add3A_495, %mul3A_499 : vector<16xf32>
      %mul3A_501 = arith.mulf %get3A_475, %get3A_475 : vector<16xf32>
      %mul3A_502 = arith.mulf %get3A_478, %get3A_478 : vector<16xf32>
      %add3A_503 = arith.addf %mul3A_501, %mul3A_502 : vector<16xf32>
      %add3A_504 = arith.addf %add3A_464, %add3A_503 : vector<16xf32>
      %mul3A_505 = arith.mulf %get3A_481, %get3A_481 : vector<16xf32>
      %mul3A_506 = arith.mulf %get3A_484, %get3A_484 : vector<16xf32>
      %add3A_507 = arith.addf %mul3A_505, %mul3A_506 : vector<16xf32>
      %add3A_508 = arith.addf %add3A_468, %add3A_507 : vector<16xf32>
      %mul3A_509 = arith.mulf %get3A_487, %get3A_487 : vector<16xf32>
      %mul3A_510 = arith.mulf %get3A_490, %get3A_490 : vector<16xf32>
      %add3A_511 = arith.addf %mul3A_509, %mul3A_510 : vector<16xf32>
      %add3A_512 = arith.addf %add3A_472, %add3A_511 : vector<16xf32>
      %get3A_513 = arith.index_cast %scan3A_429 : i32 to index
      %get3A_514 = arith.constant 32 : index
      %get3A_515 = tpu.vector_load %arg16[%get3A_513, %get3A_514] {strides = array<i32>} : memref<64x64xf32, #tpu.memory_space<vmem>>, vector<16xf32>,
      %get3A_516 = arith.index_cast %scan3A_429 : i32 to index
      %get3A_517 = arith.constant 32 : index
      %get3A_518 = tpu.vector_load %arg17[%get3A_516, %get3A_517] {strides = array<i32>} : memref<64x64xf32, #tpu.memory_space<vmem>>, vector<16xf32>,
      %get3A_519 = arith.index_cast %scan3A_429 : i32 to index
      %get3A_520 = arith.constant 32 : index
      %get3A_521 = tpu.vector_load %arg18[%get3A_519, %get3A_520] {strides = array<i32>} : memref<64x64xf32, #tpu.memory_space<vmem>>, vector<16xf32>,
      %get3A_522 = arith.index_cast %scan3A_429 : i32 to index
      %get3A_523 = arith.constant 32 : index
      %get3A_524 = tpu.vector_load %arg19[%get3A_522, %get3A_523] {strides = array<i32>} : memref<64x64xf32, #tpu.memory_space<vmem>>, vector<16xf32>,
      %get3A_525 = arith.index_cast %scan3A_429 : i32 to index
      %get3A_526 = arith.constant 32 : index
      %get3A_527 = tpu.vector_load %arg20[%get3A_525, %get3A_526] {strides = array<i32>} : memref<64x64xf32, #tpu.memory_space<vmem>>, vector<16xf32>,
      %get3A_528 = arith.index_cast %scan3A_429 : i32 to index
      %get3A_529 = arith.constant 32 : index
      %get3A_530 = tpu.vector_load %arg21[%get3A_528, %get3A_529] {strides = array<i32>} : memref<64x64xf32, #tpu.memory_space<vmem>>, vector<16xf32>,
      %mul3A_531 = arith.mulf %get3A_515, %get3A_521 : vector<16xf32>
      %mul3A_532 = arith.mulf %get3A_518, %get3A_524 : vector<16xf32>
      %add3A_533 = arith.addf %mul3A_531, %mul3A_532 : vector<16xf32>
      %mul3A_534 = arith.mulf %get3A_527, %add3A_533 : vector<16xf32>
      %add3A_535 = arith.addf %add3A_500, %mul3A_534 : vector<16xf32>
      %mul3A_536 = arith.mulf %get3A_515, %get3A_524 : vector<16xf32>
      %mul3A_537 = arith.mulf %get3A_518, %get3A_521 : vector<16xf32>
      %sub3A_538 = arith.subf %mul3A_536, %mul3A_537 : vector<16xf32>
      %mul3A_539 = arith.mulf %get3A_530, %sub3A_538 : vector<16xf32>
      %add3A_540 = arith.addf %add3A_535, %mul3A_539 : vector<16xf32>
      %mul3A_541 = arith.mulf %get3A_515, %get3A_515 : vector<16xf32>
      %mul3A_542 = arith.mulf %get3A_518, %get3A_518 : vector<16xf32>
      %add3A_543 = arith.addf %mul3A_541, %mul3A_542 : vector<16xf32>
      %add3A_544 = arith.addf %add3A_504, %add3A_543 : vector<16xf32>
      %mul3A_545 = arith.mulf %get3A_521, %get3A_521 : vector<16xf32>
      %mul3A_546 = arith.mulf %get3A_524, %get3A_524 : vector<16xf32>
      %add3A_547 = arith.addf %mul3A_545, %mul3A_546 : vector<16xf32>
      %add3A_548 = arith.addf %add3A_508, %add3A_547 : vector<16xf32>
      %mul3A_549 = arith.mulf %get3A_527, %get3A_527 : vector<16xf32>
      %mul3A_550 = arith.mulf %get3A_530, %get3A_530 : vector<16xf32>
      %add3A_551 = arith.addf %mul3A_549, %mul3A_550 : vector<16xf32>
      %add3A_552 = arith.addf %add3A_512, %add3A_551 : vector<16xf32>
      %get3A_553 = arith.index_cast %scan3A_429 : i32 to index
      %get3A_554 = arith.constant 48 : index
      %get3A_555 = tpu.vector_load %arg16[%get3A_553, %get3A_554] {strides = array<i32>} : memref<64x64xf32, #tpu.memory_space<vmem>>, vector<16xf32>,
      %get3A_556 = arith.index_cast %scan3A_429 : i32 to index
      %get3A_557 = arith.constant 48 : index
      %get3A_558 = tpu.vector_load %arg17[%get3A_556, %get3A_557] {strides = array<i32>} : memref<64x64xf32, #tpu.memory_space<vmem>>, vector<16xf32>,
      %get3A_559 = arith.index_cast %scan3A_429 : i32 to index
      %get3A_560 = arith.constant 48 : index
      %get3A_561 = tpu.vector_load %arg18[%get3A_559, %get3A_560] {strides = array<i32>} : memref<64x64xf32, #tpu.memory_space<vmem>>, vector<16xf32>,
      %get3A_562 = arith.index_cast %scan3A_429 : i32 to index
      %get3A_563 = arith.constant 48 : index
      %get3A_564 = tpu.vector_load %arg19[%get3A_562, %get3A_563] {strides = array<i32>} : memref<64x64xf32, #tpu.memory_space<vmem>>, vector<16xf32>,
      %get3A_565 = arith.index_cast %scan3A_429 : i32 to index
      %get3A_566 = arith.constant 48 : index
      %get3A_567 = tpu.vector_load %arg20[%get3A_565, %get3A_566] {strides = array<i32>} : memref<64x64xf32, #tpu.memory_space<vmem>>, vector<16xf32>,
      %get3A_568 = arith.index_cast %scan3A_429 : i32 to index
      %get3A_569 = arith.constant 48 : index
      %get3A_570 = tpu.vector_load %arg21[%get3A_568, %get3A_569] {strides = array<i32>} : memref<64x64xf32, #tpu.memory_space<vmem>>, vector<16xf32>,
      %mul3A_571 = arith.mulf %get3A_555, %get3A_561 : vector<16xf32>
      %mul3A_572 = arith.mulf %get3A_558, %get3A_564 : vector<16xf32>
      %add3A_573 = arith.addf %mul3A_571, %mul3A_572 : vector<16xf32>
      %mul3A_574 = arith.mulf %get3A_567, %add3A_573 : vector<16xf32>
      %add3A_575 = arith.addf %add3A_540, %mul3A_574 : vector<16xf32>
      %mul3A_576 = arith.mulf %get3A_555, %get3A_564 : vector<16xf32>
      %mul3A_577 = arith.mulf %get3A_558, %get3A_561 : vector<16xf32>
      %sub3A_578 = arith.subf %mul3A_576, %mul3A_577 : vector<16xf32>
      %mul3A_579 = arith.mulf %get3A_570, %sub3A_578 : vector<16xf32>
      %add3A_580 = arith.addf %add3A_575, %mul3A_579 : vector<16xf32>
      %mul3A_581 = arith.mulf %get3A_555, %get3A_555 : vector<16xf32>
      %mul3A_582 = arith.mulf %get3A_558, %get3A_558 : vector<16xf32>
      %add3A_583 = arith.addf %mul3A_581, %mul3A_582 : vector<16xf32>
      %add3A_584 = arith.addf %add3A_544, %add3A_583 : vector<16xf32>
      %mul3A_585 = arith.mulf %get3A_561, %get3A_561 : vector<16xf32>
      %mul3A_586 = arith.mulf %get3A_564, %get3A_564 : vector<16xf32>
      %add3A_587 = arith.addf %mul3A_585, %mul3A_586 : vector<16xf32>
      %add3A_588 = arith.addf %add3A_548, %add3A_587 : vector<16xf32>
      %mul3A_589 = arith.mulf %get3A_567, %get3A_567 : vector<16xf32>
      %mul3A_590 = arith.mulf %get3A_570, %get3A_570 : vector<16xf32>
      %add3A_591 = arith.addf %mul3A_589, %mul3A_590 : vector<16xf32>
      %add3A_592 = arith.addf %add3A_552, %add3A_591 : vector<16xf32>
      %mul3A_593 = arith.constant 16 : i32
      %mul3A_594 = arith.muli %scan3A_429, %mul3A_593 : i32
      %swap3A_595 = arith.index_cast %mul3A_594 : i32 to index
      %swap3A_596 = tpu.vector_load %arg28[%swap3A_595] {strides = array<i32>} : memref<1024xf32, #tpu.memory_space<vmem>>, vector<16xf32>,
      tpu.vector_store %arg28[%swap3A_595], %add3A_580 {strides = array<i32>} : memref<1024xf32, #tpu.memory_space<vmem>>, vector<16xf32>,
      scf.yield %add3A_584, %add3A_588, %add3A_592 : vector<16xf32>, vector<16xf32>, vector<16xf32>
    }
    %scan3A_59 = arith.constant 64 : i32
    %mul3A_60 = arith.constant 16 : i32
    %mul3A_61 = arith.muli %add3A_53, %mul3A_60 : i32
    "tpu.region"() ({
      %run_scoped3A = tpu.sem_alloc : memref<!tpu.dma_semaphore, #tpu.memory_space<semaphore_mem>>
      %dma_start3A = tpu.memref_slice %arg9[%mul3A_61] : memref<262144xf32, #tpu.memory_space<hbm>> -> memref<1024xf32, #tpu.memory_space<hbm>>
      %dma_start3A_429 = tpu.memref_slice %arg9[%mul3A_61] : memref<262144xf32, #tpu.memory_space<hbm>> -> memref<1024xf32, #tpu.memory_space<hbm>>
      tpu.enqueue_dma source(%arg28 : memref<1024xf32, #tpu.memory_space<vmem>>) target(%dma_start3A_429 : memref<1024xf32, #tpu.memory_space<hbm>>) target_semaphore(%run_scoped3A : memref<!tpu.dma_semaphore, #tpu.memory_space<semaphore_mem>>)
      %dma_wait3A_430 = tpu.memref_slice %arg9[%mul3A_61] : memref<262144xf32, #tpu.memory_space<hbm>> -> memref<1024xf32, #tpu.memory_space<hbm>>
      %dma_wait3A_431 = tpu.memref_slice %arg9[%mul3A_61] : memref<262144xf32, #tpu.memory_space<hbm>> -> memref<1024xf32, #tpu.memory_space<hbm>>
      tpu.wait_dma2 semaphore(%run_scoped3A : memref<!tpu.dma_semaphore, #tpu.memory_space<semaphore_mem>>) src(%arg28 : memref<1024xf32, #tpu.memory_space<vmem>>) dst(%dma_wait3A_431 : memref<1024xf32, #tpu.memory_space<hbm>>)
      tpu.yield
    }) : () -> ()
    %scan3A_62 = arith.constant 0 : i32
    %scan3A_63 = arith.constant 0 : i32
    %scan3A_64 = arith.constant 64 : i32
    %scan3A_65 = arith.addi %scan3A_63, %scan3A_64 : i32
    %scan3A_66 = arith.constant 1 : i32
    %scan3A_67 = scf.for %scan3A_429 = %scan3A_63 to %scan3A_65 step %scan3A_66 iter_args(%scan3A_430 = %scan3A_62) -> (i32)  : i32 {
      %add3A_431 = arith.constant 128 : i32
      %add3A_432 = arith.addi %add3A_431, %scan3A_429 : i32
      %get3A = arith.index_cast %add3A_432 : i32 to index
      %get3A_433 = memref.load %arg11[%get3A] : memref<1536xi32, #tpu.memory_space<smem>>
      %add3A_434 = arith.constant 640 : i32
      %add3A_435 = arith.addi %add3A_434, %scan3A_429 : i32
      %get3A_436 = arith.index_cast %add3A_435 : i32 to index
      %get3A_437 = memref.load %arg11[%get3A_436] : memref<1536xi32, #tpu.memory_space<smem>>
      %add3A_438 = arith.constant 1152 : i32
      %add3A_439 = arith.addi %add3A_438, %scan3A_429 : i32
      %get3A_440 = arith.index_cast %add3A_439 : i32 to index
      %get3A_441 = memref.load %arg11[%get3A_440] : memref<1536xi32, #tpu.memory_space<smem>>
      %dma_start3A = arith.constant 0 : i32
      %dma_start3A_442 = tpu.memref_slice %arg16[%scan3A_429, %dma_start3A] : memref<64x64xf32, #tpu.memory_space<vmem>> -> memref<1x64xf32, #tpu.memory_space<vmem>>
      %dma_start3A_443 = tpu.memref_squeeze %dma_start3A_442 : memref<1x64xf32, #tpu.memory_space<vmem>> -> memref<64xf32, #tpu.memory_space<vmem>>
      %dma_start3A_444 = arith.constant 0 : i32
      %dma_start3A_445 = tpu.memref_slice %arg5[%get3A_433, %dma_start3A_444] : memref<100000x64xf32, #tpu.memory_space<hbm>> -> memref<1x64xf32, #tpu.memory_space<hbm>>
      %dma_start3A_446 = tpu.memref_squeeze %dma_start3A_445 : memref<1x64xf32, #tpu.memory_space<hbm>> -> memref<64xf32, #tpu.memory_space<hbm>>
      %dma_start3A_447 = arith.constant 0 : i32
      %dma_start3A_448 = tpu.memref_slice %arg16[%scan3A_429, %dma_start3A_447] : memref<64x64xf32, #tpu.memory_space<vmem>> -> memref<1x64xf32, #tpu.memory_space<vmem>>
      %dma_start3A_449 = tpu.memref_squeeze %dma_start3A_448 : memref<1x64xf32, #tpu.memory_space<vmem>> -> memref<64xf32, #tpu.memory_space<vmem>>
      %dma_start3A_450 = arith.constant 0 : i32
      %dma_start3A_451 = tpu.memref_slice %arg5[%get3A_433, %dma_start3A_450] : memref<100000x64xf32, #tpu.memory_space<hbm>> -> memref<1x64xf32, #tpu.memory_space<hbm>>
      %dma_start3A_452 = tpu.memref_squeeze %dma_start3A_451 : memref<1x64xf32, #tpu.memory_space<hbm>> -> memref<64xf32, #tpu.memory_space<hbm>>
      tpu.enqueue_dma source(%dma_start3A_452 : memref<64xf32, #tpu.memory_space<hbm>>) target(%dma_start3A_449 : memref<64xf32, #tpu.memory_space<vmem>>) target_semaphore(%arg30 : memref<!tpu.dma_semaphore, #tpu.memory_space<semaphore_mem>>)
      %dma_start3A_453 = arith.constant 0 : i32
      %dma_start3A_454 = tpu.memref_slice %arg17[%scan3A_429, %dma_start3A_453] : memref<64x64xf32, #tpu.memory_space<vmem>> -> memref<1x64xf32, #tpu.memory_space<vmem>>
      %dma_start3A_455 = tpu.memref_squeeze %dma_start3A_454 : memref<1x64xf32, #tpu.memory_space<vmem>> -> memref<64xf32, #tpu.memory_space<vmem>>
      %dma_start3A_456 = arith.constant 0 : i32
      %dma_start3A_457 = tpu.memref_slice %arg6[%get3A_433, %dma_start3A_456] : memref<100000x64xf32, #tpu.memory_space<hbm>> -> memref<1x64xf32, #tpu.memory_space<hbm>>
      %dma_start3A_458 = tpu.memref_squeeze %dma_start3A_457 : memref<1x64xf32, #tpu.memory_space<hbm>> -> memref<64xf32, #tpu.memory_space<hbm>>
      %dma_start3A_459 = arith.constant 0 : i32
      %dma_start3A_460 = tpu.memref_slice %arg17[%scan3A_429, %dma_start3A_459] : memref<64x64xf32, #tpu.memory_space<vmem>> -> memref<1x64xf32, #tpu.memory_space<vmem>>
      %dma_start3A_461 = tpu.memref_squeeze %dma_start3A_460 : memref<1x64xf32, #tpu.memory_space<vmem>> -> memref<64xf32, #tpu.memory_space<vmem>>
      %dma_start3A_462 = arith.constant 0 : i32
      %dma_start3A_463 = tpu.memref_slice %arg6[%get3A_433, %dma_start3A_462] : memref<100000x64xf32, #tpu.memory_space<hbm>> -> memref<1x64xf32, #tpu.memory_space<hbm>>
      %dma_start3A_464 = tpu.memref_squeeze %dma_start3A_463 : memref<1x64xf32, #tpu.memory_space<hbm>> -> memref<64xf32, #tpu.memory_space<hbm>>
      tpu.enqueue_dma source(%dma_start3A_464 : memref<64xf32, #tpu.memory_space<hbm>>) target(%dma_start3A_461 : memref<64xf32, #tpu.memory_space<vmem>>) target_semaphore(%arg30 : memref<!tpu.dma_semaphore, #tpu.memory_space<semaphore_mem>>)
      %dma_start3A_465 = arith.constant 0 : i32
      %dma_start3A_466 = tpu.memref_slice %arg18[%scan3A_429, %dma_start3A_465] : memref<64x64xf32, #tpu.memory_space<vmem>> -> memref<1x64xf32, #tpu.memory_space<vmem>>
      %dma_start3A_467 = tpu.memref_squeeze %dma_start3A_466 : memref<1x64xf32, #tpu.memory_space<vmem>> -> memref<64xf32, #tpu.memory_space<vmem>>
      %dma_start3A_468 = arith.constant 0 : i32
      %dma_start3A_469 = tpu.memref_slice %arg5[%get3A_441, %dma_start3A_468] : memref<100000x64xf32, #tpu.memory_space<hbm>> -> memref<1x64xf32, #tpu.memory_space<hbm>>
      %dma_start3A_470 = tpu.memref_squeeze %dma_start3A_469 : memref<1x64xf32, #tpu.memory_space<hbm>> -> memref<64xf32, #tpu.memory_space<hbm>>
      %dma_start3A_471 = arith.constant 0 : i32
      %dma_start3A_472 = tpu.memref_slice %arg18[%scan3A_429, %dma_start3A_471] : memref<64x64xf32, #tpu.memory_space<vmem>> -> memref<1x64xf32, #tpu.memory_space<vmem>>
      %dma_start3A_473 = tpu.memref_squeeze %dma_start3A_472 : memref<1x64xf32, #tpu.memory_space<vmem>> -> memref<64xf32, #tpu.memory_space<vmem>>
      %dma_start3A_474 = arith.constant 0 : i32
      %dma_start3A_475 = tpu.memref_slice %arg5[%get3A_441, %dma_start3A_474] : memref<100000x64xf32, #tpu.memory_space<hbm>> -> memref<1x64xf32, #tpu.memory_space<hbm>>
      %dma_start3A_476 = tpu.memref_squeeze %dma_start3A_475 : memref<1x64xf32, #tpu.memory_space<hbm>> -> memref<64xf32, #tpu.memory_space<hbm>>
      tpu.enqueue_dma source(%dma_start3A_476 : memref<64xf32, #tpu.memory_space<hbm>>) target(%dma_start3A_473 : memref<64xf32, #tpu.memory_space<vmem>>) target_semaphore(%arg30 : memref<!tpu.dma_semaphore, #tpu.memory_space<semaphore_mem>>)
      %dma_start3A_477 = arith.constant 0 : i32
      %dma_start3A_478 = tpu.memref_slice %arg19[%scan3A_429, %dma_start3A_477] : memref<64x64xf32, #tpu.memory_space<vmem>> -> memref<1x64xf32, #tpu.memory_space<vmem>>
      %dma_start3A_479 = tpu.memref_squeeze %dma_start3A_478 : memref<1x64xf32, #tpu.memory_space<vmem>> -> memref<64xf32, #tpu.memory_space<vmem>>
      %dma_start3A_480 = arith.constant 0 : i32
      %dma_start3A_481 = tpu.memref_slice %arg6[%get3A_441, %dma_start3A_480] : memref<100000x64xf32, #tpu.memory_space<hbm>> -> memref<1x64xf32, #tpu.memory_space<hbm>>
      %dma_start3A_482 = tpu.memref_squeeze %dma_start3A_481 : memref<1x64xf32, #tpu.memory_space<hbm>> -> memref<64xf32, #tpu.memory_space<hbm>>
      %dma_start3A_483 = arith.constant 0 : i32
      %dma_start3A_484 = tpu.memref_slice %arg19[%scan3A_429, %dma_start3A_483] : memref<64x64xf32, #tpu.memory_space<vmem>> -> memref<1x64xf32, #tpu.memory_space<vmem>>
      %dma_start3A_485 = tpu.memref_squeeze %dma_start3A_484 : memref<1x64xf32, #tpu.memory_space<vmem>> -> memref<64xf32, #tpu.memory_space<vmem>>
      %dma_start3A_486 = arith.constant 0 : i32
      %dma_start3A_487 = tpu.memref_slice %arg6[%get3A_441, %dma_start3A_486] : memref<100000x64xf32, #tpu.memory_space<hbm>> -> memref<1x64xf32, #tpu.memory_space<hbm>>
      %dma_start3A_488 = tpu.memref_squeeze %dma_start3A_487 : memref<1x64xf32, #tpu.memory_space<hbm>> -> memref<64xf32, #tpu.memory_space<hbm>>
      tpu.enqueue_dma source(%dma_start3A_488 : memref<64xf32, #tpu.memory_space<hbm>>) target(%dma_start3A_485 : memref<64xf32, #tpu.memory_space<vmem>>) target_semaphore(%arg30 : memref<!tpu.dma_semaphore, #tpu.memory_space<semaphore_mem>>)
      %dma_start3A_489 = arith.constant 0 : i32
      %dma_start3A_490 = tpu.memref_slice %arg20[%scan3A_429, %dma_start3A_489] : memref<64x64xf32, #tpu.memory_space<vmem>> -> memref<1x64xf32, #tpu.memory_space<vmem>>
      %dma_start3A_491 = tpu.memref_squeeze %dma_start3A_490 : memref<1x64xf32, #tpu.memory_space<vmem>> -> memref<64xf32, #tpu.memory_space<vmem>>
      %dma_start3A_492 = arith.constant 0 : i32
      %dma_start3A_493 = tpu.memref_slice %arg7[%get3A_437, %dma_start3A_492] : memref<100000x64xf32, #tpu.memory_space<hbm>> -> memref<1x64xf32, #tpu.memory_space<hbm>>
      %dma_start3A_494 = tpu.memref_squeeze %dma_start3A_493 : memref<1x64xf32, #tpu.memory_space<hbm>> -> memref<64xf32, #tpu.memory_space<hbm>>
      %dma_start3A_495 = arith.constant 0 : i32
      %dma_start3A_496 = tpu.memref_slice %arg20[%scan3A_429, %dma_start3A_495] : memref<64x64xf32, #tpu.memory_space<vmem>> -> memref<1x64xf32, #tpu.memory_space<vmem>>
      %dma_start3A_497 = tpu.memref_squeeze %dma_start3A_496 : memref<1x64xf32, #tpu.memory_space<vmem>> -> memref<64xf32, #tpu.memory_space<vmem>>
      %dma_start3A_498 = arith.constant 0 : i32
      %dma_start3A_499 = tpu.memref_slice %arg7[%get3A_437, %dma_start3A_498] : memref<100000x64xf32, #tpu.memory_space<hbm>> -> memref<1x64xf32, #tpu.memory_space<hbm>>
      %dma_start3A_500 = tpu.memref_squeeze %dma_start3A_499 : memref<1x64xf32, #tpu.memory_space<hbm>> -> memref<64xf32, #tpu.memory_space<hbm>>
      tpu.enqueue_dma source(%dma_start3A_500 : memref<64xf32, #tpu.memory_space<hbm>>) target(%dma_start3A_497 : memref<64xf32, #tpu.memory_space<vmem>>) target_semaphore(%arg30 : memref<!tpu.dma_semaphore, #tpu.memory_space<semaphore_mem>>)
      %dma_start3A_501 = arith.constant 0 : i32
      %dma_start3A_502 = tpu.memref_slice %arg21[%scan3A_429, %dma_start3A_501] : memref<64x64xf32, #tpu.memory_space<vmem>> -> memref<1x64xf32, #tpu.memory_space<vmem>>
      %dma_start3A_503 = tpu.memref_squeeze %dma_start3A_502 : memref<1x64xf32, #tpu.memory_space<vmem>> -> memref<64xf32, #tpu.memory_space<vmem>>
      %dma_start3A_504 = arith.constant 0 : i32
      %dma_start3A_505 = tpu.memref_slice %arg8[%get3A_437, %dma_start3A_504] : memref<100000x64xf32, #tpu.memory_space<hbm>> -> memref<1x64xf32, #tpu.memory_space<hbm>>
      %dma_start3A_506 = tpu.memref_squeeze %dma_start3A_505 : memref<1x64xf32, #tpu.memory_space<hbm>> -> memref<64xf32, #tpu.memory_space<hbm>>
      %dma_start3A_507 = arith.constant 0 : i32
      %dma_start3A_508 = tpu.memref_slice %arg21[%scan3A_429, %dma_start3A_507] : memref<64x64xf32, #tpu.memory_space<vmem>> -> memref<1x64xf32, #tpu.memory_space<vmem>>
      %dma_start3A_509 = tpu.memref_squeeze %dma_start3A_508 : memref<1x64xf32, #tpu.memory_space<vmem>> -> memref<64xf32, #tpu.memory_space<vmem>>
      %dma_start3A_510 = arith.constant 0 : i32
      %dma_start3A_511 = tpu.memref_slice %arg8[%get3A_437, %dma_start3A_510] : memref<100000x64xf32, #tpu.memory_space<hbm>> -> memref<1x64xf32, #tpu.memory_space<hbm>>
      %dma_start3A_512 = tpu.memref_squeeze %dma_start3A_511 : memref<1x64xf32, #tpu.memory_space<hbm>> -> memref<64xf32, #tpu.memory_space<hbm>>
      tpu.enqueue_dma source(%dma_start3A_512 : memref<64xf32, #tpu.memory_space<hbm>>) target(%dma_start3A_509 : memref<64xf32, #tpu.memory_space<vmem>>) target_semaphore(%arg30 : memref<!tpu.dma_semaphore, #tpu.memory_space<semaphore_mem>>)
      %scan3A_513 = arith.constant 0 : i32
      scf.yield %scan3A_513 : i32
    }
    %scan3A_68 = arith.constant 64 : i32
    %dma_wait3A_69 = arith.constant 0 : i32
    %dma_wait3A_70 = arith.constant 0 : i32
    %dma_wait3A_71 = tpu.memref_slice %arg5[%dma_wait3A_69, %dma_wait3A_70] : memref<100000x64xf32, #tpu.memory_space<hbm>> -> memref<64x64xf32, #tpu.memory_space<hbm>>
    %dma_wait3A_72 = arith.constant 0 : i32
    %dma_wait3A_73 = arith.constant 0 : i32
    %dma_wait3A_74 = tpu.memref_slice %arg5[%dma_wait3A_72, %dma_wait3A_73] : memref<100000x64xf32, #tpu.memory_space<hbm>> -> memref<64x64xf32, #tpu.memory_space<hbm>>
    tpu.wait_dma2 semaphore(%arg31 : memref<!tpu.dma_semaphore, #tpu.memory_space<semaphore_mem>>) src(%dma_wait3A_74 : memref<64x64xf32, #tpu.memory_space<hbm>>) dst(%arg22 : memref<64x64xf32, #tpu.memory_space<vmem>>)
    %dma_wait3A_75 = arith.constant 0 : i32
    %dma_wait3A_76 = arith.constant 0 : i32
    %dma_wait3A_77 = tpu.memref_slice %arg5[%dma_wait3A_75, %dma_wait3A_76] : memref<100000x64xf32, #tpu.memory_space<hbm>> -> memref<64x64xf32, #tpu.memory_space<hbm>>
    %dma_wait3A_78 = arith.constant 0 : i32
    %dma_wait3A_79 = arith.constant 0 : i32
    %dma_wait3A_80 = tpu.memref_slice %arg5[%dma_wait3A_78, %dma_wait3A_79] : memref<100000x64xf32, #tpu.memory_space<hbm>> -> memref<64x64xf32, #tpu.memory_space<hbm>>
    tpu.wait_dma2 semaphore(%arg31 : memref<!tpu.dma_semaphore, #tpu.memory_space<semaphore_mem>>) src(%dma_wait3A_80 : memref<64x64xf32, #tpu.memory_space<hbm>>) dst(%arg23 : memref<64x64xf32, #tpu.memory_space<vmem>>)
    %dma_wait3A_81 = arith.constant 0 : i32
    %dma_wait3A_82 = arith.constant 0 : i32
    %dma_wait3A_83 = tpu.memref_slice %arg5[%dma_wait3A_81, %dma_wait3A_82] : memref<100000x64xf32, #tpu.memory_space<hbm>> -> memref<64x64xf32, #tpu.memory_space<hbm>>
    %dma_wait3A_84 = arith.constant 0 : i32
    %dma_wait3A_85 = arith.constant 0 : i32
    %dma_wait3A_86 = tpu.memref_slice %arg5[%dma_wait3A_84, %dma_wait3A_85] : memref<100000x64xf32, #tpu.memory_space<hbm>> -> memref<64x64xf32, #tpu.memory_space<hbm>>
    tpu.wait_dma2 semaphore(%arg31 : memref<!tpu.dma_semaphore, #tpu.memory_space<semaphore_mem>>) src(%dma_wait3A_86 : memref<64x64xf32, #tpu.memory_space<hbm>>) dst(%arg24 : memref<64x64xf32, #tpu.memory_space<vmem>>)
    %dma_wait3A_87 = arith.constant 0 : i32
    %dma_wait3A_88 = arith.constant 0 : i32
    %dma_wait3A_89 = tpu.memref_slice %arg5[%dma_wait3A_87, %dma_wait3A_88] : memref<100000x64xf32, #tpu.memory_space<hbm>> -> memref<64x64xf32, #tpu.memory_space<hbm>>
    %dma_wait3A_90 = arith.constant 0 : i32
    %dma_wait3A_91 = arith.constant 0 : i32
    %dma_wait3A_92 = tpu.memref_slice %arg5[%dma_wait3A_90, %dma_wait3A_91] : memref<100000x64xf32, #tpu.memory_space<hbm>> -> memref<64x64xf32, #tpu.memory_space<hbm>>
    tpu.wait_dma2 semaphore(%arg31 : memref<!tpu.dma_semaphore, #tpu.memory_space<semaphore_mem>>) src(%dma_wait3A_92 : memref<64x64xf32, #tpu.memory_space<hbm>>) dst(%arg25 : memref<64x64xf32, #tpu.memory_space<vmem>>)
    %dma_wait3A_93 = arith.constant 0 : i32
    %dma_wait3A_94 = arith.constant 0 : i32
    %dma_wait3A_95 = tpu.memref_slice %arg5[%dma_wait3A_93, %dma_wait3A_94] : memref<100000x64xf32, #tpu.memory_space<hbm>> -> memref<64x64xf32, #tpu.memory_space<hbm>>
    %dma_wait3A_96 = arith.constant 0 : i32
    %dma_wait3A_97 = arith.constant 0 : i32
    %dma_wait3A_98 = tpu.memref_slice %arg5[%dma_wait3A_96, %dma_wait3A_97] : memref<100000x64xf32, #tpu.memory_space<hbm>> -> memref<64x64xf32, #tpu.memory_space<hbm>>
    tpu.wait_dma2 semaphore(%arg31 : memref<!tpu.dma_semaphore, #tpu.memory_space<semaphore_mem>>) src(%dma_wait3A_98 : memref<64x64xf32, #tpu.memory_space<hbm>>) dst(%arg26 : memref<64x64xf32, #tpu.memory_space<vmem>>)
    %dma_wait3A_99 = arith.constant 0 : i32
    %dma_wait3A_100 = arith.constant 0 : i32
    %dma_wait3A_101 = tpu.memref_slice %arg5[%dma_wait3A_99, %dma_wait3A_100] : memref<100000x64xf32, #tpu.memory_space<hbm>> -> memref<64x64xf32, #tpu.memory_space<hbm>>
    %dma_wait3A_102 = arith.constant 0 : i32
    %dma_wait3A_103 = arith.constant 0 : i32
    %dma_wait3A_104 = tpu.memref_slice %arg5[%dma_wait3A_102, %dma_wait3A_103] : memref<100000x64xf32, #tpu.memory_space<hbm>> -> memref<64x64xf32, #tpu.memory_space<hbm>>
    tpu.wait_dma2 semaphore(%arg31 : memref<!tpu.dma_semaphore, #tpu.memory_space<semaphore_mem>>) src(%dma_wait3A_104 : memref<64x64xf32, #tpu.memory_space<hbm>>) dst(%arg27 : memref<64x64xf32, #tpu.memory_space<vmem>>)
    %add3A_105 = arith.constant 64 : i32
    %add3A_106 = arith.addi %mul3A_2, %add3A_105 : i32
    %scan3A_107 = arith.constant 0 : i32
    %scan3A_108 = arith.constant 64 : i32
    %scan3A_109 = arith.addi %scan3A_107, %scan3A_108 : i32
    %scan3A_110 = arith.constant 1 : i32
    %scan3A_111:3 = scf.for %scan3A_429 = %scan3A_107 to %scan3A_109 step %scan3A_110 iter_args(%scan3A_430 = %scan3A_58#0, %scan3A_431 = %scan3A_58#1, %scan3A_432 = %scan3A_58#2) -> (vector<16xf32>, vector<16xf32>, vector<16xf32>)  : i32 {
      %broadcast_in_dim3A_433 = arith.constant 0.000000e+00 : f32
      %broadcast_in_dim3A_434 = vector.broadcast %broadcast_in_dim3A_433 : f32 to vector<16xf32>
      %get3A = arith.index_cast %scan3A_429 : i32 to index
      %get3A_435 = arith.constant 0 : index
      %get3A_436 = tpu.vector_load %arg22[%get3A, %get3A_435] {strides = array<i32>} : memref<64x64xf32, #tpu.memory_space<vmem>>, vector<16xf32>,
      %get3A_437 = arith.index_cast %scan3A_429 : i32 to index
      %get3A_438 = arith.constant 0 : index
      %get3A_439 = tpu.vector_load %arg23[%get3A_437, %get3A_438] {strides = array<i32>} : memref<64x64xf32, #tpu.memory_space<vmem>>, vector<16xf32>,
      %get3A_440 = arith.index_cast %scan3A_429 : i32 to index
      %get3A_441 = arith.constant 0 : index
      %get3A_442 = tpu.vector_load %arg24[%get3A_440, %get3A_441] {strides = array<i32>} : memref<64x64xf32, #tpu.memory_space<vmem>>, vector<16xf32>,
      %get3A_443 = arith.index_cast %scan3A_429 : i32 to index
      %get3A_444 = arith.constant 0 : index
      %get3A_445 = tpu.vector_load %arg25[%get3A_443, %get3A_444] {strides = array<i32>} : memref<64x64xf32, #tpu.memory_space<vmem>>, vector<16xf32>,
      %get3A_446 = arith.index_cast %scan3A_429 : i32 to index
      %get3A_447 = arith.constant 0 : index
      %get3A_448 = tpu.vector_load %arg26[%get3A_446, %get3A_447] {strides = array<i32>} : memref<64x64xf32, #tpu.memory_space<vmem>>, vector<16xf32>,
      %get3A_449 = arith.index_cast %scan3A_429 : i32 to index
      %get3A_450 = arith.constant 0 : index
      %get3A_451 = tpu.vector_load %arg27[%get3A_449, %get3A_450] {strides = array<i32>} : memref<64x64xf32, #tpu.memory_space<vmem>>, vector<16xf32>,
      %mul3A_452 = arith.mulf %get3A_436, %get3A_442 : vector<16xf32>
      %mul3A_453 = arith.mulf %get3A_439, %get3A_445 : vector<16xf32>
      %add3A_454 = arith.addf %mul3A_452, %mul3A_453 : vector<16xf32>
      %mul3A_455 = arith.mulf %get3A_448, %add3A_454 : vector<16xf32>
      %add3A_456 = arith.addf %broadcast_in_dim3A_434, %mul3A_455 : vector<16xf32>
      %mul3A_457 = arith.mulf %get3A_436, %get3A_445 : vector<16xf32>
      %mul3A_458 = arith.mulf %get3A_439, %get3A_442 : vector<16xf32>
      %sub3A = arith.subf %mul3A_457, %mul3A_458 : vector<16xf32>
      %mul3A_459 = arith.mulf %get3A_451, %sub3A : vector<16xf32>
      %add3A_460 = arith.addf %add3A_456, %mul3A_459 : vector<16xf32>
      %mul3A_461 = arith.mulf %get3A_436, %get3A_436 : vector<16xf32>
      %mul3A_462 = arith.mulf %get3A_439, %get3A_439 : vector<16xf32>
      %add3A_463 = arith.addf %mul3A_461, %mul3A_462 : vector<16xf32>
      %add3A_464 = arith.addf %scan3A_430, %add3A_463 : vector<16xf32>
      %mul3A_465 = arith.mulf %get3A_442, %get3A_442 : vector<16xf32>
      %mul3A_466 = arith.mulf %get3A_445, %get3A_445 : vector<16xf32>
      %add3A_467 = arith.addf %mul3A_465, %mul3A_466 : vector<16xf32>
      %add3A_468 = arith.addf %scan3A_431, %add3A_467 : vector<16xf32>
      %mul3A_469 = arith.mulf %get3A_448, %get3A_448 : vector<16xf32>
      %mul3A_470 = arith.mulf %get3A_451, %get3A_451 : vector<16xf32>
      %add3A_471 = arith.addf %mul3A_469, %mul3A_470 : vector<16xf32>
      %add3A_472 = arith.addf %scan3A_432, %add3A_471 : vector<16xf32>
      %get3A_473 = arith.index_cast %scan3A_429 : i32 to index
      %get3A_474 = arith.constant 16 : index
      %get3A_475 = tpu.vector_load %arg22[%get3A_473, %get3A_474] {strides = array<i32>} : memref<64x64xf32, #tpu.memory_space<vmem>>, vector<16xf32>,
      %get3A_476 = arith.index_cast %scan3A_429 : i32 to index
      %get3A_477 = arith.constant 16 : index
      %get3A_478 = tpu.vector_load %arg23[%get3A_476, %get3A_477] {strides = array<i32>} : memref<64x64xf32, #tpu.memory_space<vmem>>, vector<16xf32>,
      %get3A_479 = arith.index_cast %scan3A_429 : i32 to index
      %get3A_480 = arith.constant 16 : index
      %get3A_481 = tpu.vector_load %arg24[%get3A_479, %get3A_480] {strides = array<i32>} : memref<64x64xf32, #tpu.memory_space<vmem>>, vector<16xf32>,
      %get3A_482 = arith.index_cast %scan3A_429 : i32 to index
      %get3A_483 = arith.constant 16 : index
      %get3A_484 = tpu.vector_load %arg25[%get3A_482, %get3A_483] {strides = array<i32>} : memref<64x64xf32, #tpu.memory_space<vmem>>, vector<16xf32>,
      %get3A_485 = arith.index_cast %scan3A_429 : i32 to index
      %get3A_486 = arith.constant 16 : index
      %get3A_487 = tpu.vector_load %arg26[%get3A_485, %get3A_486] {strides = array<i32>} : memref<64x64xf32, #tpu.memory_space<vmem>>, vector<16xf32>,
      %get3A_488 = arith.index_cast %scan3A_429 : i32 to index
      %get3A_489 = arith.constant 16 : index
      %get3A_490 = tpu.vector_load %arg27[%get3A_488, %get3A_489] {strides = array<i32>} : memref<64x64xf32, #tpu.memory_space<vmem>>, vector<16xf32>,
      %mul3A_491 = arith.mulf %get3A_475, %get3A_481 : vector<16xf32>
      %mul3A_492 = arith.mulf %get3A_478, %get3A_484 : vector<16xf32>
      %add3A_493 = arith.addf %mul3A_491, %mul3A_492 : vector<16xf32>
      %mul3A_494 = arith.mulf %get3A_487, %add3A_493 : vector<16xf32>
      %add3A_495 = arith.addf %add3A_460, %mul3A_494 : vector<16xf32>
      %mul3A_496 = arith.mulf %get3A_475, %get3A_484 : vector<16xf32>
      %mul3A_497 = arith.mulf %get3A_478, %get3A_481 : vector<16xf32>
      %sub3A_498 = arith.subf %mul3A_496, %mul3A_497 : vector<16xf32>
      %mul3A_499 = arith.mulf %get3A_490, %sub3A_498 : vector<16xf32>
      %add3A_500 = arith.addf %add3A_495, %mul3A_499 : vector<16xf32>
      %mul3A_501 = arith.mulf %get3A_475, %get3A_475 : vector<16xf32>
      %mul3A_502 = arith.mulf %get3A_478, %get3A_478 : vector<16xf32>
      %add3A_503 = arith.addf %mul3A_501, %mul3A_502 : vector<16xf32>
      %add3A_504 = arith.addf %add3A_464, %add3A_503 : vector<16xf32>
      %mul3A_505 = arith.mulf %get3A_481, %get3A_481 : vector<16xf32>
      %mul3A_506 = arith.mulf %get3A_484, %get3A_484 : vector<16xf32>
      %add3A_507 = arith.addf %mul3A_505, %mul3A_506 : vector<16xf32>
      %add3A_508 = arith.addf %add3A_468, %add3A_507 : vector<16xf32>
      %mul3A_509 = arith.mulf %get3A_487, %get3A_487 : vector<16xf32>
      %mul3A_510 = arith.mulf %get3A_490, %get3A_490 : vector<16xf32>
      %add3A_511 = arith.addf %mul3A_509, %mul3A_510 : vector<16xf32>
      %add3A_512 = arith.addf %add3A_472, %add3A_511 : vector<16xf32>
      %get3A_513 = arith.index_cast %scan3A_429 : i32 to index
      %get3A_514 = arith.constant 32 : index
      %get3A_515 = tpu.vector_load %arg22[%get3A_513, %get3A_514] {strides = array<i32>} : memref<64x64xf32, #tpu.memory_space<vmem>>, vector<16xf32>,
      %get3A_516 = arith.index_cast %scan3A_429 : i32 to index
      %get3A_517 = arith.constant 32 : index
      %get3A_518 = tpu.vector_load %arg23[%get3A_516, %get3A_517] {strides = array<i32>} : memref<64x64xf32, #tpu.memory_space<vmem>>, vector<16xf32>,
      %get3A_519 = arith.index_cast %scan3A_429 : i32 to index
      %get3A_520 = arith.constant 32 : index
      %get3A_521 = tpu.vector_load %arg24[%get3A_519, %get3A_520] {strides = array<i32>} : memref<64x64xf32, #tpu.memory_space<vmem>>, vector<16xf32>,
      %get3A_522 = arith.index_cast %scan3A_429 : i32 to index
      %get3A_523 = arith.constant 32 : index
      %get3A_524 = tpu.vector_load %arg25[%get3A_522, %get3A_523] {strides = array<i32>} : memref<64x64xf32, #tpu.memory_space<vmem>>, vector<16xf32>,
      %get3A_525 = arith.index_cast %scan3A_429 : i32 to index
      %get3A_526 = arith.constant 32 : index
      %get3A_527 = tpu.vector_load %arg26[%get3A_525, %get3A_526] {strides = array<i32>} : memref<64x64xf32, #tpu.memory_space<vmem>>, vector<16xf32>,
      %get3A_528 = arith.index_cast %scan3A_429 : i32 to index
      %get3A_529 = arith.constant 32 : index
      %get3A_530 = tpu.vector_load %arg27[%get3A_528, %get3A_529] {strides = array<i32>} : memref<64x64xf32, #tpu.memory_space<vmem>>, vector<16xf32>,
      %mul3A_531 = arith.mulf %get3A_515, %get3A_521 : vector<16xf32>
      %mul3A_532 = arith.mulf %get3A_518, %get3A_524 : vector<16xf32>
      %add3A_533 = arith.addf %mul3A_531, %mul3A_532 : vector<16xf32>
      %mul3A_534 = arith.mulf %get3A_527, %add3A_533 : vector<16xf32>
      %add3A_535 = arith.addf %add3A_500, %mul3A_534 : vector<16xf32>
      %mul3A_536 = arith.mulf %get3A_515, %get3A_524 : vector<16xf32>
      %mul3A_537 = arith.mulf %get3A_518, %get3A_521 : vector<16xf32>
      %sub3A_538 = arith.subf %mul3A_536, %mul3A_537 : vector<16xf32>
      %mul3A_539 = arith.mulf %get3A_530, %sub3A_538 : vector<16xf32>
      %add3A_540 = arith.addf %add3A_535, %mul3A_539 : vector<16xf32>
      %mul3A_541 = arith.mulf %get3A_515, %get3A_515 : vector<16xf32>
      %mul3A_542 = arith.mulf %get3A_518, %get3A_518 : vector<16xf32>
      %add3A_543 = arith.addf %mul3A_541, %mul3A_542 : vector<16xf32>
      %add3A_544 = arith.addf %add3A_504, %add3A_543 : vector<16xf32>
      %mul3A_545 = arith.mulf %get3A_521, %get3A_521 : vector<16xf32>
      %mul3A_546 = arith.mulf %get3A_524, %get3A_524 : vector<16xf32>
      %add3A_547 = arith.addf %mul3A_545, %mul3A_546 : vector<16xf32>
      %add3A_548 = arith.addf %add3A_508, %add3A_547 : vector<16xf32>
      %mul3A_549 = arith.mulf %get3A_527, %get3A_527 : vector<16xf32>
      %mul3A_550 = arith.mulf %get3A_530, %get3A_530 : vector<16xf32>
      %add3A_551 = arith.addf %mul3A_549, %mul3A_550 : vector<16xf32>
      %add3A_552 = arith.addf %add3A_512, %add3A_551 : vector<16xf32>
      %get3A_553 = arith.index_cast %scan3A_429 : i32 to index
      %get3A_554 = arith.constant 48 : index
      %get3A_555 = tpu.vector_load %arg22[%get3A_553, %get3A_554] {strides = array<i32>} : memref<64x64xf32, #tpu.memory_space<vmem>>, vector<16xf32>,
      %get3A_556 = arith.index_cast %scan3A_429 : i32 to index
      %get3A_557 = arith.constant 48 : index
      %get3A_558 = tpu.vector_load %arg23[%get3A_556, %get3A_557] {strides = array<i32>} : memref<64x64xf32, #tpu.memory_space<vmem>>, vector<16xf32>,
      %get3A_559 = arith.index_cast %scan3A_429 : i32 to index
      %get3A_560 = arith.constant 48 : index
      %get3A_561 = tpu.vector_load %arg24[%get3A_559, %get3A_560] {strides = array<i32>} : memref<64x64xf32, #tpu.memory_space<vmem>>, vector<16xf32>,
      %get3A_562 = arith.index_cast %scan3A_429 : i32 to index
      %get3A_563 = arith.constant 48 : index
      %get3A_564 = tpu.vector_load %arg25[%get3A_562, %get3A_563] {strides = array<i32>} : memref<64x64xf32, #tpu.memory_space<vmem>>, vector<16xf32>,
      %get3A_565 = arith.index_cast %scan3A_429 : i32 to index
      %get3A_566 = arith.constant 48 : index
      %get3A_567 = tpu.vector_load %arg26[%get3A_565, %get3A_566] {strides = array<i32>} : memref<64x64xf32, #tpu.memory_space<vmem>>, vector<16xf32>,
      %get3A_568 = arith.index_cast %scan3A_429 : i32 to index
      %get3A_569 = arith.constant 48 : index
      %get3A_570 = tpu.vector_load %arg27[%get3A_568, %get3A_569] {strides = array<i32>} : memref<64x64xf32, #tpu.memory_space<vmem>>, vector<16xf32>,
      %mul3A_571 = arith.mulf %get3A_555, %get3A_561 : vector<16xf32>
      %mul3A_572 = arith.mulf %get3A_558, %get3A_564 : vector<16xf32>
      %add3A_573 = arith.addf %mul3A_571, %mul3A_572 : vector<16xf32>
      %mul3A_574 = arith.mulf %get3A_567, %add3A_573 : vector<16xf32>
      %add3A_575 = arith.addf %add3A_540, %mul3A_574 : vector<16xf32>
      %mul3A_576 = arith.mulf %get3A_555, %get3A_564 : vector<16xf32>
      %mul3A_577 = arith.mulf %get3A_558, %get3A_561 : vector<16xf32>
      %sub3A_578 = arith.subf %mul3A_576, %mul3A_577 : vector<16xf32>
      %mul3A_579 = arith.mulf %get3A_570, %sub3A_578 : vector<16xf32>
      %add3A_580 = arith.addf %add3A_575, %mul3A_579 : vector<16xf32>
      %mul3A_581 = arith.mulf %get3A_555, %get3A_555 : vector<16xf32>
      %mul3A_582 = arith.mulf %get3A_558, %get3A_558 : vector<16xf32>
      %add3A_583 = arith.addf %mul3A_581, %mul3A_582 : vector<16xf32>
      %add3A_584 = arith.addf %add3A_544, %add3A_583 : vector<16xf32>
      %mul3A_585 = arith.mulf %get3A_561, %get3A_561 : vector<16xf32>
      %mul3A_586 = arith.mulf %get3A_564, %get3A_564 : vector<16xf32>
      %add3A_587 = arith.addf %mul3A_585, %mul3A_586 : vector<16xf32>
      %add3A_588 = arith.addf %add3A_548, %add3A_587 : vector<16xf32>
      %mul3A_589 = arith.mulf %get3A_567, %get3A_567 : vector<16xf32>
      %mul3A_590 = arith.mulf %get3A_570, %get3A_570 : vector<16xf32>
      %add3A_591 = arith.addf %mul3A_589, %mul3A_590 : vector<16xf32>
      %add3A_592 = arith.addf %add3A_552, %add3A_591 : vector<16xf32>
      %mul3A_593 = arith.constant 16 : i32
      %mul3A_594 = arith.muli %scan3A_429, %mul3A_593 : i32
      %swap3A_595 = arith.index_cast %mul3A_594 : i32 to index
      %swap3A_596 = tpu.vector_load %arg28[%swap3A_595] {strides = array<i32>} : memref<1024xf32, #tpu.memory_space<vmem>>, vector<16xf32>,
      tpu.vector_store %arg28[%swap3A_595], %add3A_580 {strides = array<i32>} : memref<1024xf32, #tpu.memory_space<vmem>>, vector<16xf32>,
      scf.yield %add3A_584, %add3A_588, %add3A_592 : vector<16xf32>, vector<16xf32>, vector<16xf32>
    }
    %scan3A_112 = arith.constant 64 : i32
    %mul3A_113 = arith.constant 16 : i32
    %mul3A_114 = arith.muli %add3A_106, %mul3A_113 : i32
    "tpu.region"() ({
      %run_scoped3A = tpu.sem_alloc : memref<!tpu.dma_semaphore, #tpu.memory_space<semaphore_mem>>
      %dma_start3A = tpu.memref_slice %arg9[%mul3A_114] : memref<262144xf32, #tpu.memory_space<hbm>> -> memref<1024xf32, #tpu.memory_space<hbm>>
      %dma_start3A_429 = tpu.memref_slice %arg9[%mul3A_114] : memref<262144xf32, #tpu.memory_space<hbm>> -> memref<1024xf32, #tpu.memory_space<hbm>>
      tpu.enqueue_dma source(%arg28 : memref<1024xf32, #tpu.memory_space<vmem>>) target(%dma_start3A_429 : memref<1024xf32, #tpu.memory_space<hbm>>) target_semaphore(%run_scoped3A : memref<!tpu.dma_semaphore, #tpu.memory_space<semaphore_mem>>)
      %dma_wait3A_430 = tpu.memref_slice %arg9[%mul3A_114] : memref<262144xf32, #tpu.memory_space<hbm>> -> memref<1024xf32, #tpu.memory_space<hbm>>
      %dma_wait3A_431 = tpu.memref_slice %arg9[%mul3A_114] : memref<262144xf32, #tpu.memory_space<hbm>> -> memref<1024xf32, #tpu.memory_space<hbm>>
      tpu.wait_dma2 semaphore(%run_scoped3A : memref<!tpu.dma_semaphore, #tpu.memory_space<semaphore_mem>>) src(%arg28 : memref<1024xf32, #tpu.memory_space<vmem>>) dst(%dma_wait3A_431 : memref<1024xf32, #tpu.memory_space<hbm>>)
      tpu.yield
    }) : () -> ()
    %scan3A_115 = arith.constant 0 : i32
    %scan3A_116 = arith.constant 0 : i32
    %scan3A_117 = arith.constant 64 : i32
    %scan3A_118 = arith.addi %scan3A_116, %scan3A_117 : i32
    %scan3A_119 = arith.constant 1 : i32
    %scan3A_120 = scf.for %scan3A_429 = %scan3A_116 to %scan3A_118 step %scan3A_119 iter_args(%scan3A_430 = %scan3A_115) -> (i32)  : i32 {
      %add3A_431 = arith.constant 192 : i32
      %add3A_432 = arith.addi %add3A_431, %scan3A_429 : i32
      %get3A = arith.index_cast %add3A_432 : i32 to index
      %get3A_433 = memref.load %arg11[%get3A] : memref<1536xi32, #tpu.memory_space<smem>>
      %add3A_434 = arith.constant 704 : i32
      %add3A_435 = arith.addi %add3A_434, %scan3A_429 : i32
      %get3A_436 = arith.index_cast %add3A_435 : i32 to index
      %get3A_437 = memref.load %arg11[%get3A_436] : memref<1536xi32, #tpu.memory_space<smem>>
      %add3A_438 = arith.constant 1216 : i32
      %add3A_439 = arith.addi %add3A_438, %scan3A_429 : i32
      %get3A_440 = arith.index_cast %add3A_439 : i32 to index
      %get3A_441 = memref.load %arg11[%get3A_440] : memref<1536xi32, #tpu.memory_space<smem>>
      %dma_start3A = arith.constant 0 : i32
      %dma_start3A_442 = tpu.memref_slice %arg22[%scan3A_429, %dma_start3A] : memref<64x64xf32, #tpu.memory_space<vmem>> -> memref<1x64xf32, #tpu.memory_space<vmem>>
      %dma_start3A_443 = tpu.memref_squeeze %dma_start3A_442 : memref<1x64xf32, #tpu.memory_space<vmem>> -> memref<64xf32, #tpu.memory_space<vmem>>
      %dma_start3A_444 = arith.constant 0 : i32
      %dma_start3A_445 = tpu.memref_slice %arg5[%get3A_433, %dma_start3A_444] : memref<100000x64xf32, #tpu.memory_space<hbm>> -> memref<1x64xf32, #tpu.memory_space<hbm>>
      %dma_start3A_446 = tpu.memref_squeeze %dma_start3A_445 : memref<1x64xf32, #tpu.memory_space<hbm>> -> memref<64xf32, #tpu.memory_space<hbm>>
      %dma_start3A_447 = arith.constant 0 : i32
      %dma_start3A_448 = tpu.memref_slice %arg22[%scan3A_429, %dma_start3A_447] : memref<64x64xf32, #tpu.memory_space<vmem>> -> memref<1x64xf32, #tpu.memory_space<vmem>>
      %dma_start3A_449 = tpu.memref_squeeze %dma_start3A_448 : memref<1x64xf32, #tpu.memory_space<vmem>> -> memref<64xf32, #tpu.memory_space<vmem>>
      %dma_start3A_450 = arith.constant 0 : i32
      %dma_start3A_451 = tpu.memref_slice %arg5[%get3A_433, %dma_start3A_450] : memref<100000x64xf32, #tpu.memory_space<hbm>> -> memref<1x64xf32, #tpu.memory_space<hbm>>
      %dma_start3A_452 = tpu.memref_squeeze %dma_start3A_451 : memref<1x64xf32, #tpu.memory_space<hbm>> -> memref<64xf32, #tpu.memory_space<hbm>>
      tpu.enqueue_dma source(%dma_start3A_452 : memref<64xf32, #tpu.memory_space<hbm>>) target(%dma_start3A_449 : memref<64xf32, #tpu.memory_space<vmem>>) target_semaphore(%arg31 : memref<!tpu.dma_semaphore, #tpu.memory_space<semaphore_mem>>)
      %dma_start3A_453 = arith.constant 0 : i32
      %dma_start3A_454 = tpu.memref_slice %arg23[%scan3A_429, %dma_start3A_453] : memref<64x64xf32, #tpu.memory_space<vmem>> -> memref<1x64xf32, #tpu.memory_space<vmem>>
      %dma_start3A_455 = tpu.memref_squeeze %dma_start3A_454 : memref<1x64xf32, #tpu.memory_space<vmem>> -> memref<64xf32, #tpu.memory_space<vmem>>
      %dma_start3A_456 = arith.constant 0 : i32
      %dma_start3A_457 = tpu.memref_slice %arg6[%get3A_433, %dma_start3A_456] : memref<100000x64xf32, #tpu.memory_space<hbm>> -> memref<1x64xf32, #tpu.memory_space<hbm>>
      %dma_start3A_458 = tpu.memref_squeeze %dma_start3A_457 : memref<1x64xf32, #tpu.memory_space<hbm>> -> memref<64xf32, #tpu.memory_space<hbm>>
      %dma_start3A_459 = arith.constant 0 : i32
      %dma_start3A_460 = tpu.memref_slice %arg23[%scan3A_429, %dma_start3A_459] : memref<64x64xf32, #tpu.memory_space<vmem>> -> memref<1x64xf32, #tpu.memory_space<vmem>>
      %dma_start3A_461 = tpu.memref_squeeze %dma_start3A_460 : memref<1x64xf32, #tpu.memory_space<vmem>> -> memref<64xf32, #tpu.memory_space<vmem>>
      %dma_start3A_462 = arith.constant 0 : i32
      %dma_start3A_463 = tpu.memref_slice %arg6[%get3A_433, %dma_start3A_462] : memref<100000x64xf32, #tpu.memory_space<hbm>> -> memref<1x64xf32, #tpu.memory_space<hbm>>
      %dma_start3A_464 = tpu.memref_squeeze %dma_start3A_463 : memref<1x64xf32, #tpu.memory_space<hbm>> -> memref<64xf32, #tpu.memory_space<hbm>>
      tpu.enqueue_dma source(%dma_start3A_464 : memref<64xf32, #tpu.memory_space<hbm>>) target(%dma_start3A_461 : memref<64xf32, #tpu.memory_space<vmem>>) target_semaphore(%arg31 : memref<!tpu.dma_semaphore, #tpu.memory_space<semaphore_mem>>)
      %dma_start3A_465 = arith.constant 0 : i32
      %dma_start3A_466 = tpu.memref_slice %arg24[%scan3A_429, %dma_start3A_465] : memref<64x64xf32, #tpu.memory_space<vmem>> -> memref<1x64xf32, #tpu.memory_space<vmem>>
      %dma_start3A_467 = tpu.memref_squeeze %dma_start3A_466 : memref<1x64xf32, #tpu.memory_space<vmem>> -> memref<64xf32, #tpu.memory_space<vmem>>
      %dma_start3A_468 = arith.constant 0 : i32
      %dma_start3A_469 = tpu.memref_slice %arg5[%get3A_441, %dma_start3A_468] : memref<100000x64xf32, #tpu.memory_space<hbm>> -> memref<1x64xf32, #tpu.memory_space<hbm>>
      %dma_start3A_470 = tpu.memref_squeeze %dma_start3A_469 : memref<1x64xf32, #tpu.memory_space<hbm>> -> memref<64xf32, #tpu.memory_space<hbm>>
      %dma_start3A_471 = arith.constant 0 : i32
      %dma_start3A_472 = tpu.memref_slice %arg24[%scan3A_429, %dma_start3A_471] : memref<64x64xf32, #tpu.memory_space<vmem>> -> memref<1x64xf32, #tpu.memory_space<vmem>>
      %dma_start3A_473 = tpu.memref_squeeze %dma_start3A_472 : memref<1x64xf32, #tpu.memory_space<vmem>> -> memref<64xf32, #tpu.memory_space<vmem>>
      %dma_start3A_474 = arith.constant 0 : i32
      %dma_start3A_475 = tpu.memref_slice %arg5[%get3A_441, %dma_start3A_474] : memref<100000x64xf32, #tpu.memory_space<hbm>> -> memref<1x64xf32, #tpu.memory_space<hbm>>
      %dma_start3A_476 = tpu.memref_squeeze %dma_start3A_475 : memref<1x64xf32, #tpu.memory_space<hbm>> -> memref<64xf32, #tpu.memory_space<hbm>>
      tpu.enqueue_dma source(%dma_start3A_476 : memref<64xf32, #tpu.memory_space<hbm>>) target(%dma_start3A_473 : memref<64xf32, #tpu.memory_space<vmem>>) target_semaphore(%arg31 : memref<!tpu.dma_semaphore, #tpu.memory_space<semaphore_mem>>)
      %dma_start3A_477 = arith.constant 0 : i32
      %dma_start3A_478 = tpu.memref_slice %arg25[%scan3A_429, %dma_start3A_477] : memref<64x64xf32, #tpu.memory_space<vmem>> -> memref<1x64xf32, #tpu.memory_space<vmem>>
      %dma_start3A_479 = tpu.memref_squeeze %dma_start3A_478 : memref<1x64xf32, #tpu.memory_space<vmem>> -> memref<64xf32, #tpu.memory_space<vmem>>
      %dma_start3A_480 = arith.constant 0 : i32
      %dma_start3A_481 = tpu.memref_slice %arg6[%get3A_441, %dma_start3A_480] : memref<100000x64xf32, #tpu.memory_space<hbm>> -> memref<1x64xf32, #tpu.memory_space<hbm>>
      %dma_start3A_482 = tpu.memref_squeeze %dma_start3A_481 : memref<1x64xf32, #tpu.memory_space<hbm>> -> memref<64xf32, #tpu.memory_space<hbm>>
      %dma_start3A_483 = arith.constant 0 : i32
      %dma_start3A_484 = tpu.memref_slice %arg25[%scan3A_429, %dma_start3A_483] : memref<64x64xf32, #tpu.memory_space<vmem>> -> memref<1x64xf32, #tpu.memory_space<vmem>>
      %dma_start3A_485 = tpu.memref_squeeze %dma_start3A_484 : memref<1x64xf32, #tpu.memory_space<vmem>> -> memref<64xf32, #tpu.memory_space<vmem>>
      %dma_start3A_486 = arith.constant 0 : i32
      %dma_start3A_487 = tpu.memref_slice %arg6[%get3A_441, %dma_start3A_486] : memref<100000x64xf32, #tpu.memory_space<hbm>> -> memref<1x64xf32, #tpu.memory_space<hbm>>
      %dma_start3A_488 = tpu.memref_squeeze %dma_start3A_487 : memref<1x64xf32, #tpu.memory_space<hbm>> -> memref<64xf32, #tpu.memory_space<hbm>>
      tpu.enqueue_dma source(%dma_start3A_488 : memref<64xf32, #tpu.memory_space<hbm>>) target(%dma_start3A_485 : memref<64xf32, #tpu.memory_space<vmem>>) target_semaphore(%arg31 : memref<!tpu.dma_semaphore, #tpu.memory_space<semaphore_mem>>)
      %dma_start3A_489 = arith.constant 0 : i32
      %dma_start3A_490 = tpu.memref_slice %arg26[%scan3A_429, %dma_start3A_489] : memref<64x64xf32, #tpu.memory_space<vmem>> -> memref<1x64xf32, #tpu.memory_space<vmem>>
      %dma_start3A_491 = tpu.memref_squeeze %dma_start3A_490 : memref<1x64xf32, #tpu.memory_space<vmem>> -> memref<64xf32, #tpu.memory_space<vmem>>
      %dma_start3A_492 = arith.constant 0 : i32
      %dma_start3A_493 = tpu.memref_slice %arg7[%get3A_437, %dma_start3A_492] : memref<100000x64xf32, #tpu.memory_space<hbm>> -> memref<1x64xf32, #tpu.memory_space<hbm>>
      %dma_start3A_494 = tpu.memref_squeeze %dma_start3A_493 : memref<1x64xf32, #tpu.memory_space<hbm>> -> memref<64xf32, #tpu.memory_space<hbm>>
      %dma_start3A_495 = arith.constant 0 : i32
      %dma_start3A_496 = tpu.memref_slice %arg26[%scan3A_429, %dma_start3A_495] : memref<64x64xf32, #tpu.memory_space<vmem>> -> memref<1x64xf32, #tpu.memory_space<vmem>>
      %dma_start3A_497 = tpu.memref_squeeze %dma_start3A_496 : memref<1x64xf32, #tpu.memory_space<vmem>> -> memref<64xf32, #tpu.memory_space<vmem>>
      %dma_start3A_498 = arith.constant 0 : i32
      %dma_start3A_499 = tpu.memref_slice %arg7[%get3A_437, %dma_start3A_498] : memref<100000x64xf32, #tpu.memory_space<hbm>> -> memref<1x64xf32, #tpu.memory_space<hbm>>
      %dma_start3A_500 = tpu.memref_squeeze %dma_start3A_499 : memref<1x64xf32, #tpu.memory_space<hbm>> -> memref<64xf32, #tpu.memory_space<hbm>>
      tpu.enqueue_dma source(%dma_start3A_500 : memref<64xf32, #tpu.memory_space<hbm>>) target(%dma_start3A_497 : memref<64xf32, #tpu.memory_space<vmem>>) target_semaphore(%arg31 : memref<!tpu.dma_semaphore, #tpu.memory_space<semaphore_mem>>)
      %dma_start3A_501 = arith.constant 0 : i32
      %dma_start3A_502 = tpu.memref_slice %arg27[%scan3A_429, %dma_start3A_501] : memref<64x64xf32, #tpu.memory_space<vmem>> -> memref<1x64xf32, #tpu.memory_space<vmem>>
      %dma_start3A_503 = tpu.memref_squeeze %dma_start3A_502 : memref<1x64xf32, #tpu.memory_space<vmem>> -> memref<64xf32, #tpu.memory_space<vmem>>
      %dma_start3A_504 = arith.constant 0 : i32
      %dma_start3A_505 = tpu.memref_slice %arg8[%get3A_437, %dma_start3A_504] : memref<100000x64xf32, #tpu.memory_space<hbm>> -> memref<1x64xf32, #tpu.memory_space<hbm>>
      %dma_start3A_506 = tpu.memref_squeeze %dma_start3A_505 : memref<1x64xf32, #tpu.memory_space<hbm>> -> memref<64xf32, #tpu.memory_space<hbm>>
      %dma_start3A_507 = arith.constant 0 : i32
      %dma_start3A_508 = tpu.memref_slice %arg27[%scan3A_429, %dma_start3A_507] : memref<64x64xf32, #tpu.memory_space<vmem>> -> memref<1x64xf32, #tpu.memory_space<vmem>>
      %dma_start3A_509 = tpu.memref_squeeze %dma_start3A_508 : memref<1x64xf32, #tpu.memory_space<vmem>> -> memref<64xf32, #tpu.memory_space<vmem>>
      %dma_start3A_510 = arith.constant 0 : i32
      %dma_start3A_511 = tpu.memref_slice %arg8[%get3A_437, %dma_start3A_510] : memref<100000x64xf32, #tpu.memory_space<hbm>> -> memref<1x64xf32, #tpu.memory_space<hbm>>
      %dma_start3A_512 = tpu.memref_squeeze %dma_start3A_511 : memref<1x64xf32, #tpu.memory_space<hbm>> -> memref<64xf32, #tpu.memory_space<hbm>>
      tpu.enqueue_dma source(%dma_start3A_512 : memref<64xf32, #tpu.memory_space<hbm>>) target(%dma_start3A_509 : memref<64xf32, #tpu.memory_space<vmem>>) target_semaphore(%arg31 : memref<!tpu.dma_semaphore, #tpu.memory_space<semaphore_mem>>)
      %scan3A_513 = arith.constant 0 : i32
      scf.yield %scan3A_513 : i32
    }
    %scan3A_121 = arith.constant 64 : i32
    %dma_wait3A_122 = arith.constant 0 : i32
    %dma_wait3A_123 = arith.constant 0 : i32
    %dma_wait3A_124 = tpu.memref_slice %arg5[%dma_wait3A_122, %dma_wait3A_123] : memref<100000x64xf32, #tpu.memory_space<hbm>> -> memref<64x64xf32, #tpu.memory_space<hbm>>
    %dma_wait3A_125 = arith.constant 0 : i32
    %dma_wait3A_126 = arith.constant 0 : i32
    %dma_wait3A_127 = tpu.memref_slice %arg5[%dma_wait3A_125, %dma_wait3A_126] : memref<100000x64xf32, #tpu.memory_space<hbm>> -> memref<64x64xf32, #tpu.memory_space<hbm>>
    tpu.wait_dma2 semaphore(%arg30 : memref<!tpu.dma_semaphore, #tpu.memory_space<semaphore_mem>>) src(%dma_wait3A_127 : memref<64x64xf32, #tpu.memory_space<hbm>>) dst(%arg16 : memref<64x64xf32, #tpu.memory_space<vmem>>)
    %dma_wait3A_128 = arith.constant 0 : i32
    %dma_wait3A_129 = arith.constant 0 : i32
    %dma_wait3A_130 = tpu.memref_slice %arg5[%dma_wait3A_128, %dma_wait3A_129] : memref<100000x64xf32, #tpu.memory_space<hbm>> -> memref<64x64xf32, #tpu.memory_space<hbm>>
    %dma_wait3A_131 = arith.constant 0 : i32
    %dma_wait3A_132 = arith.constant 0 : i32
    %dma_wait3A_133 = tpu.memref_slice %arg5[%dma_wait3A_131, %dma_wait3A_132] : memref<100000x64xf32, #tpu.memory_space<hbm>> -> memref<64x64xf32, #tpu.memory_space<hbm>>
    tpu.wait_dma2 semaphore(%arg30 : memref<!tpu.dma_semaphore, #tpu.memory_space<semaphore_mem>>) src(%dma_wait3A_133 : memref<64x64xf32, #tpu.memory_space<hbm>>) dst(%arg17 : memref<64x64xf32, #tpu.memory_space<vmem>>)
    %dma_wait3A_134 = arith.constant 0 : i32
    %dma_wait3A_135 = arith.constant 0 : i32
    %dma_wait3A_136 = tpu.memref_slice %arg5[%dma_wait3A_134, %dma_wait3A_135] : memref<100000x64xf32, #tpu.memory_space<hbm>> -> memref<64x64xf32, #tpu.memory_space<hbm>>
    %dma_wait3A_137 = arith.constant 0 : i32
    %dma_wait3A_138 = arith.constant 0 : i32
    %dma_wait3A_139 = tpu.memref_slice %arg5[%dma_wait3A_137, %dma_wait3A_138] : memref<100000x64xf32, #tpu.memory_space<hbm>> -> memref<64x64xf32, #tpu.memory_space<hbm>>
    tpu.wait_dma2 semaphore(%arg30 : memref<!tpu.dma_semaphore, #tpu.memory_space<semaphore_mem>>) src(%dma_wait3A_139 : memref<64x64xf32, #tpu.memory_space<hbm>>) dst(%arg18 : memref<64x64xf32, #tpu.memory_space<vmem>>)
    %dma_wait3A_140 = arith.constant 0 : i32
    %dma_wait3A_141 = arith.constant 0 : i32
    %dma_wait3A_142 = tpu.memref_slice %arg5[%dma_wait3A_140, %dma_wait3A_141] : memref<100000x64xf32, #tpu.memory_space<hbm>> -> memref<64x64xf32, #tpu.memory_space<hbm>>
    %dma_wait3A_143 = arith.constant 0 : i32
    %dma_wait3A_144 = arith.constant 0 : i32
    %dma_wait3A_145 = tpu.memref_slice %arg5[%dma_wait3A_143, %dma_wait3A_144] : memref<100000x64xf32, #tpu.memory_space<hbm>> -> memref<64x64xf32, #tpu.memory_space<hbm>>
    tpu.wait_dma2 semaphore(%arg30 : memref<!tpu.dma_semaphore, #tpu.memory_space<semaphore_mem>>) src(%dma_wait3A_145 : memref<64x64xf32, #tpu.memory_space<hbm>>) dst(%arg19 : memref<64x64xf32, #tpu.memory_space<vmem>>)
    %dma_wait3A_146 = arith.constant 0 : i32
    %dma_wait3A_147 = arith.constant 0 : i32
    %dma_wait3A_148 = tpu.memref_slice %arg5[%dma_wait3A_146, %dma_wait3A_147] : memref<100000x64xf32, #tpu.memory_space<hbm>> -> memref<64x64xf32, #tpu.memory_space<hbm>>
    %dma_wait3A_149 = arith.constant 0 : i32
    %dma_wait3A_150 = arith.constant 0 : i32
    %dma_wait3A_151 = tpu.memref_slice %arg5[%dma_wait3A_149, %dma_wait3A_150] : memref<100000x64xf32, #tpu.memory_space<hbm>> -> memref<64x64xf32, #tpu.memory_space<hbm>>
    tpu.wait_dma2 semaphore(%arg30 : memref<!tpu.dma_semaphore, #tpu.memory_space<semaphore_mem>>) src(%dma_wait3A_151 : memref<64x64xf32, #tpu.memory_space<hbm>>) dst(%arg20 : memref<64x64xf32, #tpu.memory_space<vmem>>)
    %dma_wait3A_152 = arith.constant 0 : i32
    %dma_wait3A_153 = arith.constant 0 : i32
    %dma_wait3A_154 = tpu.memref_slice %arg5[%dma_wait3A_152, %dma_wait3A_153] : memref<100000x64xf32, #tpu.memory_space<hbm>> -> memref<64x64xf32, #tpu.memory_space<hbm>>
    %dma_wait3A_155 = arith.constant 0 : i32
    %dma_wait3A_156 = arith.constant 0 : i32
    %dma_wait3A_157 = tpu.memref_slice %arg5[%dma_wait3A_155, %dma_wait3A_156] : memref<100000x64xf32, #tpu.memory_space<hbm>> -> memref<64x64xf32, #tpu.memory_space<hbm>>
    tpu.wait_dma2 semaphore(%arg30 : memref<!tpu.dma_semaphore, #tpu.memory_space<semaphore_mem>>) src(%dma_wait3A_157 : memref<64x64xf32, #tpu.memory_space<hbm>>) dst(%arg21 : memref<64x64xf32, #tpu.memory_space<vmem>>)
    %add3A_158 = arith.constant 128 : i32
    %add3A_159 = arith.addi %mul3A_2, %add3A_158 : i32
    %scan3A_160 = arith.constant 0 : i32
    %scan3A_161 = arith.constant 64 : i32
    %scan3A_162 = arith.addi %scan3A_160, %scan3A_161 : i32
    %scan3A_163 = arith.constant 1 : i32
    %scan3A_164:3 = scf.for %scan3A_429 = %scan3A_160 to %scan3A_162 step %scan3A_163 iter_args(%scan3A_430 = %scan3A_111#0, %scan3A_431 = %scan3A_111#1, %scan3A_432 = %scan3A_111#2) -> (vector<16xf32>, vector<16xf32>, vector<16xf32>)  : i32 {
      %broadcast_in_dim3A_433 = arith.constant 0.000000e+00 : f32
      %broadcast_in_dim3A_434 = vector.broadcast %broadcast_in_dim3A_433 : f32 to vector<16xf32>
      %get3A = arith.index_cast %scan3A_429 : i32 to index
      %get3A_435 = arith.constant 0 : index
      %get3A_436 = tpu.vector_load %arg16[%get3A, %get3A_435] {strides = array<i32>} : memref<64x64xf32, #tpu.memory_space<vmem>>, vector<16xf32>,
      %get3A_437 = arith.index_cast %scan3A_429 : i32 to index
      %get3A_438 = arith.constant 0 : index
      %get3A_439 = tpu.vector_load %arg17[%get3A_437, %get3A_438] {strides = array<i32>} : memref<64x64xf32, #tpu.memory_space<vmem>>, vector<16xf32>,
      %get3A_440 = arith.index_cast %scan3A_429 : i32 to index
      %get3A_441 = arith.constant 0 : index
      %get3A_442 = tpu.vector_load %arg18[%get3A_440, %get3A_441] {strides = array<i32>} : memref<64x64xf32, #tpu.memory_space<vmem>>, vector<16xf32>,
      %get3A_443 = arith.index_cast %scan3A_429 : i32 to index
      %get3A_444 = arith.constant 0 : index
      %get3A_445 = tpu.vector_load %arg19[%get3A_443, %get3A_444] {strides = array<i32>} : memref<64x64xf32, #tpu.memory_space<vmem>>, vector<16xf32>,
      %get3A_446 = arith.index_cast %scan3A_429 : i32 to index
      %get3A_447 = arith.constant 0 : index
      %get3A_448 = tpu.vector_load %arg20[%get3A_446, %get3A_447] {strides = array<i32>} : memref<64x64xf32, #tpu.memory_space<vmem>>, vector<16xf32>,
      %get3A_449 = arith.index_cast %scan3A_429 : i32 to index
      %get3A_450 = arith.constant 0 : index
      %get3A_451 = tpu.vector_load %arg21[%get3A_449, %get3A_450] {strides = array<i32>} : memref<64x64xf32, #tpu.memory_space<vmem>>, vector<16xf32>,
      %mul3A_452 = arith.mulf %get3A_436, %get3A_442 : vector<16xf32>
      %mul3A_453 = arith.mulf %get3A_439, %get3A_445 : vector<16xf32>
      %add3A_454 = arith.addf %mul3A_452, %mul3A_453 : vector<16xf32>
      %mul3A_455 = arith.mulf %get3A_448, %add3A_454 : vector<16xf32>
      %add3A_456 = arith.addf %broadcast_in_dim3A_434, %mul3A_455 : vector<16xf32>
      %mul3A_457 = arith.mulf %get3A_436, %get3A_445 : vector<16xf32>
      %mul3A_458 = arith.mulf %get3A_439, %get3A_442 : vector<16xf32>
      %sub3A = arith.subf %mul3A_457, %mul3A_458 : vector<16xf32>
      %mul3A_459 = arith.mulf %get3A_451, %sub3A : vector<16xf32>
      %add3A_460 = arith.addf %add3A_456, %mul3A_459 : vector<16xf32>
      %mul3A_461 = arith.mulf %get3A_436, %get3A_436 : vector<16xf32>
      %mul3A_462 = arith.mulf %get3A_439, %get3A_439 : vector<16xf32>
      %add3A_463 = arith.addf %mul3A_461, %mul3A_462 : vector<16xf32>
      %add3A_464 = arith.addf %scan3A_430, %add3A_463 : vector<16xf32>
      %mul3A_465 = arith.mulf %get3A_442, %get3A_442 : vector<16xf32>
      %mul3A_466 = arith.mulf %get3A_445, %get3A_445 : vector<16xf32>
      %add3A_467 = arith.addf %mul3A_465, %mul3A_466 : vector<16xf32>
      %add3A_468 = arith.addf %scan3A_431, %add3A_467 : vector<16xf32>
      %mul3A_469 = arith.mulf %get3A_448, %get3A_448 : vector<16xf32>
      %mul3A_470 = arith.mulf %get3A_451, %get3A_451 : vector<16xf32>
      %add3A_471 = arith.addf %mul3A_469, %mul3A_470 : vector<16xf32>
      %add3A_472 = arith.addf %scan3A_432, %add3A_471 : vector<16xf32>
      %get3A_473 = arith.index_cast %scan3A_429 : i32 to index
      %get3A_474 = arith.constant 16 : index
      %get3A_475 = tpu.vector_load %arg16[%get3A_473, %get3A_474] {strides = array<i32>} : memref<64x64xf32, #tpu.memory_space<vmem>>, vector<16xf32>,
      %get3A_476 = arith.index_cast %scan3A_429 : i32 to index
      %get3A_477 = arith.constant 16 : index
      %get3A_478 = tpu.vector_load %arg17[%get3A_476, %get3A_477] {strides = array<i32>} : memref<64x64xf32, #tpu.memory_space<vmem>>, vector<16xf32>,
      %get3A_479 = arith.index_cast %scan3A_429 : i32 to index
      %get3A_480 = arith.constant 16 : index
      %get3A_481 = tpu.vector_load %arg18[%get3A_479, %get3A_480] {strides = array<i32>} : memref<64x64xf32, #tpu.memory_space<vmem>>, vector<16xf32>,
      %get3A_482 = arith.index_cast %scan3A_429 : i32 to index
      %get3A_483 = arith.constant 16 : index
      %get3A_484 = tpu.vector_load %arg19[%get3A_482, %get3A_483] {strides = array<i32>} : memref<64x64xf32, #tpu.memory_space<vmem>>, vector<16xf32>,
      %get3A_485 = arith.index_cast %scan3A_429 : i32 to index
      %get3A_486 = arith.constant 16 : index
      %get3A_487 = tpu.vector_load %arg20[%get3A_485, %get3A_486] {strides = array<i32>} : memref<64x64xf32, #tpu.memory_space<vmem>>, vector<16xf32>,
      %get3A_488 = arith.index_cast %scan3A_429 : i32 to index
      %get3A_489 = arith.constant 16 : index
      %get3A_490 = tpu.vector_load %arg21[%get3A_488, %get3A_489] {strides = array<i32>} : memref<64x64xf32, #tpu.memory_space<vmem>>, vector<16xf32>,
      %mul3A_491 = arith.mulf %get3A_475, %get3A_481 : vector<16xf32>
      %mul3A_492 = arith.mulf %get3A_478, %get3A_484 : vector<16xf32>
      %add3A_493 = arith.addf %mul3A_491, %mul3A_492 : vector<16xf32>
      %mul3A_494 = arith.mulf %get3A_487, %add3A_493 : vector<16xf32>
      %add3A_495 = arith.addf %add3A_460, %mul3A_494 : vector<16xf32>
      %mul3A_496 = arith.mulf %get3A_475, %get3A_484 : vector<16xf32>
      %mul3A_497 = arith.mulf %get3A_478, %get3A_481 : vector<16xf32>
      %sub3A_498 = arith.subf %mul3A_496, %mul3A_497 : vector<16xf32>
      %mul3A_499 = arith.mulf %get3A_490, %sub3A_498 : vector<16xf32>
      %add3A_500 = arith.addf %add3A_495, %mul3A_499 : vector<16xf32>
      %mul3A_501 = arith.mulf %get3A_475, %get3A_475 : vector<16xf32>
      %mul3A_502 = arith.mulf %get3A_478, %get3A_478 : vector<16xf32>
      %add3A_503 = arith.addf %mul3A_501, %mul3A_502 : vector<16xf32>
      %add3A_504 = arith.addf %add3A_464, %add3A_503 : vector<16xf32>
      %mul3A_505 = arith.mulf %get3A_481, %get3A_481 : vector<16xf32>
      %mul3A_506 = arith.mulf %get3A_484, %get3A_484 : vector<16xf32>
      %add3A_507 = arith.addf %mul3A_505, %mul3A_506 : vector<16xf32>
      %add3A_508 = arith.addf %add3A_468, %add3A_507 : vector<16xf32>
      %mul3A_509 = arith.mulf %get3A_487, %get3A_487 : vector<16xf32>
      %mul3A_510 = arith.mulf %get3A_490, %get3A_490 : vector<16xf32>
      %add3A_511 = arith.addf %mul3A_509, %mul3A_510 : vector<16xf32>
      %add3A_512 = arith.addf %add3A_472, %add3A_511 : vector<16xf32>
      %get3A_513 = arith.index_cast %scan3A_429 : i32 to index
      %get3A_514 = arith.constant 32 : index
      %get3A_515 = tpu.vector_load %arg16[%get3A_513, %get3A_514] {strides = array<i32>} : memref<64x64xf32, #tpu.memory_space<vmem>>, vector<16xf32>,
      %get3A_516 = arith.index_cast %scan3A_429 : i32 to index
      %get3A_517 = arith.constant 32 : index
      %get3A_518 = tpu.vector_load %arg17[%get3A_516, %get3A_517] {strides = array<i32>} : memref<64x64xf32, #tpu.memory_space<vmem>>, vector<16xf32>,
      %get3A_519 = arith.index_cast %scan3A_429 : i32 to index
      %get3A_520 = arith.constant 32 : index
      %get3A_521 = tpu.vector_load %arg18[%get3A_519, %get3A_520] {strides = array<i32>} : memref<64x64xf32, #tpu.memory_space<vmem>>, vector<16xf32>,
      %get3A_522 = arith.index_cast %scan3A_429 : i32 to index
      %get3A_523 = arith.constant 32 : index
      %get3A_524 = tpu.vector_load %arg19[%get3A_522, %get3A_523] {strides = array<i32>} : memref<64x64xf32, #tpu.memory_space<vmem>>, vector<16xf32>,
      %get3A_525 = arith.index_cast %scan3A_429 : i32 to index
      %get3A_526 = arith.constant 32 : index
      %get3A_527 = tpu.vector_load %arg20[%get3A_525, %get3A_526] {strides = array<i32>} : memref<64x64xf32, #tpu.memory_space<vmem>>, vector<16xf32>,
      %get3A_528 = arith.index_cast %scan3A_429 : i32 to index
      %get3A_529 = arith.constant 32 : index
      %get3A_530 = tpu.vector_load %arg21[%get3A_528, %get3A_529] {strides = array<i32>} : memref<64x64xf32, #tpu.memory_space<vmem>>, vector<16xf32>,
      %mul3A_531 = arith.mulf %get3A_515, %get3A_521 : vector<16xf32>
      %mul3A_532 = arith.mulf %get3A_518, %get3A_524 : vector<16xf32>
      %add3A_533 = arith.addf %mul3A_531, %mul3A_532 : vector<16xf32>
      %mul3A_534 = arith.mulf %get3A_527, %add3A_533 : vector<16xf32>
      %add3A_535 = arith.addf %add3A_500, %mul3A_534 : vector<16xf32>
      %mul3A_536 = arith.mulf %get3A_515, %get3A_524 : vector<16xf32>
      %mul3A_537 = arith.mulf %get3A_518, %get3A_521 : vector<16xf32>
      %sub3A_538 = arith.subf %mul3A_536, %mul3A_537 : vector<16xf32>
      %mul3A_539 = arith.mulf %get3A_530, %sub3A_538 : vector<16xf32>
      %add3A_540 = arith.addf %add3A_535, %mul3A_539 : vector<16xf32>
      %mul3A_541 = arith.mulf %get3A_515, %get3A_515 : vector<16xf32>
      %mul3A_542 = arith.mulf %get3A_518, %get3A_518 : vector<16xf32>
      %add3A_543 = arith.addf %mul3A_541, %mul3A_542 : vector<16xf32>
      %add3A_544 = arith.addf %add3A_504, %add3A_543 : vector<16xf32>
      %mul3A_545 = arith.mulf %get3A_521, %get3A_521 : vector<16xf32>
      %mul3A_546 = arith.mulf %get3A_524, %get3A_524 : vector<16xf32>
      %add3A_547 = arith.addf %mul3A_545, %mul3A_546 : vector<16xf32>
      %add3A_548 = arith.addf %add3A_508, %add3A_547 : vector<16xf32>
      %mul3A_549 = arith.mulf %get3A_527, %get3A_527 : vector<16xf32>
      %mul3A_550 = arith.mulf %get3A_530, %get3A_530 : vector<16xf32>
      %add3A_551 = arith.addf %mul3A_549, %mul3A_550 : vector<16xf32>
      %add3A_552 = arith.addf %add3A_512, %add3A_551 : vector<16xf32>
      %get3A_553 = arith.index_cast %scan3A_429 : i32 to index
      %get3A_554 = arith.constant 48 : index
      %get3A_555 = tpu.vector_load %arg16[%get3A_553, %get3A_554] {strides = array<i32>} : memref<64x64xf32, #tpu.memory_space<vmem>>, vector<16xf32>,
      %get3A_556 = arith.index_cast %scan3A_429 : i32 to index
      %get3A_557 = arith.constant 48 : index
      %get3A_558 = tpu.vector_load %arg17[%get3A_556, %get3A_557] {strides = array<i32>} : memref<64x64xf32, #tpu.memory_space<vmem>>, vector<16xf32>,
      %get3A_559 = arith.index_cast %scan3A_429 : i32 to index
      %get3A_560 = arith.constant 48 : index
      %get3A_561 = tpu.vector_load %arg18[%get3A_559, %get3A_560] {strides = array<i32>} : memref<64x64xf32, #tpu.memory_space<vmem>>, vector<16xf32>,
      %get3A_562 = arith.index_cast %scan3A_429 : i32 to index
      %get3A_563 = arith.constant 48 : index
      %get3A_564 = tpu.vector_load %arg19[%get3A_562, %get3A_563] {strides = array<i32>} : memref<64x64xf32, #tpu.memory_space<vmem>>, vector<16xf32>,
      %get3A_565 = arith.index_cast %scan3A_429 : i32 to index
      %get3A_566 = arith.constant 48 : index
      %get3A_567 = tpu.vector_load %arg20[%get3A_565, %get3A_566] {strides = array<i32>} : memref<64x64xf32, #tpu.memory_space<vmem>>, vector<16xf32>,
      %get3A_568 = arith.index_cast %scan3A_429 : i32 to index
      %get3A_569 = arith.constant 48 : index
      %get3A_570 = tpu.vector_load %arg21[%get3A_568, %get3A_569] {strides = array<i32>} : memref<64x64xf32, #tpu.memory_space<vmem>>, vector<16xf32>,
      %mul3A_571 = arith.mulf %get3A_555, %get3A_561 : vector<16xf32>
      %mul3A_572 = arith.mulf %get3A_558, %get3A_564 : vector<16xf32>
      %add3A_573 = arith.addf %mul3A_571, %mul3A_572 : vector<16xf32>
      %mul3A_574 = arith.mulf %get3A_567, %add3A_573 : vector<16xf32>
      %add3A_575 = arith.addf %add3A_540, %mul3A_574 : vector<16xf32>
      %mul3A_576 = arith.mulf %get3A_555, %get3A_564 : vector<16xf32>
      %mul3A_577 = arith.mulf %get3A_558, %get3A_561 : vector<16xf32>
      %sub3A_578 = arith.subf %mul3A_576, %mul3A_577 : vector<16xf32>
      %mul3A_579 = arith.mulf %get3A_570, %sub3A_578 : vector<16xf32>
      %add3A_580 = arith.addf %add3A_575, %mul3A_579 : vector<16xf32>
      %mul3A_581 = arith.mulf %get3A_555, %get3A_555 : vector<16xf32>
      %mul3A_582 = arith.mulf %get3A_558, %get3A_558 : vector<16xf32>
      %add3A_583 = arith.addf %mul3A_581, %mul3A_582 : vector<16xf32>
      %add3A_584 = arith.addf %add3A_544, %add3A_583 : vector<16xf32>
      %mul3A_585 = arith.mulf %get3A_561, %get3A_561 : vector<16xf32>
      %mul3A_586 = arith.mulf %get3A_564, %get3A_564 : vector<16xf32>
      %add3A_587 = arith.addf %mul3A_585, %mul3A_586 : vector<16xf32>
      %add3A_588 = arith.addf %add3A_548, %add3A_587 : vector<16xf32>
      %mul3A_589 = arith.mulf %get3A_567, %get3A_567 : vector<16xf32>
      %mul3A_590 = arith.mulf %get3A_570, %get3A_570 : vector<16xf32>
      %add3A_591 = arith.addf %mul3A_589, %mul3A_590 : vector<16xf32>
      %add3A_592 = arith.addf %add3A_552, %add3A_591 : vector<16xf32>
      %mul3A_593 = arith.constant 16 : i32
      %mul3A_594 = arith.muli %scan3A_429, %mul3A_593 : i32
      %swap3A_595 = arith.index_cast %mul3A_594 : i32 to index
      %swap3A_596 = tpu.vector_load %arg28[%swap3A_595] {strides = array<i32>} : memref<1024xf32, #tpu.memory_space<vmem>>, vector<16xf32>,
      tpu.vector_store %arg28[%swap3A_595], %add3A_580 {strides = array<i32>} : memref<1024xf32, #tpu.memory_space<vmem>>, vector<16xf32>,
      scf.yield %add3A_584, %add3A_588, %add3A_592 : vector<16xf32>, vector<16xf32>, vector<16xf32>
    }
    %scan3A_165 = arith.constant 64 : i32
    %mul3A_166 = arith.constant 16 : i32
    %mul3A_167 = arith.muli %add3A_159, %mul3A_166 : i32
    "tpu.region"() ({
      %run_scoped3A = tpu.sem_alloc : memref<!tpu.dma_semaphore, #tpu.memory_space<semaphore_mem>>
      %dma_start3A = tpu.memref_slice %arg9[%mul3A_167] : memref<262144xf32, #tpu.memory_space<hbm>> -> memref<1024xf32, #tpu.memory_space<hbm>>
      %dma_start3A_429 = tpu.memref_slice %arg9[%mul3A_167] : memref<262144xf32, #tpu.memory_space<hbm>> -> memref<1024xf32, #tpu.memory_space<hbm>>
      tpu.enqueue_dma source(%arg28 : memref<1024xf32, #tpu.memory_space<vmem>>) target(%dma_start3A_429 : memref<1024xf32, #tpu.memory_space<hbm>>) target_semaphore(%run_scoped3A : memref<!tpu.dma_semaphore, #tpu.memory_space<semaphore_mem>>)
      %dma_wait3A_430 = tpu.memref_slice %arg9[%mul3A_167] : memref<262144xf32, #tpu.memory_space<hbm>> -> memref<1024xf32, #tpu.memory_space<hbm>>
      %dma_wait3A_431 = tpu.memref_slice %arg9[%mul3A_167] : memref<262144xf32, #tpu.memory_space<hbm>> -> memref<1024xf32, #tpu.memory_space<hbm>>
      tpu.wait_dma2 semaphore(%run_scoped3A : memref<!tpu.dma_semaphore, #tpu.memory_space<semaphore_mem>>) src(%arg28 : memref<1024xf32, #tpu.memory_space<vmem>>) dst(%dma_wait3A_431 : memref<1024xf32, #tpu.memory_space<hbm>>)
      tpu.yield
    }) : () -> ()
    %scan3A_168 = arith.constant 0 : i32
    %scan3A_169 = arith.constant 0 : i32
    %scan3A_170 = arith.constant 64 : i32
    %scan3A_171 = arith.addi %scan3A_169, %scan3A_170 : i32
    %scan3A_172 = arith.constant 1 : i32
    %scan3A_173 = scf.for %scan3A_429 = %scan3A_169 to %scan3A_171 step %scan3A_172 iter_args(%scan3A_430 = %scan3A_168) -> (i32)  : i32 {
      %add3A_431 = arith.constant 256 : i32
      %add3A_432 = arith.addi %add3A_431, %scan3A_429 : i32
      %get3A = arith.index_cast %add3A_432 : i32 to index
      %get3A_433 = memref.load %arg11[%get3A] : memref<1536xi32, #tpu.memory_space<smem>>
      %add3A_434 = arith.constant 768 : i32
      %add3A_435 = arith.addi %add3A_434, %scan3A_429 : i32
      %get3A_436 = arith.index_cast %add3A_435 : i32 to index
      %get3A_437 = memref.load %arg11[%get3A_436] : memref<1536xi32, #tpu.memory_space<smem>>
      %add3A_438 = arith.constant 1280 : i32
      %add3A_439 = arith.addi %add3A_438, %scan3A_429 : i32
      %get3A_440 = arith.index_cast %add3A_439 : i32 to index
      %get3A_441 = memref.load %arg11[%get3A_440] : memref<1536xi32, #tpu.memory_space<smem>>
      %dma_start3A = arith.constant 0 : i32
      %dma_start3A_442 = tpu.memref_slice %arg16[%scan3A_429, %dma_start3A] : memref<64x64xf32, #tpu.memory_space<vmem>> -> memref<1x64xf32, #tpu.memory_space<vmem>>
      %dma_start3A_443 = tpu.memref_squeeze %dma_start3A_442 : memref<1x64xf32, #tpu.memory_space<vmem>> -> memref<64xf32, #tpu.memory_space<vmem>>
      %dma_start3A_444 = arith.constant 0 : i32
      %dma_start3A_445 = tpu.memref_slice %arg5[%get3A_433, %dma_start3A_444] : memref<100000x64xf32, #tpu.memory_space<hbm>> -> memref<1x64xf32, #tpu.memory_space<hbm>>
      %dma_start3A_446 = tpu.memref_squeeze %dma_start3A_445 : memref<1x64xf32, #tpu.memory_space<hbm>> -> memref<64xf32, #tpu.memory_space<hbm>>
      %dma_start3A_447 = arith.constant 0 : i32
      %dma_start3A_448 = tpu.memref_slice %arg16[%scan3A_429, %dma_start3A_447] : memref<64x64xf32, #tpu.memory_space<vmem>> -> memref<1x64xf32, #tpu.memory_space<vmem>>
      %dma_start3A_449 = tpu.memref_squeeze %dma_start3A_448 : memref<1x64xf32, #tpu.memory_space<vmem>> -> memref<64xf32, #tpu.memory_space<vmem>>
      %dma_start3A_450 = arith.constant 0 : i32
      %dma_start3A_451 = tpu.memref_slice %arg5[%get3A_433, %dma_start3A_450] : memref<100000x64xf32, #tpu.memory_space<hbm>> -> memref<1x64xf32, #tpu.memory_space<hbm>>
      %dma_start3A_452 = tpu.memref_squeeze %dma_start3A_451 : memref<1x64xf32, #tpu.memory_space<hbm>> -> memref<64xf32, #tpu.memory_space<hbm>>
      tpu.enqueue_dma source(%dma_start3A_452 : memref<64xf32, #tpu.memory_space<hbm>>) target(%dma_start3A_449 : memref<64xf32, #tpu.memory_space<vmem>>) target_semaphore(%arg30 : memref<!tpu.dma_semaphore, #tpu.memory_space<semaphore_mem>>)
      %dma_start3A_453 = arith.constant 0 : i32
      %dma_start3A_454 = tpu.memref_slice %arg17[%scan3A_429, %dma_start3A_453] : memref<64x64xf32, #tpu.memory_space<vmem>> -> memref<1x64xf32, #tpu.memory_space<vmem>>
      %dma_start3A_455 = tpu.memref_squeeze %dma_start3A_454 : memref<1x64xf32, #tpu.memory_space<vmem>> -> memref<64xf32, #tpu.memory_space<vmem>>
      %dma_start3A_456 = arith.constant 0 : i32
      %dma_start3A_457 = tpu.memref_slice %arg6[%get3A_433, %dma_start3A_456] : memref<100000x64xf32, #tpu.memory_space<hbm>> -> memref<1x64xf32, #tpu.memory_space<hbm>>
      %dma_start3A_458 = tpu.memref_squeeze %dma_start3A_457 : memref<1x64xf32, #tpu.memory_space<hbm>> -> memref<64xf32, #tpu.memory_space<hbm>>
      %dma_start3A_459 = arith.constant 0 : i32
      %dma_start3A_460 = tpu.memref_slice %arg17[%scan3A_429, %dma_start3A_459] : memref<64x64xf32, #tpu.memory_space<vmem>> -> memref<1x64xf32, #tpu.memory_space<vmem>>
      %dma_start3A_461 = tpu.memref_squeeze %dma_start3A_460 : memref<1x64xf32, #tpu.memory_space<vmem>> -> memref<64xf32, #tpu.memory_space<vmem>>
      %dma_start3A_462 = arith.constant 0 : i32
      %dma_start3A_463 = tpu.memref_slice %arg6[%get3A_433, %dma_start3A_462] : memref<100000x64xf32, #tpu.memory_space<hbm>> -> memref<1x64xf32, #tpu.memory_space<hbm>>
      %dma_start3A_464 = tpu.memref_squeeze %dma_start3A_463 : memref<1x64xf32, #tpu.memory_space<hbm>> -> memref<64xf32, #tpu.memory_space<hbm>>
      tpu.enqueue_dma source(%dma_start3A_464 : memref<64xf32, #tpu.memory_space<hbm>>) target(%dma_start3A_461 : memref<64xf32, #tpu.memory_space<vmem>>) target_semaphore(%arg30 : memref<!tpu.dma_semaphore, #tpu.memory_space<semaphore_mem>>)
      %dma_start3A_465 = arith.constant 0 : i32
      %dma_start3A_466 = tpu.memref_slice %arg18[%scan3A_429, %dma_start3A_465] : memref<64x64xf32, #tpu.memory_space<vmem>> -> memref<1x64xf32, #tpu.memory_space<vmem>>
      %dma_start3A_467 = tpu.memref_squeeze %dma_start3A_466 : memref<1x64xf32, #tpu.memory_space<vmem>> -> memref<64xf32, #tpu.memory_space<vmem>>
      %dma_start3A_468 = arith.constant 0 : i32
      %dma_start3A_469 = tpu.memref_slice %arg5[%get3A_441, %dma_start3A_468] : memref<100000x64xf32, #tpu.memory_space<hbm>> -> memref<1x64xf32, #tpu.memory_space<hbm>>
      %dma_start3A_470 = tpu.memref_squeeze %dma_start3A_469 : memref<1x64xf32, #tpu.memory_space<hbm>> -> memref<64xf32, #tpu.memory_space<hbm>>
      %dma_start3A_471 = arith.constant 0 : i32
      %dma_start3A_472 = tpu.memref_slice %arg18[%scan3A_429, %dma_start3A_471] : memref<64x64xf32, #tpu.memory_space<vmem>> -> memref<1x64xf32, #tpu.memory_space<vmem>>
      %dma_start3A_473 = tpu.memref_squeeze %dma_start3A_472 : memref<1x64xf32, #tpu.memory_space<vmem>> -> memref<64xf32, #tpu.memory_space<vmem>>
      %dma_start3A_474 = arith.constant 0 : i32
      %dma_start3A_475 = tpu.memref_slice %arg5[%get3A_441, %dma_start3A_474] : memref<100000x64xf32, #tpu.memory_space<hbm>> -> memref<1x64xf32, #tpu.memory_space<hbm>>
      %dma_start3A_476 = tpu.memref_squeeze %dma_start3A_475 : memref<1x64xf32, #tpu.memory_space<hbm>> -> memref<64xf32, #tpu.memory_space<hbm>>
      tpu.enqueue_dma source(%dma_start3A_476 : memref<64xf32, #tpu.memory_space<hbm>>) target(%dma_start3A_473 : memref<64xf32, #tpu.memory_space<vmem>>) target_semaphore(%arg30 : memref<!tpu.dma_semaphore, #tpu.memory_space<semaphore_mem>>)
      %dma_start3A_477 = arith.constant 0 : i32
      %dma_start3A_478 = tpu.memref_slice %arg19[%scan3A_429, %dma_start3A_477] : memref<64x64xf32, #tpu.memory_space<vmem>> -> memref<1x64xf32, #tpu.memory_space<vmem>>
      %dma_start3A_479 = tpu.memref_squeeze %dma_start3A_478 : memref<1x64xf32, #tpu.memory_space<vmem>> -> memref<64xf32, #tpu.memory_space<vmem>>
      %dma_start3A_480 = arith.constant 0 : i32
      %dma_start3A_481 = tpu.memref_slice %arg6[%get3A_441, %dma_start3A_480] : memref<100000x64xf32, #tpu.memory_space<hbm>> -> memref<1x64xf32, #tpu.memory_space<hbm>>
      %dma_start3A_482 = tpu.memref_squeeze %dma_start3A_481 : memref<1x64xf32, #tpu.memory_space<hbm>> -> memref<64xf32, #tpu.memory_space<hbm>>
      %dma_start3A_483 = arith.constant 0 : i32
      %dma_start3A_484 = tpu.memref_slice %arg19[%scan3A_429, %dma_start3A_483] : memref<64x64xf32, #tpu.memory_space<vmem>> -> memref<1x64xf32, #tpu.memory_space<vmem>>
      %dma_start3A_485 = tpu.memref_squeeze %dma_start3A_484 : memref<1x64xf32, #tpu.memory_space<vmem>> -> memref<64xf32, #tpu.memory_space<vmem>>
      %dma_start3A_486 = arith.constant 0 : i32
      %dma_start3A_487 = tpu.memref_slice %arg6[%get3A_441, %dma_start3A_486] : memref<100000x64xf32, #tpu.memory_space<hbm>> -> memref<1x64xf32, #tpu.memory_space<hbm>>
      %dma_start3A_488 = tpu.memref_squeeze %dma_start3A_487 : memref<1x64xf32, #tpu.memory_space<hbm>> -> memref<64xf32, #tpu.memory_space<hbm>>
      tpu.enqueue_dma source(%dma_start3A_488 : memref<64xf32, #tpu.memory_space<hbm>>) target(%dma_start3A_485 : memref<64xf32, #tpu.memory_space<vmem>>) target_semaphore(%arg30 : memref<!tpu.dma_semaphore, #tpu.memory_space<semaphore_mem>>)
      %dma_start3A_489 = arith.constant 0 : i32
      %dma_start3A_490 = tpu.memref_slice %arg20[%scan3A_429, %dma_start3A_489] : memref<64x64xf32, #tpu.memory_space<vmem>> -> memref<1x64xf32, #tpu.memory_space<vmem>>
      %dma_start3A_491 = tpu.memref_squeeze %dma_start3A_490 : memref<1x64xf32, #tpu.memory_space<vmem>> -> memref<64xf32, #tpu.memory_space<vmem>>
      %dma_start3A_492 = arith.constant 0 : i32
      %dma_start3A_493 = tpu.memref_slice %arg7[%get3A_437, %dma_start3A_492] : memref<100000x64xf32, #tpu.memory_space<hbm>> -> memref<1x64xf32, #tpu.memory_space<hbm>>
      %dma_start3A_494 = tpu.memref_squeeze %dma_start3A_493 : memref<1x64xf32, #tpu.memory_space<hbm>> -> memref<64xf32, #tpu.memory_space<hbm>>
      %dma_start3A_495 = arith.constant 0 : i32
      %dma_start3A_496 = tpu.memref_slice %arg20[%scan3A_429, %dma_start3A_495] : memref<64x64xf32, #tpu.memory_space<vmem>> -> memref<1x64xf32, #tpu.memory_space<vmem>>
      %dma_start3A_497 = tpu.memref_squeeze %dma_start3A_496 : memref<1x64xf32, #tpu.memory_space<vmem>> -> memref<64xf32, #tpu.memory_space<vmem>>
      %dma_start3A_498 = arith.constant 0 : i32
      %dma_start3A_499 = tpu.memref_slice %arg7[%get3A_437, %dma_start3A_498] : memref<100000x64xf32, #tpu.memory_space<hbm>> -> memref<1x64xf32, #tpu.memory_space<hbm>>
      %dma_start3A_500 = tpu.memref_squeeze %dma_start3A_499 : memref<1x64xf32, #tpu.memory_space<hbm>> -> memref<64xf32, #tpu.memory_space<hbm>>
      tpu.enqueue_dma source(%dma_start3A_500 : memref<64xf32, #tpu.memory_space<hbm>>) target(%dma_start3A_497 : memref<64xf32, #tpu.memory_space<vmem>>) target_semaphore(%arg30 : memref<!tpu.dma_semaphore, #tpu.memory_space<semaphore_mem>>)
      %dma_start3A_501 = arith.constant 0 : i32
      %dma_start3A_502 = tpu.memref_slice %arg21[%scan3A_429, %dma_start3A_501] : memref<64x64xf32, #tpu.memory_space<vmem>> -> memref<1x64xf32, #tpu.memory_space<vmem>>
      %dma_start3A_503 = tpu.memref_squeeze %dma_start3A_502 : memref<1x64xf32, #tpu.memory_space<vmem>> -> memref<64xf32, #tpu.memory_space<vmem>>
      %dma_start3A_504 = arith.constant 0 : i32
      %dma_start3A_505 = tpu.memref_slice %arg8[%get3A_437, %dma_start3A_504] : memref<100000x64xf32, #tpu.memory_space<hbm>> -> memref<1x64xf32, #tpu.memory_space<hbm>>
      %dma_start3A_506 = tpu.memref_squeeze %dma_start3A_505 : memref<1x64xf32, #tpu.memory_space<hbm>> -> memref<64xf32, #tpu.memory_space<hbm>>
      %dma_start3A_507 = arith.constant 0 : i32
      %dma_start3A_508 = tpu.memref_slice %arg21[%scan3A_429, %dma_start3A_507] : memref<64x64xf32, #tpu.memory_space<vmem>> -> memref<1x64xf32, #tpu.memory_space<vmem>>
      %dma_start3A_509 = tpu.memref_squeeze %dma_start3A_508 : memref<1x64xf32, #tpu.memory_space<vmem>> -> memref<64xf32, #tpu.memory_space<vmem>>
      %dma_start3A_510 = arith.constant 0 : i32
      %dma_start3A_511 = tpu.memref_slice %arg8[%get3A_437, %dma_start3A_510] : memref<100000x64xf32, #tpu.memory_space<hbm>> -> memref<1x64xf32, #tpu.memory_space<hbm>>
      %dma_start3A_512 = tpu.memref_squeeze %dma_start3A_511 : memref<1x64xf32, #tpu.memory_space<hbm>> -> memref<64xf32, #tpu.memory_space<hbm>>
      tpu.enqueue_dma source(%dma_start3A_512 : memref<64xf32, #tpu.memory_space<hbm>>) target(%dma_start3A_509 : memref<64xf32, #tpu.memory_space<vmem>>) target_semaphore(%arg30 : memref<!tpu.dma_semaphore, #tpu.memory_space<semaphore_mem>>)
      %scan3A_513 = arith.constant 0 : i32
      scf.yield %scan3A_513 : i32
    }
    %scan3A_174 = arith.constant 64 : i32
    %dma_wait3A_175 = arith.constant 0 : i32
    %dma_wait3A_176 = arith.constant 0 : i32
    %dma_wait3A_177 = tpu.memref_slice %arg5[%dma_wait3A_175, %dma_wait3A_176] : memref<100000x64xf32, #tpu.memory_space<hbm>> -> memref<64x64xf32, #tpu.memory_space<hbm>>
    %dma_wait3A_178 = arith.constant 0 : i32
    %dma_wait3A_179 = arith.constant 0 : i32
    %dma_wait3A_180 = tpu.memref_slice %arg5[%dma_wait3A_178, %dma_wait3A_179] : memref<100000x64xf32, #tpu.memory_space<hbm>> -> memref<64x64xf32, #tpu.memory_space<hbm>>
    tpu.wait_dma2 semaphore(%arg31 : memref<!tpu.dma_semaphore, #tpu.memory_space<semaphore_mem>>) src(%dma_wait3A_180 : memref<64x64xf32, #tpu.memory_space<hbm>>) dst(%arg22 : memref<64x64xf32, #tpu.memory_space<vmem>>)
    %dma_wait3A_181 = arith.constant 0 : i32
    %dma_wait3A_182 = arith.constant 0 : i32
    %dma_wait3A_183 = tpu.memref_slice %arg5[%dma_wait3A_181, %dma_wait3A_182] : memref<100000x64xf32, #tpu.memory_space<hbm>> -> memref<64x64xf32, #tpu.memory_space<hbm>>
    %dma_wait3A_184 = arith.constant 0 : i32
    %dma_wait3A_185 = arith.constant 0 : i32
    %dma_wait3A_186 = tpu.memref_slice %arg5[%dma_wait3A_184, %dma_wait3A_185] : memref<100000x64xf32, #tpu.memory_space<hbm>> -> memref<64x64xf32, #tpu.memory_space<hbm>>
    tpu.wait_dma2 semaphore(%arg31 : memref<!tpu.dma_semaphore, #tpu.memory_space<semaphore_mem>>) src(%dma_wait3A_186 : memref<64x64xf32, #tpu.memory_space<hbm>>) dst(%arg23 : memref<64x64xf32, #tpu.memory_space<vmem>>)
    %dma_wait3A_187 = arith.constant 0 : i32
    %dma_wait3A_188 = arith.constant 0 : i32
    %dma_wait3A_189 = tpu.memref_slice %arg5[%dma_wait3A_187, %dma_wait3A_188] : memref<100000x64xf32, #tpu.memory_space<hbm>> -> memref<64x64xf32, #tpu.memory_space<hbm>>
    %dma_wait3A_190 = arith.constant 0 : i32
    %dma_wait3A_191 = arith.constant 0 : i32
    %dma_wait3A_192 = tpu.memref_slice %arg5[%dma_wait3A_190, %dma_wait3A_191] : memref<100000x64xf32, #tpu.memory_space<hbm>> -> memref<64x64xf32, #tpu.memory_space<hbm>>
    tpu.wait_dma2 semaphore(%arg31 : memref<!tpu.dma_semaphore, #tpu.memory_space<semaphore_mem>>) src(%dma_wait3A_192 : memref<64x64xf32, #tpu.memory_space<hbm>>) dst(%arg24 : memref<64x64xf32, #tpu.memory_space<vmem>>)
    %dma_wait3A_193 = arith.constant 0 : i32
    %dma_wait3A_194 = arith.constant 0 : i32
    %dma_wait3A_195 = tpu.memref_slice %arg5[%dma_wait3A_193, %dma_wait3A_194] : memref<100000x64xf32, #tpu.memory_space<hbm>> -> memref<64x64xf32, #tpu.memory_space<hbm>>
    %dma_wait3A_196 = arith.constant 0 : i32
    %dma_wait3A_197 = arith.constant 0 : i32
    %dma_wait3A_198 = tpu.memref_slice %arg5[%dma_wait3A_196, %dma_wait3A_197] : memref<100000x64xf32, #tpu.memory_space<hbm>> -> memref<64x64xf32, #tpu.memory_space<hbm>>
    tpu.wait_dma2 semaphore(%arg31 : memref<!tpu.dma_semaphore, #tpu.memory_space<semaphore_mem>>) src(%dma_wait3A_198 : memref<64x64xf32, #tpu.memory_space<hbm>>) dst(%arg25 : memref<64x64xf32, #tpu.memory_space<vmem>>)
    %dma_wait3A_199 = arith.constant 0 : i32
    %dma_wait3A_200 = arith.constant 0 : i32
    %dma_wait3A_201 = tpu.memref_slice %arg5[%dma_wait3A_199, %dma_wait3A_200] : memref<100000x64xf32, #tpu.memory_space<hbm>> -> memref<64x64xf32, #tpu.memory_space<hbm>>
    %dma_wait3A_202 = arith.constant 0 : i32
    %dma_wait3A_203 = arith.constant 0 : i32
    %dma_wait3A_204 = tpu.memref_slice %arg5[%dma_wait3A_202, %dma_wait3A_203] : memref<100000x64xf32, #tpu.memory_space<hbm>> -> memref<64x64xf32, #tpu.memory_space<hbm>>
    tpu.wait_dma2 semaphore(%arg31 : memref<!tpu.dma_semaphore, #tpu.memory_space<semaphore_mem>>) src(%dma_wait3A_204 : memref<64x64xf32, #tpu.memory_space<hbm>>) dst(%arg26 : memref<64x64xf32, #tpu.memory_space<vmem>>)
    %dma_wait3A_205 = arith.constant 0 : i32
    %dma_wait3A_206 = arith.constant 0 : i32
    %dma_wait3A_207 = tpu.memref_slice %arg5[%dma_wait3A_205, %dma_wait3A_206] : memref<100000x64xf32, #tpu.memory_space<hbm>> -> memref<64x64xf32, #tpu.memory_space<hbm>>
    %dma_wait3A_208 = arith.constant 0 : i32
    %dma_wait3A_209 = arith.constant 0 : i32
    %dma_wait3A_210 = tpu.memref_slice %arg5[%dma_wait3A_208, %dma_wait3A_209] : memref<100000x64xf32, #tpu.memory_space<hbm>> -> memref<64x64xf32, #tpu.memory_space<hbm>>
    tpu.wait_dma2 semaphore(%arg31 : memref<!tpu.dma_semaphore, #tpu.memory_space<semaphore_mem>>) src(%dma_wait3A_210 : memref<64x64xf32, #tpu.memory_space<hbm>>) dst(%arg27 : memref<64x64xf32, #tpu.memory_space<vmem>>)
    %add3A_211 = arith.constant 192 : i32
    %add3A_212 = arith.addi %mul3A_2, %add3A_211 : i32
    %scan3A_213 = arith.constant 0 : i32
    %scan3A_214 = arith.constant 64 : i32
    %scan3A_215 = arith.addi %scan3A_213, %scan3A_214 : i32
    %scan3A_216 = arith.constant 1 : i32
    %scan3A_217:3 = scf.for %scan3A_429 = %scan3A_213 to %scan3A_215 step %scan3A_216 iter_args(%scan3A_430 = %scan3A_164#0, %scan3A_431 = %scan3A_164#1, %scan3A_432 = %scan3A_164#2) -> (vector<16xf32>, vector<16xf32>, vector<16xf32>)  : i32 {
      %broadcast_in_dim3A_433 = arith.constant 0.000000e+00 : f32
      %broadcast_in_dim3A_434 = vector.broadcast %broadcast_in_dim3A_433 : f32 to vector<16xf32>
      %get3A = arith.index_cast %scan3A_429 : i32 to index
      %get3A_435 = arith.constant 0 : index
      %get3A_436 = tpu.vector_load %arg22[%get3A, %get3A_435] {strides = array<i32>} : memref<64x64xf32, #tpu.memory_space<vmem>>, vector<16xf32>,
      %get3A_437 = arith.index_cast %scan3A_429 : i32 to index
      %get3A_438 = arith.constant 0 : index
      %get3A_439 = tpu.vector_load %arg23[%get3A_437, %get3A_438] {strides = array<i32>} : memref<64x64xf32, #tpu.memory_space<vmem>>, vector<16xf32>,
      %get3A_440 = arith.index_cast %scan3A_429 : i32 to index
      %get3A_441 = arith.constant 0 : index
      %get3A_442 = tpu.vector_load %arg24[%get3A_440, %get3A_441] {strides = array<i32>} : memref<64x64xf32, #tpu.memory_space<vmem>>, vector<16xf32>,
      %get3A_443 = arith.index_cast %scan3A_429 : i32 to index
      %get3A_444 = arith.constant 0 : index
      %get3A_445 = tpu.vector_load %arg25[%get3A_443, %get3A_444] {strides = array<i32>} : memref<64x64xf32, #tpu.memory_space<vmem>>, vector<16xf32>,
      %get3A_446 = arith.index_cast %scan3A_429 : i32 to index
      %get3A_447 = arith.constant 0 : index
      %get3A_448 = tpu.vector_load %arg26[%get3A_446, %get3A_447] {strides = array<i32>} : memref<64x64xf32, #tpu.memory_space<vmem>>, vector<16xf32>,
      %get3A_449 = arith.index_cast %scan3A_429 : i32 to index
      %get3A_450 = arith.constant 0 : index
      %get3A_451 = tpu.vector_load %arg27[%get3A_449, %get3A_450] {strides = array<i32>} : memref<64x64xf32, #tpu.memory_space<vmem>>, vector<16xf32>,
      %mul3A_452 = arith.mulf %get3A_436, %get3A_442 : vector<16xf32>
      %mul3A_453 = arith.mulf %get3A_439, %get3A_445 : vector<16xf32>
      %add3A_454 = arith.addf %mul3A_452, %mul3A_453 : vector<16xf32>
      %mul3A_455 = arith.mulf %get3A_448, %add3A_454 : vector<16xf32>
      %add3A_456 = arith.addf %broadcast_in_dim3A_434, %mul3A_455 : vector<16xf32>
      %mul3A_457 = arith.mulf %get3A_436, %get3A_445 : vector<16xf32>
      %mul3A_458 = arith.mulf %get3A_439, %get3A_442 : vector<16xf32>
      %sub3A = arith.subf %mul3A_457, %mul3A_458 : vector<16xf32>
      %mul3A_459 = arith.mulf %get3A_451, %sub3A : vector<16xf32>
      %add3A_460 = arith.addf %add3A_456, %mul3A_459 : vector<16xf32>
      %mul3A_461 = arith.mulf %get3A_436, %get3A_436 : vector<16xf32>
      %mul3A_462 = arith.mulf %get3A_439, %get3A_439 : vector<16xf32>
      %add3A_463 = arith.addf %mul3A_461, %mul3A_462 : vector<16xf32>
      %add3A_464 = arith.addf %scan3A_430, %add3A_463 : vector<16xf32>
      %mul3A_465 = arith.mulf %get3A_442, %get3A_442 : vector<16xf32>
      %mul3A_466 = arith.mulf %get3A_445, %get3A_445 : vector<16xf32>
      %add3A_467 = arith.addf %mul3A_465, %mul3A_466 : vector<16xf32>
      %add3A_468 = arith.addf %scan3A_431, %add3A_467 : vector<16xf32>
      %mul3A_469 = arith.mulf %get3A_448, %get3A_448 : vector<16xf32>
      %mul3A_470 = arith.mulf %get3A_451, %get3A_451 : vector<16xf32>
      %add3A_471 = arith.addf %mul3A_469, %mul3A_470 : vector<16xf32>
      %add3A_472 = arith.addf %scan3A_432, %add3A_471 : vector<16xf32>
      %get3A_473 = arith.index_cast %scan3A_429 : i32 to index
      %get3A_474 = arith.constant 16 : index
      %get3A_475 = tpu.vector_load %arg22[%get3A_473, %get3A_474] {strides = array<i32>} : memref<64x64xf32, #tpu.memory_space<vmem>>, vector<16xf32>,
      %get3A_476 = arith.index_cast %scan3A_429 : i32 to index
      %get3A_477 = arith.constant 16 : index
      %get3A_478 = tpu.vector_load %arg23[%get3A_476, %get3A_477] {strides = array<i32>} : memref<64x64xf32, #tpu.memory_space<vmem>>, vector<16xf32>,
      %get3A_479 = arith.index_cast %scan3A_429 : i32 to index
      %get3A_480 = arith.constant 16 : index
      %get3A_481 = tpu.vector_load %arg24[%get3A_479, %get3A_480] {strides = array<i32>} : memref<64x64xf32, #tpu.memory_space<vmem>>, vector<16xf32>,
      %get3A_482 = arith.index_cast %scan3A_429 : i32 to index
      %get3A_483 = arith.constant 16 : index
      %get3A_484 = tpu.vector_load %arg25[%get3A_482, %get3A_483] {strides = array<i32>} : memref<64x64xf32, #tpu.memory_space<vmem>>, vector<16xf32>,
      %get3A_485 = arith.index_cast %scan3A_429 : i32 to index
      %get3A_486 = arith.constant 16 : index
      %get3A_487 = tpu.vector_load %arg26[%get3A_485, %get3A_486] {strides = array<i32>} : memref<64x64xf32, #tpu.memory_space<vmem>>, vector<16xf32>,
      %get3A_488 = arith.index_cast %scan3A_429 : i32 to index
      %get3A_489 = arith.constant 16 : index
      %get3A_490 = tpu.vector_load %arg27[%get3A_488, %get3A_489] {strides = array<i32>} : memref<64x64xf32, #tpu.memory_space<vmem>>, vector<16xf32>,
      %mul3A_491 = arith.mulf %get3A_475, %get3A_481 : vector<16xf32>
      %mul3A_492 = arith.mulf %get3A_478, %get3A_484 : vector<16xf32>
      %add3A_493 = arith.addf %mul3A_491, %mul3A_492 : vector<16xf32>
      %mul3A_494 = arith.mulf %get3A_487, %add3A_493 : vector<16xf32>
      %add3A_495 = arith.addf %add3A_460, %mul3A_494 : vector<16xf32>
      %mul3A_496 = arith.mulf %get3A_475, %get3A_484 : vector<16xf32>
      %mul3A_497 = arith.mulf %get3A_478, %get3A_481 : vector<16xf32>
      %sub3A_498 = arith.subf %mul3A_496, %mul3A_497 : vector<16xf32>
      %mul3A_499 = arith.mulf %get3A_490, %sub3A_498 : vector<16xf32>
      %add3A_500 = arith.addf %add3A_495, %mul3A_499 : vector<16xf32>
      %mul3A_501 = arith.mulf %get3A_475, %get3A_475 : vector<16xf32>
      %mul3A_502 = arith.mulf %get3A_478, %get3A_478 : vector<16xf32>
      %add3A_503 = arith.addf %mul3A_501, %mul3A_502 : vector<16xf32>
      %add3A_504 = arith.addf %add3A_464, %add3A_503 : vector<16xf32>
      %mul3A_505 = arith.mulf %get3A_481, %get3A_481 : vector<16xf32>
      %mul3A_506 = arith.mulf %get3A_484, %get3A_484 : vector<16xf32>
      %add3A_507 = arith.addf %mul3A_505, %mul3A_506 : vector<16xf32>
      %add3A_508 = arith.addf %add3A_468, %add3A_507 : vector<16xf32>
      %mul3A_509 = arith.mulf %get3A_487, %get3A_487 : vector<16xf32>
      %mul3A_510 = arith.mulf %get3A_490, %get3A_490 : vector<16xf32>
      %add3A_511 = arith.addf %mul3A_509, %mul3A_510 : vector<16xf32>
      %add3A_512 = arith.addf %add3A_472, %add3A_511 : vector<16xf32>
      %get3A_513 = arith.index_cast %scan3A_429 : i32 to index
      %get3A_514 = arith.constant 32 : index
      %get3A_515 = tpu.vector_load %arg22[%get3A_513, %get3A_514] {strides = array<i32>} : memref<64x64xf32, #tpu.memory_space<vmem>>, vector<16xf32>,
      %get3A_516 = arith.index_cast %scan3A_429 : i32 to index
      %get3A_517 = arith.constant 32 : index
      %get3A_518 = tpu.vector_load %arg23[%get3A_516, %get3A_517] {strides = array<i32>} : memref<64x64xf32, #tpu.memory_space<vmem>>, vector<16xf32>,
      %get3A_519 = arith.index_cast %scan3A_429 : i32 to index
      %get3A_520 = arith.constant 32 : index
      %get3A_521 = tpu.vector_load %arg24[%get3A_519, %get3A_520] {strides = array<i32>} : memref<64x64xf32, #tpu.memory_space<vmem>>, vector<16xf32>,
      %get3A_522 = arith.index_cast %scan3A_429 : i32 to index
      %get3A_523 = arith.constant 32 : index
      %get3A_524 = tpu.vector_load %arg25[%get3A_522, %get3A_523] {strides = array<i32>} : memref<64x64xf32, #tpu.memory_space<vmem>>, vector<16xf32>,
      %get3A_525 = arith.index_cast %scan3A_429 : i32 to index
      %get3A_526 = arith.constant 32 : index
      %get3A_527 = tpu.vector_load %arg26[%get3A_525, %get3A_526] {strides = array<i32>} : memref<64x64xf32, #tpu.memory_space<vmem>>, vector<16xf32>,
      %get3A_528 = arith.index_cast %scan3A_429 : i32 to index
      %get3A_529 = arith.constant 32 : index
      %get3A_530 = tpu.vector_load %arg27[%get3A_528, %get3A_529] {strides = array<i32>} : memref<64x64xf32, #tpu.memory_space<vmem>>, vector<16xf32>,
      %mul3A_531 = arith.mulf %get3A_515, %get3A_521 : vector<16xf32>
      %mul3A_532 = arith.mulf %get3A_518, %get3A_524 : vector<16xf32>
      %add3A_533 = arith.addf %mul3A_531, %mul3A_532 : vector<16xf32>
      %mul3A_534 = arith.mulf %get3A_527, %add3A_533 : vector<16xf32>
      %add3A_535 = arith.addf %add3A_500, %mul3A_534 : vector<16xf32>
      %mul3A_536 = arith.mulf %get3A_515, %get3A_524 : vector<16xf32>
      %mul3A_537 = arith.mulf %get3A_518, %get3A_521 : vector<16xf32>
      %sub3A_538 = arith.subf %mul3A_536, %mul3A_537 : vector<16xf32>
      %mul3A_539 = arith.mulf %get3A_530, %sub3A_538 : vector<16xf32>
      %add3A_540 = arith.addf %add3A_535, %mul3A_539 : vector<16xf32>
      %mul3A_541 = arith.mulf %get3A_515, %get3A_515 : vector<16xf32>
      %mul3A_542 = arith.mulf %get3A_518, %get3A_518 : vector<16xf32>
      %add3A_543 = arith.addf %mul3A_541, %mul3A_542 : vector<16xf32>
      %add3A_544 = arith.addf %add3A_504, %add3A_543 : vector<16xf32>
      %mul3A_545 = arith.mulf %get3A_521, %get3A_521 : vector<16xf32>
      %mul3A_546 = arith.mulf %get3A_524, %get3A_524 : vector<16xf32>
      %add3A_547 = arith.addf %mul3A_545, %mul3A_546 : vector<16xf32>
      %add3A_548 = arith.addf %add3A_508, %add3A_547 : vector<16xf32>
      %mul3A_549 = arith.mulf %get3A_527, %get3A_527 : vector<16xf32>
      %mul3A_550 = arith.mulf %get3A_530, %get3A_530 : vector<16xf32>
      %add3A_551 = arith.addf %mul3A_549, %mul3A_550 : vector<16xf32>
      %add3A_552 = arith.addf %add3A_512, %add3A_551 : vector<16xf32>
      %get3A_553 = arith.index_cast %scan3A_429 : i32 to index
      %get3A_554 = arith.constant 48 : index
      %get3A_555 = tpu.vector_load %arg22[%get3A_553, %get3A_554] {strides = array<i32>} : memref<64x64xf32, #tpu.memory_space<vmem>>, vector<16xf32>,
      %get3A_556 = arith.index_cast %scan3A_429 : i32 to index
      %get3A_557 = arith.constant 48 : index
      %get3A_558 = tpu.vector_load %arg23[%get3A_556, %get3A_557] {strides = array<i32>} : memref<64x64xf32, #tpu.memory_space<vmem>>, vector<16xf32>,
      %get3A_559 = arith.index_cast %scan3A_429 : i32 to index
      %get3A_560 = arith.constant 48 : index
      %get3A_561 = tpu.vector_load %arg24[%get3A_559, %get3A_560] {strides = array<i32>} : memref<64x64xf32, #tpu.memory_space<vmem>>, vector<16xf32>,
      %get3A_562 = arith.index_cast %scan3A_429 : i32 to index
      %get3A_563 = arith.constant 48 : index
      %get3A_564 = tpu.vector_load %arg25[%get3A_562, %get3A_563] {strides = array<i32>} : memref<64x64xf32, #tpu.memory_space<vmem>>, vector<16xf32>,
      %get3A_565 = arith.index_cast %scan3A_429 : i32 to index
      %get3A_566 = arith.constant 48 : index
      %get3A_567 = tpu.vector_load %arg26[%get3A_565, %get3A_566] {strides = array<i32>} : memref<64x64xf32, #tpu.memory_space<vmem>>, vector<16xf32>,
      %get3A_568 = arith.index_cast %scan3A_429 : i32 to index
      %get3A_569 = arith.constant 48 : index
      %get3A_570 = tpu.vector_load %arg27[%get3A_568, %get3A_569] {strides = array<i32>} : memref<64x64xf32, #tpu.memory_space<vmem>>, vector<16xf32>,
      %mul3A_571 = arith.mulf %get3A_555, %get3A_561 : vector<16xf32>
      %mul3A_572 = arith.mulf %get3A_558, %get3A_564 : vector<16xf32>
      %add3A_573 = arith.addf %mul3A_571, %mul3A_572 : vector<16xf32>
      %mul3A_574 = arith.mulf %get3A_567, %add3A_573 : vector<16xf32>
      %add3A_575 = arith.addf %add3A_540, %mul3A_574 : vector<16xf32>
      %mul3A_576 = arith.mulf %get3A_555, %get3A_564 : vector<16xf32>
      %mul3A_577 = arith.mulf %get3A_558, %get3A_561 : vector<16xf32>
      %sub3A_578 = arith.subf %mul3A_576, %mul3A_577 : vector<16xf32>
      %mul3A_579 = arith.mulf %get3A_570, %sub3A_578 : vector<16xf32>
      %add3A_580 = arith.addf %add3A_575, %mul3A_579 : vector<16xf32>
      %mul3A_581 = arith.mulf %get3A_555, %get3A_555 : vector<16xf32>
      %mul3A_582 = arith.mulf %get3A_558, %get3A_558 : vector<16xf32>
      %add3A_583 = arith.addf %mul3A_581, %mul3A_582 : vector<16xf32>
      %add3A_584 = arith.addf %add3A_544, %add3A_583 : vector<16xf32>
      %mul3A_585 = arith.mulf %get3A_561, %get3A_561 : vector<16xf32>
      %mul3A_586 = arith.mulf %get3A_564, %get3A_564 : vector<16xf32>
      %add3A_587 = arith.addf %mul3A_585, %mul3A_586 : vector<16xf32>
      %add3A_588 = arith.addf %add3A_548, %add3A_587 : vector<16xf32>
      %mul3A_589 = arith.mulf %get3A_567, %get3A_567 : vector<16xf32>
      %mul3A_590 = arith.mulf %get3A_570, %get3A_570 : vector<16xf32>
      %add3A_591 = arith.addf %mul3A_589, %mul3A_590 : vector<16xf32>
      %add3A_592 = arith.addf %add3A_552, %add3A_591 : vector<16xf32>
      %mul3A_593 = arith.constant 16 : i32
      %mul3A_594 = arith.muli %scan3A_429, %mul3A_593 : i32
      %swap3A_595 = arith.index_cast %mul3A_594 : i32 to index
      %swap3A_596 = tpu.vector_load %arg28[%swap3A_595] {strides = array<i32>} : memref<1024xf32, #tpu.memory_space<vmem>>, vector<16xf32>,
      tpu.vector_store %arg28[%swap3A_595], %add3A_580 {strides = array<i32>} : memref<1024xf32, #tpu.memory_space<vmem>>, vector<16xf32>,
      scf.yield %add3A_584, %add3A_588, %add3A_592 : vector<16xf32>, vector<16xf32>, vector<16xf32>
    }
    %scan3A_218 = arith.constant 64 : i32
    %mul3A_219 = arith.constant 16 : i32
    %mul3A_220 = arith.muli %add3A_212, %mul3A_219 : i32
    "tpu.region"() ({
      %run_scoped3A = tpu.sem_alloc : memref<!tpu.dma_semaphore, #tpu.memory_space<semaphore_mem>>
      %dma_start3A = tpu.memref_slice %arg9[%mul3A_220] : memref<262144xf32, #tpu.memory_space<hbm>> -> memref<1024xf32, #tpu.memory_space<hbm>>
      %dma_start3A_429 = tpu.memref_slice %arg9[%mul3A_220] : memref<262144xf32, #tpu.memory_space<hbm>> -> memref<1024xf32, #tpu.memory_space<hbm>>
      tpu.enqueue_dma source(%arg28 : memref<1024xf32, #tpu.memory_space<vmem>>) target(%dma_start3A_429 : memref<1024xf32, #tpu.memory_space<hbm>>) target_semaphore(%run_scoped3A : memref<!tpu.dma_semaphore, #tpu.memory_space<semaphore_mem>>)
      %dma_wait3A_430 = tpu.memref_slice %arg9[%mul3A_220] : memref<262144xf32, #tpu.memory_space<hbm>> -> memref<1024xf32, #tpu.memory_space<hbm>>
      %dma_wait3A_431 = tpu.memref_slice %arg9[%mul3A_220] : memref<262144xf32, #tpu.memory_space<hbm>> -> memref<1024xf32, #tpu.memory_space<hbm>>
      tpu.wait_dma2 semaphore(%run_scoped3A : memref<!tpu.dma_semaphore, #tpu.memory_space<semaphore_mem>>) src(%arg28 : memref<1024xf32, #tpu.memory_space<vmem>>) dst(%dma_wait3A_431 : memref<1024xf32, #tpu.memory_space<hbm>>)
      tpu.yield
    }) : () -> ()
    %scan3A_221 = arith.constant 0 : i32
    %scan3A_222 = arith.constant 0 : i32
    %scan3A_223 = arith.constant 64 : i32
    %scan3A_224 = arith.addi %scan3A_222, %scan3A_223 : i32
    %scan3A_225 = arith.constant 1 : i32
    %scan3A_226 = scf.for %scan3A_429 = %scan3A_222 to %scan3A_224 step %scan3A_225 iter_args(%scan3A_430 = %scan3A_221) -> (i32)  : i32 {
      %add3A_431 = arith.constant 320 : i32
      %add3A_432 = arith.addi %add3A_431, %scan3A_429 : i32
      %get3A = arith.index_cast %add3A_432 : i32 to index
      %get3A_433 = memref.load %arg11[%get3A] : memref<1536xi32, #tpu.memory_space<smem>>
      %add3A_434 = arith.constant 832 : i32
      %add3A_435 = arith.addi %add3A_434, %scan3A_429 : i32
      %get3A_436 = arith.index_cast %add3A_435 : i32 to index
      %get3A_437 = memref.load %arg11[%get3A_436] : memref<1536xi32, #tpu.memory_space<smem>>
      %add3A_438 = arith.constant 1344 : i32
      %add3A_439 = arith.addi %add3A_438, %scan3A_429 : i32
      %get3A_440 = arith.index_cast %add3A_439 : i32 to index
      %get3A_441 = memref.load %arg11[%get3A_440] : memref<1536xi32, #tpu.memory_space<smem>>
      %dma_start3A = arith.constant 0 : i32
      %dma_start3A_442 = tpu.memref_slice %arg22[%scan3A_429, %dma_start3A] : memref<64x64xf32, #tpu.memory_space<vmem>> -> memref<1x64xf32, #tpu.memory_space<vmem>>
      %dma_start3A_443 = tpu.memref_squeeze %dma_start3A_442 : memref<1x64xf32, #tpu.memory_space<vmem>> -> memref<64xf32, #tpu.memory_space<vmem>>
      %dma_start3A_444 = arith.constant 0 : i32
      %dma_start3A_445 = tpu.memref_slice %arg5[%get3A_433, %dma_start3A_444] : memref<100000x64xf32, #tpu.memory_space<hbm>> -> memref<1x64xf32, #tpu.memory_space<hbm>>
      %dma_start3A_446 = tpu.memref_squeeze %dma_start3A_445 : memref<1x64xf32, #tpu.memory_space<hbm>> -> memref<64xf32, #tpu.memory_space<hbm>>
      %dma_start3A_447 = arith.constant 0 : i32
      %dma_start3A_448 = tpu.memref_slice %arg22[%scan3A_429, %dma_start3A_447] : memref<64x64xf32, #tpu.memory_space<vmem>> -> memref<1x64xf32, #tpu.memory_space<vmem>>
      %dma_start3A_449 = tpu.memref_squeeze %dma_start3A_448 : memref<1x64xf32, #tpu.memory_space<vmem>> -> memref<64xf32, #tpu.memory_space<vmem>>
      %dma_start3A_450 = arith.constant 0 : i32
      %dma_start3A_451 = tpu.memref_slice %arg5[%get3A_433, %dma_start3A_450] : memref<100000x64xf32, #tpu.memory_space<hbm>> -> memref<1x64xf32, #tpu.memory_space<hbm>>
      %dma_start3A_452 = tpu.memref_squeeze %dma_start3A_451 : memref<1x64xf32, #tpu.memory_space<hbm>> -> memref<64xf32, #tpu.memory_space<hbm>>
      tpu.enqueue_dma source(%dma_start3A_452 : memref<64xf32, #tpu.memory_space<hbm>>) target(%dma_start3A_449 : memref<64xf32, #tpu.memory_space<vmem>>) target_semaphore(%arg31 : memref<!tpu.dma_semaphore, #tpu.memory_space<semaphore_mem>>)
      %dma_start3A_453 = arith.constant 0 : i32
      %dma_start3A_454 = tpu.memref_slice %arg23[%scan3A_429, %dma_start3A_453] : memref<64x64xf32, #tpu.memory_space<vmem>> -> memref<1x64xf32, #tpu.memory_space<vmem>>
      %dma_start3A_455 = tpu.memref_squeeze %dma_start3A_454 : memref<1x64xf32, #tpu.memory_space<vmem>> -> memref<64xf32, #tpu.memory_space<vmem>>
      %dma_start3A_456 = arith.constant 0 : i32
      %dma_start3A_457 = tpu.memref_slice %arg6[%get3A_433, %dma_start3A_456] : memref<100000x64xf32, #tpu.memory_space<hbm>> -> memref<1x64xf32, #tpu.memory_space<hbm>>
      %dma_start3A_458 = tpu.memref_squeeze %dma_start3A_457 : memref<1x64xf32, #tpu.memory_space<hbm>> -> memref<64xf32, #tpu.memory_space<hbm>>
      %dma_start3A_459 = arith.constant 0 : i32
      %dma_start3A_460 = tpu.memref_slice %arg23[%scan3A_429, %dma_start3A_459] : memref<64x64xf32, #tpu.memory_space<vmem>> -> memref<1x64xf32, #tpu.memory_space<vmem>>
      %dma_start3A_461 = tpu.memref_squeeze %dma_start3A_460 : memref<1x64xf32, #tpu.memory_space<vmem>> -> memref<64xf32, #tpu.memory_space<vmem>>
      %dma_start3A_462 = arith.constant 0 : i32
      %dma_start3A_463 = tpu.memref_slice %arg6[%get3A_433, %dma_start3A_462] : memref<100000x64xf32, #tpu.memory_space<hbm>> -> memref<1x64xf32, #tpu.memory_space<hbm>>
      %dma_start3A_464 = tpu.memref_squeeze %dma_start3A_463 : memref<1x64xf32, #tpu.memory_space<hbm>> -> memref<64xf32, #tpu.memory_space<hbm>>
      tpu.enqueue_dma source(%dma_start3A_464 : memref<64xf32, #tpu.memory_space<hbm>>) target(%dma_start3A_461 : memref<64xf32, #tpu.memory_space<vmem>>) target_semaphore(%arg31 : memref<!tpu.dma_semaphore, #tpu.memory_space<semaphore_mem>>)
      %dma_start3A_465 = arith.constant 0 : i32
      %dma_start3A_466 = tpu.memref_slice %arg24[%scan3A_429, %dma_start3A_465] : memref<64x64xf32, #tpu.memory_space<vmem>> -> memref<1x64xf32, #tpu.memory_space<vmem>>
      %dma_start3A_467 = tpu.memref_squeeze %dma_start3A_466 : memref<1x64xf32, #tpu.memory_space<vmem>> -> memref<64xf32, #tpu.memory_space<vmem>>
      %dma_start3A_468 = arith.constant 0 : i32
      %dma_start3A_469 = tpu.memref_slice %arg5[%get3A_441, %dma_start3A_468] : memref<100000x64xf32, #tpu.memory_space<hbm>> -> memref<1x64xf32, #tpu.memory_space<hbm>>
      %dma_start3A_470 = tpu.memref_squeeze %dma_start3A_469 : memref<1x64xf32, #tpu.memory_space<hbm>> -> memref<64xf32, #tpu.memory_space<hbm>>
      %dma_start3A_471 = arith.constant 0 : i32
      %dma_start3A_472 = tpu.memref_slice %arg24[%scan3A_429, %dma_start3A_471] : memref<64x64xf32, #tpu.memory_space<vmem>> -> memref<1x64xf32, #tpu.memory_space<vmem>>
      %dma_start3A_473 = tpu.memref_squeeze %dma_start3A_472 : memref<1x64xf32, #tpu.memory_space<vmem>> -> memref<64xf32, #tpu.memory_space<vmem>>
      %dma_start3A_474 = arith.constant 0 : i32
      %dma_start3A_475 = tpu.memref_slice %arg5[%get3A_441, %dma_start3A_474] : memref<100000x64xf32, #tpu.memory_space<hbm>> -> memref<1x64xf32, #tpu.memory_space<hbm>>
      %dma_start3A_476 = tpu.memref_squeeze %dma_start3A_475 : memref<1x64xf32, #tpu.memory_space<hbm>> -> memref<64xf32, #tpu.memory_space<hbm>>
      tpu.enqueue_dma source(%dma_start3A_476 : memref<64xf32, #tpu.memory_space<hbm>>) target(%dma_start3A_473 : memref<64xf32, #tpu.memory_space<vmem>>) target_semaphore(%arg31 : memref<!tpu.dma_semaphore, #tpu.memory_space<semaphore_mem>>)
      %dma_start3A_477 = arith.constant 0 : i32
      %dma_start3A_478 = tpu.memref_slice %arg25[%scan3A_429, %dma_start3A_477] : memref<64x64xf32, #tpu.memory_space<vmem>> -> memref<1x64xf32, #tpu.memory_space<vmem>>
      %dma_start3A_479 = tpu.memref_squeeze %dma_start3A_478 : memref<1x64xf32, #tpu.memory_space<vmem>> -> memref<64xf32, #tpu.memory_space<vmem>>
      %dma_start3A_480 = arith.constant 0 : i32
      %dma_start3A_481 = tpu.memref_slice %arg6[%get3A_441, %dma_start3A_480] : memref<100000x64xf32, #tpu.memory_space<hbm>> -> memref<1x64xf32, #tpu.memory_space<hbm>>
      %dma_start3A_482 = tpu.memref_squeeze %dma_start3A_481 : memref<1x64xf32, #tpu.memory_space<hbm>> -> memref<64xf32, #tpu.memory_space<hbm>>
      %dma_start3A_483 = arith.constant 0 : i32
      %dma_start3A_484 = tpu.memref_slice %arg25[%scan3A_429, %dma_start3A_483] : memref<64x64xf32, #tpu.memory_space<vmem>> -> memref<1x64xf32, #tpu.memory_space<vmem>>
      %dma_start3A_485 = tpu.memref_squeeze %dma_start3A_484 : memref<1x64xf32, #tpu.memory_space<vmem>> -> memref<64xf32, #tpu.memory_space<vmem>>
      %dma_start3A_486 = arith.constant 0 : i32
      %dma_start3A_487 = tpu.memref_slice %arg6[%get3A_441, %dma_start3A_486] : memref<100000x64xf32, #tpu.memory_space<hbm>> -> memref<1x64xf32, #tpu.memory_space<hbm>>
      %dma_start3A_488 = tpu.memref_squeeze %dma_start3A_487 : memref<1x64xf32, #tpu.memory_space<hbm>> -> memref<64xf32, #tpu.memory_space<hbm>>
      tpu.enqueue_dma source(%dma_start3A_488 : memref<64xf32, #tpu.memory_space<hbm>>) target(%dma_start3A_485 : memref<64xf32, #tpu.memory_space<vmem>>) target_semaphore(%arg31 : memref<!tpu.dma_semaphore, #tpu.memory_space<semaphore_mem>>)
      %dma_start3A_489 = arith.constant 0 : i32
      %dma_start3A_490 = tpu.memref_slice %arg26[%scan3A_429, %dma_start3A_489] : memref<64x64xf32, #tpu.memory_space<vmem>> -> memref<1x64xf32, #tpu.memory_space<vmem>>
      %dma_start3A_491 = tpu.memref_squeeze %dma_start3A_490 : memref<1x64xf32, #tpu.memory_space<vmem>> -> memref<64xf32, #tpu.memory_space<vmem>>
      %dma_start3A_492 = arith.constant 0 : i32
      %dma_start3A_493 = tpu.memref_slice %arg7[%get3A_437, %dma_start3A_492] : memref<100000x64xf32, #tpu.memory_space<hbm>> -> memref<1x64xf32, #tpu.memory_space<hbm>>
      %dma_start3A_494 = tpu.memref_squeeze %dma_start3A_493 : memref<1x64xf32, #tpu.memory_space<hbm>> -> memref<64xf32, #tpu.memory_space<hbm>>
      %dma_start3A_495 = arith.constant 0 : i32
      %dma_start3A_496 = tpu.memref_slice %arg26[%scan3A_429, %dma_start3A_495] : memref<64x64xf32, #tpu.memory_space<vmem>> -> memref<1x64xf32, #tpu.memory_space<vmem>>
      %dma_start3A_497 = tpu.memref_squeeze %dma_start3A_496 : memref<1x64xf32, #tpu.memory_space<vmem>> -> memref<64xf32, #tpu.memory_space<vmem>>
      %dma_start3A_498 = arith.constant 0 : i32
      %dma_start3A_499 = tpu.memref_slice %arg7[%get3A_437, %dma_start3A_498] : memref<100000x64xf32, #tpu.memory_space<hbm>> -> memref<1x64xf32, #tpu.memory_space<hbm>>
      %dma_start3A_500 = tpu.memref_squeeze %dma_start3A_499 : memref<1x64xf32, #tpu.memory_space<hbm>> -> memref<64xf32, #tpu.memory_space<hbm>>
      tpu.enqueue_dma source(%dma_start3A_500 : memref<64xf32, #tpu.memory_space<hbm>>) target(%dma_start3A_497 : memref<64xf32, #tpu.memory_space<vmem>>) target_semaphore(%arg31 : memref<!tpu.dma_semaphore, #tpu.memory_space<semaphore_mem>>)
      %dma_start3A_501 = arith.constant 0 : i32
      %dma_start3A_502 = tpu.memref_slice %arg27[%scan3A_429, %dma_start3A_501] : memref<64x64xf32, #tpu.memory_space<vmem>> -> memref<1x64xf32, #tpu.memory_space<vmem>>
      %dma_start3A_503 = tpu.memref_squeeze %dma_start3A_502 : memref<1x64xf32, #tpu.memory_space<vmem>> -> memref<64xf32, #tpu.memory_space<vmem>>
      %dma_start3A_504 = arith.constant 0 : i32
      %dma_start3A_505 = tpu.memref_slice %arg8[%get3A_437, %dma_start3A_504] : memref<100000x64xf32, #tpu.memory_space<hbm>> -> memref<1x64xf32, #tpu.memory_space<hbm>>
      %dma_start3A_506 = tpu.memref_squeeze %dma_start3A_505 : memref<1x64xf32, #tpu.memory_space<hbm>> -> memref<64xf32, #tpu.memory_space<hbm>>
      %dma_start3A_507 = arith.constant 0 : i32
      %dma_start3A_508 = tpu.memref_slice %arg27[%scan3A_429, %dma_start3A_507] : memref<64x64xf32, #tpu.memory_space<vmem>> -> memref<1x64xf32, #tpu.memory_space<vmem>>
      %dma_start3A_509 = tpu.memref_squeeze %dma_start3A_508 : memref<1x64xf32, #tpu.memory_space<vmem>> -> memref<64xf32, #tpu.memory_space<vmem>>
      %dma_start3A_510 = arith.constant 0 : i32
      %dma_start3A_511 = tpu.memref_slice %arg8[%get3A_437, %dma_start3A_510] : memref<100000x64xf32, #tpu.memory_space<hbm>> -> memref<1x64xf32, #tpu.memory_space<hbm>>
      %dma_start3A_512 = tpu.memref_squeeze %dma_start3A_511 : memref<1x64xf32, #tpu.memory_space<hbm>> -> memref<64xf32, #tpu.memory_space<hbm>>
      tpu.enqueue_dma source(%dma_start3A_512 : memref<64xf32, #tpu.memory_space<hbm>>) target(%dma_start3A_509 : memref<64xf32, #tpu.memory_space<vmem>>) target_semaphore(%arg31 : memref<!tpu.dma_semaphore, #tpu.memory_space<semaphore_mem>>)
      %scan3A_513 = arith.constant 0 : i32
      scf.yield %scan3A_513 : i32
    }
    %scan3A_227 = arith.constant 64 : i32
    %dma_wait3A_228 = arith.constant 0 : i32
    %dma_wait3A_229 = arith.constant 0 : i32
    %dma_wait3A_230 = tpu.memref_slice %arg5[%dma_wait3A_228, %dma_wait3A_229] : memref<100000x64xf32, #tpu.memory_space<hbm>> -> memref<64x64xf32, #tpu.memory_space<hbm>>
    %dma_wait3A_231 = arith.constant 0 : i32
    %dma_wait3A_232 = arith.constant 0 : i32
    %dma_wait3A_233 = tpu.memref_slice %arg5[%dma_wait3A_231, %dma_wait3A_232] : memref<100000x64xf32, #tpu.memory_space<hbm>> -> memref<64x64xf32, #tpu.memory_space<hbm>>
    tpu.wait_dma2 semaphore(%arg30 : memref<!tpu.dma_semaphore, #tpu.memory_space<semaphore_mem>>) src(%dma_wait3A_233 : memref<64x64xf32, #tpu.memory_space<hbm>>) dst(%arg16 : memref<64x64xf32, #tpu.memory_space<vmem>>)
    %dma_wait3A_234 = arith.constant 0 : i32
    %dma_wait3A_235 = arith.constant 0 : i32
    %dma_wait3A_236 = tpu.memref_slice %arg5[%dma_wait3A_234, %dma_wait3A_235] : memref<100000x64xf32, #tpu.memory_space<hbm>> -> memref<64x64xf32, #tpu.memory_space<hbm>>
    %dma_wait3A_237 = arith.constant 0 : i32
    %dma_wait3A_238 = arith.constant 0 : i32
    %dma_wait3A_239 = tpu.memref_slice %arg5[%dma_wait3A_237, %dma_wait3A_238] : memref<100000x64xf32, #tpu.memory_space<hbm>> -> memref<64x64xf32, #tpu.memory_space<hbm>>
    tpu.wait_dma2 semaphore(%arg30 : memref<!tpu.dma_semaphore, #tpu.memory_space<semaphore_mem>>) src(%dma_wait3A_239 : memref<64x64xf32, #tpu.memory_space<hbm>>) dst(%arg17 : memref<64x64xf32, #tpu.memory_space<vmem>>)
    %dma_wait3A_240 = arith.constant 0 : i32
    %dma_wait3A_241 = arith.constant 0 : i32
    %dma_wait3A_242 = tpu.memref_slice %arg5[%dma_wait3A_240, %dma_wait3A_241] : memref<100000x64xf32, #tpu.memory_space<hbm>> -> memref<64x64xf32, #tpu.memory_space<hbm>>
    %dma_wait3A_243 = arith.constant 0 : i32
    %dma_wait3A_244 = arith.constant 0 : i32
    %dma_wait3A_245 = tpu.memref_slice %arg5[%dma_wait3A_243, %dma_wait3A_244] : memref<100000x64xf32, #tpu.memory_space<hbm>> -> memref<64x64xf32, #tpu.memory_space<hbm>>
    tpu.wait_dma2 semaphore(%arg30 : memref<!tpu.dma_semaphore, #tpu.memory_space<semaphore_mem>>) src(%dma_wait3A_245 : memref<64x64xf32, #tpu.memory_space<hbm>>) dst(%arg18 : memref<64x64xf32, #tpu.memory_space<vmem>>)
    %dma_wait3A_246 = arith.constant 0 : i32
    %dma_wait3A_247 = arith.constant 0 : i32
    %dma_wait3A_248 = tpu.memref_slice %arg5[%dma_wait3A_246, %dma_wait3A_247] : memref<100000x64xf32, #tpu.memory_space<hbm>> -> memref<64x64xf32, #tpu.memory_space<hbm>>
    %dma_wait3A_249 = arith.constant 0 : i32
    %dma_wait3A_250 = arith.constant 0 : i32
    %dma_wait3A_251 = tpu.memref_slice %arg5[%dma_wait3A_249, %dma_wait3A_250] : memref<100000x64xf32, #tpu.memory_space<hbm>> -> memref<64x64xf32, #tpu.memory_space<hbm>>
    tpu.wait_dma2 semaphore(%arg30 : memref<!tpu.dma_semaphore, #tpu.memory_space<semaphore_mem>>) src(%dma_wait3A_251 : memref<64x64xf32, #tpu.memory_space<hbm>>) dst(%arg19 : memref<64x64xf32, #tpu.memory_space<vmem>>)
    %dma_wait3A_252 = arith.constant 0 : i32
    %dma_wait3A_253 = arith.constant 0 : i32
    %dma_wait3A_254 = tpu.memref_slice %arg5[%dma_wait3A_252, %dma_wait3A_253] : memref<100000x64xf32, #tpu.memory_space<hbm>> -> memref<64x64xf32, #tpu.memory_space<hbm>>
    %dma_wait3A_255 = arith.constant 0 : i32
    %dma_wait3A_256 = arith.constant 0 : i32
    %dma_wait3A_257 = tpu.memref_slice %arg5[%dma_wait3A_255, %dma_wait3A_256] : memref<100000x64xf32, #tpu.memory_space<hbm>> -> memref<64x64xf32, #tpu.memory_space<hbm>>
    tpu.wait_dma2 semaphore(%arg30 : memref<!tpu.dma_semaphore, #tpu.memory_space<semaphore_mem>>) src(%dma_wait3A_257 : memref<64x64xf32, #tpu.memory_space<hbm>>) dst(%arg20 : memref<64x64xf32, #tpu.memory_space<vmem>>)
    %dma_wait3A_258 = arith.constant 0 : i32
    %dma_wait3A_259 = arith.constant 0 : i32
    %dma_wait3A_260 = tpu.memref_slice %arg5[%dma_wait3A_258, %dma_wait3A_259] : memref<100000x64xf32, #tpu.memory_space<hbm>> -> memref<64x64xf32, #tpu.memory_space<hbm>>
    %dma_wait3A_261 = arith.constant 0 : i32
    %dma_wait3A_262 = arith.constant 0 : i32
    %dma_wait3A_263 = tpu.memref_slice %arg5[%dma_wait3A_261, %dma_wait3A_262] : memref<100000x64xf32, #tpu.memory_space<hbm>> -> memref<64x64xf32, #tpu.memory_space<hbm>>
    tpu.wait_dma2 semaphore(%arg30 : memref<!tpu.dma_semaphore, #tpu.memory_space<semaphore_mem>>) src(%dma_wait3A_263 : memref<64x64xf32, #tpu.memory_space<hbm>>) dst(%arg21 : memref<64x64xf32, #tpu.memory_space<vmem>>)
    %add3A_264 = arith.constant 256 : i32
    %add3A_265 = arith.addi %mul3A_2, %add3A_264 : i32
    %scan3A_266 = arith.constant 0 : i32
    %scan3A_267 = arith.constant 64 : i32
    %scan3A_268 = arith.addi %scan3A_266, %scan3A_267 : i32
    %scan3A_269 = arith.constant 1 : i32
    %scan3A_270:3 = scf.for %scan3A_429 = %scan3A_266 to %scan3A_268 step %scan3A_269 iter_args(%scan3A_430 = %scan3A_217#0, %scan3A_431 = %scan3A_217#1, %scan3A_432 = %scan3A_217#2) -> (vector<16xf32>, vector<16xf32>, vector<16xf32>)  : i32 {
      %broadcast_in_dim3A_433 = arith.constant 0.000000e+00 : f32
      %broadcast_in_dim3A_434 = vector.broadcast %broadcast_in_dim3A_433 : f32 to vector<16xf32>
      %get3A = arith.index_cast %scan3A_429 : i32 to index
      %get3A_435 = arith.constant 0 : index
      %get3A_436 = tpu.vector_load %arg16[%get3A, %get3A_435] {strides = array<i32>} : memref<64x64xf32, #tpu.memory_space<vmem>>, vector<16xf32>,
      %get3A_437 = arith.index_cast %scan3A_429 : i32 to index
      %get3A_438 = arith.constant 0 : index
      %get3A_439 = tpu.vector_load %arg17[%get3A_437, %get3A_438] {strides = array<i32>} : memref<64x64xf32, #tpu.memory_space<vmem>>, vector<16xf32>,
      %get3A_440 = arith.index_cast %scan3A_429 : i32 to index
      %get3A_441 = arith.constant 0 : index
      %get3A_442 = tpu.vector_load %arg18[%get3A_440, %get3A_441] {strides = array<i32>} : memref<64x64xf32, #tpu.memory_space<vmem>>, vector<16xf32>,
      %get3A_443 = arith.index_cast %scan3A_429 : i32 to index
      %get3A_444 = arith.constant 0 : index
      %get3A_445 = tpu.vector_load %arg19[%get3A_443, %get3A_444] {strides = array<i32>} : memref<64x64xf32, #tpu.memory_space<vmem>>, vector<16xf32>,
      %get3A_446 = arith.index_cast %scan3A_429 : i32 to index
      %get3A_447 = arith.constant 0 : index
      %get3A_448 = tpu.vector_load %arg20[%get3A_446, %get3A_447] {strides = array<i32>} : memref<64x64xf32, #tpu.memory_space<vmem>>, vector<16xf32>,
      %get3A_449 = arith.index_cast %scan3A_429 : i32 to index
      %get3A_450 = arith.constant 0 : index
      %get3A_451 = tpu.vector_load %arg21[%get3A_449, %get3A_450] {strides = array<i32>} : memref<64x64xf32, #tpu.memory_space<vmem>>, vector<16xf32>,
      %mul3A_452 = arith.mulf %get3A_436, %get3A_442 : vector<16xf32>
      %mul3A_453 = arith.mulf %get3A_439, %get3A_445 : vector<16xf32>
      %add3A_454 = arith.addf %mul3A_452, %mul3A_453 : vector<16xf32>
      %mul3A_455 = arith.mulf %get3A_448, %add3A_454 : vector<16xf32>
      %add3A_456 = arith.addf %broadcast_in_dim3A_434, %mul3A_455 : vector<16xf32>
      %mul3A_457 = arith.mulf %get3A_436, %get3A_445 : vector<16xf32>
      %mul3A_458 = arith.mulf %get3A_439, %get3A_442 : vector<16xf32>
      %sub3A = arith.subf %mul3A_457, %mul3A_458 : vector<16xf32>
      %mul3A_459 = arith.mulf %get3A_451, %sub3A : vector<16xf32>
      %add3A_460 = arith.addf %add3A_456, %mul3A_459 : vector<16xf32>
      %mul3A_461 = arith.mulf %get3A_436, %get3A_436 : vector<16xf32>
      %mul3A_462 = arith.mulf %get3A_439, %get3A_439 : vector<16xf32>
      %add3A_463 = arith.addf %mul3A_461, %mul3A_462 : vector<16xf32>
      %add3A_464 = arith.addf %scan3A_430, %add3A_463 : vector<16xf32>
      %mul3A_465 = arith.mulf %get3A_442, %get3A_442 : vector<16xf32>
      %mul3A_466 = arith.mulf %get3A_445, %get3A_445 : vector<16xf32>
      %add3A_467 = arith.addf %mul3A_465, %mul3A_466 : vector<16xf32>
      %add3A_468 = arith.addf %scan3A_431, %add3A_467 : vector<16xf32>
      %mul3A_469 = arith.mulf %get3A_448, %get3A_448 : vector<16xf32>
      %mul3A_470 = arith.mulf %get3A_451, %get3A_451 : vector<16xf32>
      %add3A_471 = arith.addf %mul3A_469, %mul3A_470 : vector<16xf32>
      %add3A_472 = arith.addf %scan3A_432, %add3A_471 : vector<16xf32>
      %get3A_473 = arith.index_cast %scan3A_429 : i32 to index
      %get3A_474 = arith.constant 16 : index
      %get3A_475 = tpu.vector_load %arg16[%get3A_473, %get3A_474] {strides = array<i32>} : memref<64x64xf32, #tpu.memory_space<vmem>>, vector<16xf32>,
      %get3A_476 = arith.index_cast %scan3A_429 : i32 to index
      %get3A_477 = arith.constant 16 : index
      %get3A_478 = tpu.vector_load %arg17[%get3A_476, %get3A_477] {strides = array<i32>} : memref<64x64xf32, #tpu.memory_space<vmem>>, vector<16xf32>,
      %get3A_479 = arith.index_cast %scan3A_429 : i32 to index
      %get3A_480 = arith.constant 16 : index
      %get3A_481 = tpu.vector_load %arg18[%get3A_479, %get3A_480] {strides = array<i32>} : memref<64x64xf32, #tpu.memory_space<vmem>>, vector<16xf32>,
      %get3A_482 = arith.index_cast %scan3A_429 : i32 to index
      %get3A_483 = arith.constant 16 : index
      %get3A_484 = tpu.vector_load %arg19[%get3A_482, %get3A_483] {strides = array<i32>} : memref<64x64xf32, #tpu.memory_space<vmem>>, vector<16xf32>,
      %get3A_485 = arith.index_cast %scan3A_429 : i32 to index
      %get3A_486 = arith.constant 16 : index
      %get3A_487 = tpu.vector_load %arg20[%get3A_485, %get3A_486] {strides = array<i32>} : memref<64x64xf32, #tpu.memory_space<vmem>>, vector<16xf32>,
      %get3A_488 = arith.index_cast %scan3A_429 : i32 to index
      %get3A_489 = arith.constant 16 : index
      %get3A_490 = tpu.vector_load %arg21[%get3A_488, %get3A_489] {strides = array<i32>} : memref<64x64xf32, #tpu.memory_space<vmem>>, vector<16xf32>,
      %mul3A_491 = arith.mulf %get3A_475, %get3A_481 : vector<16xf32>
      %mul3A_492 = arith.mulf %get3A_478, %get3A_484 : vector<16xf32>
      %add3A_493 = arith.addf %mul3A_491, %mul3A_492 : vector<16xf32>
      %mul3A_494 = arith.mulf %get3A_487, %add3A_493 : vector<16xf32>
      %add3A_495 = arith.addf %add3A_460, %mul3A_494 : vector<16xf32>
      %mul3A_496 = arith.mulf %get3A_475, %get3A_484 : vector<16xf32>
      %mul3A_497 = arith.mulf %get3A_478, %get3A_481 : vector<16xf32>
      %sub3A_498 = arith.subf %mul3A_496, %mul3A_497 : vector<16xf32>
      %mul3A_499 = arith.mulf %get3A_490, %sub3A_498 : vector<16xf32>
      %add3A_500 = arith.addf %add3A_495, %mul3A_499 : vector<16xf32>
      %mul3A_501 = arith.mulf %get3A_475, %get3A_475 : vector<16xf32>
      %mul3A_502 = arith.mulf %get3A_478, %get3A_478 : vector<16xf32>
      %add3A_503 = arith.addf %mul3A_501, %mul3A_502 : vector<16xf32>
      %add3A_504 = arith.addf %add3A_464, %add3A_503 : vector<16xf32>
      %mul3A_505 = arith.mulf %get3A_481, %get3A_481 : vector<16xf32>
      %mul3A_506 = arith.mulf %get3A_484, %get3A_484 : vector<16xf32>
      %add3A_507 = arith.addf %mul3A_505, %mul3A_506 : vector<16xf32>
      %add3A_508 = arith.addf %add3A_468, %add3A_507 : vector<16xf32>
      %mul3A_509 = arith.mulf %get3A_487, %get3A_487 : vector<16xf32>
      %mul3A_510 = arith.mulf %get3A_490, %get3A_490 : vector<16xf32>
      %add3A_511 = arith.addf %mul3A_509, %mul3A_510 : vector<16xf32>
      %add3A_512 = arith.addf %add3A_472, %add3A_511 : vector<16xf32>
      %get3A_513 = arith.index_cast %scan3A_429 : i32 to index
      %get3A_514 = arith.constant 32 : index
      %get3A_515 = tpu.vector_load %arg16[%get3A_513, %get3A_514] {strides = array<i32>} : memref<64x64xf32, #tpu.memory_space<vmem>>, vector<16xf32>,
      %get3A_516 = arith.index_cast %scan3A_429 : i32 to index
      %get3A_517 = arith.constant 32 : index
      %get3A_518 = tpu.vector_load %arg17[%get3A_516, %get3A_517] {strides = array<i32>} : memref<64x64xf32, #tpu.memory_space<vmem>>, vector<16xf32>,
      %get3A_519 = arith.index_cast %scan3A_429 : i32 to index
      %get3A_520 = arith.constant 32 : index
      %get3A_521 = tpu.vector_load %arg18[%get3A_519, %get3A_520] {strides = array<i32>} : memref<64x64xf32, #tpu.memory_space<vmem>>, vector<16xf32>,
      %get3A_522 = arith.index_cast %scan3A_429 : i32 to index
      %get3A_523 = arith.constant 32 : index
      %get3A_524 = tpu.vector_load %arg19[%get3A_522, %get3A_523] {strides = array<i32>} : memref<64x64xf32, #tpu.memory_space<vmem>>, vector<16xf32>,
      %get3A_525 = arith.index_cast %scan3A_429 : i32 to index
      %get3A_526 = arith.constant 32 : index
      %get3A_527 = tpu.vector_load %arg20[%get3A_525, %get3A_526] {strides = array<i32>} : memref<64x64xf32, #tpu.memory_space<vmem>>, vector<16xf32>,
      %get3A_528 = arith.index_cast %scan3A_429 : i32 to index
      %get3A_529 = arith.constant 32 : index
      %get3A_530 = tpu.vector_load %arg21[%get3A_528, %get3A_529] {strides = array<i32>} : memref<64x64xf32, #tpu.memory_space<vmem>>, vector<16xf32>,
      %mul3A_531 = arith.mulf %get3A_515, %get3A_521 : vector<16xf32>
      %mul3A_532 = arith.mulf %get3A_518, %get3A_524 : vector<16xf32>
      %add3A_533 = arith.addf %mul3A_531, %mul3A_532 : vector<16xf32>
      %mul3A_534 = arith.mulf %get3A_527, %add3A_533 : vector<16xf32>
      %add3A_535 = arith.addf %add3A_500, %mul3A_534 : vector<16xf32>
      %mul3A_536 = arith.mulf %get3A_515, %get3A_524 : vector<16xf32>
      %mul3A_537 = arith.mulf %get3A_518, %get3A_521 : vector<16xf32>
      %sub3A_538 = arith.subf %mul3A_536, %mul3A_537 : vector<16xf32>
      %mul3A_539 = arith.mulf %get3A_530, %sub3A_538 : vector<16xf32>
      %add3A_540 = arith.addf %add3A_535, %mul3A_539 : vector<16xf32>
      %mul3A_541 = arith.mulf %get3A_515, %get3A_515 : vector<16xf32>
      %mul3A_542 = arith.mulf %get3A_518, %get3A_518 : vector<16xf32>
      %add3A_543 = arith.addf %mul3A_541, %mul3A_542 : vector<16xf32>
      %add3A_544 = arith.addf %add3A_504, %add3A_543 : vector<16xf32>
      %mul3A_545 = arith.mulf %get3A_521, %get3A_521 : vector<16xf32>
      %mul3A_546 = arith.mulf %get3A_524, %get3A_524 : vector<16xf32>
      %add3A_547 = arith.addf %mul3A_545, %mul3A_546 : vector<16xf32>
      %add3A_548 = arith.addf %add3A_508, %add3A_547 : vector<16xf32>
      %mul3A_549 = arith.mulf %get3A_527, %get3A_527 : vector<16xf32>
      %mul3A_550 = arith.mulf %get3A_530, %get3A_530 : vector<16xf32>
      %add3A_551 = arith.addf %mul3A_549, %mul3A_550 : vector<16xf32>
      %add3A_552 = arith.addf %add3A_512, %add3A_551 : vector<16xf32>
      %get3A_553 = arith.index_cast %scan3A_429 : i32 to index
      %get3A_554 = arith.constant 48 : index
      %get3A_555 = tpu.vector_load %arg16[%get3A_553, %get3A_554] {strides = array<i32>} : memref<64x64xf32, #tpu.memory_space<vmem>>, vector<16xf32>,
      %get3A_556 = arith.index_cast %scan3A_429 : i32 to index
      %get3A_557 = arith.constant 48 : index
      %get3A_558 = tpu.vector_load %arg17[%get3A_556, %get3A_557] {strides = array<i32>} : memref<64x64xf32, #tpu.memory_space<vmem>>, vector<16xf32>,
      %get3A_559 = arith.index_cast %scan3A_429 : i32 to index
      %get3A_560 = arith.constant 48 : index
      %get3A_561 = tpu.vector_load %arg18[%get3A_559, %get3A_560] {strides = array<i32>} : memref<64x64xf32, #tpu.memory_space<vmem>>, vector<16xf32>,
      %get3A_562 = arith.index_cast %scan3A_429 : i32 to index
      %get3A_563 = arith.constant 48 : index
      %get3A_564 = tpu.vector_load %arg19[%get3A_562, %get3A_563] {strides = array<i32>} : memref<64x64xf32, #tpu.memory_space<vmem>>, vector<16xf32>,
      %get3A_565 = arith.index_cast %scan3A_429 : i32 to index
      %get3A_566 = arith.constant 48 : index
      %get3A_567 = tpu.vector_load %arg20[%get3A_565, %get3A_566] {strides = array<i32>} : memref<64x64xf32, #tpu.memory_space<vmem>>, vector<16xf32>,
      %get3A_568 = arith.index_cast %scan3A_429 : i32 to index
      %get3A_569 = arith.constant 48 : index
      %get3A_570 = tpu.vector_load %arg21[%get3A_568, %get3A_569] {strides = array<i32>} : memref<64x64xf32, #tpu.memory_space<vmem>>, vector<16xf32>,
      %mul3A_571 = arith.mulf %get3A_555, %get3A_561 : vector<16xf32>
      %mul3A_572 = arith.mulf %get3A_558, %get3A_564 : vector<16xf32>
      %add3A_573 = arith.addf %mul3A_571, %mul3A_572 : vector<16xf32>
      %mul3A_574 = arith.mulf %get3A_567, %add3A_573 : vector<16xf32>
      %add3A_575 = arith.addf %add3A_540, %mul3A_574 : vector<16xf32>
      %mul3A_576 = arith.mulf %get3A_555, %get3A_564 : vector<16xf32>
      %mul3A_577 = arith.mulf %get3A_558, %get3A_561 : vector<16xf32>
      %sub3A_578 = arith.subf %mul3A_576, %mul3A_577 : vector<16xf32>
      %mul3A_579 = arith.mulf %get3A_570, %sub3A_578 : vector<16xf32>
      %add3A_580 = arith.addf %add3A_575, %mul3A_579 : vector<16xf32>
      %mul3A_581 = arith.mulf %get3A_555, %get3A_555 : vector<16xf32>
      %mul3A_582 = arith.mulf %get3A_558, %get3A_558 : vector<16xf32>
      %add3A_583 = arith.addf %mul3A_581, %mul3A_582 : vector<16xf32>
      %add3A_584 = arith.addf %add3A_544, %add3A_583 : vector<16xf32>
      %mul3A_585 = arith.mulf %get3A_561, %get3A_561 : vector<16xf32>
      %mul3A_586 = arith.mulf %get3A_564, %get3A_564 : vector<16xf32>
      %add3A_587 = arith.addf %mul3A_585, %mul3A_586 : vector<16xf32>
      %add3A_588 = arith.addf %add3A_548, %add3A_587 : vector<16xf32>
      %mul3A_589 = arith.mulf %get3A_567, %get3A_567 : vector<16xf32>
      %mul3A_590 = arith.mulf %get3A_570, %get3A_570 : vector<16xf32>
      %add3A_591 = arith.addf %mul3A_589, %mul3A_590 : vector<16xf32>
      %add3A_592 = arith.addf %add3A_552, %add3A_591 : vector<16xf32>
      %mul3A_593 = arith.constant 16 : i32
      %mul3A_594 = arith.muli %scan3A_429, %mul3A_593 : i32
      %swap3A_595 = arith.index_cast %mul3A_594 : i32 to index
      %swap3A_596 = tpu.vector_load %arg28[%swap3A_595] {strides = array<i32>} : memref<1024xf32, #tpu.memory_space<vmem>>, vector<16xf32>,
      tpu.vector_store %arg28[%swap3A_595], %add3A_580 {strides = array<i32>} : memref<1024xf32, #tpu.memory_space<vmem>>, vector<16xf32>,
      scf.yield %add3A_584, %add3A_588, %add3A_592 : vector<16xf32>, vector<16xf32>, vector<16xf32>
    }
    %scan3A_271 = arith.constant 64 : i32
    %mul3A_272 = arith.constant 16 : i32
    %mul3A_273 = arith.muli %add3A_265, %mul3A_272 : i32
    "tpu.region"() ({
      %run_scoped3A = tpu.sem_alloc : memref<!tpu.dma_semaphore, #tpu.memory_space<semaphore_mem>>
      %dma_start3A = tpu.memref_slice %arg9[%mul3A_273] : memref<262144xf32, #tpu.memory_space<hbm>> -> memref<1024xf32, #tpu.memory_space<hbm>>
      %dma_start3A_429 = tpu.memref_slice %arg9[%mul3A_273] : memref<262144xf32, #tpu.memory_space<hbm>> -> memref<1024xf32, #tpu.memory_space<hbm>>
      tpu.enqueue_dma source(%arg28 : memref<1024xf32, #tpu.memory_space<vmem>>) target(%dma_start3A_429 : memref<1024xf32, #tpu.memory_space<hbm>>) target_semaphore(%run_scoped3A : memref<!tpu.dma_semaphore, #tpu.memory_space<semaphore_mem>>)
      %dma_wait3A_430 = tpu.memref_slice %arg9[%mul3A_273] : memref<262144xf32, #tpu.memory_space<hbm>> -> memref<1024xf32, #tpu.memory_space<hbm>>
      %dma_wait3A_431 = tpu.memref_slice %arg9[%mul3A_273] : memref<262144xf32, #tpu.memory_space<hbm>> -> memref<1024xf32, #tpu.memory_space<hbm>>
      tpu.wait_dma2 semaphore(%run_scoped3A : memref<!tpu.dma_semaphore, #tpu.memory_space<semaphore_mem>>) src(%arg28 : memref<1024xf32, #tpu.memory_space<vmem>>) dst(%dma_wait3A_431 : memref<1024xf32, #tpu.memory_space<hbm>>)
      tpu.yield
    }) : () -> ()
    %scan3A_274 = arith.constant 0 : i32
    %scan3A_275 = arith.constant 0 : i32
    %scan3A_276 = arith.constant 64 : i32
    %scan3A_277 = arith.addi %scan3A_275, %scan3A_276 : i32
    %scan3A_278 = arith.constant 1 : i32
    %scan3A_279 = scf.for %scan3A_429 = %scan3A_275 to %scan3A_277 step %scan3A_278 iter_args(%scan3A_430 = %scan3A_274) -> (i32)  : i32 {
      %add3A_431 = arith.constant 384 : i32
      %add3A_432 = arith.addi %add3A_431, %scan3A_429 : i32
      %get3A = arith.index_cast %add3A_432 : i32 to index
      %get3A_433 = memref.load %arg11[%get3A] : memref<1536xi32, #tpu.memory_space<smem>>
      %add3A_434 = arith.constant 896 : i32
      %add3A_435 = arith.addi %add3A_434, %scan3A_429 : i32
      %get3A_436 = arith.index_cast %add3A_435 : i32 to index
      %get3A_437 = memref.load %arg11[%get3A_436] : memref<1536xi32, #tpu.memory_space<smem>>
      %add3A_438 = arith.constant 1408 : i32
      %add3A_439 = arith.addi %add3A_438, %scan3A_429 : i32
      %get3A_440 = arith.index_cast %add3A_439 : i32 to index
      %get3A_441 = memref.load %arg11[%get3A_440] : memref<1536xi32, #tpu.memory_space<smem>>
      %dma_start3A = arith.constant 0 : i32
      %dma_start3A_442 = tpu.memref_slice %arg16[%scan3A_429, %dma_start3A] : memref<64x64xf32, #tpu.memory_space<vmem>> -> memref<1x64xf32, #tpu.memory_space<vmem>>
      %dma_start3A_443 = tpu.memref_squeeze %dma_start3A_442 : memref<1x64xf32, #tpu.memory_space<vmem>> -> memref<64xf32, #tpu.memory_space<vmem>>
      %dma_start3A_444 = arith.constant 0 : i32
      %dma_start3A_445 = tpu.memref_slice %arg5[%get3A_433, %dma_start3A_444] : memref<100000x64xf32, #tpu.memory_space<hbm>> -> memref<1x64xf32, #tpu.memory_space<hbm>>
      %dma_start3A_446 = tpu.memref_squeeze %dma_start3A_445 : memref<1x64xf32, #tpu.memory_space<hbm>> -> memref<64xf32, #tpu.memory_space<hbm>>
      %dma_start3A_447 = arith.constant 0 : i32
      %dma_start3A_448 = tpu.memref_slice %arg16[%scan3A_429, %dma_start3A_447] : memref<64x64xf32, #tpu.memory_space<vmem>> -> memref<1x64xf32, #tpu.memory_space<vmem>>
      %dma_start3A_449 = tpu.memref_squeeze %dma_start3A_448 : memref<1x64xf32, #tpu.memory_space<vmem>> -> memref<64xf32, #tpu.memory_space<vmem>>
      %dma_start3A_450 = arith.constant 0 : i32
      %dma_start3A_451 = tpu.memref_slice %arg5[%get3A_433, %dma_start3A_450] : memref<100000x64xf32, #tpu.memory_space<hbm>> -> memref<1x64xf32, #tpu.memory_space<hbm>>
      %dma_start3A_452 = tpu.memref_squeeze %dma_start3A_451 : memref<1x64xf32, #tpu.memory_space<hbm>> -> memref<64xf32, #tpu.memory_space<hbm>>
      tpu.enqueue_dma source(%dma_start3A_452 : memref<64xf32, #tpu.memory_space<hbm>>) target(%dma_start3A_449 : memref<64xf32, #tpu.memory_space<vmem>>) target_semaphore(%arg30 : memref<!tpu.dma_semaphore, #tpu.memory_space<semaphore_mem>>)
      %dma_start3A_453 = arith.constant 0 : i32
      %dma_start3A_454 = tpu.memref_slice %arg17[%scan3A_429, %dma_start3A_453] : memref<64x64xf32, #tpu.memory_space<vmem>> -> memref<1x64xf32, #tpu.memory_space<vmem>>
      %dma_start3A_455 = tpu.memref_squeeze %dma_start3A_454 : memref<1x64xf32, #tpu.memory_space<vmem>> -> memref<64xf32, #tpu.memory_space<vmem>>
      %dma_start3A_456 = arith.constant 0 : i32
      %dma_start3A_457 = tpu.memref_slice %arg6[%get3A_433, %dma_start3A_456] : memref<100000x64xf32, #tpu.memory_space<hbm>> -> memref<1x64xf32, #tpu.memory_space<hbm>>
      %dma_start3A_458 = tpu.memref_squeeze %dma_start3A_457 : memref<1x64xf32, #tpu.memory_space<hbm>> -> memref<64xf32, #tpu.memory_space<hbm>>
      %dma_start3A_459 = arith.constant 0 : i32
      %dma_start3A_460 = tpu.memref_slice %arg17[%scan3A_429, %dma_start3A_459] : memref<64x64xf32, #tpu.memory_space<vmem>> -> memref<1x64xf32, #tpu.memory_space<vmem>>
      %dma_start3A_461 = tpu.memref_squeeze %dma_start3A_460 : memref<1x64xf32, #tpu.memory_space<vmem>> -> memref<64xf32, #tpu.memory_space<vmem>>
      %dma_start3A_462 = arith.constant 0 : i32
      %dma_start3A_463 = tpu.memref_slice %arg6[%get3A_433, %dma_start3A_462] : memref<100000x64xf32, #tpu.memory_space<hbm>> -> memref<1x64xf32, #tpu.memory_space<hbm>>
      %dma_start3A_464 = tpu.memref_squeeze %dma_start3A_463 : memref<1x64xf32, #tpu.memory_space<hbm>> -> memref<64xf32, #tpu.memory_space<hbm>>
      tpu.enqueue_dma source(%dma_start3A_464 : memref<64xf32, #tpu.memory_space<hbm>>) target(%dma_start3A_461 : memref<64xf32, #tpu.memory_space<vmem>>) target_semaphore(%arg30 : memref<!tpu.dma_semaphore, #tpu.memory_space<semaphore_mem>>)
      %dma_start3A_465 = arith.constant 0 : i32
      %dma_start3A_466 = tpu.memref_slice %arg18[%scan3A_429, %dma_start3A_465] : memref<64x64xf32, #tpu.memory_space<vmem>> -> memref<1x64xf32, #tpu.memory_space<vmem>>
      %dma_start3A_467 = tpu.memref_squeeze %dma_start3A_466 : memref<1x64xf32, #tpu.memory_space<vmem>> -> memref<64xf32, #tpu.memory_space<vmem>>
      %dma_start3A_468 = arith.constant 0 : i32
      %dma_start3A_469 = tpu.memref_slice %arg5[%get3A_441, %dma_start3A_468] : memref<100000x64xf32, #tpu.memory_space<hbm>> -> memref<1x64xf32, #tpu.memory_space<hbm>>
      %dma_start3A_470 = tpu.memref_squeeze %dma_start3A_469 : memref<1x64xf32, #tpu.memory_space<hbm>> -> memref<64xf32, #tpu.memory_space<hbm>>
      %dma_start3A_471 = arith.constant 0 : i32
      %dma_start3A_472 = tpu.memref_slice %arg18[%scan3A_429, %dma_start3A_471] : memref<64x64xf32, #tpu.memory_space<vmem>> -> memref<1x64xf32, #tpu.memory_space<vmem>>
      %dma_start3A_473 = tpu.memref_squeeze %dma_start3A_472 : memref<1x64xf32, #tpu.memory_space<vmem>> -> memref<64xf32, #tpu.memory_space<vmem>>
      %dma_start3A_474 = arith.constant 0 : i32
      %dma_start3A_475 = tpu.memref_slice %arg5[%get3A_441, %dma_start3A_474] : memref<100000x64xf32, #tpu.memory_space<hbm>> -> memref<1x64xf32, #tpu.memory_space<hbm>>
      %dma_start3A_476 = tpu.memref_squeeze %dma_start3A_475 : memref<1x64xf32, #tpu.memory_space<hbm>> -> memref<64xf32, #tpu.memory_space<hbm>>
      tpu.enqueue_dma source(%dma_start3A_476 : memref<64xf32, #tpu.memory_space<hbm>>) target(%dma_start3A_473 : memref<64xf32, #tpu.memory_space<vmem>>) target_semaphore(%arg30 : memref<!tpu.dma_semaphore, #tpu.memory_space<semaphore_mem>>)
      %dma_start3A_477 = arith.constant 0 : i32
      %dma_start3A_478 = tpu.memref_slice %arg19[%scan3A_429, %dma_start3A_477] : memref<64x64xf32, #tpu.memory_space<vmem>> -> memref<1x64xf32, #tpu.memory_space<vmem>>
      %dma_start3A_479 = tpu.memref_squeeze %dma_start3A_478 : memref<1x64xf32, #tpu.memory_space<vmem>> -> memref<64xf32, #tpu.memory_space<vmem>>
      %dma_start3A_480 = arith.constant 0 : i32
      %dma_start3A_481 = tpu.memref_slice %arg6[%get3A_441, %dma_start3A_480] : memref<100000x64xf32, #tpu.memory_space<hbm>> -> memref<1x64xf32, #tpu.memory_space<hbm>>
      %dma_start3A_482 = tpu.memref_squeeze %dma_start3A_481 : memref<1x64xf32, #tpu.memory_space<hbm>> -> memref<64xf32, #tpu.memory_space<hbm>>
      %dma_start3A_483 = arith.constant 0 : i32
      %dma_start3A_484 = tpu.memref_slice %arg19[%scan3A_429, %dma_start3A_483] : memref<64x64xf32, #tpu.memory_space<vmem>> -> memref<1x64xf32, #tpu.memory_space<vmem>>
      %dma_start3A_485 = tpu.memref_squeeze %dma_start3A_484 : memref<1x64xf32, #tpu.memory_space<vmem>> -> memref<64xf32, #tpu.memory_space<vmem>>
      %dma_start3A_486 = arith.constant 0 : i32
      %dma_start3A_487 = tpu.memref_slice %arg6[%get3A_441, %dma_start3A_486] : memref<100000x64xf32, #tpu.memory_space<hbm>> -> memref<1x64xf32, #tpu.memory_space<hbm>>
      %dma_start3A_488 = tpu.memref_squeeze %dma_start3A_487 : memref<1x64xf32, #tpu.memory_space<hbm>> -> memref<64xf32, #tpu.memory_space<hbm>>
      tpu.enqueue_dma source(%dma_start3A_488 : memref<64xf32, #tpu.memory_space<hbm>>) target(%dma_start3A_485 : memref<64xf32, #tpu.memory_space<vmem>>) target_semaphore(%arg30 : memref<!tpu.dma_semaphore, #tpu.memory_space<semaphore_mem>>)
      %dma_start3A_489 = arith.constant 0 : i32
      %dma_start3A_490 = tpu.memref_slice %arg20[%scan3A_429, %dma_start3A_489] : memref<64x64xf32, #tpu.memory_space<vmem>> -> memref<1x64xf32, #tpu.memory_space<vmem>>
      %dma_start3A_491 = tpu.memref_squeeze %dma_start3A_490 : memref<1x64xf32, #tpu.memory_space<vmem>> -> memref<64xf32, #tpu.memory_space<vmem>>
      %dma_start3A_492 = arith.constant 0 : i32
      %dma_start3A_493 = tpu.memref_slice %arg7[%get3A_437, %dma_start3A_492] : memref<100000x64xf32, #tpu.memory_space<hbm>> -> memref<1x64xf32, #tpu.memory_space<hbm>>
      %dma_start3A_494 = tpu.memref_squeeze %dma_start3A_493 : memref<1x64xf32, #tpu.memory_space<hbm>> -> memref<64xf32, #tpu.memory_space<hbm>>
      %dma_start3A_495 = arith.constant 0 : i32
      %dma_start3A_496 = tpu.memref_slice %arg20[%scan3A_429, %dma_start3A_495] : memref<64x64xf32, #tpu.memory_space<vmem>> -> memref<1x64xf32, #tpu.memory_space<vmem>>
      %dma_start3A_497 = tpu.memref_squeeze %dma_start3A_496 : memref<1x64xf32, #tpu.memory_space<vmem>> -> memref<64xf32, #tpu.memory_space<vmem>>
      %dma_start3A_498 = arith.constant 0 : i32
      %dma_start3A_499 = tpu.memref_slice %arg7[%get3A_437, %dma_start3A_498] : memref<100000x64xf32, #tpu.memory_space<hbm>> -> memref<1x64xf32, #tpu.memory_space<hbm>>
      %dma_start3A_500 = tpu.memref_squeeze %dma_start3A_499 : memref<1x64xf32, #tpu.memory_space<hbm>> -> memref<64xf32, #tpu.memory_space<hbm>>
      tpu.enqueue_dma source(%dma_start3A_500 : memref<64xf32, #tpu.memory_space<hbm>>) target(%dma_start3A_497 : memref<64xf32, #tpu.memory_space<vmem>>) target_semaphore(%arg30 : memref<!tpu.dma_semaphore, #tpu.memory_space<semaphore_mem>>)
      %dma_start3A_501 = arith.constant 0 : i32
      %dma_start3A_502 = tpu.memref_slice %arg21[%scan3A_429, %dma_start3A_501] : memref<64x64xf32, #tpu.memory_space<vmem>> -> memref<1x64xf32, #tpu.memory_space<vmem>>
      %dma_start3A_503 = tpu.memref_squeeze %dma_start3A_502 : memref<1x64xf32, #tpu.memory_space<vmem>> -> memref<64xf32, #tpu.memory_space<vmem>>
      %dma_start3A_504 = arith.constant 0 : i32
      %dma_start3A_505 = tpu.memref_slice %arg8[%get3A_437, %dma_start3A_504] : memref<100000x64xf32, #tpu.memory_space<hbm>> -> memref<1x64xf32, #tpu.memory_space<hbm>>
      %dma_start3A_506 = tpu.memref_squeeze %dma_start3A_505 : memref<1x64xf32, #tpu.memory_space<hbm>> -> memref<64xf32, #tpu.memory_space<hbm>>
      %dma_start3A_507 = arith.constant 0 : i32
      %dma_start3A_508 = tpu.memref_slice %arg21[%scan3A_429, %dma_start3A_507] : memref<64x64xf32, #tpu.memory_space<vmem>> -> memref<1x64xf32, #tpu.memory_space<vmem>>
      %dma_start3A_509 = tpu.memref_squeeze %dma_start3A_508 : memref<1x64xf32, #tpu.memory_space<vmem>> -> memref<64xf32, #tpu.memory_space<vmem>>
      %dma_start3A_510 = arith.constant 0 : i32
      %dma_start3A_511 = tpu.memref_slice %arg8[%get3A_437, %dma_start3A_510] : memref<100000x64xf32, #tpu.memory_space<hbm>> -> memref<1x64xf32, #tpu.memory_space<hbm>>
      %dma_start3A_512 = tpu.memref_squeeze %dma_start3A_511 : memref<1x64xf32, #tpu.memory_space<hbm>> -> memref<64xf32, #tpu.memory_space<hbm>>
      tpu.enqueue_dma source(%dma_start3A_512 : memref<64xf32, #tpu.memory_space<hbm>>) target(%dma_start3A_509 : memref<64xf32, #tpu.memory_space<vmem>>) target_semaphore(%arg30 : memref<!tpu.dma_semaphore, #tpu.memory_space<semaphore_mem>>)
      %scan3A_513 = arith.constant 0 : i32
      scf.yield %scan3A_513 : i32
    }
    %scan3A_280 = arith.constant 64 : i32
    %dma_wait3A_281 = arith.constant 0 : i32
    %dma_wait3A_282 = arith.constant 0 : i32
    %dma_wait3A_283 = tpu.memref_slice %arg5[%dma_wait3A_281, %dma_wait3A_282] : memref<100000x64xf32, #tpu.memory_space<hbm>> -> memref<64x64xf32, #tpu.memory_space<hbm>>
    %dma_wait3A_284 = arith.constant 0 : i32
    %dma_wait3A_285 = arith.constant 0 : i32
    %dma_wait3A_286 = tpu.memref_slice %arg5[%dma_wait3A_284, %dma_wait3A_285] : memref<100000x64xf32, #tpu.memory_space<hbm>> -> memref<64x64xf32, #tpu.memory_space<hbm>>
    tpu.wait_dma2 semaphore(%arg31 : memref<!tpu.dma_semaphore, #tpu.memory_space<semaphore_mem>>) src(%dma_wait3A_286 : memref<64x64xf32, #tpu.memory_space<hbm>>) dst(%arg22 : memref<64x64xf32, #tpu.memory_space<vmem>>)
    %dma_wait3A_287 = arith.constant 0 : i32
    %dma_wait3A_288 = arith.constant 0 : i32
    %dma_wait3A_289 = tpu.memref_slice %arg5[%dma_wait3A_287, %dma_wait3A_288] : memref<100000x64xf32, #tpu.memory_space<hbm>> -> memref<64x64xf32, #tpu.memory_space<hbm>>
    %dma_wait3A_290 = arith.constant 0 : i32
    %dma_wait3A_291 = arith.constant 0 : i32
    %dma_wait3A_292 = tpu.memref_slice %arg5[%dma_wait3A_290, %dma_wait3A_291] : memref<100000x64xf32, #tpu.memory_space<hbm>> -> memref<64x64xf32, #tpu.memory_space<hbm>>
    tpu.wait_dma2 semaphore(%arg31 : memref<!tpu.dma_semaphore, #tpu.memory_space<semaphore_mem>>) src(%dma_wait3A_292 : memref<64x64xf32, #tpu.memory_space<hbm>>) dst(%arg23 : memref<64x64xf32, #tpu.memory_space<vmem>>)
    %dma_wait3A_293 = arith.constant 0 : i32
    %dma_wait3A_294 = arith.constant 0 : i32
    %dma_wait3A_295 = tpu.memref_slice %arg5[%dma_wait3A_293, %dma_wait3A_294] : memref<100000x64xf32, #tpu.memory_space<hbm>> -> memref<64x64xf32, #tpu.memory_space<hbm>>
    %dma_wait3A_296 = arith.constant 0 : i32
    %dma_wait3A_297 = arith.constant 0 : i32
    %dma_wait3A_298 = tpu.memref_slice %arg5[%dma_wait3A_296, %dma_wait3A_297] : memref<100000x64xf32, #tpu.memory_space<hbm>> -> memref<64x64xf32, #tpu.memory_space<hbm>>
    tpu.wait_dma2 semaphore(%arg31 : memref<!tpu.dma_semaphore, #tpu.memory_space<semaphore_mem>>) src(%dma_wait3A_298 : memref<64x64xf32, #tpu.memory_space<hbm>>) dst(%arg24 : memref<64x64xf32, #tpu.memory_space<vmem>>)
    %dma_wait3A_299 = arith.constant 0 : i32
    %dma_wait3A_300 = arith.constant 0 : i32
    %dma_wait3A_301 = tpu.memref_slice %arg5[%dma_wait3A_299, %dma_wait3A_300] : memref<100000x64xf32, #tpu.memory_space<hbm>> -> memref<64x64xf32, #tpu.memory_space<hbm>>
    %dma_wait3A_302 = arith.constant 0 : i32
    %dma_wait3A_303 = arith.constant 0 : i32
    %dma_wait3A_304 = tpu.memref_slice %arg5[%dma_wait3A_302, %dma_wait3A_303] : memref<100000x64xf32, #tpu.memory_space<hbm>> -> memref<64x64xf32, #tpu.memory_space<hbm>>
    tpu.wait_dma2 semaphore(%arg31 : memref<!tpu.dma_semaphore, #tpu.memory_space<semaphore_mem>>) src(%dma_wait3A_304 : memref<64x64xf32, #tpu.memory_space<hbm>>) dst(%arg25 : memref<64x64xf32, #tpu.memory_space<vmem>>)
    %dma_wait3A_305 = arith.constant 0 : i32
    %dma_wait3A_306 = arith.constant 0 : i32
    %dma_wait3A_307 = tpu.memref_slice %arg5[%dma_wait3A_305, %dma_wait3A_306] : memref<100000x64xf32, #tpu.memory_space<hbm>> -> memref<64x64xf32, #tpu.memory_space<hbm>>
    %dma_wait3A_308 = arith.constant 0 : i32
    %dma_wait3A_309 = arith.constant 0 : i32
    %dma_wait3A_310 = tpu.memref_slice %arg5[%dma_wait3A_308, %dma_wait3A_309] : memref<100000x64xf32, #tpu.memory_space<hbm>> -> memref<64x64xf32, #tpu.memory_space<hbm>>
    tpu.wait_dma2 semaphore(%arg31 : memref<!tpu.dma_semaphore, #tpu.memory_space<semaphore_mem>>) src(%dma_wait3A_310 : memref<64x64xf32, #tpu.memory_space<hbm>>) dst(%arg26 : memref<64x64xf32, #tpu.memory_space<vmem>>)
    %dma_wait3A_311 = arith.constant 0 : i32
    %dma_wait3A_312 = arith.constant 0 : i32
    %dma_wait3A_313 = tpu.memref_slice %arg5[%dma_wait3A_311, %dma_wait3A_312] : memref<100000x64xf32, #tpu.memory_space<hbm>> -> memref<64x64xf32, #tpu.memory_space<hbm>>
    %dma_wait3A_314 = arith.constant 0 : i32
    %dma_wait3A_315 = arith.constant 0 : i32
    %dma_wait3A_316 = tpu.memref_slice %arg5[%dma_wait3A_314, %dma_wait3A_315] : memref<100000x64xf32, #tpu.memory_space<hbm>> -> memref<64x64xf32, #tpu.memory_space<hbm>>
    tpu.wait_dma2 semaphore(%arg31 : memref<!tpu.dma_semaphore, #tpu.memory_space<semaphore_mem>>) src(%dma_wait3A_316 : memref<64x64xf32, #tpu.memory_space<hbm>>) dst(%arg27 : memref<64x64xf32, #tpu.memory_space<vmem>>)
    %add3A_317 = arith.constant 320 : i32
    %add3A_318 = arith.addi %mul3A_2, %add3A_317 : i32
    %scan3A_319 = arith.constant 0 : i32
    %scan3A_320 = arith.constant 64 : i32
    %scan3A_321 = arith.addi %scan3A_319, %scan3A_320 : i32
    %scan3A_322 = arith.constant 1 : i32
    %scan3A_323:3 = scf.for %scan3A_429 = %scan3A_319 to %scan3A_321 step %scan3A_322 iter_args(%scan3A_430 = %scan3A_270#0, %scan3A_431 = %scan3A_270#1, %scan3A_432 = %scan3A_270#2) -> (vector<16xf32>, vector<16xf32>, vector<16xf32>)  : i32 {
      %broadcast_in_dim3A_433 = arith.constant 0.000000e+00 : f32
      %broadcast_in_dim3A_434 = vector.broadcast %broadcast_in_dim3A_433 : f32 to vector<16xf32>
      %get3A = arith.index_cast %scan3A_429 : i32 to index
      %get3A_435 = arith.constant 0 : index
      %get3A_436 = tpu.vector_load %arg22[%get3A, %get3A_435] {strides = array<i32>} : memref<64x64xf32, #tpu.memory_space<vmem>>, vector<16xf32>,
      %get3A_437 = arith.index_cast %scan3A_429 : i32 to index
      %get3A_438 = arith.constant 0 : index
      %get3A_439 = tpu.vector_load %arg23[%get3A_437, %get3A_438] {strides = array<i32>} : memref<64x64xf32, #tpu.memory_space<vmem>>, vector<16xf32>,
      %get3A_440 = arith.index_cast %scan3A_429 : i32 to index
      %get3A_441 = arith.constant 0 : index
      %get3A_442 = tpu.vector_load %arg24[%get3A_440, %get3A_441] {strides = array<i32>} : memref<64x64xf32, #tpu.memory_space<vmem>>, vector<16xf32>,
      %get3A_443 = arith.index_cast %scan3A_429 : i32 to index
      %get3A_444 = arith.constant 0 : index
      %get3A_445 = tpu.vector_load %arg25[%get3A_443, %get3A_444] {strides = array<i32>} : memref<64x64xf32, #tpu.memory_space<vmem>>, vector<16xf32>,
      %get3A_446 = arith.index_cast %scan3A_429 : i32 to index
      %get3A_447 = arith.constant 0 : index
      %get3A_448 = tpu.vector_load %arg26[%get3A_446, %get3A_447] {strides = array<i32>} : memref<64x64xf32, #tpu.memory_space<vmem>>, vector<16xf32>,
      %get3A_449 = arith.index_cast %scan3A_429 : i32 to index
      %get3A_450 = arith.constant 0 : index
      %get3A_451 = tpu.vector_load %arg27[%get3A_449, %get3A_450] {strides = array<i32>} : memref<64x64xf32, #tpu.memory_space<vmem>>, vector<16xf32>,
      %mul3A_452 = arith.mulf %get3A_436, %get3A_442 : vector<16xf32>
      %mul3A_453 = arith.mulf %get3A_439, %get3A_445 : vector<16xf32>
      %add3A_454 = arith.addf %mul3A_452, %mul3A_453 : vector<16xf32>
      %mul3A_455 = arith.mulf %get3A_448, %add3A_454 : vector<16xf32>
      %add3A_456 = arith.addf %broadcast_in_dim3A_434, %mul3A_455 : vector<16xf32>
      %mul3A_457 = arith.mulf %get3A_436, %get3A_445 : vector<16xf32>
      %mul3A_458 = arith.mulf %get3A_439, %get3A_442 : vector<16xf32>
      %sub3A = arith.subf %mul3A_457, %mul3A_458 : vector<16xf32>
      %mul3A_459 = arith.mulf %get3A_451, %sub3A : vector<16xf32>
      %add3A_460 = arith.addf %add3A_456, %mul3A_459 : vector<16xf32>
      %mul3A_461 = arith.mulf %get3A_436, %get3A_436 : vector<16xf32>
      %mul3A_462 = arith.mulf %get3A_439, %get3A_439 : vector<16xf32>
      %add3A_463 = arith.addf %mul3A_461, %mul3A_462 : vector<16xf32>
      %add3A_464 = arith.addf %scan3A_430, %add3A_463 : vector<16xf32>
      %mul3A_465 = arith.mulf %get3A_442, %get3A_442 : vector<16xf32>
      %mul3A_466 = arith.mulf %get3A_445, %get3A_445 : vector<16xf32>
      %add3A_467 = arith.addf %mul3A_465, %mul3A_466 : vector<16xf32>
      %add3A_468 = arith.addf %scan3A_431, %add3A_467 : vector<16xf32>
      %mul3A_469 = arith.mulf %get3A_448, %get3A_448 : vector<16xf32>
      %mul3A_470 = arith.mulf %get3A_451, %get3A_451 : vector<16xf32>
      %add3A_471 = arith.addf %mul3A_469, %mul3A_470 : vector<16xf32>
      %add3A_472 = arith.addf %scan3A_432, %add3A_471 : vector<16xf32>
      %get3A_473 = arith.index_cast %scan3A_429 : i32 to index
      %get3A_474 = arith.constant 16 : index
      %get3A_475 = tpu.vector_load %arg22[%get3A_473, %get3A_474] {strides = array<i32>} : memref<64x64xf32, #tpu.memory_space<vmem>>, vector<16xf32>,
      %get3A_476 = arith.index_cast %scan3A_429 : i32 to index
      %get3A_477 = arith.constant 16 : index
      %get3A_478 = tpu.vector_load %arg23[%get3A_476, %get3A_477] {strides = array<i32>} : memref<64x64xf32, #tpu.memory_space<vmem>>, vector<16xf32>,
      %get3A_479 = arith.index_cast %scan3A_429 : i32 to index
      %get3A_480 = arith.constant 16 : index
      %get3A_481 = tpu.vector_load %arg24[%get3A_479, %get3A_480] {strides = array<i32>} : memref<64x64xf32, #tpu.memory_space<vmem>>, vector<16xf32>,
      %get3A_482 = arith.index_cast %scan3A_429 : i32 to index
      %get3A_483 = arith.constant 16 : index
      %get3A_484 = tpu.vector_load %arg25[%get3A_482, %get3A_483] {strides = array<i32>} : memref<64x64xf32, #tpu.memory_space<vmem>>, vector<16xf32>,
      %get3A_485 = arith.index_cast %scan3A_429 : i32 to index
      %get3A_486 = arith.constant 16 : index
      %get3A_487 = tpu.vector_load %arg26[%get3A_485, %get3A_486] {strides = array<i32>} : memref<64x64xf32, #tpu.memory_space<vmem>>, vector<16xf32>,
      %get3A_488 = arith.index_cast %scan3A_429 : i32 to index
      %get3A_489 = arith.constant 16 : index
      %get3A_490 = tpu.vector_load %arg27[%get3A_488, %get3A_489] {strides = array<i32>} : memref<64x64xf32, #tpu.memory_space<vmem>>, vector<16xf32>,
      %mul3A_491 = arith.mulf %get3A_475, %get3A_481 : vector<16xf32>
      %mul3A_492 = arith.mulf %get3A_478, %get3A_484 : vector<16xf32>
      %add3A_493 = arith.addf %mul3A_491, %mul3A_492 : vector<16xf32>
      %mul3A_494 = arith.mulf %get3A_487, %add3A_493 : vector<16xf32>
      %add3A_495 = arith.addf %add3A_460, %mul3A_494 : vector<16xf32>
      %mul3A_496 = arith.mulf %get3A_475, %get3A_484 : vector<16xf32>
      %mul3A_497 = arith.mulf %get3A_478, %get3A_481 : vector<16xf32>
      %sub3A_498 = arith.subf %mul3A_496, %mul3A_497 : vector<16xf32>
      %mul3A_499 = arith.mulf %get3A_490, %sub3A_498 : vector<16xf32>
      %add3A_500 = arith.addf %add3A_495, %mul3A_499 : vector<16xf32>
      %mul3A_501 = arith.mulf %get3A_475, %get3A_475 : vector<16xf32>
      %mul3A_502 = arith.mulf %get3A_478, %get3A_478 : vector<16xf32>
      %add3A_503 = arith.addf %mul3A_501, %mul3A_502 : vector<16xf32>
      %add3A_504 = arith.addf %add3A_464, %add3A_503 : vector<16xf32>
      %mul3A_505 = arith.mulf %get3A_481, %get3A_481 : vector<16xf32>
      %mul3A_506 = arith.mulf %get3A_484, %get3A_484 : vector<16xf32>
      %add3A_507 = arith.addf %mul3A_505, %mul3A_506 : vector<16xf32>
      %add3A_508 = arith.addf %add3A_468, %add3A_507 : vector<16xf32>
      %mul3A_509 = arith.mulf %get3A_487, %get3A_487 : vector<16xf32>
      %mul3A_510 = arith.mulf %get3A_490, %get3A_490 : vector<16xf32>
      %add3A_511 = arith.addf %mul3A_509, %mul3A_510 : vector<16xf32>
      %add3A_512 = arith.addf %add3A_472, %add3A_511 : vector<16xf32>
      %get3A_513 = arith.index_cast %scan3A_429 : i32 to index
      %get3A_514 = arith.constant 32 : index
      %get3A_515 = tpu.vector_load %arg22[%get3A_513, %get3A_514] {strides = array<i32>} : memref<64x64xf32, #tpu.memory_space<vmem>>, vector<16xf32>,
      %get3A_516 = arith.index_cast %scan3A_429 : i32 to index
      %get3A_517 = arith.constant 32 : index
      %get3A_518 = tpu.vector_load %arg23[%get3A_516, %get3A_517] {strides = array<i32>} : memref<64x64xf32, #tpu.memory_space<vmem>>, vector<16xf32>,
      %get3A_519 = arith.index_cast %scan3A_429 : i32 to index
      %get3A_520 = arith.constant 32 : index
      %get3A_521 = tpu.vector_load %arg24[%get3A_519, %get3A_520] {strides = array<i32>} : memref<64x64xf32, #tpu.memory_space<vmem>>, vector<16xf32>,
      %get3A_522 = arith.index_cast %scan3A_429 : i32 to index
      %get3A_523 = arith.constant 32 : index
      %get3A_524 = tpu.vector_load %arg25[%get3A_522, %get3A_523] {strides = array<i32>} : memref<64x64xf32, #tpu.memory_space<vmem>>, vector<16xf32>,
      %get3A_525 = arith.index_cast %scan3A_429 : i32 to index
      %get3A_526 = arith.constant 32 : index
      %get3A_527 = tpu.vector_load %arg26[%get3A_525, %get3A_526] {strides = array<i32>} : memref<64x64xf32, #tpu.memory_space<vmem>>, vector<16xf32>,
      %get3A_528 = arith.index_cast %scan3A_429 : i32 to index
      %get3A_529 = arith.constant 32 : index
      %get3A_530 = tpu.vector_load %arg27[%get3A_528, %get3A_529] {strides = array<i32>} : memref<64x64xf32, #tpu.memory_space<vmem>>, vector<16xf32>,
      %mul3A_531 = arith.mulf %get3A_515, %get3A_521 : vector<16xf32>
      %mul3A_532 = arith.mulf %get3A_518, %get3A_524 : vector<16xf32>
      %add3A_533 = arith.addf %mul3A_531, %mul3A_532 : vector<16xf32>
      %mul3A_534 = arith.mulf %get3A_527, %add3A_533 : vector<16xf32>
      %add3A_535 = arith.addf %add3A_500, %mul3A_534 : vector<16xf32>
      %mul3A_536 = arith.mulf %get3A_515, %get3A_524 : vector<16xf32>
      %mul3A_537 = arith.mulf %get3A_518, %get3A_521 : vector<16xf32>
      %sub3A_538 = arith.subf %mul3A_536, %mul3A_537 : vector<16xf32>
      %mul3A_539 = arith.mulf %get3A_530, %sub3A_538 : vector<16xf32>
      %add3A_540 = arith.addf %add3A_535, %mul3A_539 : vector<16xf32>
      %mul3A_541 = arith.mulf %get3A_515, %get3A_515 : vector<16xf32>
      %mul3A_542 = arith.mulf %get3A_518, %get3A_518 : vector<16xf32>
      %add3A_543 = arith.addf %mul3A_541, %mul3A_542 : vector<16xf32>
      %add3A_544 = arith.addf %add3A_504, %add3A_543 : vector<16xf32>
      %mul3A_545 = arith.mulf %get3A_521, %get3A_521 : vector<16xf32>
      %mul3A_546 = arith.mulf %get3A_524, %get3A_524 : vector<16xf32>
      %add3A_547 = arith.addf %mul3A_545, %mul3A_546 : vector<16xf32>
      %add3A_548 = arith.addf %add3A_508, %add3A_547 : vector<16xf32>
      %mul3A_549 = arith.mulf %get3A_527, %get3A_527 : vector<16xf32>
      %mul3A_550 = arith.mulf %get3A_530, %get3A_530 : vector<16xf32>
      %add3A_551 = arith.addf %mul3A_549, %mul3A_550 : vector<16xf32>
      %add3A_552 = arith.addf %add3A_512, %add3A_551 : vector<16xf32>
      %get3A_553 = arith.index_cast %scan3A_429 : i32 to index
      %get3A_554 = arith.constant 48 : index
      %get3A_555 = tpu.vector_load %arg22[%get3A_553, %get3A_554] {strides = array<i32>} : memref<64x64xf32, #tpu.memory_space<vmem>>, vector<16xf32>,
      %get3A_556 = arith.index_cast %scan3A_429 : i32 to index
      %get3A_557 = arith.constant 48 : index
      %get3A_558 = tpu.vector_load %arg23[%get3A_556, %get3A_557] {strides = array<i32>} : memref<64x64xf32, #tpu.memory_space<vmem>>, vector<16xf32>,
      %get3A_559 = arith.index_cast %scan3A_429 : i32 to index
      %get3A_560 = arith.constant 48 : index
      %get3A_561 = tpu.vector_load %arg24[%get3A_559, %get3A_560] {strides = array<i32>} : memref<64x64xf32, #tpu.memory_space<vmem>>, vector<16xf32>,
      %get3A_562 = arith.index_cast %scan3A_429 : i32 to index
      %get3A_563 = arith.constant 48 : index
      %get3A_564 = tpu.vector_load %arg25[%get3A_562, %get3A_563] {strides = array<i32>} : memref<64x64xf32, #tpu.memory_space<vmem>>, vector<16xf32>,
      %get3A_565 = arith.index_cast %scan3A_429 : i32 to index
      %get3A_566 = arith.constant 48 : index
      %get3A_567 = tpu.vector_load %arg26[%get3A_565, %get3A_566] {strides = array<i32>} : memref<64x64xf32, #tpu.memory_space<vmem>>, vector<16xf32>,
      %get3A_568 = arith.index_cast %scan3A_429 : i32 to index
      %get3A_569 = arith.constant 48 : index
      %get3A_570 = tpu.vector_load %arg27[%get3A_568, %get3A_569] {strides = array<i32>} : memref<64x64xf32, #tpu.memory_space<vmem>>, vector<16xf32>,
      %mul3A_571 = arith.mulf %get3A_555, %get3A_561 : vector<16xf32>
      %mul3A_572 = arith.mulf %get3A_558, %get3A_564 : vector<16xf32>
      %add3A_573 = arith.addf %mul3A_571, %mul3A_572 : vector<16xf32>
      %mul3A_574 = arith.mulf %get3A_567, %add3A_573 : vector<16xf32>
      %add3A_575 = arith.addf %add3A_540, %mul3A_574 : vector<16xf32>
      %mul3A_576 = arith.mulf %get3A_555, %get3A_564 : vector<16xf32>
      %mul3A_577 = arith.mulf %get3A_558, %get3A_561 : vector<16xf32>
      %sub3A_578 = arith.subf %mul3A_576, %mul3A_577 : vector<16xf32>
      %mul3A_579 = arith.mulf %get3A_570, %sub3A_578 : vector<16xf32>
      %add3A_580 = arith.addf %add3A_575, %mul3A_579 : vector<16xf32>
      %mul3A_581 = arith.mulf %get3A_555, %get3A_555 : vector<16xf32>
      %mul3A_582 = arith.mulf %get3A_558, %get3A_558 : vector<16xf32>
      %add3A_583 = arith.addf %mul3A_581, %mul3A_582 : vector<16xf32>
      %add3A_584 = arith.addf %add3A_544, %add3A_583 : vector<16xf32>
      %mul3A_585 = arith.mulf %get3A_561, %get3A_561 : vector<16xf32>
      %mul3A_586 = arith.mulf %get3A_564, %get3A_564 : vector<16xf32>
      %add3A_587 = arith.addf %mul3A_585, %mul3A_586 : vector<16xf32>
      %add3A_588 = arith.addf %add3A_548, %add3A_587 : vector<16xf32>
      %mul3A_589 = arith.mulf %get3A_567, %get3A_567 : vector<16xf32>
      %mul3A_590 = arith.mulf %get3A_570, %get3A_570 : vector<16xf32>
      %add3A_591 = arith.addf %mul3A_589, %mul3A_590 : vector<16xf32>
      %add3A_592 = arith.addf %add3A_552, %add3A_591 : vector<16xf32>
      %mul3A_593 = arith.constant 16 : i32
      %mul3A_594 = arith.muli %scan3A_429, %mul3A_593 : i32
      %swap3A_595 = arith.index_cast %mul3A_594 : i32 to index
      %swap3A_596 = tpu.vector_load %arg28[%swap3A_595] {strides = array<i32>} : memref<1024xf32, #tpu.memory_space<vmem>>, vector<16xf32>,
      tpu.vector_store %arg28[%swap3A_595], %add3A_580 {strides = array<i32>} : memref<1024xf32, #tpu.memory_space<vmem>>, vector<16xf32>,
      scf.yield %add3A_584, %add3A_588, %add3A_592 : vector<16xf32>, vector<16xf32>, vector<16xf32>
    }
    %scan3A_324 = arith.constant 64 : i32
    %mul3A_325 = arith.constant 16 : i32
    %mul3A_326 = arith.muli %add3A_318, %mul3A_325 : i32
    "tpu.region"() ({
      %run_scoped3A = tpu.sem_alloc : memref<!tpu.dma_semaphore, #tpu.memory_space<semaphore_mem>>
      %dma_start3A = tpu.memref_slice %arg9[%mul3A_326] : memref<262144xf32, #tpu.memory_space<hbm>> -> memref<1024xf32, #tpu.memory_space<hbm>>
      %dma_start3A_429 = tpu.memref_slice %arg9[%mul3A_326] : memref<262144xf32, #tpu.memory_space<hbm>> -> memref<1024xf32, #tpu.memory_space<hbm>>
      tpu.enqueue_dma source(%arg28 : memref<1024xf32, #tpu.memory_space<vmem>>) target(%dma_start3A_429 : memref<1024xf32, #tpu.memory_space<hbm>>) target_semaphore(%run_scoped3A : memref<!tpu.dma_semaphore, #tpu.memory_space<semaphore_mem>>)
      %dma_wait3A_430 = tpu.memref_slice %arg9[%mul3A_326] : memref<262144xf32, #tpu.memory_space<hbm>> -> memref<1024xf32, #tpu.memory_space<hbm>>
      %dma_wait3A_431 = tpu.memref_slice %arg9[%mul3A_326] : memref<262144xf32, #tpu.memory_space<hbm>> -> memref<1024xf32, #tpu.memory_space<hbm>>
      tpu.wait_dma2 semaphore(%run_scoped3A : memref<!tpu.dma_semaphore, #tpu.memory_space<semaphore_mem>>) src(%arg28 : memref<1024xf32, #tpu.memory_space<vmem>>) dst(%dma_wait3A_431 : memref<1024xf32, #tpu.memory_space<hbm>>)
      tpu.yield
    }) : () -> ()
    %scan3A_327 = arith.constant 0 : i32
    %scan3A_328 = arith.constant 0 : i32
    %scan3A_329 = arith.constant 64 : i32
    %scan3A_330 = arith.addi %scan3A_328, %scan3A_329 : i32
    %scan3A_331 = arith.constant 1 : i32
    %scan3A_332 = scf.for %scan3A_429 = %scan3A_328 to %scan3A_330 step %scan3A_331 iter_args(%scan3A_430 = %scan3A_327) -> (i32)  : i32 {
      %add3A_431 = arith.constant 448 : i32
      %add3A_432 = arith.addi %add3A_431, %scan3A_429 : i32
      %get3A = arith.index_cast %add3A_432 : i32 to index
      %get3A_433 = memref.load %arg11[%get3A] : memref<1536xi32, #tpu.memory_space<smem>>
      %add3A_434 = arith.constant 960 : i32
      %add3A_435 = arith.addi %add3A_434, %scan3A_429 : i32
      %get3A_436 = arith.index_cast %add3A_435 : i32 to index
      %get3A_437 = memref.load %arg11[%get3A_436] : memref<1536xi32, #tpu.memory_space<smem>>
      %add3A_438 = arith.constant 1472 : i32
      %add3A_439 = arith.addi %add3A_438, %scan3A_429 : i32
      %get3A_440 = arith.index_cast %add3A_439 : i32 to index
      %get3A_441 = memref.load %arg11[%get3A_440] : memref<1536xi32, #tpu.memory_space<smem>>
      %dma_start3A = arith.constant 0 : i32
      %dma_start3A_442 = tpu.memref_slice %arg22[%scan3A_429, %dma_start3A] : memref<64x64xf32, #tpu.memory_space<vmem>> -> memref<1x64xf32, #tpu.memory_space<vmem>>
      %dma_start3A_443 = tpu.memref_squeeze %dma_start3A_442 : memref<1x64xf32, #tpu.memory_space<vmem>> -> memref<64xf32, #tpu.memory_space<vmem>>
      %dma_start3A_444 = arith.constant 0 : i32
      %dma_start3A_445 = tpu.memref_slice %arg5[%get3A_433, %dma_start3A_444] : memref<100000x64xf32, #tpu.memory_space<hbm>> -> memref<1x64xf32, #tpu.memory_space<hbm>>
      %dma_start3A_446 = tpu.memref_squeeze %dma_start3A_445 : memref<1x64xf32, #tpu.memory_space<hbm>> -> memref<64xf32, #tpu.memory_space<hbm>>
      %dma_start3A_447 = arith.constant 0 : i32
      %dma_start3A_448 = tpu.memref_slice %arg22[%scan3A_429, %dma_start3A_447] : memref<64x64xf32, #tpu.memory_space<vmem>> -> memref<1x64xf32, #tpu.memory_space<vmem>>
      %dma_start3A_449 = tpu.memref_squeeze %dma_start3A_448 : memref<1x64xf32, #tpu.memory_space<vmem>> -> memref<64xf32, #tpu.memory_space<vmem>>
      %dma_start3A_450 = arith.constant 0 : i32
      %dma_start3A_451 = tpu.memref_slice %arg5[%get3A_433, %dma_start3A_450] : memref<100000x64xf32, #tpu.memory_space<hbm>> -> memref<1x64xf32, #tpu.memory_space<hbm>>
      %dma_start3A_452 = tpu.memref_squeeze %dma_start3A_451 : memref<1x64xf32, #tpu.memory_space<hbm>> -> memref<64xf32, #tpu.memory_space<hbm>>
      tpu.enqueue_dma source(%dma_start3A_452 : memref<64xf32, #tpu.memory_space<hbm>>) target(%dma_start3A_449 : memref<64xf32, #tpu.memory_space<vmem>>) target_semaphore(%arg31 : memref<!tpu.dma_semaphore, #tpu.memory_space<semaphore_mem>>)
      %dma_start3A_453 = arith.constant 0 : i32
      %dma_start3A_454 = tpu.memref_slice %arg23[%scan3A_429, %dma_start3A_453] : memref<64x64xf32, #tpu.memory_space<vmem>> -> memref<1x64xf32, #tpu.memory_space<vmem>>
      %dma_start3A_455 = tpu.memref_squeeze %dma_start3A_454 : memref<1x64xf32, #tpu.memory_space<vmem>> -> memref<64xf32, #tpu.memory_space<vmem>>
      %dma_start3A_456 = arith.constant 0 : i32
      %dma_start3A_457 = tpu.memref_slice %arg6[%get3A_433, %dma_start3A_456] : memref<100000x64xf32, #tpu.memory_space<hbm>> -> memref<1x64xf32, #tpu.memory_space<hbm>>
      %dma_start3A_458 = tpu.memref_squeeze %dma_start3A_457 : memref<1x64xf32, #tpu.memory_space<hbm>> -> memref<64xf32, #tpu.memory_space<hbm>>
      %dma_start3A_459 = arith.constant 0 : i32
      %dma_start3A_460 = tpu.memref_slice %arg23[%scan3A_429, %dma_start3A_459] : memref<64x64xf32, #tpu.memory_space<vmem>> -> memref<1x64xf32, #tpu.memory_space<vmem>>
      %dma_start3A_461 = tpu.memref_squeeze %dma_start3A_460 : memref<1x64xf32, #tpu.memory_space<vmem>> -> memref<64xf32, #tpu.memory_space<vmem>>
      %dma_start3A_462 = arith.constant 0 : i32
      %dma_start3A_463 = tpu.memref_slice %arg6[%get3A_433, %dma_start3A_462] : memref<100000x64xf32, #tpu.memory_space<hbm>> -> memref<1x64xf32, #tpu.memory_space<hbm>>
      %dma_start3A_464 = tpu.memref_squeeze %dma_start3A_463 : memref<1x64xf32, #tpu.memory_space<hbm>> -> memref<64xf32, #tpu.memory_space<hbm>>
      tpu.enqueue_dma source(%dma_start3A_464 : memref<64xf32, #tpu.memory_space<hbm>>) target(%dma_start3A_461 : memref<64xf32, #tpu.memory_space<vmem>>) target_semaphore(%arg31 : memref<!tpu.dma_semaphore, #tpu.memory_space<semaphore_mem>>)
      %dma_start3A_465 = arith.constant 0 : i32
      %dma_start3A_466 = tpu.memref_slice %arg24[%scan3A_429, %dma_start3A_465] : memref<64x64xf32, #tpu.memory_space<vmem>> -> memref<1x64xf32, #tpu.memory_space<vmem>>
      %dma_start3A_467 = tpu.memref_squeeze %dma_start3A_466 : memref<1x64xf32, #tpu.memory_space<vmem>> -> memref<64xf32, #tpu.memory_space<vmem>>
      %dma_start3A_468 = arith.constant 0 : i32
      %dma_start3A_469 = tpu.memref_slice %arg5[%get3A_441, %dma_start3A_468] : memref<100000x64xf32, #tpu.memory_space<hbm>> -> memref<1x64xf32, #tpu.memory_space<hbm>>
      %dma_start3A_470 = tpu.memref_squeeze %dma_start3A_469 : memref<1x64xf32, #tpu.memory_space<hbm>> -> memref<64xf32, #tpu.memory_space<hbm>>
      %dma_start3A_471 = arith.constant 0 : i32
      %dma_start3A_472 = tpu.memref_slice %arg24[%scan3A_429, %dma_start3A_471] : memref<64x64xf32, #tpu.memory_space<vmem>> -> memref<1x64xf32, #tpu.memory_space<vmem>>
      %dma_start3A_473 = tpu.memref_squeeze %dma_start3A_472 : memref<1x64xf32, #tpu.memory_space<vmem>> -> memref<64xf32, #tpu.memory_space<vmem>>
      %dma_start3A_474 = arith.constant 0 : i32
      %dma_start3A_475 = tpu.memref_slice %arg5[%get3A_441, %dma_start3A_474] : memref<100000x64xf32, #tpu.memory_space<hbm>> -> memref<1x64xf32, #tpu.memory_space<hbm>>
      %dma_start3A_476 = tpu.memref_squeeze %dma_start3A_475 : memref<1x64xf32, #tpu.memory_space<hbm>> -> memref<64xf32, #tpu.memory_space<hbm>>
      tpu.enqueue_dma source(%dma_start3A_476 : memref<64xf32, #tpu.memory_space<hbm>>) target(%dma_start3A_473 : memref<64xf32, #tpu.memory_space<vmem>>) target_semaphore(%arg31 : memref<!tpu.dma_semaphore, #tpu.memory_space<semaphore_mem>>)
      %dma_start3A_477 = arith.constant 0 : i32
      %dma_start3A_478 = tpu.memref_slice %arg25[%scan3A_429, %dma_start3A_477] : memref<64x64xf32, #tpu.memory_space<vmem>> -> memref<1x64xf32, #tpu.memory_space<vmem>>
      %dma_start3A_479 = tpu.memref_squeeze %dma_start3A_478 : memref<1x64xf32, #tpu.memory_space<vmem>> -> memref<64xf32, #tpu.memory_space<vmem>>
      %dma_start3A_480 = arith.constant 0 : i32
      %dma_start3A_481 = tpu.memref_slice %arg6[%get3A_441, %dma_start3A_480] : memref<100000x64xf32, #tpu.memory_space<hbm>> -> memref<1x64xf32, #tpu.memory_space<hbm>>
      %dma_start3A_482 = tpu.memref_squeeze %dma_start3A_481 : memref<1x64xf32, #tpu.memory_space<hbm>> -> memref<64xf32, #tpu.memory_space<hbm>>
      %dma_start3A_483 = arith.constant 0 : i32
      %dma_start3A_484 = tpu.memref_slice %arg25[%scan3A_429, %dma_start3A_483] : memref<64x64xf32, #tpu.memory_space<vmem>> -> memref<1x64xf32, #tpu.memory_space<vmem>>
      %dma_start3A_485 = tpu.memref_squeeze %dma_start3A_484 : memref<1x64xf32, #tpu.memory_space<vmem>> -> memref<64xf32, #tpu.memory_space<vmem>>
      %dma_start3A_486 = arith.constant 0 : i32
      %dma_start3A_487 = tpu.memref_slice %arg6[%get3A_441, %dma_start3A_486] : memref<100000x64xf32, #tpu.memory_space<hbm>> -> memref<1x64xf32, #tpu.memory_space<hbm>>
      %dma_start3A_488 = tpu.memref_squeeze %dma_start3A_487 : memref<1x64xf32, #tpu.memory_space<hbm>> -> memref<64xf32, #tpu.memory_space<hbm>>
      tpu.enqueue_dma source(%dma_start3A_488 : memref<64xf32, #tpu.memory_space<hbm>>) target(%dma_start3A_485 : memref<64xf32, #tpu.memory_space<vmem>>) target_semaphore(%arg31 : memref<!tpu.dma_semaphore, #tpu.memory_space<semaphore_mem>>)
      %dma_start3A_489 = arith.constant 0 : i32
      %dma_start3A_490 = tpu.memref_slice %arg26[%scan3A_429, %dma_start3A_489] : memref<64x64xf32, #tpu.memory_space<vmem>> -> memref<1x64xf32, #tpu.memory_space<vmem>>
      %dma_start3A_491 = tpu.memref_squeeze %dma_start3A_490 : memref<1x64xf32, #tpu.memory_space<vmem>> -> memref<64xf32, #tpu.memory_space<vmem>>
      %dma_start3A_492 = arith.constant 0 : i32
      %dma_start3A_493 = tpu.memref_slice %arg7[%get3A_437, %dma_start3A_492] : memref<100000x64xf32, #tpu.memory_space<hbm>> -> memref<1x64xf32, #tpu.memory_space<hbm>>
      %dma_start3A_494 = tpu.memref_squeeze %dma_start3A_493 : memref<1x64xf32, #tpu.memory_space<hbm>> -> memref<64xf32, #tpu.memory_space<hbm>>
      %dma_start3A_495 = arith.constant 0 : i32
      %dma_start3A_496 = tpu.memref_slice %arg26[%scan3A_429, %dma_start3A_495] : memref<64x64xf32, #tpu.memory_space<vmem>> -> memref<1x64xf32, #tpu.memory_space<vmem>>
      %dma_start3A_497 = tpu.memref_squeeze %dma_start3A_496 : memref<1x64xf32, #tpu.memory_space<vmem>> -> memref<64xf32, #tpu.memory_space<vmem>>
      %dma_start3A_498 = arith.constant 0 : i32
      %dma_start3A_499 = tpu.memref_slice %arg7[%get3A_437, %dma_start3A_498] : memref<100000x64xf32, #tpu.memory_space<hbm>> -> memref<1x64xf32, #tpu.memory_space<hbm>>
      %dma_start3A_500 = tpu.memref_squeeze %dma_start3A_499 : memref<1x64xf32, #tpu.memory_space<hbm>> -> memref<64xf32, #tpu.memory_space<hbm>>
      tpu.enqueue_dma source(%dma_start3A_500 : memref<64xf32, #tpu.memory_space<hbm>>) target(%dma_start3A_497 : memref<64xf32, #tpu.memory_space<vmem>>) target_semaphore(%arg31 : memref<!tpu.dma_semaphore, #tpu.memory_space<semaphore_mem>>)
      %dma_start3A_501 = arith.constant 0 : i32
      %dma_start3A_502 = tpu.memref_slice %arg27[%scan3A_429, %dma_start3A_501] : memref<64x64xf32, #tpu.memory_space<vmem>> -> memref<1x64xf32, #tpu.memory_space<vmem>>
      %dma_start3A_503 = tpu.memref_squeeze %dma_start3A_502 : memref<1x64xf32, #tpu.memory_space<vmem>> -> memref<64xf32, #tpu.memory_space<vmem>>
      %dma_start3A_504 = arith.constant 0 : i32
      %dma_start3A_505 = tpu.memref_slice %arg8[%get3A_437, %dma_start3A_504] : memref<100000x64xf32, #tpu.memory_space<hbm>> -> memref<1x64xf32, #tpu.memory_space<hbm>>
      %dma_start3A_506 = tpu.memref_squeeze %dma_start3A_505 : memref<1x64xf32, #tpu.memory_space<hbm>> -> memref<64xf32, #tpu.memory_space<hbm>>
      %dma_start3A_507 = arith.constant 0 : i32
      %dma_start3A_508 = tpu.memref_slice %arg27[%scan3A_429, %dma_start3A_507] : memref<64x64xf32, #tpu.memory_space<vmem>> -> memref<1x64xf32, #tpu.memory_space<vmem>>
      %dma_start3A_509 = tpu.memref_squeeze %dma_start3A_508 : memref<1x64xf32, #tpu.memory_space<vmem>> -> memref<64xf32, #tpu.memory_space<vmem>>
      %dma_start3A_510 = arith.constant 0 : i32
      %dma_start3A_511 = tpu.memref_slice %arg8[%get3A_437, %dma_start3A_510] : memref<100000x64xf32, #tpu.memory_space<hbm>> -> memref<1x64xf32, #tpu.memory_space<hbm>>
      %dma_start3A_512 = tpu.memref_squeeze %dma_start3A_511 : memref<1x64xf32, #tpu.memory_space<hbm>> -> memref<64xf32, #tpu.memory_space<hbm>>
      tpu.enqueue_dma source(%dma_start3A_512 : memref<64xf32, #tpu.memory_space<hbm>>) target(%dma_start3A_509 : memref<64xf32, #tpu.memory_space<vmem>>) target_semaphore(%arg31 : memref<!tpu.dma_semaphore, #tpu.memory_space<semaphore_mem>>)
      %scan3A_513 = arith.constant 0 : i32
      scf.yield %scan3A_513 : i32
    }
    %scan3A_333 = arith.constant 64 : i32
    %dma_wait3A_334 = arith.constant 0 : i32
    %dma_wait3A_335 = arith.constant 0 : i32
    %dma_wait3A_336 = tpu.memref_slice %arg5[%dma_wait3A_334, %dma_wait3A_335] : memref<100000x64xf32, #tpu.memory_space<hbm>> -> memref<64x64xf32, #tpu.memory_space<hbm>>
    %dma_wait3A_337 = arith.constant 0 : i32
    %dma_wait3A_338 = arith.constant 0 : i32
    %dma_wait3A_339 = tpu.memref_slice %arg5[%dma_wait3A_337, %dma_wait3A_338] : memref<100000x64xf32, #tpu.memory_space<hbm>> -> memref<64x64xf32, #tpu.memory_space<hbm>>
    tpu.wait_dma2 semaphore(%arg30 : memref<!tpu.dma_semaphore, #tpu.memory_space<semaphore_mem>>) src(%dma_wait3A_339 : memref<64x64xf32, #tpu.memory_space<hbm>>) dst(%arg16 : memref<64x64xf32, #tpu.memory_space<vmem>>)
    %dma_wait3A_340 = arith.constant 0 : i32
    %dma_wait3A_341 = arith.constant 0 : i32
    %dma_wait3A_342 = tpu.memref_slice %arg5[%dma_wait3A_340, %dma_wait3A_341] : memref<100000x64xf32, #tpu.memory_space<hbm>> -> memref<64x64xf32, #tpu.memory_space<hbm>>
    %dma_wait3A_343 = arith.constant 0 : i32
    %dma_wait3A_344 = arith.constant 0 : i32
    %dma_wait3A_345 = tpu.memref_slice %arg5[%dma_wait3A_343, %dma_wait3A_344] : memref<100000x64xf32, #tpu.memory_space<hbm>> -> memref<64x64xf32, #tpu.memory_space<hbm>>
    tpu.wait_dma2 semaphore(%arg30 : memref<!tpu.dma_semaphore, #tpu.memory_space<semaphore_mem>>) src(%dma_wait3A_345 : memref<64x64xf32, #tpu.memory_space<hbm>>) dst(%arg17 : memref<64x64xf32, #tpu.memory_space<vmem>>)
    %dma_wait3A_346 = arith.constant 0 : i32
    %dma_wait3A_347 = arith.constant 0 : i32
    %dma_wait3A_348 = tpu.memref_slice %arg5[%dma_wait3A_346, %dma_wait3A_347] : memref<100000x64xf32, #tpu.memory_space<hbm>> -> memref<64x64xf32, #tpu.memory_space<hbm>>
    %dma_wait3A_349 = arith.constant 0 : i32
    %dma_wait3A_350 = arith.constant 0 : i32
    %dma_wait3A_351 = tpu.memref_slice %arg5[%dma_wait3A_349, %dma_wait3A_350] : memref<100000x64xf32, #tpu.memory_space<hbm>> -> memref<64x64xf32, #tpu.memory_space<hbm>>
    tpu.wait_dma2 semaphore(%arg30 : memref<!tpu.dma_semaphore, #tpu.memory_space<semaphore_mem>>) src(%dma_wait3A_351 : memref<64x64xf32, #tpu.memory_space<hbm>>) dst(%arg18 : memref<64x64xf32, #tpu.memory_space<vmem>>)
    %dma_wait3A_352 = arith.constant 0 : i32
    %dma_wait3A_353 = arith.constant 0 : i32
    %dma_wait3A_354 = tpu.memref_slice %arg5[%dma_wait3A_352, %dma_wait3A_353] : memref<100000x64xf32, #tpu.memory_space<hbm>> -> memref<64x64xf32, #tpu.memory_space<hbm>>
    %dma_wait3A_355 = arith.constant 0 : i32
    %dma_wait3A_356 = arith.constant 0 : i32
    %dma_wait3A_357 = tpu.memref_slice %arg5[%dma_wait3A_355, %dma_wait3A_356] : memref<100000x64xf32, #tpu.memory_space<hbm>> -> memref<64x64xf32, #tpu.memory_space<hbm>>
    tpu.wait_dma2 semaphore(%arg30 : memref<!tpu.dma_semaphore, #tpu.memory_space<semaphore_mem>>) src(%dma_wait3A_357 : memref<64x64xf32, #tpu.memory_space<hbm>>) dst(%arg19 : memref<64x64xf32, #tpu.memory_space<vmem>>)
    %dma_wait3A_358 = arith.constant 0 : i32
    %dma_wait3A_359 = arith.constant 0 : i32
    %dma_wait3A_360 = tpu.memref_slice %arg5[%dma_wait3A_358, %dma_wait3A_359] : memref<100000x64xf32, #tpu.memory_space<hbm>> -> memref<64x64xf32, #tpu.memory_space<hbm>>
    %dma_wait3A_361 = arith.constant 0 : i32
    %dma_wait3A_362 = arith.constant 0 : i32
    %dma_wait3A_363 = tpu.memref_slice %arg5[%dma_wait3A_361, %dma_wait3A_362] : memref<100000x64xf32, #tpu.memory_space<hbm>> -> memref<64x64xf32, #tpu.memory_space<hbm>>
    tpu.wait_dma2 semaphore(%arg30 : memref<!tpu.dma_semaphore, #tpu.memory_space<semaphore_mem>>) src(%dma_wait3A_363 : memref<64x64xf32, #tpu.memory_space<hbm>>) dst(%arg20 : memref<64x64xf32, #tpu.memory_space<vmem>>)
    %dma_wait3A_364 = arith.constant 0 : i32
    %dma_wait3A_365 = arith.constant 0 : i32
    %dma_wait3A_366 = tpu.memref_slice %arg5[%dma_wait3A_364, %dma_wait3A_365] : memref<100000x64xf32, #tpu.memory_space<hbm>> -> memref<64x64xf32, #tpu.memory_space<hbm>>
    %dma_wait3A_367 = arith.constant 0 : i32
    %dma_wait3A_368 = arith.constant 0 : i32
    %dma_wait3A_369 = tpu.memref_slice %arg5[%dma_wait3A_367, %dma_wait3A_368] : memref<100000x64xf32, #tpu.memory_space<hbm>> -> memref<64x64xf32, #tpu.memory_space<hbm>>
    tpu.wait_dma2 semaphore(%arg30 : memref<!tpu.dma_semaphore, #tpu.memory_space<semaphore_mem>>) src(%dma_wait3A_369 : memref<64x64xf32, #tpu.memory_space<hbm>>) dst(%arg21 : memref<64x64xf32, #tpu.memory_space<vmem>>)
    %add3A_370 = arith.constant 384 : i32
    %add3A_371 = arith.addi %mul3A_2, %add3A_370 : i32
    %scan3A_372 = arith.constant 0 : i32
    %scan3A_373 = arith.constant 64 : i32
    %scan3A_374 = arith.addi %scan3A_372, %scan3A_373 : i32
    %scan3A_375 = arith.constant 1 : i32
    %scan3A_376:3 = scf.for %scan3A_429 = %scan3A_372 to %scan3A_374 step %scan3A_375 iter_args(%scan3A_430 = %scan3A_323#0, %scan3A_431 = %scan3A_323#1, %scan3A_432 = %scan3A_323#2) -> (vector<16xf32>, vector<16xf32>, vector<16xf32>)  : i32 {
      %broadcast_in_dim3A_433 = arith.constant 0.000000e+00 : f32
      %broadcast_in_dim3A_434 = vector.broadcast %broadcast_in_dim3A_433 : f32 to vector<16xf32>
      %get3A = arith.index_cast %scan3A_429 : i32 to index
      %get3A_435 = arith.constant 0 : index
      %get3A_436 = tpu.vector_load %arg16[%get3A, %get3A_435] {strides = array<i32>} : memref<64x64xf32, #tpu.memory_space<vmem>>, vector<16xf32>,
      %get3A_437 = arith.index_cast %scan3A_429 : i32 to index
      %get3A_438 = arith.constant 0 : index
      %get3A_439 = tpu.vector_load %arg17[%get3A_437, %get3A_438] {strides = array<i32>} : memref<64x64xf32, #tpu.memory_space<vmem>>, vector<16xf32>,
      %get3A_440 = arith.index_cast %scan3A_429 : i32 to index
      %get3A_441 = arith.constant 0 : index
      %get3A_442 = tpu.vector_load %arg18[%get3A_440, %get3A_441] {strides = array<i32>} : memref<64x64xf32, #tpu.memory_space<vmem>>, vector<16xf32>,
      %get3A_443 = arith.index_cast %scan3A_429 : i32 to index
      %get3A_444 = arith.constant 0 : index
      %get3A_445 = tpu.vector_load %arg19[%get3A_443, %get3A_444] {strides = array<i32>} : memref<64x64xf32, #tpu.memory_space<vmem>>, vector<16xf32>,
      %get3A_446 = arith.index_cast %scan3A_429 : i32 to index
      %get3A_447 = arith.constant 0 : index
      %get3A_448 = tpu.vector_load %arg20[%get3A_446, %get3A_447] {strides = array<i32>} : memref<64x64xf32, #tpu.memory_space<vmem>>, vector<16xf32>,
      %get3A_449 = arith.index_cast %scan3A_429 : i32 to index
      %get3A_450 = arith.constant 0 : index
      %get3A_451 = tpu.vector_load %arg21[%get3A_449, %get3A_450] {strides = array<i32>} : memref<64x64xf32, #tpu.memory_space<vmem>>, vector<16xf32>,
      %mul3A_452 = arith.mulf %get3A_436, %get3A_442 : vector<16xf32>
      %mul3A_453 = arith.mulf %get3A_439, %get3A_445 : vector<16xf32>
      %add3A_454 = arith.addf %mul3A_452, %mul3A_453 : vector<16xf32>
      %mul3A_455 = arith.mulf %get3A_448, %add3A_454 : vector<16xf32>
      %add3A_456 = arith.addf %broadcast_in_dim3A_434, %mul3A_455 : vector<16xf32>
      %mul3A_457 = arith.mulf %get3A_436, %get3A_445 : vector<16xf32>
      %mul3A_458 = arith.mulf %get3A_439, %get3A_442 : vector<16xf32>
      %sub3A = arith.subf %mul3A_457, %mul3A_458 : vector<16xf32>
      %mul3A_459 = arith.mulf %get3A_451, %sub3A : vector<16xf32>
      %add3A_460 = arith.addf %add3A_456, %mul3A_459 : vector<16xf32>
      %mul3A_461 = arith.mulf %get3A_436, %get3A_436 : vector<16xf32>
      %mul3A_462 = arith.mulf %get3A_439, %get3A_439 : vector<16xf32>
      %add3A_463 = arith.addf %mul3A_461, %mul3A_462 : vector<16xf32>
      %add3A_464 = arith.addf %scan3A_430, %add3A_463 : vector<16xf32>
      %mul3A_465 = arith.mulf %get3A_442, %get3A_442 : vector<16xf32>
      %mul3A_466 = arith.mulf %get3A_445, %get3A_445 : vector<16xf32>
      %add3A_467 = arith.addf %mul3A_465, %mul3A_466 : vector<16xf32>
      %add3A_468 = arith.addf %scan3A_431, %add3A_467 : vector<16xf32>
      %mul3A_469 = arith.mulf %get3A_448, %get3A_448 : vector<16xf32>
      %mul3A_470 = arith.mulf %get3A_451, %get3A_451 : vector<16xf32>
      %add3A_471 = arith.addf %mul3A_469, %mul3A_470 : vector<16xf32>
      %add3A_472 = arith.addf %scan3A_432, %add3A_471 : vector<16xf32>
      %get3A_473 = arith.index_cast %scan3A_429 : i32 to index
      %get3A_474 = arith.constant 16 : index
      %get3A_475 = tpu.vector_load %arg16[%get3A_473, %get3A_474] {strides = array<i32>} : memref<64x64xf32, #tpu.memory_space<vmem>>, vector<16xf32>,
      %get3A_476 = arith.index_cast %scan3A_429 : i32 to index
      %get3A_477 = arith.constant 16 : index
      %get3A_478 = tpu.vector_load %arg17[%get3A_476, %get3A_477] {strides = array<i32>} : memref<64x64xf32, #tpu.memory_space<vmem>>, vector<16xf32>,
      %get3A_479 = arith.index_cast %scan3A_429 : i32 to index
      %get3A_480 = arith.constant 16 : index
      %get3A_481 = tpu.vector_load %arg18[%get3A_479, %get3A_480] {strides = array<i32>} : memref<64x64xf32, #tpu.memory_space<vmem>>, vector<16xf32>,
      %get3A_482 = arith.index_cast %scan3A_429 : i32 to index
      %get3A_483 = arith.constant 16 : index
      %get3A_484 = tpu.vector_load %arg19[%get3A_482, %get3A_483] {strides = array<i32>} : memref<64x64xf32, #tpu.memory_space<vmem>>, vector<16xf32>,
      %get3A_485 = arith.index_cast %scan3A_429 : i32 to index
      %get3A_486 = arith.constant 16 : index
      %get3A_487 = tpu.vector_load %arg20[%get3A_485, %get3A_486] {strides = array<i32>} : memref<64x64xf32, #tpu.memory_space<vmem>>, vector<16xf32>,
      %get3A_488 = arith.index_cast %scan3A_429 : i32 to index
      %get3A_489 = arith.constant 16 : index
      %get3A_490 = tpu.vector_load %arg21[%get3A_488, %get3A_489] {strides = array<i32>} : memref<64x64xf32, #tpu.memory_space<vmem>>, vector<16xf32>,
      %mul3A_491 = arith.mulf %get3A_475, %get3A_481 : vector<16xf32>
      %mul3A_492 = arith.mulf %get3A_478, %get3A_484 : vector<16xf32>
      %add3A_493 = arith.addf %mul3A_491, %mul3A_492 : vector<16xf32>
      %mul3A_494 = arith.mulf %get3A_487, %add3A_493 : vector<16xf32>
      %add3A_495 = arith.addf %add3A_460, %mul3A_494 : vector<16xf32>
      %mul3A_496 = arith.mulf %get3A_475, %get3A_484 : vector<16xf32>
      %mul3A_497 = arith.mulf %get3A_478, %get3A_481 : vector<16xf32>
      %sub3A_498 = arith.subf %mul3A_496, %mul3A_497 : vector<16xf32>
      %mul3A_499 = arith.mulf %get3A_490, %sub3A_498 : vector<16xf32>
      %add3A_500 = arith.addf %add3A_495, %mul3A_499 : vector<16xf32>
      %mul3A_501 = arith.mulf %get3A_475, %get3A_475 : vector<16xf32>
      %mul3A_502 = arith.mulf %get3A_478, %get3A_478 : vector<16xf32>
      %add3A_503 = arith.addf %mul3A_501, %mul3A_502 : vector<16xf32>
      %add3A_504 = arith.addf %add3A_464, %add3A_503 : vector<16xf32>
      %mul3A_505 = arith.mulf %get3A_481, %get3A_481 : vector<16xf32>
      %mul3A_506 = arith.mulf %get3A_484, %get3A_484 : vector<16xf32>
      %add3A_507 = arith.addf %mul3A_505, %mul3A_506 : vector<16xf32>
      %add3A_508 = arith.addf %add3A_468, %add3A_507 : vector<16xf32>
      %mul3A_509 = arith.mulf %get3A_487, %get3A_487 : vector<16xf32>
      %mul3A_510 = arith.mulf %get3A_490, %get3A_490 : vector<16xf32>
      %add3A_511 = arith.addf %mul3A_509, %mul3A_510 : vector<16xf32>
      %add3A_512 = arith.addf %add3A_472, %add3A_511 : vector<16xf32>
      %get3A_513 = arith.index_cast %scan3A_429 : i32 to index
      %get3A_514 = arith.constant 32 : index
      %get3A_515 = tpu.vector_load %arg16[%get3A_513, %get3A_514] {strides = array<i32>} : memref<64x64xf32, #tpu.memory_space<vmem>>, vector<16xf32>,
      %get3A_516 = arith.index_cast %scan3A_429 : i32 to index
      %get3A_517 = arith.constant 32 : index
      %get3A_518 = tpu.vector_load %arg17[%get3A_516, %get3A_517] {strides = array<i32>} : memref<64x64xf32, #tpu.memory_space<vmem>>, vector<16xf32>,
      %get3A_519 = arith.index_cast %scan3A_429 : i32 to index
      %get3A_520 = arith.constant 32 : index
      %get3A_521 = tpu.vector_load %arg18[%get3A_519, %get3A_520] {strides = array<i32>} : memref<64x64xf32, #tpu.memory_space<vmem>>, vector<16xf32>,
      %get3A_522 = arith.index_cast %scan3A_429 : i32 to index
      %get3A_523 = arith.constant 32 : index
      %get3A_524 = tpu.vector_load %arg19[%get3A_522, %get3A_523] {strides = array<i32>} : memref<64x64xf32, #tpu.memory_space<vmem>>, vector<16xf32>,
      %get3A_525 = arith.index_cast %scan3A_429 : i32 to index
      %get3A_526 = arith.constant 32 : index
      %get3A_527 = tpu.vector_load %arg20[%get3A_525, %get3A_526] {strides = array<i32>} : memref<64x64xf32, #tpu.memory_space<vmem>>, vector<16xf32>,
      %get3A_528 = arith.index_cast %scan3A_429 : i32 to index
      %get3A_529 = arith.constant 32 : index
      %get3A_530 = tpu.vector_load %arg21[%get3A_528, %get3A_529] {strides = array<i32>} : memref<64x64xf32, #tpu.memory_space<vmem>>, vector<16xf32>,
      %mul3A_531 = arith.mulf %get3A_515, %get3A_521 : vector<16xf32>
      %mul3A_532 = arith.mulf %get3A_518, %get3A_524 : vector<16xf32>
      %add3A_533 = arith.addf %mul3A_531, %mul3A_532 : vector<16xf32>
      %mul3A_534 = arith.mulf %get3A_527, %add3A_533 : vector<16xf32>
      %add3A_535 = arith.addf %add3A_500, %mul3A_534 : vector<16xf32>
      %mul3A_536 = arith.mulf %get3A_515, %get3A_524 : vector<16xf32>
      %mul3A_537 = arith.mulf %get3A_518, %get3A_521 : vector<16xf32>
      %sub3A_538 = arith.subf %mul3A_536, %mul3A_537 : vector<16xf32>
      %mul3A_539 = arith.mulf %get3A_530, %sub3A_538 : vector<16xf32>
      %add3A_540 = arith.addf %add3A_535, %mul3A_539 : vector<16xf32>
      %mul3A_541 = arith.mulf %get3A_515, %get3A_515 : vector<16xf32>
      %mul3A_542 = arith.mulf %get3A_518, %get3A_518 : vector<16xf32>
      %add3A_543 = arith.addf %mul3A_541, %mul3A_542 : vector<16xf32>
      %add3A_544 = arith.addf %add3A_504, %add3A_543 : vector<16xf32>
      %mul3A_545 = arith.mulf %get3A_521, %get3A_521 : vector<16xf32>
      %mul3A_546 = arith.mulf %get3A_524, %get3A_524 : vector<16xf32>
      %add3A_547 = arith.addf %mul3A_545, %mul3A_546 : vector<16xf32>
      %add3A_548 = arith.addf %add3A_508, %add3A_547 : vector<16xf32>
      %mul3A_549 = arith.mulf %get3A_527, %get3A_527 : vector<16xf32>
      %mul3A_550 = arith.mulf %get3A_530, %get3A_530 : vector<16xf32>
      %add3A_551 = arith.addf %mul3A_549, %mul3A_550 : vector<16xf32>
      %add3A_552 = arith.addf %add3A_512, %add3A_551 : vector<16xf32>
      %get3A_553 = arith.index_cast %scan3A_429 : i32 to index
      %get3A_554 = arith.constant 48 : index
      %get3A_555 = tpu.vector_load %arg16[%get3A_553, %get3A_554] {strides = array<i32>} : memref<64x64xf32, #tpu.memory_space<vmem>>, vector<16xf32>,
      %get3A_556 = arith.index_cast %scan3A_429 : i32 to index
      %get3A_557 = arith.constant 48 : index
      %get3A_558 = tpu.vector_load %arg17[%get3A_556, %get3A_557] {strides = array<i32>} : memref<64x64xf32, #tpu.memory_space<vmem>>, vector<16xf32>,
      %get3A_559 = arith.index_cast %scan3A_429 : i32 to index
      %get3A_560 = arith.constant 48 : index
      %get3A_561 = tpu.vector_load %arg18[%get3A_559, %get3A_560] {strides = array<i32>} : memref<64x64xf32, #tpu.memory_space<vmem>>, vector<16xf32>,
      %get3A_562 = arith.index_cast %scan3A_429 : i32 to index
      %get3A_563 = arith.constant 48 : index
      %get3A_564 = tpu.vector_load %arg19[%get3A_562, %get3A_563] {strides = array<i32>} : memref<64x64xf32, #tpu.memory_space<vmem>>, vector<16xf32>,
      %get3A_565 = arith.index_cast %scan3A_429 : i32 to index
      %get3A_566 = arith.constant 48 : index
      %get3A_567 = tpu.vector_load %arg20[%get3A_565, %get3A_566] {strides = array<i32>} : memref<64x64xf32, #tpu.memory_space<vmem>>, vector<16xf32>,
      %get3A_568 = arith.index_cast %scan3A_429 : i32 to index
      %get3A_569 = arith.constant 48 : index
      %get3A_570 = tpu.vector_load %arg21[%get3A_568, %get3A_569] {strides = array<i32>} : memref<64x64xf32, #tpu.memory_space<vmem>>, vector<16xf32>,
      %mul3A_571 = arith.mulf %get3A_555, %get3A_561 : vector<16xf32>
      %mul3A_572 = arith.mulf %get3A_558, %get3A_564 : vector<16xf32>
      %add3A_573 = arith.addf %mul3A_571, %mul3A_572 : vector<16xf32>
      %mul3A_574 = arith.mulf %get3A_567, %add3A_573 : vector<16xf32>
      %add3A_575 = arith.addf %add3A_540, %mul3A_574 : vector<16xf32>
      %mul3A_576 = arith.mulf %get3A_555, %get3A_564 : vector<16xf32>
      %mul3A_577 = arith.mulf %get3A_558, %get3A_561 : vector<16xf32>
      %sub3A_578 = arith.subf %mul3A_576, %mul3A_577 : vector<16xf32>
      %mul3A_579 = arith.mulf %get3A_570, %sub3A_578 : vector<16xf32>
      %add3A_580 = arith.addf %add3A_575, %mul3A_579 : vector<16xf32>
      %mul3A_581 = arith.mulf %get3A_555, %get3A_555 : vector<16xf32>
      %mul3A_582 = arith.mulf %get3A_558, %get3A_558 : vector<16xf32>
      %add3A_583 = arith.addf %mul3A_581, %mul3A_582 : vector<16xf32>
      %add3A_584 = arith.addf %add3A_544, %add3A_583 : vector<16xf32>
      %mul3A_585 = arith.mulf %get3A_561, %get3A_561 : vector<16xf32>
      %mul3A_586 = arith.mulf %get3A_564, %get3A_564 : vector<16xf32>
      %add3A_587 = arith.addf %mul3A_585, %mul3A_586 : vector<16xf32>
      %add3A_588 = arith.addf %add3A_548, %add3A_587 : vector<16xf32>
      %mul3A_589 = arith.mulf %get3A_567, %get3A_567 : vector<16xf32>
      %mul3A_590 = arith.mulf %get3A_570, %get3A_570 : vector<16xf32>
      %add3A_591 = arith.addf %mul3A_589, %mul3A_590 : vector<16xf32>
      %add3A_592 = arith.addf %add3A_552, %add3A_591 : vector<16xf32>
      %mul3A_593 = arith.constant 16 : i32
      %mul3A_594 = arith.muli %scan3A_429, %mul3A_593 : i32
      %swap3A_595 = arith.index_cast %mul3A_594 : i32 to index
      %swap3A_596 = tpu.vector_load %arg28[%swap3A_595] {strides = array<i32>} : memref<1024xf32, #tpu.memory_space<vmem>>, vector<16xf32>,
      tpu.vector_store %arg28[%swap3A_595], %add3A_580 {strides = array<i32>} : memref<1024xf32, #tpu.memory_space<vmem>>, vector<16xf32>,
      scf.yield %add3A_584, %add3A_588, %add3A_592 : vector<16xf32>, vector<16xf32>, vector<16xf32>
    }
    %scan3A_377 = arith.constant 64 : i32
    %mul3A_378 = arith.constant 16 : i32
    %mul3A_379 = arith.muli %add3A_371, %mul3A_378 : i32
    "tpu.region"() ({
      %run_scoped3A = tpu.sem_alloc : memref<!tpu.dma_semaphore, #tpu.memory_space<semaphore_mem>>
      %dma_start3A = tpu.memref_slice %arg9[%mul3A_379] : memref<262144xf32, #tpu.memory_space<hbm>> -> memref<1024xf32, #tpu.memory_space<hbm>>
      %dma_start3A_429 = tpu.memref_slice %arg9[%mul3A_379] : memref<262144xf32, #tpu.memory_space<hbm>> -> memref<1024xf32, #tpu.memory_space<hbm>>
      tpu.enqueue_dma source(%arg28 : memref<1024xf32, #tpu.memory_space<vmem>>) target(%dma_start3A_429 : memref<1024xf32, #tpu.memory_space<hbm>>) target_semaphore(%run_scoped3A : memref<!tpu.dma_semaphore, #tpu.memory_space<semaphore_mem>>)
      %dma_wait3A_430 = tpu.memref_slice %arg9[%mul3A_379] : memref<262144xf32, #tpu.memory_space<hbm>> -> memref<1024xf32, #tpu.memory_space<hbm>>
      %dma_wait3A_431 = tpu.memref_slice %arg9[%mul3A_379] : memref<262144xf32, #tpu.memory_space<hbm>> -> memref<1024xf32, #tpu.memory_space<hbm>>
      tpu.wait_dma2 semaphore(%run_scoped3A : memref<!tpu.dma_semaphore, #tpu.memory_space<semaphore_mem>>) src(%arg28 : memref<1024xf32, #tpu.memory_space<vmem>>) dst(%dma_wait3A_431 : memref<1024xf32, #tpu.memory_space<hbm>>)
      tpu.yield
    }) : () -> ()
    %dma_wait3A_380 = arith.constant 0 : i32
    %dma_wait3A_381 = arith.constant 0 : i32
    %dma_wait3A_382 = tpu.memref_slice %arg5[%dma_wait3A_380, %dma_wait3A_381] : memref<100000x64xf32, #tpu.memory_space<hbm>> -> memref<64x64xf32, #tpu.memory_space<hbm>>
    %dma_wait3A_383 = arith.constant 0 : i32
    %dma_wait3A_384 = arith.constant 0 : i32
    %dma_wait3A_385 = tpu.memref_slice %arg5[%dma_wait3A_383, %dma_wait3A_384] : memref<100000x64xf32, #tpu.memory_space<hbm>> -> memref<64x64xf32, #tpu.memory_space<hbm>>
    tpu.wait_dma2 semaphore(%arg31 : memref<!tpu.dma_semaphore, #tpu.memory_space<semaphore_mem>>) src(%dma_wait3A_385 : memref<64x64xf32, #tpu.memory_space<hbm>>) dst(%arg22 : memref<64x64xf32, #tpu.memory_space<vmem>>)
    %dma_wait3A_386 = arith.constant 0 : i32
    %dma_wait3A_387 = arith.constant 0 : i32
    %dma_wait3A_388 = tpu.memref_slice %arg5[%dma_wait3A_386, %dma_wait3A_387] : memref<100000x64xf32, #tpu.memory_space<hbm>> -> memref<64x64xf32, #tpu.memory_space<hbm>>
    %dma_wait3A_389 = arith.constant 0 : i32
    %dma_wait3A_390 = arith.constant 0 : i32
    %dma_wait3A_391 = tpu.memref_slice %arg5[%dma_wait3A_389, %dma_wait3A_390] : memref<100000x64xf32, #tpu.memory_space<hbm>> -> memref<64x64xf32, #tpu.memory_space<hbm>>
    tpu.wait_dma2 semaphore(%arg31 : memref<!tpu.dma_semaphore, #tpu.memory_space<semaphore_mem>>) src(%dma_wait3A_391 : memref<64x64xf32, #tpu.memory_space<hbm>>) dst(%arg23 : memref<64x64xf32, #tpu.memory_space<vmem>>)
    %dma_wait3A_392 = arith.constant 0 : i32
    %dma_wait3A_393 = arith.constant 0 : i32
    %dma_wait3A_394 = tpu.memref_slice %arg5[%dma_wait3A_392, %dma_wait3A_393] : memref<100000x64xf32, #tpu.memory_space<hbm>> -> memref<64x64xf32, #tpu.memory_space<hbm>>
    %dma_wait3A_395 = arith.constant 0 : i32
    %dma_wait3A_396 = arith.constant 0 : i32
    %dma_wait3A_397 = tpu.memref_slice %arg5[%dma_wait3A_395, %dma_wait3A_396] : memref<100000x64xf32, #tpu.memory_space<hbm>> -> memref<64x64xf32, #tpu.memory_space<hbm>>
    tpu.wait_dma2 semaphore(%arg31 : memref<!tpu.dma_semaphore, #tpu.memory_space<semaphore_mem>>) src(%dma_wait3A_397 : memref<64x64xf32, #tpu.memory_space<hbm>>) dst(%arg24 : memref<64x64xf32, #tpu.memory_space<vmem>>)
    %dma_wait3A_398 = arith.constant 0 : i32
    %dma_wait3A_399 = arith.constant 0 : i32
    %dma_wait3A_400 = tpu.memref_slice %arg5[%dma_wait3A_398, %dma_wait3A_399] : memref<100000x64xf32, #tpu.memory_space<hbm>> -> memref<64x64xf32, #tpu.memory_space<hbm>>
    %dma_wait3A_401 = arith.constant 0 : i32
    %dma_wait3A_402 = arith.constant 0 : i32
    %dma_wait3A_403 = tpu.memref_slice %arg5[%dma_wait3A_401, %dma_wait3A_402] : memref<100000x64xf32, #tpu.memory_space<hbm>> -> memref<64x64xf32, #tpu.memory_space<hbm>>
    tpu.wait_dma2 semaphore(%arg31 : memref<!tpu.dma_semaphore, #tpu.memory_space<semaphore_mem>>) src(%dma_wait3A_403 : memref<64x64xf32, #tpu.memory_space<hbm>>) dst(%arg25 : memref<64x64xf32, #tpu.memory_space<vmem>>)
    %dma_wait3A_404 = arith.constant 0 : i32
    %dma_wait3A_405 = arith.constant 0 : i32
    %dma_wait3A_406 = tpu.memref_slice %arg5[%dma_wait3A_404, %dma_wait3A_405] : memref<100000x64xf32, #tpu.memory_space<hbm>> -> memref<64x64xf32, #tpu.memory_space<hbm>>
    %dma_wait3A_407 = arith.constant 0 : i32
    %dma_wait3A_408 = arith.constant 0 : i32
    %dma_wait3A_409 = tpu.memref_slice %arg5[%dma_wait3A_407, %dma_wait3A_408] : memref<100000x64xf32, #tpu.memory_space<hbm>> -> memref<64x64xf32, #tpu.memory_space<hbm>>
    tpu.wait_dma2 semaphore(%arg31 : memref<!tpu.dma_semaphore, #tpu.memory_space<semaphore_mem>>) src(%dma_wait3A_409 : memref<64x64xf32, #tpu.memory_space<hbm>>) dst(%arg26 : memref<64x64xf32, #tpu.memory_space<vmem>>)
    %dma_wait3A_410 = arith.constant 0 : i32
    %dma_wait3A_411 = arith.constant 0 : i32
    %dma_wait3A_412 = tpu.memref_slice %arg5[%dma_wait3A_410, %dma_wait3A_411] : memref<100000x64xf32, #tpu.memory_space<hbm>> -> memref<64x64xf32, #tpu.memory_space<hbm>>
    %dma_wait3A_413 = arith.constant 0 : i32
    %dma_wait3A_414 = arith.constant 0 : i32
    %dma_wait3A_415 = tpu.memref_slice %arg5[%dma_wait3A_413, %dma_wait3A_414] : memref<100000x64xf32, #tpu.memory_space<hbm>> -> memref<64x64xf32, #tpu.memory_space<hbm>>
    tpu.wait_dma2 semaphore(%arg31 : memref<!tpu.dma_semaphore, #tpu.memory_space<semaphore_mem>>) src(%dma_wait3A_415 : memref<64x64xf32, #tpu.memory_space<hbm>>) dst(%arg27 : memref<64x64xf32, #tpu.memory_space<vmem>>)
    %add3A_416 = arith.constant 448 : i32
    %add3A_417 = arith.addi %mul3A_2, %add3A_416 : i32
    %scan3A_418 = arith.constant 0 : i32
    %scan3A_419 = arith.constant 64 : i32
    %scan3A_420 = arith.addi %scan3A_418, %scan3A_419 : i32
    %scan3A_421 = arith.constant 1 : i32
    %scan3A_422:3 = scf.for %scan3A_429 = %scan3A_418 to %scan3A_420 step %scan3A_421 iter_args(%scan3A_430 = %scan3A_376#0, %scan3A_431 = %scan3A_376#1, %scan3A_432 = %scan3A_376#2) -> (vector<16xf32>, vector<16xf32>, vector<16xf32>)  : i32 {
      %broadcast_in_dim3A_433 = arith.constant 0.000000e+00 : f32
      %broadcast_in_dim3A_434 = vector.broadcast %broadcast_in_dim3A_433 : f32 to vector<16xf32>
      %get3A = arith.index_cast %scan3A_429 : i32 to index
      %get3A_435 = arith.constant 0 : index
      %get3A_436 = tpu.vector_load %arg22[%get3A, %get3A_435] {strides = array<i32>} : memref<64x64xf32, #tpu.memory_space<vmem>>, vector<16xf32>,
      %get3A_437 = arith.index_cast %scan3A_429 : i32 to index
      %get3A_438 = arith.constant 0 : index
      %get3A_439 = tpu.vector_load %arg23[%get3A_437, %get3A_438] {strides = array<i32>} : memref<64x64xf32, #tpu.memory_space<vmem>>, vector<16xf32>,
      %get3A_440 = arith.index_cast %scan3A_429 : i32 to index
      %get3A_441 = arith.constant 0 : index
      %get3A_442 = tpu.vector_load %arg24[%get3A_440, %get3A_441] {strides = array<i32>} : memref<64x64xf32, #tpu.memory_space<vmem>>, vector<16xf32>,
      %get3A_443 = arith.index_cast %scan3A_429 : i32 to index
      %get3A_444 = arith.constant 0 : index
      %get3A_445 = tpu.vector_load %arg25[%get3A_443, %get3A_444] {strides = array<i32>} : memref<64x64xf32, #tpu.memory_space<vmem>>, vector<16xf32>,
      %get3A_446 = arith.index_cast %scan3A_429 : i32 to index
      %get3A_447 = arith.constant 0 : index
      %get3A_448 = tpu.vector_load %arg26[%get3A_446, %get3A_447] {strides = array<i32>} : memref<64x64xf32, #tpu.memory_space<vmem>>, vector<16xf32>,
      %get3A_449 = arith.index_cast %scan3A_429 : i32 to index
      %get3A_450 = arith.constant 0 : index
      %get3A_451 = tpu.vector_load %arg27[%get3A_449, %get3A_450] {strides = array<i32>} : memref<64x64xf32, #tpu.memory_space<vmem>>, vector<16xf32>,
      %mul3A_452 = arith.mulf %get3A_436, %get3A_442 : vector<16xf32>
      %mul3A_453 = arith.mulf %get3A_439, %get3A_445 : vector<16xf32>
      %add3A_454 = arith.addf %mul3A_452, %mul3A_453 : vector<16xf32>
      %mul3A_455 = arith.mulf %get3A_448, %add3A_454 : vector<16xf32>
      %add3A_456 = arith.addf %broadcast_in_dim3A_434, %mul3A_455 : vector<16xf32>
      %mul3A_457 = arith.mulf %get3A_436, %get3A_445 : vector<16xf32>
      %mul3A_458 = arith.mulf %get3A_439, %get3A_442 : vector<16xf32>
      %sub3A = arith.subf %mul3A_457, %mul3A_458 : vector<16xf32>
      %mul3A_459 = arith.mulf %get3A_451, %sub3A : vector<16xf32>
      %add3A_460 = arith.addf %add3A_456, %mul3A_459 : vector<16xf32>
      %mul3A_461 = arith.mulf %get3A_436, %get3A_436 : vector<16xf32>
      %mul3A_462 = arith.mulf %get3A_439, %get3A_439 : vector<16xf32>
      %add3A_463 = arith.addf %mul3A_461, %mul3A_462 : vector<16xf32>
      %add3A_464 = arith.addf %scan3A_430, %add3A_463 : vector<16xf32>
      %mul3A_465 = arith.mulf %get3A_442, %get3A_442 : vector<16xf32>
      %mul3A_466 = arith.mulf %get3A_445, %get3A_445 : vector<16xf32>
      %add3A_467 = arith.addf %mul3A_465, %mul3A_466 : vector<16xf32>
      %add3A_468 = arith.addf %scan3A_431, %add3A_467 : vector<16xf32>
      %mul3A_469 = arith.mulf %get3A_448, %get3A_448 : vector<16xf32>
      %mul3A_470 = arith.mulf %get3A_451, %get3A_451 : vector<16xf32>
      %add3A_471 = arith.addf %mul3A_469, %mul3A_470 : vector<16xf32>
      %add3A_472 = arith.addf %scan3A_432, %add3A_471 : vector<16xf32>
      %get3A_473 = arith.index_cast %scan3A_429 : i32 to index
      %get3A_474 = arith.constant 16 : index
      %get3A_475 = tpu.vector_load %arg22[%get3A_473, %get3A_474] {strides = array<i32>} : memref<64x64xf32, #tpu.memory_space<vmem>>, vector<16xf32>,
      %get3A_476 = arith.index_cast %scan3A_429 : i32 to index
      %get3A_477 = arith.constant 16 : index
      %get3A_478 = tpu.vector_load %arg23[%get3A_476, %get3A_477] {strides = array<i32>} : memref<64x64xf32, #tpu.memory_space<vmem>>, vector<16xf32>,
      %get3A_479 = arith.index_cast %scan3A_429 : i32 to index
      %get3A_480 = arith.constant 16 : index
      %get3A_481 = tpu.vector_load %arg24[%get3A_479, %get3A_480] {strides = array<i32>} : memref<64x64xf32, #tpu.memory_space<vmem>>, vector<16xf32>,
      %get3A_482 = arith.index_cast %scan3A_429 : i32 to index
      %get3A_483 = arith.constant 16 : index
      %get3A_484 = tpu.vector_load %arg25[%get3A_482, %get3A_483] {strides = array<i32>} : memref<64x64xf32, #tpu.memory_space<vmem>>, vector<16xf32>,
      %get3A_485 = arith.index_cast %scan3A_429 : i32 to index
      %get3A_486 = arith.constant 16 : index
      %get3A_487 = tpu.vector_load %arg26[%get3A_485, %get3A_486] {strides = array<i32>} : memref<64x64xf32, #tpu.memory_space<vmem>>, vector<16xf32>,
      %get3A_488 = arith.index_cast %scan3A_429 : i32 to index
      %get3A_489 = arith.constant 16 : index
      %get3A_490 = tpu.vector_load %arg27[%get3A_488, %get3A_489] {strides = array<i32>} : memref<64x64xf32, #tpu.memory_space<vmem>>, vector<16xf32>,
      %mul3A_491 = arith.mulf %get3A_475, %get3A_481 : vector<16xf32>
      %mul3A_492 = arith.mulf %get3A_478, %get3A_484 : vector<16xf32>
      %add3A_493 = arith.addf %mul3A_491, %mul3A_492 : vector<16xf32>
      %mul3A_494 = arith.mulf %get3A_487, %add3A_493 : vector<16xf32>
      %add3A_495 = arith.addf %add3A_460, %mul3A_494 : vector<16xf32>
      %mul3A_496 = arith.mulf %get3A_475, %get3A_484 : vector<16xf32>
      %mul3A_497 = arith.mulf %get3A_478, %get3A_481 : vector<16xf32>
      %sub3A_498 = arith.subf %mul3A_496, %mul3A_497 : vector<16xf32>
      %mul3A_499 = arith.mulf %get3A_490, %sub3A_498 : vector<16xf32>
      %add3A_500 = arith.addf %add3A_495, %mul3A_499 : vector<16xf32>
      %mul3A_501 = arith.mulf %get3A_475, %get3A_475 : vector<16xf32>
      %mul3A_502 = arith.mulf %get3A_478, %get3A_478 : vector<16xf32>
      %add3A_503 = arith.addf %mul3A_501, %mul3A_502 : vector<16xf32>
      %add3A_504 = arith.addf %add3A_464, %add3A_503 : vector<16xf32>
      %mul3A_505 = arith.mulf %get3A_481, %get3A_481 : vector<16xf32>
      %mul3A_506 = arith.mulf %get3A_484, %get3A_484 : vector<16xf32>
      %add3A_507 = arith.addf %mul3A_505, %mul3A_506 : vector<16xf32>
      %add3A_508 = arith.addf %add3A_468, %add3A_507 : vector<16xf32>
      %mul3A_509 = arith.mulf %get3A_487, %get3A_487 : vector<16xf32>
      %mul3A_510 = arith.mulf %get3A_490, %get3A_490 : vector<16xf32>
      %add3A_511 = arith.addf %mul3A_509, %mul3A_510 : vector<16xf32>
      %add3A_512 = arith.addf %add3A_472, %add3A_511 : vector<16xf32>
      %get3A_513 = arith.index_cast %scan3A_429 : i32 to index
      %get3A_514 = arith.constant 32 : index
      %get3A_515 = tpu.vector_load %arg22[%get3A_513, %get3A_514] {strides = array<i32>} : memref<64x64xf32, #tpu.memory_space<vmem>>, vector<16xf32>,
      %get3A_516 = arith.index_cast %scan3A_429 : i32 to index
      %get3A_517 = arith.constant 32 : index
      %get3A_518 = tpu.vector_load %arg23[%get3A_516, %get3A_517] {strides = array<i32>} : memref<64x64xf32, #tpu.memory_space<vmem>>, vector<16xf32>,
      %get3A_519 = arith.index_cast %scan3A_429 : i32 to index
      %get3A_520 = arith.constant 32 : index
      %get3A_521 = tpu.vector_load %arg24[%get3A_519, %get3A_520] {strides = array<i32>} : memref<64x64xf32, #tpu.memory_space<vmem>>, vector<16xf32>,
      %get3A_522 = arith.index_cast %scan3A_429 : i32 to index
      %get3A_523 = arith.constant 32 : index
      %get3A_524 = tpu.vector_load %arg25[%get3A_522, %get3A_523] {strides = array<i32>} : memref<64x64xf32, #tpu.memory_space<vmem>>, vector<16xf32>,
      %get3A_525 = arith.index_cast %scan3A_429 : i32 to index
      %get3A_526 = arith.constant 32 : index
      %get3A_527 = tpu.vector_load %arg26[%get3A_525, %get3A_526] {strides = array<i32>} : memref<64x64xf32, #tpu.memory_space<vmem>>, vector<16xf32>,
      %get3A_528 = arith.index_cast %scan3A_429 : i32 to index
      %get3A_529 = arith.constant 32 : index
      %get3A_530 = tpu.vector_load %arg27[%get3A_528, %get3A_529] {strides = array<i32>} : memref<64x64xf32, #tpu.memory_space<vmem>>, vector<16xf32>,
      %mul3A_531 = arith.mulf %get3A_515, %get3A_521 : vector<16xf32>
      %mul3A_532 = arith.mulf %get3A_518, %get3A_524 : vector<16xf32>
      %add3A_533 = arith.addf %mul3A_531, %mul3A_532 : vector<16xf32>
      %mul3A_534 = arith.mulf %get3A_527, %add3A_533 : vector<16xf32>
      %add3A_535 = arith.addf %add3A_500, %mul3A_534 : vector<16xf32>
      %mul3A_536 = arith.mulf %get3A_515, %get3A_524 : vector<16xf32>
      %mul3A_537 = arith.mulf %get3A_518, %get3A_521 : vector<16xf32>
      %sub3A_538 = arith.subf %mul3A_536, %mul3A_537 : vector<16xf32>
      %mul3A_539 = arith.mulf %get3A_530, %sub3A_538 : vector<16xf32>
      %add3A_540 = arith.addf %add3A_535, %mul3A_539 : vector<16xf32>
      %mul3A_541 = arith.mulf %get3A_515, %get3A_515 : vector<16xf32>
      %mul3A_542 = arith.mulf %get3A_518, %get3A_518 : vector<16xf32>
      %add3A_543 = arith.addf %mul3A_541, %mul3A_542 : vector<16xf32>
      %add3A_544 = arith.addf %add3A_504, %add3A_543 : vector<16xf32>
      %mul3A_545 = arith.mulf %get3A_521, %get3A_521 : vector<16xf32>
      %mul3A_546 = arith.mulf %get3A_524, %get3A_524 : vector<16xf32>
      %add3A_547 = arith.addf %mul3A_545, %mul3A_546 : vector<16xf32>
      %add3A_548 = arith.addf %add3A_508, %add3A_547 : vector<16xf32>
      %mul3A_549 = arith.mulf %get3A_527, %get3A_527 : vector<16xf32>
      %mul3A_550 = arith.mulf %get3A_530, %get3A_530 : vector<16xf32>
      %add3A_551 = arith.addf %mul3A_549, %mul3A_550 : vector<16xf32>
      %add3A_552 = arith.addf %add3A_512, %add3A_551 : vector<16xf32>
      %get3A_553 = arith.index_cast %scan3A_429 : i32 to index
      %get3A_554 = arith.constant 48 : index
      %get3A_555 = tpu.vector_load %arg22[%get3A_553, %get3A_554] {strides = array<i32>} : memref<64x64xf32, #tpu.memory_space<vmem>>, vector<16xf32>,
      %get3A_556 = arith.index_cast %scan3A_429 : i32 to index
      %get3A_557 = arith.constant 48 : index
      %get3A_558 = tpu.vector_load %arg23[%get3A_556, %get3A_557] {strides = array<i32>} : memref<64x64xf32, #tpu.memory_space<vmem>>, vector<16xf32>,
      %get3A_559 = arith.index_cast %scan3A_429 : i32 to index
      %get3A_560 = arith.constant 48 : index
      %get3A_561 = tpu.vector_load %arg24[%get3A_559, %get3A_560] {strides = array<i32>} : memref<64x64xf32, #tpu.memory_space<vmem>>, vector<16xf32>,
      %get3A_562 = arith.index_cast %scan3A_429 : i32 to index
      %get3A_563 = arith.constant 48 : index
      %get3A_564 = tpu.vector_load %arg25[%get3A_562, %get3A_563] {strides = array<i32>} : memref<64x64xf32, #tpu.memory_space<vmem>>, vector<16xf32>,
      %get3A_565 = arith.index_cast %scan3A_429 : i32 to index
      %get3A_566 = arith.constant 48 : index
      %get3A_567 = tpu.vector_load %arg26[%get3A_565, %get3A_566] {strides = array<i32>} : memref<64x64xf32, #tpu.memory_space<vmem>>, vector<16xf32>,
      %get3A_568 = arith.index_cast %scan3A_429 : i32 to index
      %get3A_569 = arith.constant 48 : index
      %get3A_570 = tpu.vector_load %arg27[%get3A_568, %get3A_569] {strides = array<i32>} : memref<64x64xf32, #tpu.memory_space<vmem>>, vector<16xf32>,
      %mul3A_571 = arith.mulf %get3A_555, %get3A_561 : vector<16xf32>
      %mul3A_572 = arith.mulf %get3A_558, %get3A_564 : vector<16xf32>
      %add3A_573 = arith.addf %mul3A_571, %mul3A_572 : vector<16xf32>
      %mul3A_574 = arith.mulf %get3A_567, %add3A_573 : vector<16xf32>
      %add3A_575 = arith.addf %add3A_540, %mul3A_574 : vector<16xf32>
      %mul3A_576 = arith.mulf %get3A_555, %get3A_564 : vector<16xf32>
      %mul3A_577 = arith.mulf %get3A_558, %get3A_561 : vector<16xf32>
      %sub3A_578 = arith.subf %mul3A_576, %mul3A_577 : vector<16xf32>
      %mul3A_579 = arith.mulf %get3A_570, %sub3A_578 : vector<16xf32>
      %add3A_580 = arith.addf %add3A_575, %mul3A_579 : vector<16xf32>
      %mul3A_581 = arith.mulf %get3A_555, %get3A_555 : vector<16xf32>
      %mul3A_582 = arith.mulf %get3A_558, %get3A_558 : vector<16xf32>
      %add3A_583 = arith.addf %mul3A_581, %mul3A_582 : vector<16xf32>
      %add3A_584 = arith.addf %add3A_544, %add3A_583 : vector<16xf32>
      %mul3A_585 = arith.mulf %get3A_561, %get3A_561 : vector<16xf32>
      %mul3A_586 = arith.mulf %get3A_564, %get3A_564 : vector<16xf32>
      %add3A_587 = arith.addf %mul3A_585, %mul3A_586 : vector<16xf32>
      %add3A_588 = arith.addf %add3A_548, %add3A_587 : vector<16xf32>
      %mul3A_589 = arith.mulf %get3A_567, %get3A_567 : vector<16xf32>
      %mul3A_590 = arith.mulf %get3A_570, %get3A_570 : vector<16xf32>
      %add3A_591 = arith.addf %mul3A_589, %mul3A_590 : vector<16xf32>
      %add3A_592 = arith.addf %add3A_552, %add3A_591 : vector<16xf32>
      %mul3A_593 = arith.constant 16 : i32
      %mul3A_594 = arith.muli %scan3A_429, %mul3A_593 : i32
      %swap3A_595 = arith.index_cast %mul3A_594 : i32 to index
      %swap3A_596 = tpu.vector_load %arg28[%swap3A_595] {strides = array<i32>} : memref<1024xf32, #tpu.memory_space<vmem>>, vector<16xf32>,
      tpu.vector_store %arg28[%swap3A_595], %add3A_580 {strides = array<i32>} : memref<1024xf32, #tpu.memory_space<vmem>>, vector<16xf32>,
      scf.yield %add3A_584, %add3A_588, %add3A_592 : vector<16xf32>, vector<16xf32>, vector<16xf32>
    }
    %scan3A_423 = arith.constant 64 : i32
    %mul3A_424 = arith.constant 16 : i32
    %mul3A_425 = arith.muli %add3A_417, %mul3A_424 : i32
    "tpu.region"() ({
      %run_scoped3A = tpu.sem_alloc : memref<!tpu.dma_semaphore, #tpu.memory_space<semaphore_mem>>
      %dma_start3A = tpu.memref_slice %arg9[%mul3A_425] : memref<262144xf32, #tpu.memory_space<hbm>> -> memref<1024xf32, #tpu.memory_space<hbm>>
      %dma_start3A_429 = tpu.memref_slice %arg9[%mul3A_425] : memref<262144xf32, #tpu.memory_space<hbm>> -> memref<1024xf32, #tpu.memory_space<hbm>>
      tpu.enqueue_dma source(%arg28 : memref<1024xf32, #tpu.memory_space<vmem>>) target(%dma_start3A_429 : memref<1024xf32, #tpu.memory_space<hbm>>) target_semaphore(%run_scoped3A : memref<!tpu.dma_semaphore, #tpu.memory_space<semaphore_mem>>)
      %dma_wait3A_430 = tpu.memref_slice %arg9[%mul3A_425] : memref<262144xf32, #tpu.memory_space<hbm>> -> memref<1024xf32, #tpu.memory_space<hbm>>
      %dma_wait3A_431 = tpu.memref_slice %arg9[%mul3A_425] : memref<262144xf32, #tpu.memory_space<hbm>> -> memref<1024xf32, #tpu.memory_space<hbm>>
      tpu.wait_dma2 semaphore(%run_scoped3A : memref<!tpu.dma_semaphore, #tpu.memory_space<semaphore_mem>>) src(%arg28 : memref<1024xf32, #tpu.memory_space<vmem>>) dst(%dma_wait3A_431 : memref<1024xf32, #tpu.memory_space<hbm>>)
      tpu.yield
    }) : () -> ()
    %add3A_426 = arith.addf %scan3A_422#0, %scan3A_422#1 : vector<16xf32>
    %add3A_427 = arith.addf %add3A_426, %scan3A_422#2 : vector<16xf32>
    %swap3A = arith.constant 0 : index
    %swap3A_428 = tpu.vector_load %arg29[%swap3A] {strides = array<i32>} : memref<16xf32, #tpu.memory_space<vmem>>, vector<16xf32>,
    tpu.vector_store %arg29[%swap3A], %add3A_427 {strides = array<i32>} : memref<16xf32, #tpu.memory_space<vmem>>, vector<16xf32>,
    "tpu.region"() ({
      %run_scoped3A = tpu.sem_alloc : memref<!tpu.dma_semaphore, #tpu.memory_space<semaphore_mem>>
      %dma_start3A = arith.constant 0 : i32
      %dma_start3A_429 = tpu.memref_slice %arg10[%add3A, %dma_start3A] : memref<32x16xf32, #tpu.memory_space<hbm>> -> memref<1x16xf32, #tpu.memory_space<hbm>>
      %dma_start3A_430 = tpu.memref_squeeze %dma_start3A_429 : memref<1x16xf32, #tpu.memory_space<hbm>> -> memref<16xf32, #tpu.memory_space<hbm>>
      %dma_start3A_431 = arith.constant 0 : i32
      %dma_start3A_432 = tpu.memref_slice %arg10[%add3A, %dma_start3A_431] : memref<32x16xf32, #tpu.memory_space<hbm>> -> memref<1x16xf32, #tpu.memory_space<hbm>>
      %dma_start3A_433 = tpu.memref_squeeze %dma_start3A_432 : memref<1x16xf32, #tpu.memory_space<hbm>> -> memref<16xf32, #tpu.memory_space<hbm>>
      tpu.enqueue_dma source(%arg29 : memref<16xf32, #tpu.memory_space<vmem>>) target(%dma_start3A_433 : memref<16xf32, #tpu.memory_space<hbm>>) target_semaphore(%run_scoped3A : memref<!tpu.dma_semaphore, #tpu.memory_space<semaphore_mem>>)
      %dma_wait3A_434 = arith.constant 0 : i32
      %dma_wait3A_435 = tpu.memref_slice %arg10[%add3A, %dma_wait3A_434] : memref<32x16xf32, #tpu.memory_space<hbm>> -> memref<1x16xf32, #tpu.memory_space<hbm>>
      %dma_wait3A_436 = tpu.memref_squeeze %dma_wait3A_435 : memref<1x16xf32, #tpu.memory_space<hbm>> -> memref<16xf32, #tpu.memory_space<hbm>>
      %dma_wait3A_437 = arith.constant 0 : i32
      %dma_wait3A_438 = tpu.memref_slice %arg10[%add3A, %dma_wait3A_437] : memref<32x16xf32, #tpu.memory_space<hbm>> -> memref<1x16xf32, #tpu.memory_space<hbm>>
      %dma_wait3A_439 = tpu.memref_squeeze %dma_wait3A_438 : memref<1x16xf32, #tpu.memory_space<hbm>> -> memref<16xf32, #tpu.memory_space<hbm>>
      tpu.wait_dma2 semaphore(%run_scoped3A : memref<!tpu.dma_semaphore, #tpu.memory_space<semaphore_mem>>) src(%arg29 : memref<16xf32, #tpu.memory_space<vmem>>) dst(%dma_wait3A_439 : memref<16xf32, #tpu.memory_space<hbm>>)
      tpu.yield
    }) : () -> ()
    return
  }
}

module attributes {stable_mosaic.version = 14 : i64} {
  func.func @_tc_finish_body(%arg0: memref<2048x128xf32, #tpu.memory_space<vmem>>, %arg1: memref<2048x8xf32, #tpu.memory_space<vmem>>, %arg2: memref<32x16xf32, #tpu.memory_space<vmem>>, %arg3: memref<1x1xf32, #tpu.memory_space<vmem>>) attributes {dimension_semantics = [], scalar_prefetch = 0 : i64, scratch_operands = 0 : i64, tpu.core_type = #tpu.core_type<tc>} {
    %get3A = arith.constant 0 : index
    %get3A_0 = arith.constant 0 : index
    %get3A_1 = vector.load %arg0[%get3A, %get3A_0] : memref<2048x128xf32, #tpu.memory_space<vmem>>, vector<2048x128xf32>
    %iota3A = tpu.iota {dimensions = array<i32: 0>} : vector<128x8xi32>
    %iota3A_2 = tpu.iota {dimensions = array<i32: 1>} : vector<128x8xi32>
    %jit3A = arith.constant 16 : i32
    %div3A = vector.broadcast %jit3A : i32 to vector<128x8xi32>
    %div3A_3 = arith.divsi %iota3A, %div3A : vector<128x8xi32>
    %sign3A = arith.constant 0 : i32
    %sign3A_4 = vector.broadcast %sign3A : i32 to vector<128x8xi32>
    %sign3A_5 = arith.cmpi sgt, %iota3A, %sign3A_4 : vector<128x8xi32>
    %sign3A_6 = arith.extui %sign3A_5 : vector<128x8xi1> to vector<128x8xi32>
    %sign3A_7 = arith.constant 0 : i32
    %sign3A_8 = vector.broadcast %sign3A_7 : i32 to vector<128x8xi32>
    %sign3A_9 = arith.cmpi slt, %iota3A, %sign3A_8 : vector<128x8xi32>
    %sign3A_10 = arith.extui %sign3A_9 : vector<128x8xi1> to vector<128x8xi32>
    %sign3A_11 = arith.subi %sign3A_6, %sign3A_10 : vector<128x8xi32>
    %sign3A_12 = arith.constant 0 : i32
    %sign3A_13 = arith.cmpi sgt, %jit3A, %sign3A_12 : i32
    %sign3A_14 = arith.extui %sign3A_13 : i1 to i32
    %sign3A_15 = arith.constant 0 : i32
    %sign3A_16 = arith.cmpi slt, %jit3A, %sign3A_15 : i32
    %sign3A_17 = arith.extui %sign3A_16 : i1 to i32
    %sign3A_18 = arith.subi %sign3A_14, %sign3A_17 : i32
    %ne3A = vector.broadcast %sign3A_18 : i32 to vector<128x8xi32>
    %ne3A_19 = arith.cmpi ne, %sign3A_11, %ne3A : vector<128x8xi32>
    %rem3A = vector.broadcast %jit3A : i32 to vector<128x8xi32>
    %rem3A_20 = arith.remsi %iota3A, %rem3A : vector<128x8xi32>
    %ne3A_21 = arith.constant 0 : i32
    %ne3A_22 = vector.broadcast %ne3A_21 : i32 to vector<128x8xi32>
    %ne3A_23 = arith.cmpi ne, %rem3A_20, %ne3A_22 : vector<128x8xi32>
    %and3A = arith.andi %ne3A_19, %ne3A_23 : vector<128x8xi1>
    %sub3A = arith.constant 1 : i32
    %sub3A_24 = vector.broadcast %sub3A : i32 to vector<128x8xi32>
    %sub3A_25 = arith.subi %div3A_3, %sub3A_24 : vector<128x8xi32>
    %select_n3A = arith.select %and3A, %sub3A_25, %div3A_3 : vector<128x8xi1>, vector<128x8xi32>
    %eq3A = arith.cmpi eq, %select_n3A, %iota3A_2 : vector<128x8xi32>
    %convert_element_type3A = arith.extui %eq3A : vector<128x8xi1> to vector<128x8xi32>
    %convert_element_type3A_26 = arith.sitofp %convert_element_type3A : vector<128x8xi32> to vector<128x8xf32>
    %dot_general3A = arith.constant dense<0.000000e+00> : vector<2048x8xf32>
    %dot_general3A_27 = tpu.matmul %get3A_1, %convert_element_type3A_26, %dot_general3A {dimension_numbers = #tpu.dot_dimension_numbers<[1], [0], [0], [1], [0, 0, 1, 1], [], []>, transpose_lhs_hint = false} : vector<2048x128xf32>, vector<128x8xf32>, vector<2048x8xf32> -> vector<2048x8xf32>
    %neg3A = arith.constant 0.000000e+00 : f32
    %neg3A_28 = vector.broadcast %neg3A : f32 to vector<2048x8xf32>
    %neg3A_29 = arith.subf %neg3A_28, %dot_general3A_27 : vector<2048x8xf32>
    %get3A_30 = arith.constant 0 : index
    %get3A_31 = arith.constant 0 : index
    %get3A_32 = vector.load %arg1[%get3A_30, %get3A_31] : memref<2048x8xf32, #tpu.memory_space<vmem>>, vector<2048x8xf32>
    %mul3A = arith.mulf %neg3A_29, %get3A_32 : vector<2048x8xf32>
    %max3A = arith.constant 0.000000e+00 : f32
    %max3A_33 = vector.broadcast %max3A : f32 to vector<2048x8xf32>
    %max3A_34 = arith.maximumf %mul3A, %max3A_33 : vector<2048x8xf32>
    %abs3A = math.absf %mul3A : vector<2048x8xf32>
    %neg3A_35 = arith.constant 0.000000e+00 : f32
    %neg3A_36 = vector.broadcast %neg3A_35 : f32 to vector<2048x8xf32>
    %neg3A_37 = arith.subf %neg3A_36, %abs3A : vector<2048x8xf32>
    %exp3A = math.exp %neg3A_37 : vector<2048x8xf32>
    %add3A = arith.constant 1.000000e+00 : f32
    %add3A_38 = vector.broadcast %add3A : f32 to vector<2048x8xf32>
    %add3A_39 = arith.addf %add3A_38, %exp3A : vector<2048x8xf32>
    %log3A = math.log %add3A_39 : vector<2048x8xf32>
    %add3A_40 = arith.addf %max3A_34, %log3A : vector<2048x8xf32>
    %get3A_41 = arith.constant 0 : index
    %get3A_42 = arith.constant 0 : index
    %get3A_43 = vector.load %arg2[%get3A_41, %get3A_42] : memref<32x16xf32, #tpu.memory_space<vmem>>, vector<32x16xf32>
    %reduce_sum3A = vector.shape_cast %get3A_43 : vector<32x16xf32> to vector<1x32x16xf32>
    %reduce_sum3A_44 = arith.constant dense<0.000000e+00> : vector<1xf32>
    %reduce_sum3A_45 = vector.multi_reduction <add>, %reduce_sum3A, %reduce_sum3A_44 [1, 2] : vector<1x32x16xf32> to vector<1xf32>
    %reduce_sum3A_46 = vector.shape_cast %reduce_sum3A_45 : vector<1xf32> to vector<1x1x1xf32>
    %reduce_sum3A_47 = vector.extract %reduce_sum3A_46[0, 0, 0] : f32 from vector<1x1x1xf32>
    %mul3A_48 = arith.constant 9.53674295E-9 : f32
    %mul3A_49 = arith.mulf %reduce_sum3A_47, %mul3A_48 : f32
    %reduce_sum3A_50 = vector.shape_cast %add3A_40 : vector<2048x8xf32> to vector<1x2048x8xf32>
    %reduce_sum3A_51 = arith.constant dense<0.000000e+00> : vector<1xf32>
    %reduce_sum3A_52 = vector.multi_reduction <add>, %reduce_sum3A_50, %reduce_sum3A_51 [1, 2] : vector<1x2048x8xf32> to vector<1xf32>
    %reduce_sum3A_53 = vector.shape_cast %reduce_sum3A_52 : vector<1xf32> to vector<1x1x1xf32>
    %reduce_sum3A_54 = vector.extract %reduce_sum3A_53[0, 0, 0] : f32 from vector<1x1x1xf32>
    %mul3A_55 = arith.constant 6.10351563E-5 : f32
    %mul3A_56 = arith.mulf %reduce_sum3A_54, %mul3A_55 : f32
    %add3A_57 = arith.addf %mul3A_56, %mul3A_49 : f32
    %broadcast_in_dim3A = vector.broadcast %add3A_57 : f32 to vector<1x1xf32>
    %swap3A = arith.constant 0 : index
    %swap3A_58 = arith.constant 0 : index
    %swap3A_59 = vector.load %arg3[%swap3A, %swap3A_58] : memref<1x1xf32, #tpu.memory_space<vmem>>, vector<1x1xf32>
    tpu.vector_store %arg3[%swap3A, %swap3A_58], %broadcast_in_dim3A {strides = array<i32>} : memref<1x1xf32, #tpu.memory_space<vmem>>, vector<1x1xf32>,
    return
  }
}

</mosaic_0001>

<sc_bundles>
// kernel: kernel.4.cloned.1.call-start
scs
__scs_entry_jumppad:
0x0: {  	(pc) =	sbr.rel $0x88, $3  }
0x1: {  	(tag) =	ssettag $0x0;
	lr =	simm.s32 $0x1  }
0x2: {  	[smem:$0x3F9B] =	sst lr;
	_ =	strace $0xD0000000  }
0x3: {  	_ = 	snop  }
0x4: {  	_ = 	snop  }
0x5: {  	_ = 	snop  }
0x6: {  	_ = 	snop  }
0x7: {  	_ = 	snop  }
__scs_overlays_trampoline_lowered:
0x8: {  	[smem:$0x3FAA] =	sst s0  }
0x9: {  	[smem:$0x3FAB] =	sst s1  }
0xa: {  	[smem:$0x3FAC] =	sst s2  }
0xb: {  	[smem:$0x3FAD] =	sst s3  }
0xc: {  	[smem:$0x3FAE] =	sst s4  }
0xd: {  	[smem:$0x3FAF] =	sst s5  }
0xe: {  	[smem:$0x3FB0] =	sst s6  }
0xf: {  	[smem:$0x3FB1] =	sst s7  }
0x10: {  	[smem:$0x3FB2] =	sst s8  }
0x11: {  	[smem:$0x3FB3] =	sst s9;
	s0 =	simm.s32 @!p0 $0x0  }
0x12: {  	s1 =	sld [smem:$0x3F99];
	s0 =	simm.s32 @p0 $0x1  }
0x13: {  	[smem:$0x3FB4] =	sst s0;
	s0 =	simm.s32 @!p1 $0x0  }
0x14: {  	s2 =	sld [smem:$0x3F98];
	s0 =	simm.s32 @p1 $0x1  }
0x15: {  	[smem:$0x3FB5] =	sst s0;
	s0 =	simm.s32 @!p2 $0x0  }
0x16: {  	s3 =	sld [smem:$0x3FDB];
	s0 =	simm.s32 @p2 $0x1  }
0x17: {  	s4 =	simm.s32 $0x1BF5;
	[smem:$0x3FB7] =	sst s0  }
0x18: {  	s0 =	sld [smem:$0x3F9A];
	_ =	swait.ge [sflag:s4], $0x0  }
0x19: {  	s7 =	sld [smem:$0x3F9B]  }
0x1a: {  	s8 =	sadd.s32 $0xFFFFE003, lr  }
0x1b: {  	s9 =	sadd.s32 $0xFFFFFEF7, lr;
	s5 =	simm.s32 $0xFFFFFFFF;
	p2 =	slt.u32 s8, $0xFFFFF086  }
0x1c: {  	p1 =	slt.u32 s9, $0xF7A;
	s5 =	simm.s32 @!p2 $0x0  }
0x1d: {  	s5 =	simm.s32 @p1 $0x1;
	p0 =	seq.s32 s7, s2  }
0x1e: {  	s7 =	smul.u32 @!p0 $0xF7A, s2;
	p2 =	seq.s32 @!p0 s5, $0x0  }
0x1f: {  	s9 =	smul.u32 $0xF7A, s1;
	s8 =	simm.s32 @!p0 $0x1BF5;
	p2 =	por !p2, p0  }
0x20: {  	[sflag:s8] =	ssyncset.s32 @!p0 $0xFFFFF086;
	s6 =	sadd.s32 @!p0 s3, s7;
	s7 =	simm.s32 @!p0 $0x108  }
0x21: {  	s3 =	sadd.s32 s3, s9;
	s6 =	sadd.s32 @!p0 $0x88, s6;
	s7 =	simm.s32 @p2 $0x1082  }
0x22: {  	[simem:s7], [sflag:s8] =	dma.local @!p0 [hbm:s6], $0xF7A  }
0x23: {  	s9 =	sor.u32 $0xD0000000, s2;
	s6 =	simm.s32 $0x108;
	_ =	swait.ge @!p0 [sflag:s8], $0x0  }
0x24: {  	s3 =	sadd.s32 $0x88, s3;
	s6 =	simm.s32 @!p1 $0x1082;
	[sflag:s4] =	ssyncset.s32 $0xFFFFF086  }
0x25: {  	[simem:s6], [sflag:s4] =	dma.local [hbm:s3], $0xF7A  }
0x26: {  	[smem:$0x3F9B] =	sst s1;
	(tag) =	ssettag s2;
	_ =	strace s9  }
0x27: {  	s1 =	sld [smem:$0x3FAB]  }
0x28: {  	s2 =	sld [smem:$0x3FAC]  }
0x29: {  	s4 =	sld [smem:$0x3FAE]  }
0x2a: {  	p0 =	seq.s32 s5, $0x0;
	s5 =	sld [smem:$0x3FAF]  }
0x2b: {  	s6 =	sld [smem:$0x3FB0]  }
0x2c: {  	s7 =	sld [smem:$0x3FB1]  }
0x2d: {  	s3 =	simm.s32 $0x108;
	s8 =	sld [smem:$0x3FB2]  }
0x2e: {  	s3 =	simm.s32 @!p0 $0x1082;
	s9 =	sld [smem:$0x3FB3]  }
0x2f: {  	lr =	sadd.s32 s0, s3;
	s0 =	sld [smem:$0x3FAA]  }
0x30: {  	s3 =	sld [smem:$0x3FAD]  }
0x31: {  	[smem:$0x3FB6] =	sst s10  }
0x32: {  	s10 =	sld [smem:$0x3FB4];
	_ =	sdelay $0x3  }
0x33: {  	p0 =	seq.s32 s10, $0x1;
	s10 =	sld [smem:$0x3FB6];
	_ =	sdelay $0x3  }
0x34: {  	[smem:$0x3FB6] =	sst s10  }
0x35: {  	s10 =	sld [smem:$0x3FB5];
	_ =	sdelay $0x3  }
0x36: {  	p1 =	seq.s32 s10, $0x1;
	s10 =	sld [smem:$0x3FB6];
	_ =	sdelay $0x3  }
0x37: {  	[smem:$0x3FB6] =	sst s10  }
0x38: {  	s10 =	sld [smem:$0x3FB7]  }
0x39: {  	_ = 	snop;
	(pc) =	sbr.ind lr, $3  }
0x3a: {  	_ = 	snop  }
0x3b: {  	_ = 	snop  }
0x3c: {  	p2 =	seq.s32 s10, $0x1;
	s10 =	sld [smem:$0x3FB6]  }
0x3d: {  	_ =	shalt  }
0x3e: {  	_ =	shalt  }
0x3f: {  	_ =	shalt  }
0x40: {  	_ =	shalt  }
0x41: {  	_ =	shalt  }
0x42: {  	_ =	shalt  }
0x43: {  	_ =	shalt  }
0x44: {  	_ =	shalt  }
0x45: {  	_ =	shalt  }
0x46: {  	_ =	shalt  }
0x47: {  	_ =	shalt  }
0x48: {  	_ =	shalt  }
0x49: {  	_ =	shalt  }
0x4a: {  	_ =	shalt  }
0x4b: {  	_ =	shalt  }
0x4c: {  	_ =	shalt  }
0x4d: {  	_ =	shalt  }
0x4e: {  	_ =	shalt  }
0x4f: {  	_ =	shalt  }
0x50: {  	_ =	shalt  }
0x51: {  	_ =	shalt  }
0x52: {  	_ =	shalt  }
0x53: {  	_ =	shalt  }
0x54: {  	_ =	shalt  }
0x55: {  	_ =	shalt  }
0x56: {  	_ =	shalt  }
0x57: {  	_ =	shalt  }
0x58: {  	_ =	shalt  }
0x59: {  	_ =	shalt  }
0x5a: {  	_ =	shalt  }
0x5b: {  	_ =	shalt  }
0x5c: {  	_ =	shalt  }
0x5d: {  	_ =	shalt  }
0x5e: {  	_ =	shalt  }
0x5f: {  	_ =	shalt  }
0x60: {  	_ =	shalt  }
0x61: {  	_ =	shalt  }
0x62: {  	_ =	shalt  }
0x63: {  	_ =	shalt  }
0x64: {  	_ =	shalt  }
0x65: {  	_ =	shalt  }
0x66: {  	_ =	shalt  }
0x67: {  	_ =	shalt  }
0x68: {  	_ =	shalt  }
0x69: {  	_ =	shalt  }
0x6a: {  	_ =	shalt  }
0x6b: {  	_ =	shalt  }
0x6c: {  	_ =	shalt  }
0x6d: {  	_ =	shalt  }
0x6e: {  	_ =	shalt  }
0x6f: {  	_ =	shalt  }
0x70: {  	_ =	shalt  }
0x71: {  	_ =	shalt  }
0x72: {  	_ =	shalt  }
0x73: {  	_ =	shalt  }
0x74: {  	_ =	shalt  }
0x75: {  	_ =	shalt  }
0x76: {  	_ =	shalt  }
0x77: {  	_ =	shalt  }
0x78: {  	_ =	shalt  }
0x79: {  	_ =	shalt  }
0x7a: {  	_ =	shalt  }
0x7b: {  	_ =	shalt  }
0x7c: {  	_ =	shalt  }
0x7d: {  	_ =	shalt  }
0x7e: {  	_ =	shalt  }
0x7f: {  	_ =	shalt  }
0x80: {  	_ =	shalt  }
0x81: {  	_ =	shalt  }
0x82: {  	_ =	shalt  }
0x83: {  	_ =	shalt  }
0x84: {  	_ =	shalt  }
0x85: {  	_ =	shalt  }
0x86: {  	_ =	shalt  }
0x87: {  	_ =	shalt  }
.Lfunc_end0:
.L_simem_size_0:
called_computation_lowered:
.L_overlay_start_0:
0x88: {  	s2 =	sld [smem:$0x3FD9]  }
0x89: {  	s3 =	sld [smem:$0x3FFE];
	_ =	sdelay $0x1  }
0x8a: {  	s1 =	srdreg.scid  }
0x8b: {  	s0 =	sand.u32 $0x1, s1  }
0x8c: {  	s16 =	sshll.u32 s0, $0xA;
	s2 =	sadd.s32 s3, s2  }
0x8d: {  	s2 =	sadd.s32 s2, s16  }
0x8e: {  	[smem:$0x3FC2] =	sst s2  }
0x8f: {  	_ = 	snop  }
0x90: {  	(tm) =	ssettm $0x1  }
0x91: {  	s17 =	sld [smem:$0x3FFB];
	_ =	sdelay $0x3  }
0x92: {  	_ =	strace s17  }
0x93: {  	s2 =	sld [smem:$0x3FFC];
	_ =	sdelay $0x3  }
0x94: {  	_ =	strace s2  }
0x95: {  	s2 =	sld [smem:$0x3FFD];
	_ =	sdelay $0x3  }
0x96: {  	_ =	strace s2  }
0x97: {  	_ =	strace $0x8FFFFFFF  }
0x98: {  	s18 =	sld [smem:$0x3FDB];
	_ =	sdelay $0x1  }
0x99: {  	s19 =	simm.s32 $_scs_section_size  }
0x9a: {  	s4 =	simm.s32 $_size__tile_overlayer_lowered;
	s5 =	simm.s32 $_tile_overlayer_lowered  }
0x9b: {  	s22 =	simm.s32 $0x1BFF;
	s21 =	sshll.u32 s5, $0x1;
	s2 =	sadd.s32 s19, s18  }
0x9c: {  	s6 =	simm.s32 $0x0;
	s20 =	sshll.u32 s4, $0x1;
	s4 =	sadd.s32 s21, s2  }
0x9d: {  	[timem:s6], [sflag:s22] =	dma.local [hbm:s4], s20  }
0x9e: {  	_ =	swait.ge [sflag:s22], s20  }
0x9f: {  	s3 =	ssub.s32 $0x0, s20;
	[sflag:s22] =	ssyncset.done $0x0  }
0xa0: {  	[sflag:s22] =	ssyncadd.s32 s3;
	_ =	sdelay $0x1  }
0xa1: {  	s23 =	simm.s32 $0x1B8B  }
0xa2: {  	_ =	swait.ge [sflag:s23], $0x1  }
0xa3: {  	[sflag:s23] =	ssyncset.done $0x0  }
0xa4: {  	s25 =	simm.s32 $0x1B8E;
	s24 =	sld [smem:$0x3FFE];
	[sflag:s23] =	ssyncadd.s32 $0xFFFFFFFF  }
0xa5: {  	s26 =	simm.s32 $execute0_lowered;
	[smem:$0x3FD2] =	sst s25  }
0xa6: {  	s4 =	sshll.u32 s26, $0x1;
	_ =	strace $0x80000046;
	[dreg:$0x1] =	wrdreg $0xFFFFFFFF  }
0xa7: {  	s28 =	simm.s32 $_size_execute0_lowered;
	s2 =	sadd.s32 s2, s4;
	[dreg:$0x0] =	wrdreg $0x0  }
0xa8: {  	s4 =	sshll.u32 s28, $0x1;
	[dreg:$0x2] =	wrdreg s2  }
0xa9: {  	[dreg:$0x3] =	wrdreg s4  }
0xaa: {  	[dreg:$0x4] =	wrdreg $0xC0  }
0xab: {  	_ =	task [dreg:s6], $0x5FFFF  }
0xac: {  	[dreg:$0x1] =	wrdreg $0xFFFFFFFF  }
0xad: {  	[dreg:$0x0] =	wrdreg $0x60  }
0xae: {  	[dreg:$0x2] =	wrdreg s24  }
0xaf: {  	[dreg:$0x3] =	wrdreg $0x6000  }
0xb0: {  	[dreg:$0x4] =	wrdreg $0x9  }
0xb1: {  	_ =	task.clear_ibuf [dreg:s6], $0x5FFFF;
	_ =	strace $0x90000046  }
0xb2: {  	s29 =	simm.s32 $0x9;
	_ =	strace $0x80000048  }
0xb3: {  	_ =	swait.ge [sflag:s29], $0x1  }
0xb4: {  	[sflag:s29] =	ssyncadd.s32 $0xFFFFFFFF  }
0xb5: {  	_ =	strace $0x90000048  }
0xb6: {  	_ =	sfence  }
0xb7: {  	s30 =	sld [smem:$0x0];
	_ =	sdelay $0x2  }
0xb8: {  	s31 =	sshll.u32 s1, $0xD;
	s1 =	sshrl.u32 s1, $0x2  }
0xb9: {  	s3 =	sand.u32 $0x4000, s31;
	s1 =	sadd.s32 s1, s30  }
0xba: {  	s0 =	sor.u32 s3, s0;
	s1 =	sshll.u32 s1, $0x11  }
0xbb: {  	s0 =	sor.u32 s1, s0  }
0xbc: {  	s0 =	sadd.s32 $0x8F2B, s0  }
0xbd: {  	[sflag:s0] =	ssyncadd.remote.s32 $0x1  }
0xbe: {  	_ =	sfence.sel $0xFFFF  }
0xbf: {  	[dreg:$0x0] =	wrdreg $0xFFFFFFFF;
	(pc) =	sbr.abs _section_cstart, $3  }
0xc0: {  	[dreg:$0x1] =	wrdreg $0xFFFFFFFF  }
0xc1: {  	_ =	task.clear_ibuf [dreg:s6], $0x2FFFF;
	_ =	strace $0x9FFFFFFF  }
0xc2: {  	(tm) =	ssettm $0x7FFFFFFF  }
0xc3: {  	_ =	shalt  }
tec
execute0_lowered:
.L_overlay_start_1:
0x0: {  	(tag) =	ssettag $0x1  }
0x1: {  	s0 =	rddreg [dreg:$0x0]  }
0x2: {  	s1 =	rddreg [dreg:$0x1];
	s2 =	simm.s32 $0x0;
	s3 =	srdreg.scid  }
0x3: {  	s12 =	stileid.u32;
	[smem:$0x7FF] =	sst s2  }
0x4: {  	s7 =	sand.u32 $0x1, s3;
	s25 =	sshll.u32 s12, $0x1;
	s3 =	sadd.s32 $0x18AA00, s0  }
0x5: {  	s5 =	sshrl.u32 s12, $0x3;
	s6 =	sadd.s32 $0x497E00, s0;
	s8 =	sor.u32 s7, s25  }
0x6: {  	s26 =	sshll.u32 s12, $0x7;
	_ =	strace $0x80000047;
	s4 =	sshll.u32 s8, $0x6  }
0x7: {  	s9 =	smul.u32 $0xC000, s5;
	s5 =	sadd.s32 $0x4000, s0;
	s10 =	sadd.s32 s4, s0  }
0x8: {  	s11 =	sshll.u32 s8, $0xA;
	s8 =	sshll.u32 s8, $0x4;
	s28 =	sadd.s32 $0x3800, s10  }
0x9: {  	s4 =	sadd.s32 $0x311400, s0;
	s29 =	sadd.s32 $0x3000, s10;
	[dreg:$0x3] =	wrdreg s28  }
0xa: {  	s13 =	sadd.s32 s11, s0;
	s30 =	sadd.s32 $0x2800, s10;
	[dreg:$0x4] =	wrdreg s29  }
0xb: {  	s0 =	sadd.s32 s8, s0;
	s8 =	sadd.s32 $0x61E800, s13;
	[dreg:$0x5] =	wrdreg s30  }
0xc: {  	s14 =	ssub.s32 $0x2, s7;
	s10 =	sadd.s32 $0x61E880, s13;
	[dreg:$0x6] =	wrdreg s8  }
0xd: {  	s7 =	simm.s32 $0x400;
	s15 =	sadd.s32 $0x61E900, s13;
	[dreg:$0x7] =	wrdreg s10  }
0xe: {  	s17 =	sshrl.u32 s14, $0x1;
	s16 =	sadd.s32 $0x61E980, s13;
	[dreg:$0x8] =	wrdreg s15  }
0xf: {  	s9 =	sshrl.u32 s9, $0x2;
	s18 =	sadd.s32 $0x61EA00, s13;
	[dreg:$0x9] =	wrdreg s16  }
0x10: {  	s11 =	sand.u32 $0x380, s26;
	s19 =	sadd.s32 $0x61EA80, s13;
	[dreg:$0xa] =	wrdreg s18  }
0x11: {  	s1 =	sadd.s32 s9, s1;
	s20 =	sadd.s32 $0x61EB00, s13;
	[dreg:$0xb] =	wrdreg s19  }
0x12: {  	s21 =	sadd.s32 $0x61EB80, s13;
	s0 =	sadd.s32 $0x626800, s0;
	[dreg:$0xc] =	wrdreg s20  }
0x13: {  	s9 =	sadd.s32 s11, s1;
	s1 =	ssub.s32 s14, s17;
	[dreg:$0xd] =	wrdreg s21  }
0x14: {  	s13 =	simm.s32 $0x18C00;
	[dreg:$0xe] =	wrdreg s0;
	s22 =	smax.u32 s1, $0x1  }
0x15: {  	s8 =	simm.s32 $0x80;
	s23 =	sadd.s32 $0x400, s9;
	[dreg:$0xf] =	wrdreg s22  }
0x16: {  	s10 =	simm.s32 $0x1;
	s24 =	sadd.s32 $0x800, s9;
	[dreg:$0x10] =	wrdreg s23  }
0x17: {  	s14 =	simm.s32 $0x2;
	s25 =	sadd.s32 $0xC00, s9;
	[dreg:$0x11] =	wrdreg s24  }
0x18: {  	s15 =	simm.s32 $0x0;
	s26 =	sadd.s32 $0x1400, s9;
	[dreg:$0x12] =	wrdreg s25  }
0x19: {  	s11 =	sadd.s32 $0x1000, s9;
	s28 =	sadd.s32 $0x1800, s9;
	[dreg:$0x13] =	wrdreg s26  }
0x1a: {  	s12 =	sadd.s32 $0x2000, s9;
	s29 =	sadd.s32 $0x1C00, s9;
	[dreg:$0x14] =	wrdreg s28  }
0x1b: {  	s30 =	sadd.s32 $0x2400, s9;
	s31 =	sadd.s32 $0x2800, s9;
	[dreg:$0x15] =	wrdreg s29  }
0x1c: {  	s0 =	sadd.s32 $0x2C00, s9;
	s1 =	simm.s32 $0x3;
	[dreg:$0x16] =	wrdreg s30  }
.LBB2_1:
0x1d: {  	s16 =	rddreg [dreg:$0x3]  }
0x1e: {  	[tilespmem:s2], [sflag:$0x3] =	stream.linear.gather [hbm4b:s16+s2], $0x200, $0x38;
	[tilespmem:$0x19080] =	vst v63  }
0x1f: {  	_ =	swait.ge [sflag:s1], $0x200  }
0x20: {  	[sflag:s1] =	ssyncset.done $0x0  }
0x21: {  	s24 =	simm.s32 $0x200;
	s17 =	rddreg [dreg:$0x4];
	[sflag:s1] =	ssyncadd.s32 $0xFFFFFE00  }
0x22: {  	[tilespmem:s24], [sflag:$0x3] =	stream.linear.gather [hbm4b:s17+s2], $0x200, $0x38;
	[tilespmem:$0x19080] =	vst v63  }
0x23: {  	_ =	swait.ge [sflag:s1], $0x200  }
0x24: {  	[sflag:s1] =	ssyncset.done $0x0  }
0x25: {  	s25 =	rddreg [dreg:$0x5];
	[sflag:s1] =	ssyncadd.s32 $0xFFFFFE00  }
0x26: {  	[tilespmem:s7], [sflag:$0x3] =	stream.linear.gather [hbm4b:s25+s2], $0x200, $0x38;
	[tilespmem:$0x19080] =	vst v63  }
0x27: {  	_ =	swait.ge [sflag:s1], $0x200  }
0x28: {  	[sflag:s1] =	ssyncset.done $0x0  }
0x29: {  	[sflag:s1] =	ssyncadd.s32 $0xFFFFFE00  }
0x2a: {  	[spmem:s9] =	stream.strided.scatter [tilespmem:s2], [sflag:$0x3], $0x200, s7, s8, $0x38;
	[tilespmem:$0x19080] =	vst v63  }
0x2b: {  	_ =	swait.ge [sflag:s1], $0x200  }
0x2c: {  	[sflag:s1] =	ssyncset.done $0x0  }
0x2d: {  	[sflag:s1] =	ssyncadd.s32 $0xFFFFFE00  }
0x2e: {  	[spmem:s11] =	stream.strided.scatter [tilespmem:s24], [sflag:$0x3], $0x200, s7, s8, $0x38;
	[tilespmem:$0x19080] =	vst v63  }
0x2f: {  	_ =	swait.ge [sflag:s1], $0x200  }
0x30: {  	[sflag:s1] =	ssyncset.done $0x0  }
0x31: {  	[sflag:s1] =	ssyncadd.s32 $0xFFFFFE00  }
0x32: {  	[spmem:s12] =	stream.strided.scatter [tilespmem:s7], [sflag:$0x3], $0x200, s7, s8, $0x38;
	[tilespmem:$0x19080] =	vst v63  }
0x33: {  	_ =	swait.ge [sflag:s1], $0x200  }
0x34: {  	[sflag:s1] =	ssyncset.done $0x0  }
0x35: {  	[sflag:s1] =	ssyncadd.s32 $0xFFFFFE00  }
0x36: {  	[smem:s2], [sflag:$0x3] =	stream.linear.gather [spmem:s9], $0x80, $0x38;
	[tilespmem:$0x19080] =	vst v63  }
0x37: {  	s26 =	rddreg [dreg:$0x10]  }
0x38: {  	[smem:s8], [sflag:$0x3] =	stream.linear.gather [spmem:s26], $0x80, $0x38;
	[tilespmem:$0x19080] =	vst v63  }
0x39: {  	s18 =	simm.s32 $0x100;
	s17 =	rddreg [dreg:$0x11]  }
0x3a: {  	[smem:s18], [sflag:$0x3] =	stream.linear.gather [spmem:s17], $0x80, $0x38;
	[tilespmem:$0x19080] =	vst v63  }
0x3b: {  	s28 =	simm.s32 $0x180;
	s17 =	rddreg [dreg:$0x12]  }
0x3c: {  	[smem:s28], [sflag:$0x3] =	stream.linear.gather [spmem:s17], $0x80, $0x38;
	[tilespmem:$0x19080] =	vst v63  }
0x3d: {  	_ = 	snop  }
0x3e: {  	[smem:s24], [sflag:$0x3] =	stream.linear.gather [spmem:s11], $0x80, $0x38;
	[tilespmem:$0x19080] =	vst v63  }
0x3f: {  	s29 =	simm.s32 $0x280;
	s16 =	rddreg [dreg:$0x13]  }
0x40: {  	[smem:s29], [sflag:$0x3] =	stream.linear.gather [spmem:s16], $0x80, $0x38;
	[tilespmem:$0x19080] =	vst v63  }
0x41: {  	s30 =	simm.s32 $0x300;
	s16 =	rddreg [dreg:$0x14]  }
0x42: {  	[smem:s30], [sflag:$0x3] =	stream.linear.gather [spmem:s16], $0x80, $0x38;
	[tilespmem:$0x19080] =	vst v63  }
0x43: {  	s18 =	simm.s32 $0x380;
	s16 =	rddreg [dreg:$0x15]  }
0x44: {  	[smem:s18], [sflag:$0x3] =	stream.linear.gather [spmem:s16], $0x80, $0x38;
	[tilespmem:$0x19080] =	vst v63  }
0x45: {  	_ = 	snop  }
0x46: {  	[smem:s7], [sflag:$0x3] =	stream.linear.gather [spmem:s12], $0x80, $0x38;
	[tilespmem:$0x19080] =	vst v63  }
0x47: {  	s19 =	simm.s32 $0x480;
	s16 =	rddreg [dreg:$0x16]  }
0x48: {  	[smem:s19], [sflag:$0x3] =	stream.linear.gather [spmem:s16], $0x80, $0x38;
	[tilespmem:$0x19080] =	vst v63  }
0x49: {  	s20 =	simm.s32 $0x500  }
0x4a: {  	[smem:s20], [sflag:$0x3] =	stream.linear.gather [spmem:s31], $0x80, $0x38;
	[tilespmem:$0x19080] =	vst v63  }
0x4b: {  	s21 =	simm.s32 $0x580  }
0x4c: {  	[smem:s21], [sflag:$0x3] =	stream.linear.gather [spmem:s0], $0x80, $0x38;
	[tilespmem:$0x19080] =	vst v63  }
0x4d: {  	_ =	swait.ge [sflag:s1], $0x600  }
0x4e: {  	[sflag:s1] =	ssyncset.done $0x0  }
0x4f: {  	[sflag:s1] =	ssyncadd.s32 $0xFFFFFA00  }
0x50: {  	s22 =	sld [smem:$0x0];
	_ =	sdelay $0x1  }
0x51: {  	s25 =	simm.s32 $0x2C00;
	s19 =	sld [smem:$0x1]  }
0x52: {  	s17 =	simm.s32 $0x400;
	s23 =	sld [smem:$0x200];
	s16 =	sshll.u32 s22, $0x4  }
0x53: {  	s29 =	simm.s32 $0x4C00;
	s24 =	sld [smem:$0x400];
	s16 =	sand.u32 $0x1FFFFFF0, s16  }
0x54: {  	s30 =	simm.s32 $0x6C00;
	s21 =	simm.s32 $0xC00;
	s22 =	sadd.s32 s5, s16  }
0x55: {  	[tilespmem:s21], [sflag:$0x1] =	stream.linear.gather [hbm4b:s22+s2], $0x80, $0x38;
	[tilespmem:$0x19080] =	vst v63  }
0x56: {  	s20 =	simm.s32 $0x200;
	s16 =	sadd.s32 s3, s16;
	s26 =	sshll.u32 s24, $0x4  }
0x57: {  	s18 =	sshll.u32 s23, $0x4;
	s21 =	simm.s32 $0x201;
	s28 =	sand.u32 $0x1FFFFFF0, s26  }
0x58: {  	[tilespmem:s25], [sflag:$0x1] =	stream.linear.gather [hbm4b:s16+s2], $0x80, $0x38;
	[tilespmem:$0x19080] =	vst v63  }
0x59: {  	s18 =	sand.u32 $0x1FFFFFF0, s18;
	s22 =	simm.s32 $0xAC00;
	s23 =	sadd.s32 s5, s28  }
0x5a: {  	[tilespmem:s29], [sflag:$0x1] =	stream.linear.gather [hbm4b:s23+s2], $0x80, $0x38;
	[tilespmem:$0x19080] =	vst v63  }
0x5b: {  	s24 =	sadd.s32 s6, s18;
	s16 =	sadd.s32 s3, s28;
	s25 =	sadd.s32 s4, s18  }
0x5c: {  	[tilespmem:s30], [sflag:$0x1] =	stream.linear.gather [hbm4b:s16+s2], $0x80, $0x38;
	[tilespmem:$0x19080] =	vst v63  }
0x5d: {  	s18 =	simm.s32 $0x202;
	s23 =	simm.s32 $0x8C00;
	s16 =	simm.s32 $0x0  }
.LBB2_2:
0x5e: {  	[tilespmem:s23], [sflag:$0x1] =	stream.linear.gather [hbm4b:s25+s16], $0x80, $0x38;
	[tilespmem:$0x19080] =	vst v63  }
0x5f: {  	s26 =	smov.u32 s17  }
0x60: {  	p0 =	sne.s32 s17, $0x7E00;
	s17 =	sadd.s32 $0x200, s17;
	s28 =	sld [smem:s18+$0xFFFFFE00]  }
0x61: {  	[tilespmem:s22], [sflag:$0x1] =	stream.linear.gather [hbm4b:s24+s16], $0x80, $0x38;
	[tilespmem:$0x19080] =	vst v63  }
0x62: {  	s16 =	sshll.u32 s19, $0x4;
	s22 =	sld [smem:s21+$0x0]  }
0x63: {  	s20 =	sshra.s32 s20, $0x2;
	s19 =	sld [smem:s21+$0x200];
	s21 =	sand.u32 $0x1FFFFFF0, s16  }
0x64: {  	s23 =	sadd.s32 $0xC00, s20;
	s16 =	simm.s32 $0x0;
	s24 =	sadd.s32 s5, s21  }
0x65: {  	[tilespmem:s23], [sflag:$0x1] =	stream.linear.gather [hbm4b:s24+s16], $0x80, $0x38;
	[tilespmem:$0x19080] =	vst v63  }
0x66: {  	s21 =	sadd.s32 s3, s21;
	s23 =	sadd.s32 $0x2C00, s20;
	s19 =	sshll.u32 s19, $0x4  }
0x67: {  	[tilespmem:s23], [sflag:$0x1] =	stream.linear.gather [hbm4b:s21+s16], $0x80, $0x38;
	[tilespmem:$0x19080] =	vst v63  }
0x68: {  	s22 =	sshll.u32 s22, $0x4;
	s21 =	sadd.s32 $0x4C00, s20;
	s19 =	sand.u32 $0x1FFFFFF0, s19  }
0x69: {  	s29 =	sadd.s32 $0x6C00, s20;
	s23 =	sadd.s32 s5, s19;
	s30 =	sadd.s32 s3, s19  }
0x6a: {  	[tilespmem:s21], [sflag:$0x1] =	stream.linear.gather [hbm4b:s23+s16], $0x80, $0x38;
	[tilespmem:$0x19080] =	vst v63  }
.Ltmp0:
0x6b: {  	_ = 	snop;
	(pc) =	sbr.rel @p0 .LBB2_2-.Ltmp0, $4  }
0x6c: {  	s19 =	sand.u32 $0x1FFFFFF0, s22;
	s22 =	sadd.s32 $0xAC00, s20;
	s23 =	sadd.s32 $0x8C00, s20  }
0x6d: {  	s25 =	sadd.s32 s4, s19;
	s24 =	sadd.s32 s6, s19;
	s19 =	smov.u32 s28  }
0x6e: {  	[tilespmem:s29], [sflag:$0x1] =	stream.linear.gather [hbm4b:s30+s16], $0x80, $0x38;
	[tilespmem:$0x19080] =	vst v63  }
0x6f: {  	s20 =	smov.u32 s26;
	s21 =	smov.u32 s18;
	s18 =	sadd.s32 $0x1, s18  }
0x70: {  	[tilespmem:s23], [sflag:$0x1] =	stream.linear.gather [hbm4b:s25+s16], $0x80, $0x38;
	[tilespmem:$0x19080] =	vst v63  }
0x71: {  	s18 =	sld [smem:s21+$0x200]  }
0x72: {  	s17 =	sshll.u32 s19, $0x4;
	s19 =	sshra.s32 s20, $0x2;
	s26 =	sld [smem:s21+$0x0]  }
0x73: {  	p1 =	por $0x1, $0x1;
	p0 =	por $0x0, $0x0;
	s17 =	sand.u32 $0x1FFFFFF0, s17  }
0x74: {  	[tilespmem:s22], [sflag:$0x1] =	stream.linear.gather [hbm4b:s24+s16], $0x80, $0x38;
	[tilespmem:$0x19080] =	vst v63  }
0x75: {  	s28 =	sadd.s32 $0xC00, s19;
	s29 =	sadd.s32 s5, s17;
	s18 =	sshll.u32 s18, $0x4  }
0x76: {  	[tilespmem:s28], [sflag:$0x1] =	stream.linear.gather [hbm4b:s29+s16], $0x80, $0x38;
	[tilespmem:$0x19080] =	vst v63  }
0x77: {  	s30 =	sadd.s32 $0x2C00, s19;
	s17 =	sadd.s32 s3, s17;
	s22 =	sand.u32 $0x1FFFFFF0, s18  }
0x78: {  	[tilespmem:s30], [sflag:$0x1] =	stream.linear.gather [hbm4b:s17+s16], $0x80, $0x38;
	[tilespmem:$0x19080] =	vst v63  }
0x79: {  	s23 =	sadd.s32 $0x4C00, s19;
	s20 =	sshll.u32 s26, $0x4;
	s24 =	sadd.s32 s5, s22  }
0x7a: {  	[tilespmem:s23], [sflag:$0x1] =	stream.linear.gather [hbm4b:s24+s16], $0x80, $0x38;
	[tilespmem:$0x19080] =	vst v63  }
0x7b: {  	s25 =	sadd.s32 $0x6C00, s19;
	s20 =	sand.u32 $0x1FFFFFF0, s20;
	s17 =	sadd.s32 s3, s22  }
0x7c: {  	[tilespmem:s25], [sflag:$0x1] =	stream.linear.gather [hbm4b:s17+s16], $0x80, $0x38;
	[tilespmem:$0x19080] =	vst v63  }
.Ltmp1:
0x7d: {  	s26 =	sadd.s32 $0x8C00, s19;
	s28 =	sadd.s32 s4, s20;
	(pc) =	sbr.rel @!p1 .LBB2_4-.Ltmp1, $4  }
0x7e: {  	[tilespmem:s26], [sflag:$0x1] =	stream.linear.gather [hbm4b:s28+s16], $0x80, $0x38;
	[tilespmem:$0x19080] =	vst v63  }
0x7f: {  	s29 =	sadd.s32 $0xAC00, s19;
	s19 =	simm.s32 $0x440;
	s30 =	sadd.s32 s6, s20  }
0x80: {  	[tilespmem:s29], [sflag:$0x1] =	stream.linear.gather [hbm4b:s30+s16], $0x80, $0x38;
	[tilespmem:$0x19080] =	vst v63  }
0x81: {  	s18 =	simm.s32 $0x200;
	s17 =	simm.s32 $0x441;
	s25 =	sld [smem:$0x40]  }
0x82: {  	s20 =	sld [smem:$0x41];
	s22 =	simm.s32 $0xCC00  }
0x83: {  	p1 =	por $0x1, $0x1;
	s26 =	simm.s32 $0x10C00;
	s19 =	sld [smem:$0x440]  }
0x84: {  	s29 =	simm.s32 $0x12C00;
	p0 =	por $0x1, $0x1;
	s16 =	sshll.u32 s25, $0x4  }
0x85: {  	s21 =	sld [smem:$0x240];
	s25 =	simm.s32 $0xEC00;
	s16 =	sand.u32 $0x1FFFFFF0, s16  }
0x86: {  	s23 =	sadd.s32 s5, s16;
	s16 =	sadd.s32 s3, s16;
	s19 =	sshll.u32 s19, $0x4  }
0x87: {  	[tilespmem:s22], [sflag:$0x2] =	stream.linear.gather [hbm4b:s23+s2], $0x80, $0x38;
	[tilespmem:$0x19080] =	vst v63  }
0x88: {  	s19 =	sand.u32 $0x1FFFFFF0, s19;
	s21 =	sshll.u32 s21, $0x4;
	s22 =	simm.s32 $0x14C00  }
0x89: {  	[tilespmem:s25], [sflag:$0x2] =	stream.linear.gather [hbm4b:s16+s2], $0x80, $0x38;
	[tilespmem:$0x19080] =	vst v63  }
.Ltmp2:
0x8a: {  	s28 =	sadd.s32 s5, s19;
	s19 =	sadd.s32 s3, s19;
	(pc) =	sbr.rel @!p1 .LBB2_6-.Ltmp2, $4  }
0x8b: {  	[tilespmem:s26], [sflag:$0x2] =	stream.linear.gather [hbm4b:s28+s2], $0x80, $0x38;
	[tilespmem:$0x19080] =	vst v63  }
0x8c: {  	s30 =	sand.u32 $0x1FFFFFF0, s21;
	s21 =	simm.s32 $0x16C00;
	s16 =	simm.s32 $0x400  }
0x8d: {  	[tilespmem:s29], [sflag:$0x2] =	stream.linear.gather [hbm4b:s19+s2], $0x80, $0x38;
	[tilespmem:$0x19080] =	vst v63  }
0x8e: {  	s24 =	sadd.s32 s4, s30;
	s23 =	sadd.s32 s6, s30;
	s19 =	simm.s32 $0x442  }
.LBB2_7:
0x8f: {  	[tilespmem:s22], [sflag:$0x2] =	stream.linear.gather [hbm4b:s24+s2], $0x80, $0x38;
	[tilespmem:$0x19080] =	vst v63  }
0x90: {  	s25 =	smov.u32 s16  }
0x91: {  	p1 =	sne.s32 s16, $0x7E00;
	s16 =	sadd.s32 $0x200, s16;
	s26 =	sld [smem:s19+$0xFFFFFC00]  }
0x92: {  	[tilespmem:s21], [sflag:$0x2] =	stream.linear.gather [hbm4b:s23+s2], $0x80, $0x38;
	[tilespmem:$0x19080] =	vst v63  }
0x93: {  	s20 =	sshll.u32 s20, $0x4  }
0x94: {  	s18 =	sshra.s32 s18, $0x2;
	s20 =	sand.u32 $0x1FFFFFF0, s20;
	s21 =	sld [smem:s17+$0x0]  }
0x95: {  	s22 =	sadd.s32 $0xCC00, s18;
	s23 =	sadd.s32 s5, s20;
	s17 =	sld [smem:s17+$0xFFFFFE00]  }
0x96: {  	[tilespmem:s22], [sflag:$0x2] =	stream.linear.gather [hbm4b:s23+s2], $0x80, $0x38;
	[tilespmem:$0x19080] =	vst v63  }
0x97: {  	s20 =	sadd.s32 s3, s20;
	s22 =	sadd.s32 $0xEC00, s18;
	s21 =	sshll.u32 s21, $0x4  }
0x98: {  	[tilespmem:s22], [sflag:$0x2] =	stream.linear.gather [hbm4b:s20+s2], $0x80, $0x38;
	[tilespmem:$0x19080] =	vst v63  }
0x99: {  	s20 =	sadd.s32 $0x10C00, s18;
	s21 =	sand.u32 $0x1FFFFFF0, s21;
	s17 =	sshll.u32 s17, $0x4  }
0x9a: {  	s28 =	sadd.s32 $0x12C00, s18;
	s22 =	sadd.s32 s5, s21;
	s29 =	sadd.s32 s3, s21  }
0x9b: {  	[tilespmem:s20], [sflag:$0x2] =	stream.linear.gather [hbm4b:s22+s2], $0x80, $0x38;
	[tilespmem:$0x19080] =	vst v63  }
.Ltmp3:
0x9c: {  	_ = 	snop;
	(pc) =	sbr.rel @p1 .LBB2_7-.Ltmp3, $4  }
0x9d: {  	s17 =	sand.u32 $0x1FFFFFF0, s17;
	s21 =	sadd.s32 $0x16C00, s18;
	s22 =	sadd.s32 $0x14C00, s18  }
0x9e: {  	s24 =	sadd.s32 s4, s17;
	s23 =	sadd.s32 s6, s17;
	s20 =	smov.u32 s26  }
0x9f: {  	[tilespmem:s28], [sflag:$0x2] =	stream.linear.gather [hbm4b:s29+s2], $0x80, $0x38;
	[tilespmem:$0x19080] =	vst v63  }
0xa0: {  	s17 =	smov.u32 s19;
	s19 =	sadd.s32 $0x1, s19;
	s18 =	smov.u32 s25  }
0xa1: {  	s25 =	smov.u32 s20;
	s19 =	smov.u32 s17;
	s16 =	smov.u32 s18  }
.LBB2_9:
0xa2: {  	[tilespmem:s22], [sflag:$0x2] =	stream.linear.gather @p0 [hbm4b:s24+s2], $0x80, $0x38;
	[tilespmem:$0x19080] =	vst v63  }
0xa3: {  	s17 =	sshll.u32 s25, $0x4;
	s18 =	sld [smem:s19+$0x0]  }
0xa4: {  	s16 =	sshra.s32 s16, $0x2;
	s29 =	sld [smem:s19+$0xFFFFFE00];
	s17 =	sand.u32 $0x1FFFFFF0, s17  }
0xa5: {  	[tilespmem:s21], [sflag:$0x2] =	stream.linear.gather @p0 [hbm4b:s23+s2], $0x80, $0x38;
	[tilespmem:$0x19080] =	vst v63  }
0xa6: {  	s20 =	sadd.s32 $0xCC00, s16;
	s30 =	sadd.s32 s5, s17;
	s18 =	sshll.u32 s18, $0x4  }
0xa7: {  	[tilespmem:s20], [sflag:$0x2] =	stream.linear.gather [hbm4b:s30+s2], $0x80, $0x38;
	[tilespmem:$0x19080] =	vst v63  }
0xa8: {  	s22 =	sadd.s32 $0xEC00, s16;
	s17 =	sadd.s32 s3, s17;
	s23 =	sand.u32 $0x1FFFFFF0, s18  }
0xa9: {  	[tilespmem:s22], [sflag:$0x2] =	stream.linear.gather [hbm4b:s17+s2], $0x80, $0x38;
	[tilespmem:$0x19080] =	vst v63  }
0xaa: {  	s24 =	sadd.s32 $0x10C00, s16;
	s19 =	sshll.u32 s29, $0x4;
	s25 =	sadd.s32 s5, s23  }
0xab: {  	[tilespmem:s24], [sflag:$0x2] =	stream.linear.gather [hbm4b:s25+s2], $0x80, $0x38;
	[tilespmem:$0x19080] =	vst v63  }
0xac: {  	s26 =	sadd.s32 $0x12C00, s16;
	s19 =	sand.u32 $0x1FFFFFF0, s19;
	s17 =	sadd.s32 s3, s23  }
0xad: {  	[tilespmem:s26], [sflag:$0x2] =	stream.linear.gather [hbm4b:s17+s2], $0x80, $0x38;
	[tilespmem:$0x19080] =	vst v63  }
0xae: {  	s28 =	sadd.s32 $0x14C00, s16;
	s29 =	sadd.s32 s4, s19  }
0xaf: {  	[tilespmem:s28], [sflag:$0x2] =	stream.linear.gather [hbm4b:s29+s2], $0x80, $0x38;
	[tilespmem:$0x19080] =	vst v63  }
0xb0: {  	s16 =	sadd.s32 $0x16C00, s16;
	s30 =	sadd.s32 s6, s19  }
0xb1: {  	[tilespmem:s16], [sflag:$0x2] =	stream.linear.gather [hbm4b:s30+s2], $0x80, $0x38;
	[tilespmem:$0x19080] =	vst v63  }
0xb2: {  	_ =	swait.ge [sflag:s10], $0x2000  }
0xb3: {  	[sflag:s10] =	ssyncset.done $0x0  }
0xb4: {  	[sflag:s10] =	ssyncadd.s32 $0xFFFFE000  }
0xb5: {  	_ =	swait.ge [sflag:s10], $0x2000  }
0xb6: {  	[sflag:s10] =	ssyncset.done $0x0  }
0xb7: {  	[sflag:s10] =	ssyncadd.s32 $0xFFFFE000  }
0xb8: {  	_ =	swait.ge [sflag:s10], $0x2000  }
0xb9: {  	[sflag:s10] =	ssyncset.done $0x0  }
0xba: {  	[sflag:s10] =	ssyncadd.s32 $0xFFFFE000  }
0xbb: {  	_ =	swait.ge [sflag:s10], $0x2000  }
0xbc: {  	[sflag:s10] =	ssyncset.done $0x0  }
0xbd: {  	[sflag:s10] =	ssyncadd.s32 $0xFFFFE000  }
0xbe: {  	_ =	swait.ge [sflag:s10], $0x2000  }
0xbf: {  	[sflag:s10] =	ssyncset.done $0x0  }
0xc0: {  	[sflag:s10] =	ssyncadd.s32 $0xFFFFE000  }
0xc1: {  	_ =	swait.ge [sflag:s10], $0x2000  }
0xc2: {  	[sflag:s10] =	ssyncset.done $0x0  }
0xc3: {  	s17 =	simm.s32 $0x0;
	[sflag:s10] =	ssyncadd.s32 $0xFFFFE000  }
0xc4: {  	v1 =	vld [tilespmem:s17+$0xC20]  }
0xc5: {  	v6 =	vld [tilespmem:s17+$0x8C00]  }
0xc6: {  	v0 =	vld [tilespmem:s17+$0x4C20]  }
0xc7: {  	v9 =	vld [tilespmem:s17+$0x6C20]  }
0xc8: {  	v2 =	vld [tilespmem:s17+$0x2C20]  }
0xc9: {  	v3 =	vld [tilespmem:s17+$0xAC10]  }
0xca: {  	v14 =	vld [tilespmem:s17+$0x8C10]  }
0xcb: {  	v8 =	vld [tilespmem:s17+$0xAC00]  }
0xcc: {  	v10 =	vld [tilespmem:s17+$0xC10]  }
0xcd: {  	v20 =	vld [tilespmem:s17+$0x6C10]  }
0xce: {  	v13 =	vld [tilespmem:s17+$0x2C10]  }
0xcf: {  	v18 =	vld [tilespmem:s17+$0x4C10]  }
0xd0: {  	v21 =	vld [tilespmem:s17+$0x6C00];
	v12 =	vmul.f32 v9, v2;
	v15 =	vmul.f32 v2, v2  }
0xd1: {  	v11 =	vld [tilespmem:s17+$0x2C00];
	v16 =	vmul.f32 v3, v3;
	v19 =	vmul.f32 v0, v2  }
0xd2: {  	v22 =	vld [tilespmem:s17+$0x4C00];
	v17 =	vmul.f32 v8, v8;
	v4 =	vmul.f32 v9, v9  }
0xd3: {  	v23 =	vmul.f32 v14, v14;
	v24 =	vmul.f32 v1, v1  }
0xd4: {  	v25 =	vmul.f32 v20, v10;
	v7 =	vmul.f32 v0, v0  }
0xd5: {  	v27 =	vld [tilespmem:s17+$0xC00];
	v26 =	vmul.f32 v6, v6;
	v5 =	vmul.f32 v13, v13  }
0xd6: {  	v2 =	vimm.f32 $0.0e+00;
	v32 =	vmul.f32 v18, v13;
	v29 =	vmul.f32 v21, v11  }
0xd7: {  	v30 =	vmul.f32 v21, v21;
	v28 =	vmul.f32 v22, v11;
	v31 =	vadd.f32 v16, v23  }
0xd8: {  	v23 =	vmul.f32 v20, v13;
	v16 =	vmul.f32 v0, v1;
	v0 =	vadd.f32 v15, v24  }
0xd9: {  	v13 =	vadd.f32 v17, v26;
	v1 =	vmul.f32 v9, v1;
	v9 =	vld [tilespmem:s17+$0x8C20];
	v26 =	vmul.f32 v18, v10  }
0xda: {  	v24 =	vmul.f32 v22, v22;
	v15 =	vmul.f32 v27, v27;
	v17 =	vadd.f32 v12, v16;
	v16 =	vld [tilespmem:s17+$0xAC20]  }
0xdb: {  	v33 =	vadd.f32 v13, v2;
	v12 =	vmul.f32 v10, v10;
	v23 =	vadd.f32 v23, v26;
	v10 =	vld [tilespmem:s17+$0xAC30]  }
0xdc: {  	v26 =	vmul.f32 v22, v27;
	v19 =	vsub.f32 v1, v19;
	v13 =	vld [tilespmem:s17+$0x8C30];
	v24 =	vadd.f32 v30, v24  }
0xdd: {  	v22 =	vmul.f32 v18, v18;
	v30 =	vmul.f32 v21, v27;
	v27 =	vsub.f32 v25, v32;
	v18 =	vld [tilespmem:s17+$0x6C30]  }
0xde: {  	v25 =	vmul.f32 v20, v20;
	v20 =	vld [tilespmem:s17+$0x4C30];
	v1 =	vimm.f32 $0.0e+00;
	v23 =	vmul.f32 v23, v14  }
0xdf: {  	s18 =	simm.s32 $0x18C00;
	s19 =	simm.s32 $0x200;
	s16 =	simm.s32 $0x18C00;
	v14 =	vld [tilespmem:s17+$0x2C30];
	v29 =	vadd.f32 v29, v26;
	v21 =	vadd.f32 v31, v33;
	v26 =	vmul.f32 v16, v16  }
.LBB2_10:
0xe0: {  	p0 =	sne.s32 s19, $0x7E00  }
0xe1: {  	v2 =	vadd.f32 v24, v2;
	v24 =	vmul.f32 v9, v9;
	v31 =	vmul.f32 v10, v10;
	s18 =	sadd.s32 $0x10, s18;
	s20 =	smov.u32 s19;
	s19 =	sadd.s32 $0x200, s19  }
0xe2: {  	v28 =	vsub.f32 v30, v28;
	v11 =	vmul.f32 v11, v11;
	v22 =	vadd.f32 v25, v22;
	v25 =	vld [tilespmem:s17+$0xC30]  }
0xe3: {  	v6 =	vmul.f32 v29, v6;
	v24 =	vadd.f32 v26, v24;
	v26 =	vmul.f32 v13, v13  }
0xe4: {  	v4 =	vadd.f32 v4, v7;
	v8 =	vmul.f32 v28, v8;
	v7 =	vmul.f32 v18, v14  }
0xe5: {  	v6 =	vadd.f32 $0.0e+00, v6;
	v29 =	vmul.f32 v18, v18;
	v28 =	vmul.f32 v20, v14  }
0xe6: {  	v21 =	vadd.f32 v24, v21;
	v24 =	vmul.f32 v20, v20;
	v26 =	vadd.f32 v31, v26  }
0xe7: {  	v6 =	vadd.f32 v6, v8;
	v8 =	vadd.f32 v11, v15;
	v11 =	vmul.f32 v20, v25  }
0xe8: {  	v3 =	vmul.f32 v27, v3;
	v5 =	vadd.f32 v5, v12;
	v12 =	vmul.f32 v25, v25  }
0xe9: {  	v2 =	vadd.f32 v22, v2;
	v6 =	vadd.f32 v23, v6;
	v15 =	vmul.f32 v18, v25  }
0xea: {  	v1 =	vadd.f32 v8, v1;
	v8 =	vmul.f32 v14, v14;
	v7 =	vadd.f32 v7, v11  }
0xeb: {  	v3 =	vadd.f32 v6, v3;
	v6 =	vmul.f32 v17, v9;
	v9 =	vsub.f32 v15, v28  }
0xec: {  	v1 =	vadd.f32 v5, v1;
	v5 =	vadd.f32 v29, v24  }
0xed: {  	v8 =	vadd.f32 v8, v12;
	v3 =	vadd.f32 v6, v3;
	v6 =	vmul.f32 v19, v16  }
0xee: {  	v12 =	vadd.f32 v26, v21;
	v0 =	vadd.f32 v0, v1;
	v7 =	vmul.f32 v7, v13  }
0xef: {  	v2 =	vadd.f32 v4, v2;
	v3 =	vadd.f32 v3, v6  }
0xf0: {  	v4 =	vmul.f32 v9, v10;
	v1 =	vadd.f32 v8, v0  }
0xf1: {  	v2 =	vadd.f32 v5, v2;
	v0 =	vadd.f32 v7, v3;
	_ =	sdelay $0x1  }
0xf2: {  	s17 =	sshra.s32 s20, $0x2;
	v0 =	vadd.f32 v0, v4;
	_ =	sdelay $0x1  }
0xf3: {  	[tilespmem:s16+$0x0] =	vst v0;
	s16 =	smov.u32 s18  }
0xf4: {  	v10 =	vld [tilespmem:s17+$0xC20]  }
0xf5: {  	v6 =	vld [tilespmem:s17+$0x8C00]  }
0xf6: {  	v0 =	vld [tilespmem:s17+$0x4C20]  }
0xf7: {  	v13 =	vld [tilespmem:s17+$0x6C20]  }
0xf8: {  	v4 =	vld [tilespmem:s17+$0x2C20]  }
0xf9: {  	v3 =	vld [tilespmem:s17+$0xAC10]  }
0xfa: {  	v14 =	vld [tilespmem:s17+$0x8C10]  }
0xfb: {  	v8 =	vld [tilespmem:s17+$0xAC00]  }
0xfc: {  	v15 =	vld [tilespmem:s17+$0xC10]  }
0xfd: {  	v20 =	vld [tilespmem:s17+$0x6C10];
	v16 =	vmul.f32 v13, v4;
	v9 =	vmul.f32 v4, v4  }
0xfe: {  	v19 =	vmul.f32 v0, v4;
	v17 =	vld [tilespmem:s17+$0x2C10];
	v18 =	vmul.f32 v3, v3  }
0xff: {  	v21 =	vld [tilespmem:s17+$0x4C10]  }
0x100: {  	v4 =	vmul.f32 v13, v13;
	v25 =	vld [tilespmem:s17+$0x6C00];
	v22 =	vmul.f32 v8, v8  }
0x101: {  	v26 =	vmul.f32 v10, v10;
	v24 =	vmul.f32 v14, v14;
	v23 =	vld [tilespmem:s17+$0x4C00]  }
0x102: {  	v7 =	vmul.f32 v0, v0;
	v11 =	vld [tilespmem:s17+$0x2C00];
	v27 =	vmul.f32 v20, v15  }
0x103: {  	v28 =	vmul.f32 v6, v6;
	v31 =	vadd.f32 v18, v24;
	v30 =	vld [tilespmem:s17+$0xC00];
	v5 =	vmul.f32 v17, v17  }
0x104: {  	v24 =	vmul.f32 v0, v10;
	v0 =	vadd.f32 v9, v26;
	v18 =	vmul.f32 v20, v17  }
0x105: {  	v13 =	vmul.f32 v13, v10;
	v22 =	vadd.f32 v22, v28;
	v26 =	vmul.f32 v21, v17;
	v9 =	vld [tilespmem:s17+$0x8C20]  }
0x106: {  	v10 =	vmul.f32 v21, v15;
	v17 =	vadd.f32 v16, v24;
	v29 =	vmul.f32 v23, v23  }
0x107: {  	v33 =	vadd.f32 v22, v12;
	v12 =	vmul.f32 v15, v15;
	v32 =	vmul.f32 v25, v11;
	v16 =	vld [tilespmem:s17+$0xAC20]  }
.Ltmp4:
0x108: {  	v22 =	vmul.f32 v25, v25;
	v18 =	vadd.f32 v18, v10;
	v15 =	vmul.f32 v30, v30;
	v10 =	vld [tilespmem:s17+$0xAC30];
	(pc) =	sbr.rel @p0 .LBB2_10-.Ltmp4, $4  }
0x109: {  	v19 =	vsub.f32 v13, v19;
	v28 =	vmul.f32 v23, v11;
	v34 =	vmul.f32 v23, v30;
	v13 =	vld [tilespmem:s17+$0x8C30]  }
0x10a: {  	v24 =	vadd.f32 v22, v29;
	v23 =	vmul.f32 v18, v14;
	v22 =	vmul.f32 v21, v21;
	v14 =	vld [tilespmem:s17+$0x2C30]  }
0x10b: {  	v27 =	vsub.f32 v27, v26;
	v30 =	vmul.f32 v25, v30;
	v29 =	vadd.f32 v32, v34;
	v18 =	vld [tilespmem:s17+$0x6C30]  }
0x10c: {  	v25 =	vmul.f32 v20, v20;
	v21 =	vadd.f32 v31, v33;
	v26 =	vmul.f32 v16, v16;
	v20 =	vld [tilespmem:s17+$0x4C30]  }
0x10d: {  	v28 =	vsub.f32 v30, v28;
	v6 =	vmul.f32 v29, v6;
	_ =	sdelay $0x1  }
0x10e: {  	v8 =	vmul.f32 v28, v8;
	v6 =	vadd.f32 $0.0e+00, v6  }
0x10f: {  	v51 =	vld [tilespmem:s17+$0xC30]  }
0x110: {  	v6 =	vadd.f32 v6, v8;
	_ =	sdelay $0x1  }
0x111: {  	v3 =	vmul.f32 v27, v3;
	v6 =	vadd.f32 v23, v6  }
0x112: {  	v53 =	vmul.f32 v17, v9  }
0x113: {  	v8 =	vmul.f32 v18, v14;
	v52 =	vmul.f32 v20, v51;
	v3 =	vadd.f32 v6, v3  }
0x114: {  	v56 =	vmul.f32 v19, v16;
	v54 =	vmul.f32 v20, v14  }
0x115: {  	v55 =	vmul.f32 v18, v51;
	v8 =	vadd.f32 v8, v52;
	v3 =	vadd.f32 v53, v3;
	_ =	sdelay $0x1  }
0x116: {  	v57 =	vsub.f32 v55, v54;
	v8 =	vmul.f32 v8, v13;
	v3 =	vadd.f32 v3, v56;
	_ =	sdelay $0x1  }
0x117: {  	v58 =	vmul.f32 v57, v10;
	v3 =	vadd.f32 v8, v3;
	_ =	sdelay $0x1  }
0x118: {  	v3 =	vadd.f32 v3, v58;
	_ =	sdelay $0x1  }
0x119: {  	s24 =	simm.s32 $0x0;
	s25 =	rddreg [dreg:$0x6];
	[tilespmem:s16+$0x0] =	vst v3  }
0x11a: {  	[hbm4b:s25+s24] =	stream.linear.scatter [tilespmem:s13], [sflag:$0x3], $0x400, $0x38;
	[tilespmem:$0x19080] =	vst v63  }
0x11b: {  	_ =	swait.ge [sflag:s1], $0x400  }
0x11c: {  	[sflag:s1] =	ssyncset.done $0x0  }
0x11d: {  	[sflag:s1] =	ssyncadd.s32 $0xFFFFFC00  }
0x11e: {  	s26 =	sld [smem:$0x80];
	_ =	sdelay $0x1  }
0x11f: {  	v59 =	vmul.f32 v11, v11;
	s16 =	sld [smem:$0x81]  }
0x120: {  	s20 =	simm.s32 $0xC00;
	s18 =	sld [smem:$0x480];
	s17 =	sshll.u32 s26, $0x4  }
0x121: {  	v2 =	vadd.f32 v24, v2;
	s28 =	simm.s32 $0x2C00;
	s22 =	simm.s32 $0x4C00;
	v6 =	vadd.f32 v59, v15;
	s17 =	sand.u32 $0x1FFFFFF0, s17  }
0x122: {  	v4 =	vadd.f32 v4, v7;
	s30 =	simm.s32 $0x6C00;
	v60 =	vmul.f32 v18, v18;
	v11 =	vmul.f32 v20, v20;
	s19 =	sld [smem:$0x280];
	s21 =	sadd.s32 s5, s17  }
0x123: {  	v5 =	vadd.f32 v5, v12;
	v1 =	vadd.f32 v6, v1;
	s17 =	sadd.s32 s3, s17;
	s29 =	sshll.u32 s18, $0x4;
	s18 =	simm.s32 $0x281  }
0x124: {  	v62 =	vadd.f32 v60, v11;
	v8 =	vmul.f32 v10, v10;
	v10 =	vmul.f32 v13, v13;
	[tilespmem:s20], [sflag:$0x1] =	stream.linear.gather [hbm4b:s21+s2], $0x80, $0x38;
	[tilespmem:$0x19080] =	vst v63  }
0x125: {  	v1 =	vadd.f32 v5, v1;
	v3 =	vmul.f32 v9, v9;
	v9 =	vadd.f32 v25, v22;
	s20 =	simm.s32 $0x200;
	s21 =	sand.u32 $0x1FFFFFF0, s29;
	s19 =	sshll.u32 s19, $0x4  }
0x126: {  	v61 =	vadd.f32 v8, v10;
	v8 =	vmul.f32 v51, v51;
	v10 =	vmul.f32 v14, v14;
	[tilespmem:s28], [sflag:$0x1] =	stream.linear.gather [hbm4b:s17+s2], $0x80, $0x38;
	[tilespmem:$0x19080] =	vst v63  }
0x127: {  	v3 =	vadd.f32 v26, v3;
	v2 =	vadd.f32 v9, v2;
	s23 =	sadd.s32 s5, s21;
	s21 =	sadd.s32 s3, s21;
	s19 =	sand.u32 $0x1FFFFFF0, s19  }
0x128: {  	v0 =	vadd.f32 v0, v1;
	v63 =	vadd.f32 v10, v8;
	[tilespmem:s22], [sflag:$0x1] =	stream.linear.gather [hbm4b:s23+s2], $0x80, $0x38;
	[tilespmem:$0x19080] =	vst v63  }
0x129: {  	v3 =	vadd.f32 v3, v21;
	v1 =	vadd.f32 v4, v2;
	s17 =	simm.s32 $0x400;
	s24 =	sadd.s32 s4, s19;
	s22 =	simm.s32 $0x8C00  }
0x12a: {  	v0 =	vadd.f32 v63, v0;
	[tilespmem:s30], [sflag:$0x1] =	stream.linear.gather [hbm4b:s21+s2], $0x80, $0x38;
	[tilespmem:$0x19080] =	vst v63  }
0x12b: {  	v9 =	vadd.f32 v61, v3;
	v1 =	vadd.f32 v62, v1;
	s23 =	sadd.s32 s6, s19;
	s19 =	simm.s32 $0x282;
	s21 =	simm.s32 $0xAC00  }
.LBB2_12:
0x12c: {  	[tilespmem:s22], [sflag:$0x1] =	stream.linear.gather [hbm4b:s24+s2], $0x80, $0x38;
	[tilespmem:$0x19080] =	vst v63  }
0x12d: {  	s25 =	smov.u32 s17  }
0x12e: {  	p0 =	sne.s32 s17, $0x7E00;
	s17 =	sadd.s32 $0x200, s17;
	s26 =	sld [smem:s19+$0xFFFFFE00]  }
0x12f: {  	[tilespmem:s21], [sflag:$0x1] =	stream.linear.gather [hbm4b:s23+s2], $0x80, $0x38;
	[tilespmem:$0x19080] =	vst v63  }
0x130: {  	s16 =	sshll.u32 s16, $0x4  }
0x131: {  	s20 =	sshra.s32 s20, $0x2;
	s16 =	sand.u32 $0x1FFFFFF0, s16;
	s21 =	sld [smem:s18+$0x200]  }
0x132: {  	s22 =	sadd.s32 $0xC00, s20;
	s23 =	sadd.s32 s5, s16;
	s18 =	sld [smem:s18+$0x0]  }
0x133: {  	[tilespmem:s22], [sflag:$0x1] =	stream.linear.gather [hbm4b:s23+s2], $0x80, $0x38;
	[tilespmem:$0x19080] =	vst v63  }
0x134: {  	s16 =	sadd.s32 s3, s16;
	s22 =	sadd.s32 $0x2C00, s20;
	s21 =	sshll.u32 s21, $0x4  }
0x135: {  	[tilespmem:s22], [sflag:$0x1] =	stream.linear.gather [hbm4b:s16+s2], $0x80, $0x38;
	[tilespmem:$0x19080] =	vst v63  }
0x136: {  	s16 =	sadd.s32 $0x4C00, s20;
	s21 =	sand.u32 $0x1FFFFFF0, s21;
	s18 =	sshll.u32 s18, $0x4  }
0x137: {  	s28 =	sadd.s32 $0x6C00, s20;
	s22 =	sadd.s32 s5, s21;
	s29 =	sadd.s32 s3, s21  }
0x138: {  	[tilespmem:s16], [sflag:$0x1] =	stream.linear.gather [hbm4b:s22+s2], $0x80, $0x38;
	[tilespmem:$0x19080] =	vst v63  }
.Ltmp5:
0x139: {  	_ = 	snop;
	(pc) =	sbr.rel @p0 .LBB2_12-.Ltmp5, $4  }
0x13a: {  	s21 =	sadd.s32 $0xAC00, s20;
	s22 =	sadd.s32 $0x8C00, s20;
	s16 =	sand.u32 $0x1FFFFFF0, s18  }
0x13b: {  	s24 =	sadd.s32 s4, s16;
	s23 =	sadd.s32 s6, s16;
	s16 =	smov.u32 s26  }
0x13c: {  	[tilespmem:s28], [sflag:$0x1] =	stream.linear.gather [hbm4b:s29+s2], $0x80, $0x38;
	[tilespmem:$0x19080] =	vst v63  }
0x13d: {  	s20 =	smov.u32 s25;
	s18 =	smov.u32 s19;
	s19 =	sadd.s32 $0x1, s19  }
0x13e: {  	[tilespmem:s22], [sflag:$0x1] =	stream.linear.gather [hbm4b:s24+s2], $0x80, $0x38;
	[tilespmem:$0x19080] =	vst v63  }
0x13f: {  	s16 =	sshll.u32 s16, $0x4;
	s17 =	sld [smem:s18+$0x200]  }
0x140: {  	s19 =	sshra.s32 s20, $0x2;
	s29 =	sld [smem:s18+$0x0];
	s16 =	sand.u32 $0x1FFFFFF0, s16  }
0x141: {  	[tilespmem:s21], [sflag:$0x1] =	stream.linear.gather [hbm4b:s23+s2], $0x80, $0x38;
	[tilespmem:$0x19080] =	vst v63  }
0x142: {  	s20 =	sadd.s32 $0xC00, s19;
	s30 =	sadd.s32 s5, s16;
	s17 =	sshll.u32 s17, $0x4  }
0x143: {  	[tilespmem:s20], [sflag:$0x1] =	stream.linear.gather [hbm4b:s30+s2], $0x80, $0x38;
	[tilespmem:$0x19080] =	vst v63  }
0x144: {  	s21 =	sadd.s32 $0x2C00, s19;
	s16 =	sadd.s32 s3, s16;
	s22 =	sand.u32 $0x1FFFFFF0, s17  }
0x145: {  	[tilespmem:s21], [sflag:$0x1] =	stream.linear.gather [hbm4b:s16+s2], $0x80, $0x38;
	[tilespmem:$0x19080] =	vst v63  }
0x146: {  	s23 =	sadd.s32 $0x4C00, s19;
	s18 =	sshll.u32 s29, $0x4;
	s24 =	sadd.s32 s5, s22  }
0x147: {  	[tilespmem:s23], [sflag:$0x1] =	stream.linear.gather [hbm4b:s24+s2], $0x80, $0x38;
	[tilespmem:$0x19080] =	vst v63  }
0x148: {  	s25 =	sadd.s32 $0x6C00, s19;
	s18 =	sand.u32 $0x1FFFFFF0, s18;
	s16 =	sadd.s32 s3, s22  }
0x149: {  	[tilespmem:s25], [sflag:$0x1] =	stream.linear.gather [hbm4b:s16+s2], $0x80, $0x38;
	[tilespmem:$0x19080] =	vst v63  }
0x14a: {  	s26 =	sadd.s32 $0x8C00, s19;
	s28 =	sadd.s32 s4, s18  }
0x14b: {  	[tilespmem:s26], [sflag:$0x1] =	stream.linear.gather [hbm4b:s28+s2], $0x80, $0x38;
	[tilespmem:$0x19080] =	vst v63  }
0x14c: {  	s29 =	sadd.s32 $0xAC00, s19;
	s30 =	sadd.s32 s6, s18  }
0x14d: {  	[tilespmem:s29], [sflag:$0x1] =	stream.linear.gather [hbm4b:s30+s2], $0x80, $0x38;
	[tilespmem:$0x19080] =	vst v63  }
0x14e: {  	_ =	swait.ge [sflag:s14], $0x2000  }
0x14f: {  	[sflag:s14] =	ssyncset.done $0x0  }
0x150: {  	[sflag:s14] =	ssyncadd.s32 $0xFFFFE000  }
0x151: {  	_ =	swait.ge [sflag:s14], $0x2000  }
0x152: {  	[sflag:s14] =	ssyncset.done $0x0  }
0x153: {  	[sflag:s14] =	ssyncadd.s32 $0xFFFFE000  }
0x154: {  	_ =	swait.ge [sflag:s14], $0x2000  }
0x155: {  	[sflag:s14] =	ssyncset.done $0x0  }
0x156: {  	[sflag:s14] =	ssyncadd.s32 $0xFFFFE000  }
0x157: {  	_ =	swait.ge [sflag:s14], $0x2000  }
0x158: {  	[sflag:s14] =	ssyncset.done $0x0  }
0x159: {  	[sflag:s14] =	ssyncadd.s32 $0xFFFFE000  }
0x15a: {  	_ =	swait.ge [sflag:s14], $0x2000  }
0x15b: {  	[sflag:s14] =	ssyncset.done $0x0  }
0x15c: {  	[sflag:s14] =	ssyncadd.s32 $0xFFFFE000  }
0x15d: {  	_ =	swait.ge [sflag:s14], $0x2000  }
0x15e: {  	[sflag:s14] =	ssyncset.done $0x0  }
0x15f: {  	s17 =	simm.s32 $0x0;
	[sflag:s14] =	ssyncadd.s32 $0xFFFFE000  }
0x160: {  	v10 =	vld [tilespmem:s17+$0xCC20]  }
0x161: {  	v6 =	vld [tilespmem:s17+$0x14C00]  }
0x162: {  	v2 =	vld [tilespmem:s17+$0x10C20]  }
0x163: {  	v11 =	vld [tilespmem:s17+$0x12C20]  }
0x164: {  	v4 =	vld [tilespmem:s17+$0xEC20]  }
0x165: {  	v3 =	vld [tilespmem:s17+$0x16C10]  }
0x166: {  	v14 =	vld [tilespmem:s17+$0x14C10]  }
0x167: {  	v8 =	vld [tilespmem:s17+$0x16C00]  }
0x168: {  	v13 =	vld [tilespmem:s17+$0xCC10]  }
0x169: {  	v20 =	vld [tilespmem:s17+$0x12C10]  }
0x16a: {  	v17 =	vld [tilespmem:s17+$0xEC10]  }
0x16b: {  	v25 =	vld [tilespmem:s17+$0x12C00]  }
0x16c: {  	v23 =	vld [tilespmem:s17+$0x10C00];
	v15 =	vmul.f32 v11, v4  }
0x16d: {  	v12 =	vld [tilespmem:s17+$0xEC00];
	v16 =	vmul.f32 v4, v4;
	v18 =	vmul.f32 v3, v3  }
0x16e: {  	v30 =	vld [tilespmem:s17+$0xCC00];
	v19 =	vmul.f32 v2, v4;
	v22 =	vmul.f32 v8, v8  }
0x16f: {  	v4 =	vmul.f32 v11, v11;
	v24 =	vmul.f32 v14, v14  }
0x170: {  	v21 =	vld [tilespmem:s17+$0x10C10];
	v26 =	vmul.f32 v10, v10;
	v27 =	vmul.f32 v20, v13  }
0x171: {  	v7 =	vmul.f32 v2, v2;
	v28 =	vmul.f32 v6, v6  }
0x172: {  	v5 =	vmul.f32 v17, v17;
	v29 =	vmul.f32 v23, v23  }
0x173: {  	v32 =	vmul.f32 v25, v12;
	v34 =	vmul.f32 v23, v30  }
0x174: {  	v31 =	vadd.f32 v18, v24;
	v18 =	vmul.f32 v20, v17;
	v24 =	vmul.f32 v2, v10  }
0x175: {  	v2 =	vadd.f32 v16, v26;
	v16 =	vadd.f32 v22, v28;
	v26 =	vmul.f32 v21, v17  }
0x176: {  	v22 =	vmul.f32 v11, v10;
	v10 =	vld [tilespmem:s17+$0x14C20];
	v28 =	vmul.f32 v21, v13  }
0x177: {  	v11 =	vmul.f32 v13, v13;
	v17 =	vadd.f32 v15, v24;
	v33 =	vadd.f32 v16, v9;
	v16 =	vld [tilespmem:s17+$0x16C20]  }
0x178: {  	v13 =	vld [tilespmem:s17+$0x14C30];
	v15 =	vmul.f32 v30, v30;
	v24 =	vmul.f32 v25, v25;
	v18 =	vadd.f32 v18, v28  }
0x179: {  	v9 =	vld [tilespmem:s17+$0x16C30];
	v28 =	vmul.f32 v23, v12;
	v19 =	vsub.f32 v22, v19;
	v22 =	vmul.f32 v21, v21  }
0x17a: {  	v30 =	vmul.f32 v25, v30;
	v25 =	vmul.f32 v20, v20;
	v20 =	vld [tilespmem:s17+$0x10C30]  }
0x17b: {  	v27 =	vsub.f32 v27, v26;
	v24 =	vadd.f32 v24, v29;
	v23 =	vmul.f32 v18, v14;
	v14 =	vld [tilespmem:s17+$0xEC30]  }
0x17c: {  	s19 =	simm.s32 $0x200;
	s18 =	simm.s32 $0x18C00;
	s16 =	simm.s32 $0x18C00;
	v29 =	vadd.f32 v32, v34;
	v18 =	vld [tilespmem:s17+$0x12C30];
	v21 =	vadd.f32 v31, v33;
	v26 =	vmul.f32 v16, v16  }
.LBB2_14:
0x17d: {  	p0 =	sne.s32 s19, $0x7E00  }
0x17e: {  	v1 =	vadd.f32 v24, v1;
	v24 =	vmul.f32 v10, v10;
	v31 =	vmul.f32 v9, v9;
	s18 =	sadd.s32 $0x10, s18;
	s20 =	smov.u32 s19;
	s19 =	sadd.s32 $0x200, s19  }
0x17f: {  	v28 =	vsub.f32 v30, v28;
	v12 =	vmul.f32 v12, v12;
	v22 =	vadd.f32 v25, v22;
	v25 =	vld [tilespmem:s17+$0xCC30]  }
0x180: {  	v6 =	vmul.f32 v29, v6;
	v24 =	vadd.f32 v26, v24;
	v26 =	vmul.f32 v13, v13  }
0x181: {  	v4 =	vadd.f32 v4, v7;
	v8 =	vmul.f32 v28, v8;
	v7 =	vmul.f32 v18, v14  }
0x182: {  	v6 =	vadd.f32 $0.0e+00, v6;
	v29 =	vmul.f32 v18, v18;
	v28 =	vmul.f32 v20, v14  }
0x183: {  	v21 =	vadd.f32 v24, v21;
	v24 =	vmul.f32 v20, v20;
	v26 =	vadd.f32 v31, v26  }
0x184: {  	v6 =	vadd.f32 v6, v8;
	v8 =	vadd.f32 v12, v15;
	v12 =	vmul.f32 v20, v25  }
0x185: {  	v3 =	vmul.f32 v27, v3;
	v5 =	vadd.f32 v5, v11;
	v11 =	vmul.f32 v25, v25  }
0x186: {  	v1 =	vadd.f32 v22, v1;
	v6 =	vadd.f32 v23, v6;
	v15 =	vmul.f32 v18, v25  }
0x187: {  	v0 =	vadd.f32 v8, v0;
	v8 =	vmul.f32 v14, v14;
	v7 =	vadd.f32 v7, v12  }
0x188: {  	v3 =	vadd.f32 v6, v3;
	v6 =	vmul.f32 v17, v10;
	v10 =	vsub.f32 v15, v28  }
0x189: {  	v0 =	vadd.f32 v5, v0;
	v5 =	vadd.f32 v29, v24  }
0x18a: {  	v8 =	vadd.f32 v8, v11;
	v3 =	vadd.f32 v6, v3;
	v6 =	vmul.f32 v19, v16  }
0x18b: {  	v11 =	vadd.f32 v26, v21;
	v0 =	vadd.f32 v2, v0;
	v2 =	vmul.f32 v7, v13  }
0x18c: {  	v1 =	vadd.f32 v4, v1;
	v3 =	vadd.f32 v3, v6  }
0x18d: {  	v4 =	vmul.f32 v10, v9;
	v0 =	vadd.f32 v8, v0  }
0x18e: {  	v1 =	vadd.f32 v5, v1;
	v2 =	vadd.f32 v2, v3;
	_ =	sdelay $0x1  }
0x18f: {  	s17 =	sshra.s32 s20, $0x2;
	v2 =	vadd.f32 v2, v4;
	_ =	sdelay $0x1  }
0x190: {  	[tilespmem:s16+$0x0] =	vst v2;
	s16 =	smov.u32 s18  }
0x191: {  	v9 =	vld [tilespmem:s17+$0xCC20]  }
0x192: {  	v6 =	vld [tilespmem:s17+$0x14C00]  }
0x193: {  	v2 =	vld [tilespmem:s17+$0x10C20]  }
0x194: {  	v13 =	vld [tilespmem:s17+$0x12C20]  }
0x195: {  	v4 =	vld [tilespmem:s17+$0xEC20]  }
0x196: {  	v3 =	vld [tilespmem:s17+$0x16C10]  }
0x197: {  	v14 =	vld [tilespmem:s17+$0x14C10]  }
0x198: {  	v8 =	vld [tilespmem:s17+$0x16C00]  }
0x199: {  	v15 =	vld [tilespmem:s17+$0xCC10]  }
0x19a: {  	v20 =	vld [tilespmem:s17+$0x12C10];
	v16 =	vmul.f32 v13, v4;
	v10 =	vmul.f32 v4, v4  }
0x19b: {  	v19 =	vmul.f32 v2, v4;
	v17 =	vld [tilespmem:s17+$0xEC10];
	v18 =	vmul.f32 v3, v3  }
0x19c: {  	v21 =	vld [tilespmem:s17+$0x10C10]  }
0x19d: {  	v4 =	vmul.f32 v13, v13;
	v25 =	vld [tilespmem:s17+$0x12C00];
	v22 =	vmul.f32 v8, v8  }
0x19e: {  	v26 =	vmul.f32 v9, v9;
	v24 =	vmul.f32 v14, v14;
	v23 =	vld [tilespmem:s17+$0x10C00]  }
0x19f: {  	v7 =	vmul.f32 v2, v2;
	v12 =	vld [tilespmem:s17+$0xEC00];
	v27 =	vmul.f32 v20, v15  }
0x1a0: {  	v28 =	vmul.f32 v6, v6;
	v31 =	vadd.f32 v18, v24;
	v30 =	vld [tilespmem:s17+$0xCC00];
	v5 =	vmul.f32 v17, v17  }
0x1a1: {  	v24 =	vmul.f32 v2, v9;
	v2 =	vadd.f32 v10, v26;
	v18 =	vmul.f32 v20, v17  }
0x1a2: {  	v13 =	vmul.f32 v13, v9;
	v22 =	vadd.f32 v22, v28;
	v26 =	vmul.f32 v21, v17;
	v10 =	vld [tilespmem:s17+$0x14C20]  }
0x1a3: {  	v9 =	vmul.f32 v21, v15;
	v17 =	vadd.f32 v16, v24;
	v29 =	vmul.f32 v23, v23  }
0x1a4: {  	v33 =	vadd.f32 v22, v11;
	v11 =	vmul.f32 v15, v15;
	v32 =	vmul.f32 v25, v12;
	v16 =	vld [tilespmem:s17+$0x16C20]  }
.Ltmp6:
0x1a5: {  	v22 =	vmul.f32 v25, v25;
	v18 =	vadd.f32 v18, v9;
	v15 =	vmul.f32 v30, v30;
	v9 =	vld [tilespmem:s17+$0x16C30];
	(pc) =	sbr.rel @p0 .LBB2_14-.Ltmp6, $4  }
0x1a6: {  	v19 =	vsub.f32 v13, v19;
	v28 =	vmul.f32 v23, v12;
	v34 =	vmul.f32 v23, v30;
	v13 =	vld [tilespmem:s17+$0x14C30]  }
0x1a7: {  	v24 =	vadd.f32 v22, v29;
	v23 =	vmul.f32 v18, v14;
	v22 =	vmul.f32 v21, v21;
	v14 =	vld [tilespmem:s17+$0xEC30]  }
0x1a8: {  	v27 =	vsub.f32 v27, v26;
	v30 =	vmul.f32 v25, v30;
	v29 =	vadd.f32 v32, v34;
	v18 =	vld [tilespmem:s17+$0x12C30]  }
0x1a9: {  	v25 =	vmul.f32 v20, v20;
	v21 =	vadd.f32 v31, v33;
	v26 =	vmul.f32 v16, v16;
	v20 =	vld [tilespmem:s17+$0x10C30]  }
0x1aa: {  	v28 =	vsub.f32 v30, v28;
	v6 =	vmul.f32 v29, v6;
	_ =	sdelay $0x1  }
0x1ab: {  	v8 =	vmul.f32 v28, v8;
	v6 =	vadd.f32 $0.0e+00, v6  }
0x1ac: {  	v50 =	vld [tilespmem:s17+$0xCC30]  }
0x1ad: {  	v6 =	vadd.f32 v6, v8;
	_ =	sdelay $0x1  }
0x1ae: {  	v3 =	vmul.f32 v27, v3;
	v6 =	vadd.f32 v23, v6  }
0x1af: {  	v52 =	vmul.f32 v17, v10  }
0x1b0: {  	v8 =	vmul.f32 v18, v14;
	v51 =	vmul.f32 v20, v50;
	v3 =	vadd.f32 v6, v3  }
0x1b1: {  	v55 =	vmul.f32 v19, v16;
	v53 =	vmul.f32 v20, v14  }
0x1b2: {  	v54 =	vmul.f32 v18, v50;
	v8 =	vadd.f32 v8, v51;
	v3 =	vadd.f32 v52, v3;
	_ =	sdelay $0x1  }
0x1b3: {  	v56 =	vsub.f32 v54, v53;
	v8 =	vmul.f32 v8, v13;
	v3 =	vadd.f32 v3, v55;
	_ =	sdelay $0x1  }
0x1b4: {  	v57 =	vmul.f32 v56, v9;
	v3 =	vadd.f32 v8, v3;
	_ =	sdelay $0x1  }
0x1b5: {  	v3 =	vadd.f32 v3, v57;
	_ =	sdelay $0x1  }
0x1b6: {  	s24 =	simm.s32 $0x0;
	s25 =	rddreg [dreg:$0x7];
	[tilespmem:s16+$0x0] =	vst v3  }
0x1b7: {  	[hbm4b:s25+s24] =	stream.linear.scatter [tilespmem:s13], [sflag:$0x3], $0x400, $0x38;
	[tilespmem:$0x19080] =	vst v63  }
0x1b8: {  	_ =	swait.ge [sflag:s1], $0x400  }
0x1b9: {  	[sflag:s1] =	ssyncset.done $0x0  }
0x1ba: {  	[sflag:s1] =	ssyncadd.s32 $0xFFFFFC00  }
0x1bb: {  	s26 =	sld [smem:$0xC0];
	_ =	sdelay $0x1  }
0x1bc: {  	v58 =	vmul.f32 v12, v12;
	s16 =	sld [smem:$0xC1]  }
0x1bd: {  	s20 =	simm.s32 $0xCC00;
	s18 =	sld [smem:$0x4C0];
	s17 =	sshll.u32 s26, $0x4  }
0x1be: {  	v1 =	vadd.f32 v24, v1;
	s28 =	simm.s32 $0xEC00;
	s22 =	simm.s32 $0x10C00;
	v6 =	vadd.f32 v58, v15;
	s17 =	sand.u32 $0x1FFFFFF0, s17  }
0x1bf: {  	v4 =	vadd.f32 v4, v7;
	v5 =	vadd.f32 v5, v11;
	s30 =	simm.s32 $0x12C00;
	s19 =	sld [smem:$0x2C0];
	s21 =	sadd.s32 s5, s17  }
0x1c0: {  	v59 =	vmul.f32 v18, v18;
	v60 =	vmul.f32 v20, v20;
	v0 =	vadd.f32 v6, v0;
	s17 =	sadd.s32 s3, s17;
	s29 =	sshll.u32 s18, $0x4;
	s18 =	simm.s32 $0x4C1  }
0x1c1: {  	v8 =	vmul.f32 v9, v9;
	v9 =	vadd.f32 v25, v22;
	v3 =	vmul.f32 v10, v10;
	[tilespmem:s20], [sflag:$0x2] =	stream.linear.gather [hbm4b:s21+s2], $0x80, $0x38;
	[tilespmem:$0x19080] =	vst v63  }
0x1c2: {  	v62 =	vadd.f32 v59, v60;
	v0 =	vadd.f32 v5, v0;
	v10 =	vmul.f32 v13, v13;
	s20 =	simm.s32 $0x200;
	s21 =	sand.u32 $0x1FFFFFF0, s29;
	s19 =	sshll.u32 s19, $0x4  }
0x1c3: {  	v1 =	vadd.f32 v9, v1;
	v3 =	vadd.f32 v26, v3;
	[tilespmem:s28], [sflag:$0x2] =	stream.linear.gather [hbm4b:s17+s2], $0x80, $0x38;
	[tilespmem:$0x19080] =	vst v63  }
0x1c4: {  	v61 =	vadd.f32 v8, v10;
	v8 =	vmul.f32 v50, v50;
	v10 =	vmul.f32 v14, v14;
	s23 =	sadd.s32 s5, s21;
	s21 =	sadd.s32 s3, s21;
	s19 =	sand.u32 $0x1FFFFFF0, s19  }
0x1c5: {  	v0 =	vadd.f32 v2, v0;
	v1 =	vadd.f32 v4, v1;
	[tilespmem:s22], [sflag:$0x2] =	stream.linear.gather [hbm4b:s23+s2], $0x80, $0x38;
	[tilespmem:$0x19080] =	vst v63  }
0x1c6: {  	v3 =	vadd.f32 v3, v21;
	v63 =	vadd.f32 v10, v8;
	s17 =	simm.s32 $0x400;
	s24 =	sadd.s32 s4, s19;
	s22 =	simm.s32 $0x14C00  }
0x1c7: {  	v1 =	vadd.f32 v62, v1;
	[tilespmem:s30], [sflag:$0x2] =	stream.linear.gather [hbm4b:s21+s2], $0x80, $0x38;
	[tilespmem:$0x19080] =	vst v63  }
0x1c8: {  	v9 =	vadd.f32 v61, v3;
	v0 =	vadd.f32 v63, v0;
	s23 =	sadd.s32 s6, s19;
	s19 =	simm.s32 $0x4C2;
	s21 =	simm.s32 $0x16C00  }
.LBB2_16:
0x1c9: {  	[tilespmem:s22], [sflag:$0x2] =	stream.linear.gather [hbm4b:s24+s2], $0x80, $0x38;
	[tilespmem:$0x19080] =	vst v63  }
0x1ca: {  	s25 =	smov.u32 s17  }
0x1cb: {  	p0 =	sne.s32 s17, $0x7E00;
	s17 =	sadd.s32 $0x200, s17;
	s26 =	sld [smem:s19+$0xFFFFFC00]  }
0x1cc: {  	[tilespmem:s21], [sflag:$0x2] =	stream.linear.gather [hbm4b:s23+s2], $0x80, $0x38;
	[tilespmem:$0x19080] =	vst v63  }
0x1cd: {  	s16 =	sshll.u32 s16, $0x4  }
0x1ce: {  	s20 =	sshra.s32 s20, $0x2;
	s16 =	sand.u32 $0x1FFFFFF0, s16;
	s21 =	sld [smem:s18+$0x0]  }
0x1cf: {  	s22 =	sadd.s32 $0xCC00, s20;
	s23 =	sadd.s32 s5, s16;
	s18 =	sld [smem:s18+$0xFFFFFE00]  }
0x1d0: {  	[tilespmem:s22], [sflag:$0x2] =	stream.linear.gather [hbm4b:s23+s2], $0x80, $0x38;
	[tilespmem:$0x19080] =	vst v63  }
0x1d1: {  	s16 =	sadd.s32 s3, s16;
	s22 =	sadd.s32 $0xEC00, s20;
	s21 =	sshll.u32 s21, $0x4  }
0x1d2: {  	[tilespmem:s22], [sflag:$0x2] =	stream.linear.gather [hbm4b:s16+s2], $0x80, $0x38;
	[tilespmem:$0x19080] =	vst v63  }
0x1d3: {  	s16 =	sadd.s32 $0x10C00, s20;
	s21 =	sand.u32 $0x1FFFFFF0, s21;
	s18 =	sshll.u32 s18, $0x4  }
0x1d4: {  	s28 =	sadd.s32 $0x12C00, s20;
	s22 =	sadd.s32 s5, s21;
	s29 =	sadd.s32 s3, s21  }
0x1d5: {  	[tilespmem:s16], [sflag:$0x2] =	stream.linear.gather [hbm4b:s22+s2], $0x80, $0x38;
	[tilespmem:$0x19080] =	vst v63  }
.Ltmp7:
0x1d6: {  	_ = 	snop;
	(pc) =	sbr.rel @p0 .LBB2_16-.Ltmp7, $4  }
0x1d7: {  	s21 =	sadd.s32 $0x16C00, s20;
	s22 =	sadd.s32 $0x14C00, s20;
	s16 =	sand.u32 $0x1FFFFFF0, s18  }
0x1d8: {  	s24 =	sadd.s32 s4, s16;
	s23 =	sadd.s32 s6, s16;
	s16 =	smov.u32 s26  }
0x1d9: {  	[tilespmem:s28], [sflag:$0x2] =	stream.linear.gather [hbm4b:s29+s2], $0x80, $0x38;
	[tilespmem:$0x19080] =	vst v63  }
0x1da: {  	s20 =	smov.u32 s25;
	s18 =	smov.u32 s19;
	s19 =	sadd.s32 $0x1, s19  }
0x1db: {  	[tilespmem:s22], [sflag:$0x2] =	stream.linear.gather [hbm4b:s24+s2], $0x80, $0x38;
	[tilespmem:$0x19080] =	vst v63  }
0x1dc: {  	s16 =	sshll.u32 s16, $0x4;
	s17 =	sld [smem:s18+$0x0]  }
0x1dd: {  	s19 =	sshra.s32 s20, $0x2;
	s29 =	sld [smem:s18+$0xFFFFFE00];
	s16 =	sand.u32 $0x1FFFFFF0, s16  }
0x1de: {  	[tilespmem:s21], [sflag:$0x2] =	stream.linear.gather [hbm4b:s23+s2], $0x80, $0x38;
	[tilespmem:$0x19080] =	vst v63  }
0x1df: {  	s20 =	sadd.s32 $0xCC00, s19;
	s30 =	sadd.s32 s5, s16;
	s17 =	sshll.u32 s17, $0x4  }
0x1e0: {  	[tilespmem:s20], [sflag:$0x2] =	stream.linear.gather [hbm4b:s30+s2], $0x80, $0x38;
	[tilespmem:$0x19080] =	vst v63  }
0x1e1: {  	s21 =	sadd.s32 $0xEC00, s19;
	s16 =	sadd.s32 s3, s16;
	s22 =	sand.u32 $0x1FFFFFF0, s17  }
0x1e2: {  	[tilespmem:s21], [sflag:$0x2] =	stream.linear.gather [hbm4b:s16+s2], $0x80, $0x38;
	[tilespmem:$0x19080] =	vst v63  }
0x1e3: {  	s23 =	sadd.s32 $0x10C00, s19;
	s18 =	sshll.u32 s29, $0x4;
	s24 =	sadd.s32 s5, s22  }
0x1e4: {  	[tilespmem:s23], [sflag:$0x2] =	stream.linear.gather [hbm4b:s24+s2], $0x80, $0x38;
	[tilespmem:$0x19080] =	vst v63  }
0x1e5: {  	s25 =	sadd.s32 $0x12C00, s19;
	s18 =	sand.u32 $0x1FFFFFF0, s18;
	s16 =	sadd.s32 s3, s22  }
0x1e6: {  	[tilespmem:s25], [sflag:$0x2] =	stream.linear.gather [hbm4b:s16+s2], $0x80, $0x38;
	[tilespmem:$0x19080] =	vst v63  }
0x1e7: {  	s26 =	sadd.s32 $0x14C00, s19;
	s28 =	sadd.s32 s4, s18  }
0x1e8: {  	[tilespmem:s26], [sflag:$0x2] =	stream.linear.gather [hbm4b:s28+s2], $0x80, $0x38;
	[tilespmem:$0x19080] =	vst v63  }
0x1e9: {  	s29 =	sadd.s32 $0x16C00, s19;
	s30 =	sadd.s32 s6, s18  }
0x1ea: {  	[tilespmem:s29], [sflag:$0x2] =	stream.linear.gather [hbm4b:s30+s2], $0x80, $0x38;
	[tilespmem:$0x19080] =	vst v63  }
0x1eb: {  	_ =	swait.ge [sflag:s10], $0x2000  }
0x1ec: {  	[sflag:s10] =	ssyncset.done $0x0  }
0x1ed: {  	[sflag:s10] =	ssyncadd.s32 $0xFFFFE000  }
0x1ee: {  	_ =	swait.ge [sflag:s10], $0x2000  }
0x1ef: {  	[sflag:s10] =	ssyncset.done $0x0  }
0x1f0: {  	[sflag:s10] =	ssyncadd.s32 $0xFFFFE000  }
0x1f1: {  	_ =	swait.ge [sflag:s10], $0x2000  }
0x1f2: {  	[sflag:s10] =	ssyncset.done $0x0  }
0x1f3: {  	[sflag:s10] =	ssyncadd.s32 $0xFFFFE000  }
0x1f4: {  	_ =	swait.ge [sflag:s10], $0x2000  }
0x1f5: {  	[sflag:s10] =	ssyncset.done $0x0  }
0x1f6: {  	[sflag:s10] =	ssyncadd.s32 $0xFFFFE000  }
0x1f7: {  	_ =	swait.ge [sflag:s10], $0x2000  }
0x1f8: {  	[sflag:s10] =	ssyncset.done $0x0  }
0x1f9: {  	[sflag:s10] =	ssyncadd.s32 $0xFFFFE000  }
0x1fa: {  	_ =	swait.ge [sflag:s10], $0x2000  }
0x1fb: {  	[sflag:s10] =	ssyncset.done $0x0  }
0x1fc: {  	s17 =	simm.s32 $0x0;
	[sflag:s10] =	ssyncadd.s32 $0xFFFFE000  }
0x1fd: {  	v10 =	vld [tilespmem:s17+$0xC20]  }
0x1fe: {  	v6 =	vld [tilespmem:s17+$0x8C00]  }
0x1ff: {  	v2 =	vld [tilespmem:s17+$0x4C20]  }
0x200: {  	v11 =	vld [tilespmem:s17+$0x6C20]  }
0x201: {  	v4 =	vld [tilespmem:s17+$0x2C20]  }
0x202: {  	v3 =	vld [tilespmem:s17+$0xAC10]  }
0x203: {  	v14 =	vld [tilespmem:s17+$0x8C10]  }
0x204: {  	v8 =	vld [tilespmem:s17+$0xAC00]  }
0x205: {  	v13 =	vld [tilespmem:s17+$0xC10]  }
0x206: {  	v20 =	vld [tilespmem:s17+$0x6C10]  }
0x207: {  	v17 =	vld [tilespmem:s17+$0x2C10]  }
0x208: {  	v25 =	vld [tilespmem:s17+$0x6C00]  }
0x209: {  	v23 =	vld [tilespmem:s17+$0x4C00];
	v15 =	vmul.f32 v11, v4  }
0x20a: {  	v12 =	vld [tilespmem:s17+$0x2C00];
	v16 =	vmul.f32 v4, v4;
	v18 =	vmul.f32 v3, v3  }
0x20b: {  	v30 =	vld [tilespmem:s17+$0xC00];
	v19 =	vmul.f32 v2, v4;
	v22 =	vmul.f32 v8, v8  }
0x20c: {  	v4 =	vmul.f32 v11, v11;
	v24 =	vmul.f32 v14, v14  }
0x20d: {  	v21 =	vld [tilespmem:s17+$0x4C10];
	v26 =	vmul.f32 v10, v10;
	v27 =	vmul.f32 v20, v13  }
0x20e: {  	v7 =	vmul.f32 v2, v2;
	v28 =	vmul.f32 v6, v6  }
0x20f: {  	v5 =	vmul.f32 v17, v17;
	v29 =	vmul.f32 v23, v23  }
0x210: {  	v32 =	vmul.f32 v25, v12;
	v34 =	vmul.f32 v23, v30  }
0x211: {  	v31 =	vadd.f32 v18, v24;
	v18 =	vmul.f32 v20, v17;
	v24 =	vmul.f32 v2, v10  }
0x212: {  	v2 =	vadd.f32 v16, v26;
	v16 =	vadd.f32 v22, v28;
	v26 =	vmul.f32 v21, v17  }
0x213: {  	v22 =	vmul.f32 v11, v10;
	v10 =	vld [tilespmem:s17+$0x8C20];
	v28 =	vmul.f32 v21, v13  }
0x214: {  	v11 =	vmul.f32 v13, v13;
	v17 =	vadd.f32 v15, v24;
	v33 =	vadd.f32 v16, v9;
	v16 =	vld [tilespmem:s17+$0xAC20]  }
0x215: {  	v13 =	vld [tilespmem:s17+$0x8C30];
	v15 =	vmul.f32 v30, v30;
	v24 =	vmul.f32 v25, v25;
	v18 =	vadd.f32 v18, v28  }
0x216: {  	v9 =	vld [tilespmem:s17+$0xAC30];
	v28 =	vmul.f32 v23, v12;
	v19 =	vsub.f32 v22, v19;
	v22 =	vmul.f32 v21, v21  }
0x217: {  	v30 =	vmul.f32 v25, v30;
	v25 =	vmul.f32 v20, v20;
	v20 =	vld [tilespmem:s17+$0x4C30]  }
0x218: {  	v27 =	vsub.f32 v27, v26;
	v24 =	vadd.f32 v24, v29;
	v23 =	vmul.f32 v18, v14;
	v14 =	vld [tilespmem:s17+$0x2C30]  }
0x219: {  	s19 =	simm.s32 $0x200;
	s18 =	simm.s32 $0x18C00;
	s16 =	simm.s32 $0x18C00;
	v29 =	vadd.f32 v32, v34;
	v18 =	vld [tilespmem:s17+$0x6C30];
	v21 =	vadd.f32 v31, v33;
	v26 =	vmul.f32 v16, v16  }
.LBB2_18:
0x21a: {  	p0 =	sne.s32 s19, $0x7E00  }
0x21b: {  	v1 =	vadd.f32 v24, v1;
	v24 =	vmul.f32 v10, v10;
	v31 =	vmul.f32 v9, v9;
	s18 =	sadd.s32 $0x10, s18;
	s20 =	smov.u32 s19;
	s19 =	sadd.s32 $0x200, s19  }
0x21c: {  	v28 =	vsub.f32 v30, v28;
	v12 =	vmul.f32 v12, v12;
	v22 =	vadd.f32 v25, v22;
	v25 =	vld [tilespmem:s17+$0xC30]  }
0x21d: {  	v6 =	vmul.f32 v29, v6;
	v24 =	vadd.f32 v26, v24;
	v26 =	vmul.f32 v13, v13  }
0x21e: {  	v4 =	vadd.f32 v4, v7;
	v8 =	vmul.f32 v28, v8;
	v7 =	vmul.f32 v18, v14  }
0x21f: {  	v6 =	vadd.f32 $0.0e+00, v6;
	v29 =	vmul.f32 v18, v18;
	v28 =	vmul.f32 v20, v14  }
0x220: {  	v21 =	vadd.f32 v24, v21;
	v24 =	vmul.f32 v20, v20;
	v26 =	vadd.f32 v31, v26  }
0x221: {  	v6 =	vadd.f32 v6, v8;
	v8 =	vadd.f32 v12, v15;
	v12 =	vmul.f32 v20, v25  }
0x222: {  	v3 =	vmul.f32 v27, v3;
	v5 =	vadd.f32 v5, v11;
	v11 =	vmul.f32 v25, v25  }
0x223: {  	v1 =	vadd.f32 v22, v1;
	v6 =	vadd.f32 v23, v6;
	v15 =	vmul.f32 v18, v25  }
0x224: {  	v0 =	vadd.f32 v8, v0;
	v8 =	vmul.f32 v14, v14;
	v7 =	vadd.f32 v7, v12  }
0x225: {  	v3 =	vadd.f32 v6, v3;
	v6 =	vmul.f32 v17, v10;
	v10 =	vsub.f32 v15, v28  }
0x226: {  	v0 =	vadd.f32 v5, v0;
	v5 =	vadd.f32 v29, v24  }
0x227: {  	v8 =	vadd.f32 v8, v11;
	v3 =	vadd.f32 v6, v3;
	v6 =	vmul.f32 v19, v16  }
0x228: {  	v11 =	vadd.f32 v26, v21;
	v0 =	vadd.f32 v2, v0;
	v2 =	vmul.f32 v7, v13  }
0x229: {  	v1 =	vadd.f32 v4, v1;
	v3 =	vadd.f32 v3, v6  }
0x22a: {  	v4 =	vmul.f32 v10, v9;
	v0 =	vadd.f32 v8, v0  }
0x22b: {  	v1 =	vadd.f32 v5, v1;
	v2 =	vadd.f32 v2, v3;
	_ =	sdelay $0x1  }
0x22c: {  	s17 =	sshra.s32 s20, $0x2;
	v2 =	vadd.f32 v2, v4;
	_ =	sdelay $0x1  }
0x22d: {  	[tilespmem:s16+$0x0] =	vst v2;
	s16 =	smov.u32 s18  }
0x22e: {  	v9 =	vld [tilespmem:s17+$0xC20]  }
0x22f: {  	v6 =	vld [tilespmem:s17+$0x8C00]  }
0x230: {  	v2 =	vld [tilespmem:s17+$0x4C20]  }
0x231: {  	v13 =	vld [tilespmem:s17+$0x6C20]  }
0x232: {  	v4 =	vld [tilespmem:s17+$0x2C20]  }
0x233: {  	v3 =	vld [tilespmem:s17+$0xAC10]  }
0x234: {  	v14 =	vld [tilespmem:s17+$0x8C10]  }
0x235: {  	v8 =	vld [tilespmem:s17+$0xAC00]  }
0x236: {  	v15 =	vld [tilespmem:s17+$0xC10]  }
0x237: {  	v20 =	vld [tilespmem:s17+$0x6C10];
	v16 =	vmul.f32 v13, v4;
	v10 =	vmul.f32 v4, v4  }
0x238: {  	v19 =	vmul.f32 v2, v4;
	v17 =	vld [tilespmem:s17+$0x2C10];
	v18 =	vmul.f32 v3, v3  }
0x239: {  	v21 =	vld [tilespmem:s17+$0x4C10]  }
0x23a: {  	v4 =	vmul.f32 v13, v13;
	v25 =	vld [tilespmem:s17+$0x6C00];
	v22 =	vmul.f32 v8, v8  }
0x23b: {  	v26 =	vmul.f32 v9, v9;
	v24 =	vmul.f32 v14, v14;
	v23 =	vld [tilespmem:s17+$0x4C00]  }
0x23c: {  	v7 =	vmul.f32 v2, v2;
	v12 =	vld [tilespmem:s17+$0x2C00];
	v27 =	vmul.f32 v20, v15  }
0x23d: {  	v28 =	vmul.f32 v6, v6;
	v31 =	vadd.f32 v18, v24;
	v30 =	vld [tilespmem:s17+$0xC00];
	v5 =	vmul.f32 v17, v17  }
0x23e: {  	v24 =	vmul.f32 v2, v9;
	v2 =	vadd.f32 v10, v26;
	v18 =	vmul.f32 v20, v17  }
0x23f: {  	v13 =	vmul.f32 v13, v9;
	v22 =	vadd.f32 v22, v28;
	v26 =	vmul.f32 v21, v17;
	v10 =	vld [tilespmem:s17+$0x8C20]  }
0x240: {  	v9 =	vmul.f32 v21, v15;
	v17 =	vadd.f32 v16, v24;
	v29 =	vmul.f32 v23, v23  }
0x241: {  	v33 =	vadd.f32 v22, v11;
	v11 =	vmul.f32 v15, v15;
	v32 =	vmul.f32 v25, v12;
	v16 =	vld [tilespmem:s17+$0xAC20]  }
.Ltmp8:
0x242: {  	v22 =	vmul.f32 v25, v25;
	v18 =	vadd.f32 v18, v9;
	v15 =	vmul.f32 v30, v30;
	v9 =	vld [tilespmem:s17+$0xAC30];
	(pc) =	sbr.rel @p0 .LBB2_18-.Ltmp8, $4  }
0x243: {  	v19 =	vsub.f32 v13, v19;
	v28 =	vmul.f32 v23, v12;
	v34 =	vmul.f32 v23, v30;
	v13 =	vld [tilespmem:s17+$0x8C30]  }
0x244: {  	v24 =	vadd.f32 v22, v29;
	v23 =	vmul.f32 v18, v14;
	v22 =	vmul.f32 v21, v21;
	v14 =	vld [tilespmem:s17+$0x2C30]  }
0x245: {  	v27 =	vsub.f32 v27, v26;
	v30 =	vmul.f32 v25, v30;
	v29 =	vadd.f32 v32, v34;
	v18 =	vld [tilespmem:s17+$0x6C30]  }
0x246: {  	v25 =	vmul.f32 v20, v20;
	v21 =	vadd.f32 v31, v33;
	v26 =	vmul.f32 v16, v16;
	v20 =	vld [tilespmem:s17+$0x4C30]  }
0x247: {  	v28 =	vsub.f32 v30, v28;
	v6 =	vmul.f32 v29, v6;
	_ =	sdelay $0x1  }
0x248: {  	v8 =	vmul.f32 v28, v8;
	v6 =	vadd.f32 $0.0e+00, v6  }
0x249: {  	v50 =	vld [tilespmem:s17+$0xC30]  }
0x24a: {  	v6 =	vadd.f32 v6, v8;
	_ =	sdelay $0x1  }
0x24b: {  	v3 =	vmul.f32 v27, v3;
	v6 =	vadd.f32 v23, v6  }
0x24c: {  	v52 =	vmul.f32 v17, v10  }
0x24d: {  	v8 =	vmul.f32 v18, v14;
	v51 =	vmul.f32 v20, v50;
	v3 =	vadd.f32 v6, v3  }
0x24e: {  	v55 =	vmul.f32 v19, v16;
	v53 =	vmul.f32 v20, v14  }
0x24f: {  	v54 =	vmul.f32 v18, v50;
	v8 =	vadd.f32 v8, v51;
	v3 =	vadd.f32 v52, v3;
	_ =	sdelay $0x1  }
0x250: {  	v56 =	vsub.f32 v54, v53;
	v8 =	vmul.f32 v8, v13;
	v3 =	vadd.f32 v3, v55;
	_ =	sdelay $0x1  }
0x251: {  	v57 =	vmul.f32 v56, v9;
	v3 =	vadd.f32 v8, v3;
	_ =	sdelay $0x1  }
0x252: {  	v3 =	vadd.f32 v3, v57;
	_ =	sdelay $0x1  }
0x253: {  	s24 =	simm.s32 $0x0;
	s25 =	rddreg [dreg:$0x8];
	[tilespmem:s16+$0x0] =	vst v3  }
0x254: {  	[hbm4b:s25+s24] =	stream.linear.scatter [tilespmem:s13], [sflag:$0x3], $0x400, $0x38;
	[tilespmem:$0x19080] =	vst v63  }
0x255: {  	_ =	swait.ge [sflag:s1], $0x400  }
0x256: {  	[sflag:s1] =	ssyncset.done $0x0  }
0x257: {  	[sflag:s1] =	ssyncadd.s32 $0xFFFFFC00  }
0x258: {  	s26 =	sld [smem:$0x100];
	_ =	sdelay $0x1  }
0x259: {  	v58 =	vmul.f32 v12, v12;
	s16 =	sld [smem:$0x101]  }
0x25a: {  	s20 =	simm.s32 $0xC00;
	s18 =	sld [smem:$0x500];
	s17 =	sshll.u32 s26, $0x4  }
0x25b: {  	v1 =	vadd.f32 v24, v1;
	s28 =	simm.s32 $0x2C00;
	s22 =	simm.s32 $0x4C00;
	v6 =	vadd.f32 v58, v15;
	s17 =	sand.u32 $0x1FFFFFF0, s17  }
0x25c: {  	v4 =	vadd.f32 v4, v7;
	v5 =	vadd.f32 v5, v11;
	s30 =	simm.s32 $0x6C00;
	s19 =	sld [smem:$0x300];
	s21 =	sadd.s32 s5, s17  }
0x25d: {  	v59 =	vmul.f32 v18, v18;
	v60 =	vmul.f32 v20, v20;
	v0 =	vadd.f32 v6, v0;
	s17 =	sadd.s32 s3, s17;
	s29 =	sshll.u32 s18, $0x4;
	s18 =	simm.s32 $0x301  }
0x25e: {  	v8 =	vmul.f32 v9, v9;
	v9 =	vadd.f32 v25, v22;
	v3 =	vmul.f32 v10, v10;
	[tilespmem:s20], [sflag:$0x1] =	stream.linear.gather [hbm4b:s21+s2], $0x80, $0x38;
	[tilespmem:$0x19080] =	vst v63  }
0x25f: {  	v62 =	vadd.f32 v59, v60;
	v0 =	vadd.f32 v5, v0;
	v10 =	vmul.f32 v13, v13;
	s20 =	simm.s32 $0x200;
	s21 =	sand.u32 $0x1FFFFFF0, s29;
	s19 =	sshll.u32 s19, $0x4  }
0x260: {  	v1 =	vadd.f32 v9, v1;
	v3 =	vadd.f32 v26, v3;
	[tilespmem:s28], [sflag:$0x1] =	stream.linear.gather [hbm4b:s17+s2], $0x80, $0x38;
	[tilespmem:$0x19080] =	vst v63  }
0x261: {  	v61 =	vadd.f32 v8, v10;
	v8 =	vmul.f32 v50, v50;
	v10 =	vmul.f32 v14, v14;
	s23 =	sadd.s32 s5, s21;
	s21 =	sadd.s32 s3, s21;
	s19 =	sand.u32 $0x1FFFFFF0, s19  }
0x262: {  	v0 =	vadd.f32 v2, v0;
	v1 =	vadd.f32 v4, v1;
	[tilespmem:s22], [sflag:$0x1] =	stream.linear.gather [hbm4b:s23+s2], $0x80, $0x38;
	[tilespmem:$0x19080] =	vst v63  }
0x263: {  	v3 =	vadd.f32 v3, v21;
	v63 =	vadd.f32 v10, v8;
	s17 =	simm.s32 $0x400;
	s24 =	sadd.s32 s4, s19;
	s22 =	simm.s32 $0x8C00  }
0x264: {  	v1 =	vadd.f32 v62, v1;
	[tilespmem:s30], [sflag:$0x1] =	stream.linear.gather [hbm4b:s21+s2], $0x80, $0x38;
	[tilespmem:$0x19080] =	vst v63  }
0x265: {  	v9 =	vadd.f32 v61, v3;
	v0 =	vadd.f32 v63, v0;
	s23 =	sadd.s32 s6, s19;
	s19 =	simm.s32 $0x302;
	s21 =	simm.s32 $0xAC00  }
.LBB2_20:
0x266: {  	[tilespmem:s22], [sflag:$0x1] =	stream.linear.gather [hbm4b:s24+s2], $0x80, $0x38;
	[tilespmem:$0x19080] =	vst v63  }
0x267: {  	s25 =	smov.u32 s17  }
0x268: {  	p0 =	sne.s32 s17, $0x7E00;
	s17 =	sadd.s32 $0x200, s17;
	s26 =	sld [smem:s19+$0xFFFFFE00]  }
0x269: {  	[tilespmem:s21], [sflag:$0x1] =	stream.linear.gather [hbm4b:s23+s2], $0x80, $0x38;
	[tilespmem:$0x19080] =	vst v63  }
0x26a: {  	s16 =	sshll.u32 s16, $0x4  }
0x26b: {  	s20 =	sshra.s32 s20, $0x2;
	s16 =	sand.u32 $0x1FFFFFF0, s16;
	s21 =	sld [smem:s18+$0x200]  }
0x26c: {  	s22 =	sadd.s32 $0xC00, s20;
	s23 =	sadd.s32 s5, s16;
	s18 =	sld [smem:s18+$0x0]  }
0x26d: {  	[tilespmem:s22], [sflag:$0x1] =	stream.linear.gather [hbm4b:s23+s2], $0x80, $0x38;
	[tilespmem:$0x19080] =	vst v63  }
0x26e: {  	s16 =	sadd.s32 s3, s16;
	s22 =	sadd.s32 $0x2C00, s20;
	s21 =	sshll.u32 s21, $0x4  }
0x26f: {  	[tilespmem:s22], [sflag:$0x1] =	stream.linear.gather [hbm4b:s16+s2], $0x80, $0x38;
	[tilespmem:$0x19080] =	vst v63  }
0x270: {  	s16 =	sadd.s32 $0x4C00, s20;
	s21 =	sand.u32 $0x1FFFFFF0, s21;
	s18 =	sshll.u32 s18, $0x4  }
0x271: {  	s28 =	sadd.s32 $0x6C00, s20;
	s22 =	sadd.s32 s5, s21;
	s29 =	sadd.s32 s3, s21  }
0x272: {  	[tilespmem:s16], [sflag:$0x1] =	stream.linear.gather [hbm4b:s22+s2], $0x80, $0x38;
	[tilespmem:$0x19080] =	vst v63  }
.Ltmp9:
0x273: {  	_ = 	snop;
	(pc) =	sbr.rel @p0 .LBB2_20-.Ltmp9, $4  }
0x274: {  	s21 =	sadd.s32 $0xAC00, s20;
	s22 =	sadd.s32 $0x8C00, s20;
	s16 =	sand.u32 $0x1FFFFFF0, s18  }
0x275: {  	s24 =	sadd.s32 s4, s16;
	s23 =	sadd.s32 s6, s16;
	s16 =	smov.u32 s26  }
0x276: {  	[tilespmem:s28], [sflag:$0x1] =	stream.linear.gather [hbm4b:s29+s2], $0x80, $0x38;
	[tilespmem:$0x19080] =	vst v63  }
0x277: {  	s20 =	smov.u32 s25;
	s18 =	smov.u32 s19;
	s19 =	sadd.s32 $0x1, s19  }
0x278: {  	[tilespmem:s22], [sflag:$0x1] =	stream.linear.gather [hbm4b:s24+s2], $0x80, $0x38;
	[tilespmem:$0x19080] =	vst v63  }
0x279: {  	s16 =	sshll.u32 s16, $0x4;
	s17 =	sld [smem:s18+$0x200]  }
0x27a: {  	s19 =	sshra.s32 s20, $0x2;
	s29 =	sld [smem:s18+$0x0];
	s16 =	sand.u32 $0x1FFFFFF0, s16  }
0x27b: {  	[tilespmem:s21], [sflag:$0x1] =	stream.linear.gather [hbm4b:s23+s2], $0x80, $0x38;
	[tilespmem:$0x19080] =	vst v63  }
0x27c: {  	s20 =	sadd.s32 $0xC00, s19;
	s30 =	sadd.s32 s5, s16;
	s17 =	sshll.u32 s17, $0x4  }
0x27d: {  	[tilespmem:s20], [sflag:$0x1] =	stream.linear.gather [hbm4b:s30+s2], $0x80, $0x38;
	[tilespmem:$0x19080] =	vst v63  }
0x27e: {  	s21 =	sadd.s32 $0x2C00, s19;
	s16 =	sadd.s32 s3, s16;
	s22 =	sand.u32 $0x1FFFFFF0, s17  }
0x27f: {  	[tilespmem:s21], [sflag:$0x1] =	stream.linear.gather [hbm4b:s16+s2], $0x80, $0x38;
	[tilespmem:$0x19080] =	vst v63  }
0x280: {  	s23 =	sadd.s32 $0x4C00, s19;
	s18 =	sshll.u32 s29, $0x4;
	s24 =	sadd.s32 s5, s22  }
0x281: {  	[tilespmem:s23], [sflag:$0x1] =	stream.linear.gather [hbm4b:s24+s2], $0x80, $0x38;
	[tilespmem:$0x19080] =	vst v63  }
0x282: {  	s25 =	sadd.s32 $0x6C00, s19;
	s18 =	sand.u32 $0x1FFFFFF0, s18;
	s16 =	sadd.s32 s3, s22  }
0x283: {  	[tilespmem:s25], [sflag:$0x1] =	stream.linear.gather [hbm4b:s16+s2], $0x80, $0x38;
	[tilespmem:$0x19080] =	vst v63  }
0x284: {  	s26 =	sadd.s32 $0x8C00, s19;
	s28 =	sadd.s32 s4, s18  }
0x285: {  	[tilespmem:s26], [sflag:$0x1] =	stream.linear.gather [hbm4b:s28+s2], $0x80, $0x38;
	[tilespmem:$0x19080] =	vst v63  }
0x286: {  	s29 =	sadd.s32 $0xAC00, s19;
	s30 =	sadd.s32 s6, s18  }
0x287: {  	[tilespmem:s29], [sflag:$0x1] =	stream.linear.gather [hbm4b:s30+s2], $0x80, $0x38;
	[tilespmem:$0x19080] =	vst v63  }
0x288: {  	_ =	swait.ge [sflag:s14], $0x2000  }
0x289: {  	[sflag:s14] =	ssyncset.done $0x0  }
0x28a: {  	[sflag:s14] =	ssyncadd.s32 $0xFFFFE000  }
0x28b: {  	_ =	swait.ge [sflag:s14], $0x2000  }
0x28c: {  	[sflag:s14] =	ssyncset.done $0x0  }
0x28d: {  	[sflag:s14] =	ssyncadd.s32 $0xFFFFE000  }
0x28e: {  	_ =	swait.ge [sflag:s14], $0x2000  }
0x28f: {  	[sflag:s14] =	ssyncset.done $0x0  }
0x290: {  	[sflag:s14] =	ssyncadd.s32 $0xFFFFE000  }
0x291: {  	_ =	swait.ge [sflag:s14], $0x2000  }
0x292: {  	[sflag:s14] =	ssyncset.done $0x0  }
0x293: {  	[sflag:s14] =	ssyncadd.s32 $0xFFFFE000  }
0x294: {  	_ =	swait.ge [sflag:s14], $0x2000  }
0x295: {  	[sflag:s14] =	ssyncset.done $0x0  }
0x296: {  	[sflag:s14] =	ssyncadd.s32 $0xFFFFE000  }
0x297: {  	_ =	swait.ge [sflag:s14], $0x2000  }
0x298: {  	[sflag:s14] =	ssyncset.done $0x0  }
0x299: {  	s17 =	simm.s32 $0x0;
	[sflag:s14] =	ssyncadd.s32 $0xFFFFE000  }
0x29a: {  	v10 =	vld [tilespmem:s17+$0xCC20]  }
0x29b: {  	v6 =	vld [tilespmem:s17+$0x14C00]  }
0x29c: {  	v2 =	vld [tilespmem:s17+$0x10C20]  }
0x29d: {  	v11 =	vld [tilespmem:s17+$0x12C20]  }
0x29e: {  	v4 =	vld [tilespmem:s17+$0xEC20]  }
0x29f: {  	v3 =	vld [tilespmem:s17+$0x16C10]  }
0x2a0: {  	v14 =	vld [tilespmem:s17+$0x14C10]  }
0x2a1: {  	v8 =	vld [tilespmem:s17+$0x16C00]  }
0x2a2: {  	v13 =	vld [tilespmem:s17+$0xCC10]  }
0x2a3: {  	v20 =	vld [tilespmem:s17+$0x12C10]  }
0x2a4: {  	v17 =	vld [tilespmem:s17+$0xEC10]  }
0x2a5: {  	v25 =	vld [tilespmem:s17+$0x12C00]  }
0x2a6: {  	v23 =	vld [tilespmem:s17+$0x10C00];
	v15 =	vmul.f32 v11, v4  }
0x2a7: {  	v12 =	vld [tilespmem:s17+$0xEC00];
	v16 =	vmul.f32 v4, v4;
	v18 =	vmul.f32 v3, v3  }
0x2a8: {  	v30 =	vld [tilespmem:s17+$0xCC00];
	v19 =	vmul.f32 v2, v4;
	v22 =	vmul.f32 v8, v8  }
0x2a9: {  	v4 =	vmul.f32 v11, v11;
	v24 =	vmul.f32 v14, v14  }
0x2aa: {  	v21 =	vld [tilespmem:s17+$0x10C10];
	v26 =	vmul.f32 v10, v10;
	v27 =	vmul.f32 v20, v13  }
0x2ab: {  	v7 =	vmul.f32 v2, v2;
	v28 =	vmul.f32 v6, v6  }
0x2ac: {  	v5 =	vmul.f32 v17, v17;
	v29 =	vmul.f32 v23, v23  }
0x2ad: {  	v32 =	vmul.f32 v25, v12;
	v34 =	vmul.f32 v23, v30  }
0x2ae: {  	v31 =	vadd.f32 v18, v24;
	v18 =	vmul.f32 v20, v17;
	v24 =	vmul.f32 v2, v10  }
0x2af: {  	v2 =	vadd.f32 v16, v26;
	v16 =	vadd.f32 v22, v28;
	v26 =	vmul.f32 v21, v17  }
0x2b0: {  	v22 =	vmul.f32 v11, v10;
	v10 =	vld [tilespmem:s17+$0x14C20];
	v28 =	vmul.f32 v21, v13  }
0x2b1: {  	v11 =	vmul.f32 v13, v13;
	v17 =	vadd.f32 v15, v24;
	v33 =	vadd.f32 v16, v9;
	v16 =	vld [tilespmem:s17+$0x16C20]  }
0x2b2: {  	v13 =	vld [tilespmem:s17+$0x14C30];
	v15 =	vmul.f32 v30, v30;
	v24 =	vmul.f32 v25, v25;
	v18 =	vadd.f32 v18, v28  }
0x2b3: {  	v9 =	vld [tilespmem:s17+$0x16C30];
	v28 =	vmul.f32 v23, v12;
	v19 =	vsub.f32 v22, v19;
	v22 =	vmul.f32 v21, v21  }
0x2b4: {  	v30 =	vmul.f32 v25, v30;
	v25 =	vmul.f32 v20, v20;
	v20 =	vld [tilespmem:s17+$0x10C30]  }
0x2b5: {  	v27 =	vsub.f32 v27, v26;
	v24 =	vadd.f32 v24, v29;
	v23 =	vmul.f32 v18, v14;
	v14 =	vld [tilespmem:s17+$0xEC30]  }
0x2b6: {  	s19 =	simm.s32 $0x200;
	s18 =	simm.s32 $0x18C00;
	s16 =	simm.s32 $0x18C00;
	v29 =	vadd.f32 v32, v34;
	v18 =	vld [tilespmem:s17+$0x12C30];
	v21 =	vadd.f32 v31, v33;
	v26 =	vmul.f32 v16, v16  }
.LBB2_22:
0x2b7: {  	p0 =	sne.s32 s19, $0x7E00  }
0x2b8: {  	v1 =	vadd.f32 v24, v1;
	v24 =	vmul.f32 v10, v10;
	v31 =	vmul.f32 v9, v9;
	s18 =	sadd.s32 $0x10, s18;
	s20 =	smov.u32 s19;
	s19 =	sadd.s32 $0x200, s19  }
0x2b9: {  	v28 =	vsub.f32 v30, v28;
	v12 =	vmul.f32 v12, v12;
	v22 =	vadd.f32 v25, v22;
	v25 =	vld [tilespmem:s17+$0xCC30]  }
0x2ba: {  	v6 =	vmul.f32 v29, v6;
	v24 =	vadd.f32 v26, v24;
	v26 =	vmul.f32 v13, v13  }
0x2bb: {  	v4 =	vadd.f32 v4, v7;
	v8 =	vmul.f32 v28, v8;
	v7 =	vmul.f32 v18, v14  }
0x2bc: {  	v6 =	vadd.f32 $0.0e+00, v6;
	v29 =	vmul.f32 v18, v18;
	v28 =	vmul.f32 v20, v14  }
0x2bd: {  	v21 =	vadd.f32 v24, v21;
	v24 =	vmul.f32 v20, v20;
	v26 =	vadd.f32 v31, v26  }
0x2be: {  	v6 =	vadd.f32 v6, v8;
	v8 =	vadd.f32 v12, v15;
	v12 =	vmul.f32 v20, v25  }
0x2bf: {  	v3 =	vmul.f32 v27, v3;
	v5 =	vadd.f32 v5, v11;
	v11 =	vmul.f32 v25, v25  }
0x2c0: {  	v1 =	vadd.f32 v22, v1;
	v6 =	vadd.f32 v23, v6;
	v15 =	vmul.f32 v18, v25  }
0x2c1: {  	v0 =	vadd.f32 v8, v0;
	v8 =	vmul.f32 v14, v14;
	v7 =	vadd.f32 v7, v12  }
0x2c2: {  	v3 =	vadd.f32 v6, v3;
	v6 =	vmul.f32 v17, v10;
	v10 =	vsub.f32 v15, v28  }
0x2c3: {  	v0 =	vadd.f32 v5, v0;
	v5 =	vadd.f32 v29, v24  }
0x2c4: {  	v8 =	vadd.f32 v8, v11;
	v3 =	vadd.f32 v6, v3;
	v6 =	vmul.f32 v19, v16  }
0x2c5: {  	v11 =	vadd.f32 v26, v21;
	v0 =	vadd.f32 v2, v0;
	v2 =	vmul.f32 v7, v13  }
0x2c6: {  	v1 =	vadd.f32 v4, v1;
	v3 =	vadd.f32 v3, v6  }
0x2c7: {  	v4 =	vmul.f32 v10, v9;
	v0 =	vadd.f32 v8, v0  }
0x2c8: {  	v1 =	vadd.f32 v5, v1;
	v2 =	vadd.f32 v2, v3;
	_ =	sdelay $0x1  }
0x2c9: {  	s17 =	sshra.s32 s20, $0x2;
	v2 =	vadd.f32 v2, v4;
	_ =	sdelay $0x1  }
0x2ca: {  	[tilespmem:s16+$0x0] =	vst v2;
	s16 =	smov.u32 s18  }
0x2cb: {  	v9 =	vld [tilespmem:s17+$0xCC20]  }
0x2cc: {  	v6 =	vld [tilespmem:s17+$0x14C00]  }
0x2cd: {  	v2 =	vld [tilespmem:s17+$0x10C20]  }
0x2ce: {  	v13 =	vld [tilespmem:s17+$0x12C20]  }
0x2cf: {  	v4 =	vld [tilespmem:s17+$0xEC20]  }
0x2d0: {  	v3 =	vld [tilespmem:s17+$0x16C10]  }
0x2d1: {  	v14 =	vld [tilespmem:s17+$0x14C10]  }
0x2d2: {  	v8 =	vld [tilespmem:s17+$0x16C00]  }
0x2d3: {  	v15 =	vld [tilespmem:s17+$0xCC10]  }
0x2d4: {  	v20 =	vld [tilespmem:s17+$0x12C10];
	v16 =	vmul.f32 v13, v4;
	v10 =	vmul.f32 v4, v4  }
0x2d5: {  	v19 =	vmul.f32 v2, v4;
	v17 =	vld [tilespmem:s17+$0xEC10];
	v18 =	vmul.f32 v3, v3  }
0x2d6: {  	v21 =	vld [tilespmem:s17+$0x10C10]  }
0x2d7: {  	v4 =	vmul.f32 v13, v13;
	v25 =	vld [tilespmem:s17+$0x12C00];
	v22 =	vmul.f32 v8, v8  }
0x2d8: {  	v26 =	vmul.f32 v9, v9;
	v24 =	vmul.f32 v14, v14;
	v23 =	vld [tilespmem:s17+$0x10C00]  }
0x2d9: {  	v7 =	vmul.f32 v2, v2;
	v12 =	vld [tilespmem:s17+$0xEC00];
	v27 =	vmul.f32 v20, v15  }
0x2da: {  	v28 =	vmul.f32 v6, v6;
	v31 =	vadd.f32 v18, v24;
	v30 =	vld [tilespmem:s17+$0xCC00];
	v5 =	vmul.f32 v17, v17  }
0x2db: {  	v24 =	vmul.f32 v2, v9;
	v2 =	vadd.f32 v10, v26;
	v18 =	vmul.f32 v20, v17  }
0x2dc: {  	v13 =	vmul.f32 v13, v9;
	v22 =	vadd.f32 v22, v28;
	v26 =	vmul.f32 v21, v17;
	v10 =	vld [tilespmem:s17+$0x14C20]  }
0x2dd: {  	v9 =	vmul.f32 v21, v15;
	v17 =	vadd.f32 v16, v24;
	v29 =	vmul.f32 v23, v23  }
0x2de: {  	v33 =	vadd.f32 v22, v11;
	v11 =	vmul.f32 v15, v15;
	v32 =	vmul.f32 v25, v12;
	v16 =	vld [tilespmem:s17+$0x16C20]  }
.Ltmp10:
0x2df: {  	v22 =	vmul.f32 v25, v25;
	v18 =	vadd.f32 v18, v9;
	v15 =	vmul.f32 v30, v30;
	v9 =	vld [tilespmem:s17+$0x16C30];
	(pc) =	sbr.rel @p0 .LBB2_22-.Ltmp10, $4  }
0x2e0: {  	v19 =	vsub.f32 v13, v19;
	v28 =	vmul.f32 v23, v12;
	v34 =	vmul.f32 v23, v30;
	v13 =	vld [tilespmem:s17+$0x14C30]  }
0x2e1: {  	v24 =	vadd.f32 v22, v29;
	v23 =	vmul.f32 v18, v14;
	v22 =	vmul.f32 v21, v21;
	v14 =	vld [tilespmem:s17+$0xEC30]  }
0x2e2: {  	v27 =	vsub.f32 v27, v26;
	v30 =	vmul.f32 v25, v30;
	v29 =	vadd.f32 v32, v34;
	v18 =	vld [tilespmem:s17+$0x12C30]  }
0x2e3: {  	v25 =	vmul.f32 v20, v20;
	v21 =	vadd.f32 v31, v33;
	v26 =	vmul.f32 v16, v16;
	v20 =	vld [tilespmem:s17+$0x10C30]  }
0x2e4: {  	v28 =	vsub.f32 v30, v28;
	v6 =	vmul.f32 v29, v6;
	_ =	sdelay $0x1  }
0x2e5: {  	v8 =	vmul.f32 v28, v8;
	v6 =	vadd.f32 $0.0e+00, v6  }
0x2e6: {  	v50 =	vld [tilespmem:s17+$0xCC30]  }
0x2e7: {  	v6 =	vadd.f32 v6, v8;
	_ =	sdelay $0x1  }
0x2e8: {  	v3 =	vmul.f32 v27, v3;
	v6 =	vadd.f32 v23, v6  }
0x2e9: {  	v52 =	vmul.f32 v17, v10  }
0x2ea: {  	v8 =	vmul.f32 v18, v14;
	v51 =	vmul.f32 v20, v50;
	v3 =	vadd.f32 v6, v3  }
0x2eb: {  	v55 =	vmul.f32 v19, v16;
	v53 =	vmul.f32 v20, v14  }
0x2ec: {  	v54 =	vmul.f32 v18, v50;
	v8 =	vadd.f32 v8, v51;
	v3 =	vadd.f32 v52, v3;
	_ =	sdelay $0x1  }
0x2ed: {  	v56 =	vsub.f32 v54, v53;
	v8 =	vmul.f32 v8, v13;
	v3 =	vadd.f32 v3, v55;
	_ =	sdelay $0x1  }
0x2ee: {  	v57 =	vmul.f32 v56, v9;
	v3 =	vadd.f32 v8, v3;
	_ =	sdelay $0x1  }
0x2ef: {  	v3 =	vadd.f32 v3, v57;
	_ =	sdelay $0x1  }
0x2f0: {  	s24 =	simm.s32 $0x0;
	s25 =	rddreg [dreg:$0x9];
	[tilespmem:s16+$0x0] =	vst v3  }
0x2f1: {  	[hbm4b:s25+s24] =	stream.linear.scatter [tilespmem:s13], [sflag:$0x3], $0x400, $0x38;
	[tilespmem:$0x19080] =	vst v63  }
0x2f2: {  	_ =	swait.ge [sflag:s1], $0x400  }
0x2f3: {  	[sflag:s1] =	ssyncset.done $0x0  }
0x2f4: {  	[sflag:s1] =	ssyncadd.s32 $0xFFFFFC00  }
0x2f5: {  	s26 =	sld [smem:$0x140];
	_ =	sdelay $0x1  }
0x2f6: {  	v58 =	vmul.f32 v12, v12;
	s16 =	sld [smem:$0x141]  }
0x2f7: {  	s20 =	simm.s32 $0xCC00;
	s18 =	sld [smem:$0x540];
	s17 =	sshll.u32 s26, $0x4  }
0x2f8: {  	v1 =	vadd.f32 v24, v1;
	s28 =	simm.s32 $0xEC00;
	s22 =	simm.s32 $0x10C00;
	v6 =	vadd.f32 v58, v15;
	s17 =	sand.u32 $0x1FFFFFF0, s17  }
0x2f9: {  	v4 =	vadd.f32 v4, v7;
	v5 =	vadd.f32 v5, v11;
	s30 =	simm.s32 $0x12C00;
	s19 =	sld [smem:$0x340];
	s21 =	sadd.s32 s5, s17  }
0x2fa: {  	v59 =	vmul.f32 v18, v18;
	v60 =	vmul.f32 v20, v20;
	v0 =	vadd.f32 v6, v0;
	s17 =	sadd.s32 s3, s17;
	s29 =	sshll.u32 s18, $0x4;
	s18 =	simm.s32 $0x541  }
0x2fb: {  	v8 =	vmul.f32 v9, v9;
	v9 =	vadd.f32 v25, v22;
	v3 =	vmul.f32 v10, v10;
	[tilespmem:s20], [sflag:$0x2] =	stream.linear.gather [hbm4b:s21+s2], $0x80, $0x38;
	[tilespmem:$0x19080] =	vst v63  }
0x2fc: {  	v62 =	vadd.f32 v59, v60;
	v0 =	vadd.f32 v5, v0;
	v10 =	vmul.f32 v13, v13;
	s20 =	simm.s32 $0x200;
	s21 =	sand.u32 $0x1FFFFFF0, s29;
	s19 =	sshll.u32 s19, $0x4  }
0x2fd: {  	v1 =	vadd.f32 v9, v1;
	v3 =	vadd.f32 v26, v3;
	[tilespmem:s28], [sflag:$0x2] =	stream.linear.gather [hbm4b:s17+s2], $0x80, $0x38;
	[tilespmem:$0x19080] =	vst v63  }
0x2fe: {  	v61 =	vadd.f32 v8, v10;
	v8 =	vmul.f32 v50, v50;
	v10 =	vmul.f32 v14, v14;
	s23 =	sadd.s32 s5, s21;
	s21 =	sadd.s32 s3, s21;
	s19 =	sand.u32 $0x1FFFFFF0, s19  }
0x2ff: {  	v0 =	vadd.f32 v2, v0;
	v1 =	vadd.f32 v4, v1;
	[tilespmem:s22], [sflag:$0x2] =	stream.linear.gather [hbm4b:s23+s2], $0x80, $0x38;
	[tilespmem:$0x19080] =	vst v63  }
0x300: {  	v3 =	vadd.f32 v3, v21;
	v63 =	vadd.f32 v10, v8;
	s17 =	simm.s32 $0x400;
	s24 =	sadd.s32 s4, s19;
	s22 =	simm.s32 $0x14C00  }
0x301: {  	v1 =	vadd.f32 v62, v1;
	[tilespmem:s30], [sflag:$0x2] =	stream.linear.gather [hbm4b:s21+s2], $0x80, $0x38;
	[tilespmem:$0x19080] =	vst v63  }
0x302: {  	v9 =	vadd.f32 v61, v3;
	v0 =	vadd.f32 v63, v0;
	s23 =	sadd.s32 s6, s19;
	s19 =	simm.s32 $0x542;
	s21 =	simm.s32 $0x16C00  }
.LBB2_24:
0x303: {  	[tilespmem:s22], [sflag:$0x2] =	stream.linear.gather [hbm4b:s24+s2], $0x80, $0x38;
	[tilespmem:$0x19080] =	vst v63  }
0x304: {  	s25 =	smov.u32 s17  }
0x305: {  	p0 =	sne.s32 s17, $0x7E00;
	s17 =	sadd.s32 $0x200, s17;
	s26 =	sld [smem:s19+$0xFFFFFC00]  }
0x306: {  	[tilespmem:s21], [sflag:$0x2] =	stream.linear.gather [hbm4b:s23+s2], $0x80, $0x38;
	[tilespmem:$0x19080] =	vst v63  }
0x307: {  	s16 =	sshll.u32 s16, $0x4  }
0x308: {  	s20 =	sshra.s32 s20, $0x2;
	s16 =	sand.u32 $0x1FFFFFF0, s16;
	s21 =	sld [smem:s18+$0x0]  }
0x309: {  	s22 =	sadd.s32 $0xCC00, s20;
	s23 =	sadd.s32 s5, s16;
	s18 =	sld [smem:s18+$0xFFFFFE00]  }
0x30a: {  	[tilespmem:s22], [sflag:$0x2] =	stream.linear.gather [hbm4b:s23+s2], $0x80, $0x38;
	[tilespmem:$0x19080] =	vst v63  }
0x30b: {  	s16 =	sadd.s32 s3, s16;
	s22 =	sadd.s32 $0xEC00, s20;
	s21 =	sshll.u32 s21, $0x4  }
0x30c: {  	[tilespmem:s22], [sflag:$0x2] =	stream.linear.gather [hbm4b:s16+s2], $0x80, $0x38;
	[tilespmem:$0x19080] =	vst v63  }
0x30d: {  	s16 =	sadd.s32 $0x10C00, s20;
	s21 =	sand.u32 $0x1FFFFFF0, s21;
	s18 =	sshll.u32 s18, $0x4  }
0x30e: {  	s28 =	sadd.s32 $0x12C00, s20;
	s22 =	sadd.s32 s5, s21;
	s29 =	sadd.s32 s3, s21  }
0x30f: {  	[tilespmem:s16], [sflag:$0x2] =	stream.linear.gather [hbm4b:s22+s2], $0x80, $0x38;
	[tilespmem:$0x19080] =	vst v63  }
.Ltmp11:
0x310: {  	_ = 	snop;
	(pc) =	sbr.rel @p0 .LBB2_24-.Ltmp11, $4  }
0x311: {  	s21 =	sadd.s32 $0x16C00, s20;
	s22 =	sadd.s32 $0x14C00, s20;
	s16 =	sand.u32 $0x1FFFFFF0, s18  }
0x312: {  	s24 =	sadd.s32 s4, s16;
	s23 =	sadd.s32 s6, s16;
	s16 =	smov.u32 s26  }
0x313: {  	[tilespmem:s28], [sflag:$0x2] =	stream.linear.gather [hbm4b:s29+s2], $0x80, $0x38;
	[tilespmem:$0x19080] =	vst v63  }
0x314: {  	s20 =	smov.u32 s25;
	s18 =	smov.u32 s19;
	s19 =	sadd.s32 $0x1, s19  }
0x315: {  	[tilespmem:s22], [sflag:$0x2] =	stream.linear.gather [hbm4b:s24+s2], $0x80, $0x38;
	[tilespmem:$0x19080] =	vst v63  }
0x316: {  	s16 =	sshll.u32 s16, $0x4;
	s17 =	sld [smem:s18+$0x0]  }
0x317: {  	s19 =	sshra.s32 s20, $0x2;
	s29 =	sld [smem:s18+$0xFFFFFE00];
	s16 =	sand.u32 $0x1FFFFFF0, s16  }
0x318: {  	[tilespmem:s21], [sflag:$0x2] =	stream.linear.gather [hbm4b:s23+s2], $0x80, $0x38;
	[tilespmem:$0x19080] =	vst v63  }
0x319: {  	s20 =	sadd.s32 $0xCC00, s19;
	s30 =	sadd.s32 s5, s16;
	s17 =	sshll.u32 s17, $0x4  }
0x31a: {  	[tilespmem:s20], [sflag:$0x2] =	stream.linear.gather [hbm4b:s30+s2], $0x80, $0x38;
	[tilespmem:$0x19080] =	vst v63  }
0x31b: {  	s21 =	sadd.s32 $0xEC00, s19;
	s16 =	sadd.s32 s3, s16;
	s22 =	sand.u32 $0x1FFFFFF0, s17  }
0x31c: {  	[tilespmem:s21], [sflag:$0x2] =	stream.linear.gather [hbm4b:s16+s2], $0x80, $0x38;
	[tilespmem:$0x19080] =	vst v63  }
0x31d: {  	s23 =	sadd.s32 $0x10C00, s19;
	s18 =	sshll.u32 s29, $0x4;
	s24 =	sadd.s32 s5, s22  }
0x31e: {  	[tilespmem:s23], [sflag:$0x2] =	stream.linear.gather [hbm4b:s24+s2], $0x80, $0x38;
	[tilespmem:$0x19080] =	vst v63  }
0x31f: {  	s25 =	sadd.s32 $0x12C00, s19;
	s18 =	sand.u32 $0x1FFFFFF0, s18;
	s16 =	sadd.s32 s3, s22  }
0x320: {  	[tilespmem:s25], [sflag:$0x2] =	stream.linear.gather [hbm4b:s16+s2], $0x80, $0x38;
	[tilespmem:$0x19080] =	vst v63  }
0x321: {  	s26 =	sadd.s32 $0x14C00, s19;
	s28 =	sadd.s32 s4, s18  }
0x322: {  	[tilespmem:s26], [sflag:$0x2] =	stream.linear.gather [hbm4b:s28+s2], $0x80, $0x38;
	[tilespmem:$0x19080] =	vst v63  }
0x323: {  	s29 =	sadd.s32 $0x16C00, s19;
	s30 =	sadd.s32 s6, s18  }
0x324: {  	[tilespmem:s29], [sflag:$0x2] =	stream.linear.gather [hbm4b:s30+s2], $0x80, $0x38;
	[tilespmem:$0x19080] =	vst v63  }
0x325: {  	_ =	swait.ge [sflag:s10], $0x2000  }
0x326: {  	[sflag:s10] =	ssyncset.done $0x0  }
0x327: {  	[sflag:s10] =	ssyncadd.s32 $0xFFFFE000  }
0x328: {  	_ =	swait.ge [sflag:s10], $0x2000  }
0x329: {  	[sflag:s10] =	ssyncset.done $0x0  }
0x32a: {  	[sflag:s10] =	ssyncadd.s32 $0xFFFFE000  }
0x32b: {  	_ =	swait.ge [sflag:s10], $0x2000  }
0x32c: {  	[sflag:s10] =	ssyncset.done $0x0  }
0x32d: {  	[sflag:s10] =	ssyncadd.s32 $0xFFFFE000  }
0x32e: {  	_ =	swait.ge [sflag:s10], $0x2000  }
0x32f: {  	[sflag:s10] =	ssyncset.done $0x0  }
0x330: {  	[sflag:s10] =	ssyncadd.s32 $0xFFFFE000  }
0x331: {  	_ =	swait.ge [sflag:s10], $0x2000  }
0x332: {  	[sflag:s10] =	ssyncset.done $0x0  }
0x333: {  	[sflag:s10] =	ssyncadd.s32 $0xFFFFE000  }
0x334: {  	_ =	swait.ge [sflag:s10], $0x2000  }
0x335: {  	[sflag:s10] =	ssyncset.done $0x0  }
0x336: {  	s17 =	simm.s32 $0x0;
	[sflag:s10] =	ssyncadd.s32 $0xFFFFE000  }
0x337: {  	v10 =	vld [tilespmem:s17+$0xC20]  }
0x338: {  	v6 =	vld [tilespmem:s17+$0x8C00]  }
0x339: {  	v2 =	vld [tilespmem:s17+$0x4C20]  }
0x33a: {  	v11 =	vld [tilespmem:s17+$0x6C20]  }
0x33b: {  	v4 =	vld [tilespmem:s17+$0x2C20]  }
0x33c: {  	v3 =	vld [tilespmem:s17+$0xAC10]  }
0x33d: {  	v14 =	vld [tilespmem:s17+$0x8C10]  }
0x33e: {  	v8 =	vld [tilespmem:s17+$0xAC00]  }
0x33f: {  	v13 =	vld [tilespmem:s17+$0xC10]  }
0x340: {  	v20 =	vld [tilespmem:s17+$0x6C10]  }
0x341: {  	v17 =	vld [tilespmem:s17+$0x2C10]  }
0x342: {  	v25 =	vld [tilespmem:s17+$0x6C00]  }
0x343: {  	v23 =	vld [tilespmem:s17+$0x4C00];
	v15 =	vmul.f32 v11, v4  }
0x344: {  	v12 =	vld [tilespmem:s17+$0x2C00];
	v16 =	vmul.f32 v4, v4;
	v18 =	vmul.f32 v3, v3  }
0x345: {  	v30 =	vld [tilespmem:s17+$0xC00];
	v19 =	vmul.f32 v2, v4;
	v22 =	vmul.f32 v8, v8  }
0x346: {  	v4 =	vmul.f32 v11, v11;
	v24 =	vmul.f32 v14, v14  }
0x347: {  	v21 =	vld [tilespmem:s17+$0x4C10];
	v26 =	vmul.f32 v10, v10;
	v27 =	vmul.f32 v20, v13  }
0x348: {  	v7 =	vmul.f32 v2, v2;
	v28 =	vmul.f32 v6, v6  }
0x349: {  	v5 =	vmul.f32 v17, v17;
	v29 =	vmul.f32 v23, v23  }
0x34a: {  	v32 =	vmul.f32 v25, v12;
	v34 =	vmul.f32 v23, v30  }
0x34b: {  	v31 =	vadd.f32 v18, v24;
	v18 =	vmul.f32 v20, v17;
	v24 =	vmul.f32 v2, v10  }
0x34c: {  	v2 =	vadd.f32 v16, v26;
	v16 =	vadd.f32 v22, v28;
	v26 =	vmul.f32 v21, v17  }
0x34d: {  	v22 =	vmul.f32 v11, v10;
	v10 =	vld [tilespmem:s17+$0x8C20];
	v28 =	vmul.f32 v21, v13  }
0x34e: {  	v11 =	vmul.f32 v13, v13;
	v17 =	vadd.f32 v15, v24;
	v33 =	vadd.f32 v16, v9;
	v16 =	vld [tilespmem:s17+$0xAC20]  }
0x34f: {  	v13 =	vld [tilespmem:s17+$0x8C30];
	v15 =	vmul.f32 v30, v30;
	v24 =	vmul.f32 v25, v25;
	v18 =	vadd.f32 v18, v28  }
0x350: {  	v9 =	vld [tilespmem:s17+$0xAC30];
	v28 =	vmul.f32 v23, v12;
	v19 =	vsub.f32 v22, v19;
	v22 =	vmul.f32 v21, v21  }
0x351: {  	v30 =	vmul.f32 v25, v30;
	v25 =	vmul.f32 v20, v20;
	v20 =	vld [tilespmem:s17+$0x4C30]  }
0x352: {  	v27 =	vsub.f32 v27, v26;
	v24 =	vadd.f32 v24, v29;
	v23 =	vmul.f32 v18, v14;
	v14 =	vld [tilespmem:s17+$0x2C30]  }
0x353: {  	s19 =	simm.s32 $0x200;
	s18 =	simm.s32 $0x18C00;
	s16 =	simm.s32 $0x18C00;
	v29 =	vadd.f32 v32, v34;
	v18 =	vld [tilespmem:s17+$0x6C30];
	v21 =	vadd.f32 v31, v33;
	v26 =	vmul.f32 v16, v16  }
.LBB2_26:
0x354: {  	p0 =	sne.s32 s19, $0x7E00  }
0x355: {  	v1 =	vadd.f32 v24, v1;
	v24 =	vmul.f32 v10, v10;
	v31 =	vmul.f32 v9, v9;
	s18 =	sadd.s32 $0x10, s18;
	s20 =	smov.u32 s19;
	s19 =	sadd.s32 $0x200, s19  }
0x356: {  	v28 =	vsub.f32 v30, v28;
	v12 =	vmul.f32 v12, v12;
	v22 =	vadd.f32 v25, v22;
	v25 =	vld [tilespmem:s17+$0xC30]  }
0x357: {  	v6 =	vmul.f32 v29, v6;
	v24 =	vadd.f32 v26, v24;
	v26 =	vmul.f32 v13, v13  }
0x358: {  	v4 =	vadd.f32 v4, v7;
	v8 =	vmul.f32 v28, v8;
	v7 =	vmul.f32 v18, v14  }
0x359: {  	v6 =	vadd.f32 $0.0e+00, v6;
	v29 =	vmul.f32 v18, v18;
	v28 =	vmul.f32 v20, v14  }
0x35a: {  	v21 =	vadd.f32 v24, v21;
	v24 =	vmul.f32 v20, v20;
	v26 =	vadd.f32 v31, v26  }
0x35b: {  	v6 =	vadd.f32 v6, v8;
	v8 =	vadd.f32 v12, v15;
	v12 =	vmul.f32 v20, v25  }
0x35c: {  	v3 =	vmul.f32 v27, v3;
	v5 =	vadd.f32 v5, v11;
	v11 =	vmul.f32 v25, v25  }
0x35d: {  	v1 =	vadd.f32 v22, v1;
	v6 =	vadd.f32 v23, v6;
	v15 =	vmul.f32 v18, v25  }
0x35e: {  	v0 =	vadd.f32 v8, v0;
	v8 =	vmul.f32 v14, v14;
	v7 =	vadd.f32 v7, v12  }
0x35f: {  	v3 =	vadd.f32 v6, v3;
	v6 =	vmul.f32 v17, v10;
	v10 =	vsub.f32 v15, v28  }
0x360: {  	v0 =	vadd.f32 v5, v0;
	v5 =	vadd.f32 v29, v24  }
0x361: {  	v8 =	vadd.f32 v8, v11;
	v3 =	vadd.f32 v6, v3;
	v6 =	vmul.f32 v19, v16  }
0x362: {  	v11 =	vadd.f32 v26, v21;
	v0 =	vadd.f32 v2, v0;
	v2 =	vmul.f32 v7, v13  }
0x363: {  	v1 =	vadd.f32 v4, v1;
	v3 =	vadd.f32 v3, v6  }
0x364: {  	v4 =	vmul.f32 v10, v9;
	v0 =	vadd.f32 v8, v0  }
0x365: {  	v1 =	vadd.f32 v5, v1;
	v2 =	vadd.f32 v2, v3;
	_ =	sdelay $0x1  }
0x366: {  	s17 =	sshra.s32 s20, $0x2;
	v2 =	vadd.f32 v2, v4;
	_ =	sdelay $0x1  }
0x367: {  	[tilespmem:s16+$0x0] =	vst v2;
	s16 =	smov.u32 s18  }
0x368: {  	v9 =	vld [tilespmem:s17+$0xC20]  }
0x369: {  	v6 =	vld [tilespmem:s17+$0x8C00]  }
0x36a: {  	v2 =	vld [tilespmem:s17+$0x4C20]  }
0x36b: {  	v13 =	vld [tilespmem:s17+$0x6C20]  }
0x36c: {  	v4 =	vld [tilespmem:s17+$0x2C20]  }
0x36d: {  	v3 =	vld [tilespmem:s17+$0xAC10]  }
0x36e: {  	v14 =	vld [tilespmem:s17+$0x8C10]  }
0x36f: {  	v8 =	vld [tilespmem:s17+$0xAC00]  }
0x370: {  	v15 =	vld [tilespmem:s17+$0xC10]  }
0x371: {  	v20 =	vld [tilespmem:s17+$0x6C10];
	v16 =	vmul.f32 v13, v4;
	v10 =	vmul.f32 v4, v4  }
0x372: {  	v19 =	vmul.f32 v2, v4;
	v17 =	vld [tilespmem:s17+$0x2C10];
	v18 =	vmul.f32 v3, v3  }
0x373: {  	v21 =	vld [tilespmem:s17+$0x4C10]  }
0x374: {  	v4 =	vmul.f32 v13, v13;
	v25 =	vld [tilespmem:s17+$0x6C00];
	v22 =	vmul.f32 v8, v8  }
0x375: {  	v26 =	vmul.f32 v9, v9;
	v24 =	vmul.f32 v14, v14;
	v23 =	vld [tilespmem:s17+$0x4C00]  }
0x376: {  	v7 =	vmul.f32 v2, v2;
	v12 =	vld [tilespmem:s17+$0x2C00];
	v27 =	vmul.f32 v20, v15  }
0x377: {  	v28 =	vmul.f32 v6, v6;
	v31 =	vadd.f32 v18, v24;
	v30 =	vld [tilespmem:s17+$0xC00];
	v5 =	vmul.f32 v17, v17  }
0x378: {  	v24 =	vmul.f32 v2, v9;
	v2 =	vadd.f32 v10, v26;
	v18 =	vmul.f32 v20, v17  }
0x379: {  	v13 =	vmul.f32 v13, v9;
	v22 =	vadd.f32 v22, v28;
	v26 =	vmul.f32 v21, v17;
	v10 =	vld [tilespmem:s17+$0x8C20]  }
0x37a: {  	v9 =	vmul.f32 v21, v15;
	v17 =	vadd.f32 v16, v24;
	v29 =	vmul.f32 v23, v23  }
0x37b: {  	v33 =	vadd.f32 v22, v11;
	v11 =	vmul.f32 v15, v15;
	v32 =	vmul.f32 v25, v12;
	v16 =	vld [tilespmem:s17+$0xAC20]  }
.Ltmp12:
0x37c: {  	v22 =	vmul.f32 v25, v25;
	v18 =	vadd.f32 v18, v9;
	v15 =	vmul.f32 v30, v30;
	v9 =	vld [tilespmem:s17+$0xAC30];
	(pc) =	sbr.rel @p0 .LBB2_26-.Ltmp12, $4  }
0x37d: {  	v19 =	vsub.f32 v13, v19;
	v28 =	vmul.f32 v23, v12;
	v34 =	vmul.f32 v23, v30;
	v13 =	vld [tilespmem:s17+$0x8C30]  }
0x37e: {  	v24 =	vadd.f32 v22, v29;
	v23 =	vmul.f32 v18, v14;
	v22 =	vmul.f32 v21, v21;
	v14 =	vld [tilespmem:s17+$0x2C30]  }
0x37f: {  	v27 =	vsub.f32 v27, v26;
	v30 =	vmul.f32 v25, v30;
	v29 =	vadd.f32 v32, v34;
	v18 =	vld [tilespmem:s17+$0x6C30]  }
0x380: {  	v25 =	vmul.f32 v20, v20;
	v21 =	vadd.f32 v31, v33;
	v26 =	vmul.f32 v16, v16;
	v20 =	vld [tilespmem:s17+$0x4C30]  }
0x381: {  	v28 =	vsub.f32 v30, v28;
	v6 =	vmul.f32 v29, v6;
	_ =	sdelay $0x1  }
0x382: {  	v8 =	vmul.f32 v28, v8;
	v6 =	vadd.f32 $0.0e+00, v6  }
0x383: {  	v50 =	vld [tilespmem:s17+$0xC30]  }
0x384: {  	v6 =	vadd.f32 v6, v8;
	_ =	sdelay $0x1  }
0x385: {  	v3 =	vmul.f32 v27, v3;
	v6 =	vadd.f32 v23, v6  }
0x386: {  	v52 =	vmul.f32 v17, v10  }
0x387: {  	v8 =	vmul.f32 v18, v14;
	v51 =	vmul.f32 v20, v50;
	v3 =	vadd.f32 v6, v3  }
0x388: {  	v55 =	vmul.f32 v19, v16;
	v53 =	vmul.f32 v20, v14  }
0x389: {  	v54 =	vmul.f32 v18, v50;
	v8 =	vadd.f32 v8, v51;
	v3 =	vadd.f32 v52, v3;
	_ =	sdelay $0x1  }
0x38a: {  	v56 =	vsub.f32 v54, v53;
	v8 =	vmul.f32 v8, v13;
	v3 =	vadd.f32 v3, v55;
	_ =	sdelay $0x1  }
0x38b: {  	v57 =	vmul.f32 v56, v9;
	v3 =	vadd.f32 v8, v3;
	_ =	sdelay $0x1  }
0x38c: {  	v3 =	vadd.f32 v3, v57;
	_ =	sdelay $0x1  }
0x38d: {  	s24 =	simm.s32 $0x0;
	s25 =	rddreg [dreg:$0xa];
	[tilespmem:s16+$0x0] =	vst v3  }
0x38e: {  	[hbm4b:s25+s24] =	stream.linear.scatter [tilespmem:s13], [sflag:$0x3], $0x400, $0x38;
	[tilespmem:$0x19080] =	vst v63  }
0x38f: {  	_ =	swait.ge [sflag:s1], $0x400  }
0x390: {  	[sflag:s1] =	ssyncset.done $0x0  }
0x391: {  	[sflag:s1] =	ssyncadd.s32 $0xFFFFFC00  }
0x392: {  	s26 =	sld [smem:$0x180];
	_ =	sdelay $0x1  }
0x393: {  	v58 =	vmul.f32 v12, v12;
	s16 =	sld [smem:$0x181]  }
0x394: {  	s20 =	simm.s32 $0xC00;
	s18 =	sld [smem:$0x580];
	s17 =	sshll.u32 s26, $0x4  }
0x395: {  	v1 =	vadd.f32 v24, v1;
	s28 =	simm.s32 $0x2C00;
	s22 =	simm.s32 $0x4C00;
	v6 =	vadd.f32 v58, v15;
	s17 =	sand.u32 $0x1FFFFFF0, s17  }
0x396: {  	v4 =	vadd.f32 v4, v7;
	v5 =	vadd.f32 v5, v11;
	s30 =	simm.s32 $0x6C00;
	s19 =	sld [smem:$0x380];
	s21 =	sadd.s32 s5, s17  }
0x397: {  	v59 =	vmul.f32 v18, v18;
	v60 =	vmul.f32 v20, v20;
	v0 =	vadd.f32 v6, v0;
	s17 =	sadd.s32 s3, s17;
	s29 =	sshll.u32 s18, $0x4;
	s18 =	simm.s32 $0x381  }
0x398: {  	v8 =	vmul.f32 v9, v9;
	v9 =	vadd.f32 v25, v22;
	v3 =	vmul.f32 v10, v10;
	[tilespmem:s20], [sflag:$0x1] =	stream.linear.gather [hbm4b:s21+s2], $0x80, $0x38;
	[tilespmem:$0x19080] =	vst v63  }
0x399: {  	v62 =	vadd.f32 v59, v60;
	v0 =	vadd.f32 v5, v0;
	v10 =	vmul.f32 v13, v13;
	s20 =	simm.s32 $0x200;
	s21 =	sand.u32 $0x1FFFFFF0, s29;
	s19 =	sshll.u32 s19, $0x4  }
0x39a: {  	v1 =	vadd.f32 v9, v1;
	v3 =	vadd.f32 v26, v3;
	[tilespmem:s28], [sflag:$0x1] =	stream.linear.gather [hbm4b:s17+s2], $0x80, $0x38;
	[tilespmem:$0x19080] =	vst v63  }
0x39b: {  	v61 =	vadd.f32 v8, v10;
	v8 =	vmul.f32 v50, v50;
	v10 =	vmul.f32 v14, v14;
	s23 =	sadd.s32 s5, s21;
	s21 =	sadd.s32 s3, s21;
	s19 =	sand.u32 $0x1FFFFFF0, s19  }
0x39c: {  	v0 =	vadd.f32 v2, v0;
	v1 =	vadd.f32 v4, v1;
	[tilespmem:s22], [sflag:$0x1] =	stream.linear.gather [hbm4b:s23+s2], $0x80, $0x38;
	[tilespmem:$0x19080] =	vst v63  }
0x39d: {  	v3 =	vadd.f32 v3, v21;
	v63 =	vadd.f32 v10, v8;
	s17 =	simm.s32 $0x400;
	s24 =	sadd.s32 s4, s19;
	s22 =	simm.s32 $0x8C00  }
0x39e: {  	v1 =	vadd.f32 v62, v1;
	[tilespmem:s30], [sflag:$0x1] =	stream.linear.gather [hbm4b:s21+s2], $0x80, $0x38;
	[tilespmem:$0x19080] =	vst v63  }
0x39f: {  	v9 =	vadd.f32 v61, v3;
	v0 =	vadd.f32 v63, v0;
	s23 =	sadd.s32 s6, s19;
	s19 =	simm.s32 $0x382;
	s21 =	simm.s32 $0xAC00  }
.LBB2_28:
0x3a0: {  	[tilespmem:s22], [sflag:$0x1] =	stream.linear.gather [hbm4b:s24+s2], $0x80, $0x38;
	[tilespmem:$0x19080] =	vst v63  }
0x3a1: {  	s25 =	smov.u32 s17  }
0x3a2: {  	p0 =	sne.s32 s17, $0x7E00;
	s17 =	sadd.s32 $0x200, s17;
	s26 =	sld [smem:s19+$0xFFFFFE00]  }
0x3a3: {  	[tilespmem:s21], [sflag:$0x1] =	stream.linear.gather [hbm4b:s23+s2], $0x80, $0x38;
	[tilespmem:$0x19080] =	vst v63  }
0x3a4: {  	s16 =	sshll.u32 s16, $0x4  }
0x3a5: {  	s20 =	sshra.s32 s20, $0x2;
	s16 =	sand.u32 $0x1FFFFFF0, s16;
	s21 =	sld [smem:s18+$0x200]  }
0x3a6: {  	s22 =	sadd.s32 $0xC00, s20;
	s23 =	sadd.s32 s5, s16;
	s18 =	sld [smem:s18+$0x0]  }
0x3a7: {  	[tilespmem:s22], [sflag:$0x1] =	stream.linear.gather [hbm4b:s23+s2], $0x80, $0x38;
	[tilespmem:$0x19080] =	vst v63  }
0x3a8: {  	s16 =	sadd.s32 s3, s16;
	s22 =	sadd.s32 $0x2C00, s20;
	s21 =	sshll.u32 s21, $0x4  }
0x3a9: {  	[tilespmem:s22], [sflag:$0x1] =	stream.linear.gather [hbm4b:s16+s2], $0x80, $0x38;
	[tilespmem:$0x19080] =	vst v63  }
0x3aa: {  	s16 =	sadd.s32 $0x4C00, s20;
	s21 =	sand.u32 $0x1FFFFFF0, s21;
	s18 =	sshll.u32 s18, $0x4  }
0x3ab: {  	s28 =	sadd.s32 $0x6C00, s20;
	s22 =	sadd.s32 s5, s21;
	s29 =	sadd.s32 s3, s21  }
0x3ac: {  	[tilespmem:s16], [sflag:$0x1] =	stream.linear.gather [hbm4b:s22+s2], $0x80, $0x38;
	[tilespmem:$0x19080] =	vst v63  }
.Ltmp13:
0x3ad: {  	_ = 	snop;
	(pc) =	sbr.rel @p0 .LBB2_28-.Ltmp13, $4  }
0x3ae: {  	s21 =	sadd.s32 $0xAC00, s20;
	s22 =	sadd.s32 $0x8C00, s20;
	s16 =	sand.u32 $0x1FFFFFF0, s18  }
0x3af: {  	s24 =	sadd.s32 s4, s16;
	s23 =	sadd.s32 s6, s16;
	s16 =	smov.u32 s26  }
0x3b0: {  	[tilespmem:s28], [sflag:$0x1] =	stream.linear.gather [hbm4b:s29+s2], $0x80, $0x38;
	[tilespmem:$0x19080] =	vst v63  }
0x3b1: {  	s20 =	smov.u32 s25;
	s18 =	smov.u32 s19;
	s19 =	sadd.s32 $0x1, s19  }
0x3b2: {  	[tilespmem:s22], [sflag:$0x1] =	stream.linear.gather [hbm4b:s24+s2], $0x80, $0x38;
	[tilespmem:$0x19080] =	vst v63  }
0x3b3: {  	s16 =	sshll.u32 s16, $0x4;
	s17 =	sld [smem:s18+$0x200]  }
0x3b4: {  	s19 =	sshra.s32 s20, $0x2;
	s29 =	sld [smem:s18+$0x0];
	s16 =	sand.u32 $0x1FFFFFF0, s16  }
0x3b5: {  	[tilespmem:s21], [sflag:$0x1] =	stream.linear.gather [hbm4b:s23+s2], $0x80, $0x38;
	[tilespmem:$0x19080] =	vst v63  }
0x3b6: {  	s20 =	sadd.s32 $0xC00, s19;
	s30 =	sadd.s32 s5, s16;
	s17 =	sshll.u32 s17, $0x4  }
0x3b7: {  	[tilespmem:s20], [sflag:$0x1] =	stream.linear.gather [hbm4b:s30+s2], $0x80, $0x38;
	[tilespmem:$0x19080] =	vst v63  }
0x3b8: {  	s21 =	sadd.s32 $0x2C00, s19;
	s16 =	sadd.s32 s3, s16;
	s22 =	sand.u32 $0x1FFFFFF0, s17  }
0x3b9: {  	[tilespmem:s21], [sflag:$0x1] =	stream.linear.gather [hbm4b:s16+s2], $0x80, $0x38;
	[tilespmem:$0x19080] =	vst v63  }
0x3ba: {  	s23 =	sadd.s32 $0x4C00, s19;
	s18 =	sshll.u32 s29, $0x4;
	s24 =	sadd.s32 s5, s22  }
0x3bb: {  	[tilespmem:s23], [sflag:$0x1] =	stream.linear.gather [hbm4b:s24+s2], $0x80, $0x38;
	[tilespmem:$0x19080] =	vst v63  }
0x3bc: {  	s25 =	sadd.s32 $0x6C00, s19;
	s18 =	sand.u32 $0x1FFFFFF0, s18;
	s16 =	sadd.s32 s3, s22  }
0x3bd: {  	[tilespmem:s25], [sflag:$0x1] =	stream.linear.gather [hbm4b:s16+s2], $0x80, $0x38;
	[tilespmem:$0x19080] =	vst v63  }
0x3be: {  	s26 =	sadd.s32 $0x8C00, s19;
	s28 =	sadd.s32 s4, s18  }
0x3bf: {  	[tilespmem:s26], [sflag:$0x1] =	stream.linear.gather [hbm4b:s28+s2], $0x80, $0x38;
	[tilespmem:$0x19080] =	vst v63  }
0x3c0: {  	s29 =	sadd.s32 $0xAC00, s19;
	s30 =	sadd.s32 s6, s18  }
0x3c1: {  	[tilespmem:s29], [sflag:$0x1] =	stream.linear.gather [hbm4b:s30+s2], $0x80, $0x38;
	[tilespmem:$0x19080] =	vst v63  }
0x3c2: {  	_ =	swait.ge [sflag:s14], $0x2000  }
0x3c3: {  	[sflag:s14] =	ssyncset.done $0x0  }
0x3c4: {  	[sflag:s14] =	ssyncadd.s32 $0xFFFFE000  }
0x3c5: {  	_ =	swait.ge [sflag:s14], $0x2000  }
0x3c6: {  	[sflag:s14] =	ssyncset.done $0x0  }
0x3c7: {  	[sflag:s14] =	ssyncadd.s32 $0xFFFFE000  }
0x3c8: {  	_ =	swait.ge [sflag:s14], $0x2000  }
0x3c9: {  	[sflag:s14] =	ssyncset.done $0x0  }
0x3ca: {  	[sflag:s14] =	ssyncadd.s32 $0xFFFFE000  }
0x3cb: {  	_ =	swait.ge [sflag:s14], $0x2000  }
0x3cc: {  	[sflag:s14] =	ssyncset.done $0x0  }
0x3cd: {  	[sflag:s14] =	ssyncadd.s32 $0xFFFFE000  }
0x3ce: {  	_ =	swait.ge [sflag:s14], $0x2000  }
0x3cf: {  	[sflag:s14] =	ssyncset.done $0x0  }
0x3d0: {  	[sflag:s14] =	ssyncadd.s32 $0xFFFFE000  }
0x3d1: {  	_ =	swait.ge [sflag:s14], $0x2000  }
0x3d2: {  	[sflag:s14] =	ssyncset.done $0x0  }
0x3d3: {  	s17 =	simm.s32 $0x0;
	[sflag:s14] =	ssyncadd.s32 $0xFFFFE000  }
0x3d4: {  	v10 =	vld [tilespmem:s17+$0xCC20]  }
0x3d5: {  	v6 =	vld [tilespmem:s17+$0x14C00]  }
0x3d6: {  	v2 =	vld [tilespmem:s17+$0x10C20]  }
0x3d7: {  	v11 =	vld [tilespmem:s17+$0x12C20]  }
0x3d8: {  	v4 =	vld [tilespmem:s17+$0xEC20]  }
0x3d9: {  	v3 =	vld [tilespmem:s17+$0x16C10]  }
0x3da: {  	v14 =	vld [tilespmem:s17+$0x14C10]  }
0x3db: {  	v8 =	vld [tilespmem:s17+$0x16C00]  }
0x3dc: {  	v13 =	vld [tilespmem:s17+$0xCC10]  }
0x3dd: {  	v20 =	vld [tilespmem:s17+$0x12C10]  }
0x3de: {  	v17 =	vld [tilespmem:s17+$0xEC10]  }
0x3df: {  	v25 =	vld [tilespmem:s17+$0x12C00]  }
0x3e0: {  	v23 =	vld [tilespmem:s17+$0x10C00];
	v15 =	vmul.f32 v11, v4  }
0x3e1: {  	v12 =	vld [tilespmem:s17+$0xEC00];
	v16 =	vmul.f32 v4, v4;
	v18 =	vmul.f32 v3, v3  }
0x3e2: {  	v30 =	vld [tilespmem:s17+$0xCC00];
	v19 =	vmul.f32 v2, v4;
	v22 =	vmul.f32 v8, v8  }
0x3e3: {  	v4 =	vmul.f32 v11, v11;
	v24 =	vmul.f32 v14, v14  }
0x3e4: {  	v21 =	vld [tilespmem:s17+$0x10C10];
	v26 =	vmul.f32 v10, v10;
	v27 =	vmul.f32 v20, v13  }
0x3e5: {  	v7 =	vmul.f32 v2, v2;
	v28 =	vmul.f32 v6, v6  }
0x3e6: {  	v5 =	vmul.f32 v17, v17;
	v29 =	vmul.f32 v23, v23  }
0x3e7: {  	v32 =	vmul.f32 v25, v12;
	v34 =	vmul.f32 v23, v30  }
0x3e8: {  	v31 =	vadd.f32 v18, v24;
	v18 =	vmul.f32 v20, v17;
	v24 =	vmul.f32 v2, v10  }
0x3e9: {  	v2 =	vadd.f32 v16, v26;
	v16 =	vadd.f32 v22, v28;
	v26 =	vmul.f32 v21, v17  }
0x3ea: {  	v22 =	vmul.f32 v11, v10;
	v10 =	vld [tilespmem:s17+$0x14C20];
	v28 =	vmul.f32 v21, v13  }
0x3eb: {  	v11 =	vmul.f32 v13, v13;
	v17 =	vadd.f32 v15, v24;
	v33 =	vadd.f32 v16, v9;
	v16 =	vld [tilespmem:s17+$0x16C20]  }
0x3ec: {  	v13 =	vld [tilespmem:s17+$0x14C30];
	v15 =	vmul.f32 v30, v30;
	v24 =	vmul.f32 v25, v25;
	v18 =	vadd.f32 v18, v28  }
0x3ed: {  	v9 =	vld [tilespmem:s17+$0x16C30];
	v28 =	vmul.f32 v23, v12;
	v19 =	vsub.f32 v22, v19;
	v22 =	vmul.f32 v21, v21  }
0x3ee: {  	v30 =	vmul.f32 v25, v30;
	v25 =	vmul.f32 v20, v20;
	v20 =	vld [tilespmem:s17+$0x10C30]  }
0x3ef: {  	v27 =	vsub.f32 v27, v26;
	v24 =	vadd.f32 v24, v29;
	v23 =	vmul.f32 v18, v14;
	v14 =	vld [tilespmem:s17+$0xEC30]  }
0x3f0: {  	s19 =	simm.s32 $0x200;
	s18 =	simm.s32 $0x18C00;
	s16 =	simm.s32 $0x18C00;
	v29 =	vadd.f32 v32, v34;
	v18 =	vld [tilespmem:s17+$0x12C30];
	v21 =	vadd.f32 v31, v33;
	v26 =	vmul.f32 v16, v16  }
.LBB2_30:
0x3f1: {  	p0 =	sne.s32 s19, $0x7E00  }
0x3f2: {  	v1 =	vadd.f32 v24, v1;
	v24 =	vmul.f32 v10, v10;
	v31 =	vmul.f32 v9, v9;
	s18 =	sadd.s32 $0x10, s18;
	s20 =	smov.u32 s19;
	s19 =	sadd.s32 $0x200, s19  }
0x3f3: {  	v28 =	vsub.f32 v30, v28;
	v12 =	vmul.f32 v12, v12;
	v22 =	vadd.f32 v25, v22;
	v25 =	vld [tilespmem:s17+$0xCC30]  }
0x3f4: {  	v6 =	vmul.f32 v29, v6;
	v24 =	vadd.f32 v26, v24;
	v26 =	vmul.f32 v13, v13  }
0x3f5: {  	v4 =	vadd.f32 v4, v7;
	v8 =	vmul.f32 v28, v8;
	v7 =	vmul.f32 v18, v14  }
0x3f6: {  	v6 =	vadd.f32 $0.0e+00, v6;
	v29 =	vmul.f32 v18, v18;
	v28 =	vmul.f32 v20, v14  }
0x3f7: {  	v21 =	vadd.f32 v24, v21;
	v24 =	vmul.f32 v20, v20;
	v26 =	vadd.f32 v31, v26  }
0x3f8: {  	v6 =	vadd.f32 v6, v8;
	v8 =	vadd.f32 v12, v15;
	v12 =	vmul.f32 v20, v25  }
0x3f9: {  	v3 =	vmul.f32 v27, v3;
	v5 =	vadd.f32 v5, v11;
	v11 =	vmul.f32 v25, v25  }
0x3fa: {  	v1 =	vadd.f32 v22, v1;
	v6 =	vadd.f32 v23, v6;
	v15 =	vmul.f32 v18, v25  }
0x3fb: {  	v0 =	vadd.f32 v8, v0;
	v8 =	vmul.f32 v14, v14;
	v7 =	vadd.f32 v7, v12  }
0x3fc: {  	v3 =	vadd.f32 v6, v3;
	v6 =	vmul.f32 v17, v10;
	v10 =	vsub.f32 v15, v28  }
0x3fd: {  	v0 =	vadd.f32 v5, v0;
	v5 =	vadd.f32 v29, v24  }
0x3fe: {  	v8 =	vadd.f32 v8, v11;
	v3 =	vadd.f32 v6, v3;
	v6 =	vmul.f32 v19, v16  }
0x3ff: {  	v11 =	vadd.f32 v26, v21;
	v0 =	vadd.f32 v2, v0;
	v2 =	vmul.f32 v7, v13  }
0x400: {  	v1 =	vadd.f32 v4, v1;
	v3 =	vadd.f32 v3, v6  }
0x401: {  	v4 =	vmul.f32 v10, v9;
	v0 =	vadd.f32 v8, v0  }
0x402: {  	v1 =	vadd.f32 v5, v1;
	v2 =	vadd.f32 v2, v3;
	_ =	sdelay $0x1  }
0x403: {  	s17 =	sshra.s32 s20, $0x2;
	v2 =	vadd.f32 v2, v4;
	_ =	sdelay $0x1  }
0x404: {  	[tilespmem:s16+$0x0] =	vst v2;
	s16 =	smov.u32 s18  }
0x405: {  	v9 =	vld [tilespmem:s17+$0xCC20]  }
0x406: {  	v6 =	vld [tilespmem:s17+$0x14C00]  }
0x407: {  	v2 =	vld [tilespmem:s17+$0x10C20]  }
0x408: {  	v13 =	vld [tilespmem:s17+$0x12C20]  }
0x409: {  	v4 =	vld [tilespmem:s17+$0xEC20]  }
0x40a: {  	v3 =	vld [tilespmem:s17+$0x16C10]  }
0x40b: {  	v14 =	vld [tilespmem:s17+$0x14C10]  }
0x40c: {  	v8 =	vld [tilespmem:s17+$0x16C00]  }
0x40d: {  	v15 =	vld [tilespmem:s17+$0xCC10]  }
0x40e: {  	v20 =	vld [tilespmem:s17+$0x12C10];
	v16 =	vmul.f32 v13, v4;
	v10 =	vmul.f32 v4, v4  }
0x40f: {  	v19 =	vmul.f32 v2, v4;
	v17 =	vld [tilespmem:s17+$0xEC10];
	v18 =	vmul.f32 v3, v3  }
0x410: {  	v21 =	vld [tilespmem:s17+$0x10C10]  }
0x411: {  	v4 =	vmul.f32 v13, v13;
	v25 =	vld [tilespmem:s17+$0x12C00];
	v22 =	vmul.f32 v8, v8  }
0x412: {  	v26 =	vmul.f32 v9, v9;
	v24 =	vmul.f32 v14, v14;
	v23 =	vld [tilespmem:s17+$0x10C00]  }
0x413: {  	v7 =	vmul.f32 v2, v2;
	v12 =	vld [tilespmem:s17+$0xEC00];
	v27 =	vmul.f32 v20, v15  }
0x414: {  	v28 =	vmul.f32 v6, v6;
	v31 =	vadd.f32 v18, v24;
	v30 =	vld [tilespmem:s17+$0xCC00];
	v5 =	vmul.f32 v17, v17  }
0x415: {  	v24 =	vmul.f32 v2, v9;
	v2 =	vadd.f32 v10, v26;
	v18 =	vmul.f32 v20, v17  }
0x416: {  	v13 =	vmul.f32 v13, v9;
	v22 =	vadd.f32 v22, v28;
	v26 =	vmul.f32 v21, v17;
	v10 =	vld [tilespmem:s17+$0x14C20]  }
0x417: {  	v9 =	vmul.f32 v21, v15;
	v17 =	vadd.f32 v16, v24;
	v29 =	vmul.f32 v23, v23  }
0x418: {  	v33 =	vadd.f32 v22, v11;
	v11 =	vmul.f32 v15, v15;
	v32 =	vmul.f32 v25, v12;
	v16 =	vld [tilespmem:s17+$0x16C20]  }
.Ltmp14:
0x419: {  	v22 =	vmul.f32 v25, v25;
	v18 =	vadd.f32 v18, v9;
	v15 =	vmul.f32 v30, v30;
	v9 =	vld [tilespmem:s17+$0x16C30];
	(pc) =	sbr.rel @p0 .LBB2_30-.Ltmp14, $4  }
0x41a: {  	v19 =	vsub.f32 v13, v19;
	v28 =	vmul.f32 v23, v12;
	v34 =	vmul.f32 v23, v30;
	v13 =	vld [tilespmem:s17+$0x14C30]  }
0x41b: {  	v24 =	vadd.f32 v22, v29;
	v23 =	vmul.f32 v18, v14;
	v22 =	vmul.f32 v21, v21;
	v14 =	vld [tilespmem:s17+$0xEC30]  }
0x41c: {  	v27 =	vsub.f32 v27, v26;
	v30 =	vmul.f32 v25, v30;
	v29 =	vadd.f32 v32, v34;
	v18 =	vld [tilespmem:s17+$0x12C30]  }
0x41d: {  	v25 =	vmul.f32 v20, v20;
	v21 =	vadd.f32 v31, v33;
	v26 =	vmul.f32 v16, v16;
	v20 =	vld [tilespmem:s17+$0x10C30]  }
0x41e: {  	v28 =	vsub.f32 v30, v28;
	v6 =	vmul.f32 v29, v6;
	_ =	sdelay $0x1  }
0x41f: {  	v8 =	vmul.f32 v28, v8;
	v6 =	vadd.f32 $0.0e+00, v6  }
0x420: {  	v50 =	vld [tilespmem:s17+$0xCC30]  }
0x421: {  	v6 =	vadd.f32 v6, v8;
	_ =	sdelay $0x1  }
0x422: {  	v3 =	vmul.f32 v27, v3;
	v6 =	vadd.f32 v23, v6  }
0x423: {  	v52 =	vmul.f32 v17, v10  }
0x424: {  	v8 =	vmul.f32 v18, v14;
	v51 =	vmul.f32 v20, v50;
	v3 =	vadd.f32 v6, v3  }
0x425: {  	v55 =	vmul.f32 v19, v16;
	v53 =	vmul.f32 v20, v14  }
0x426: {  	v54 =	vmul.f32 v18, v50;
	v8 =	vadd.f32 v8, v51;
	v3 =	vadd.f32 v52, v3;
	_ =	sdelay $0x1  }
0x427: {  	v56 =	vsub.f32 v54, v53;
	v8 =	vmul.f32 v8, v13;
	v3 =	vadd.f32 v3, v55;
	_ =	sdelay $0x1  }
0x428: {  	v57 =	vmul.f32 v56, v9;
	v3 =	vadd.f32 v8, v3;
	_ =	sdelay $0x1  }
0x429: {  	v3 =	vadd.f32 v3, v57;
	_ =	sdelay $0x1  }
0x42a: {  	s24 =	simm.s32 $0x0;
	s25 =	rddreg [dreg:$0xb];
	[tilespmem:s16+$0x0] =	vst v3  }
0x42b: {  	[hbm4b:s25+s24] =	stream.linear.scatter [tilespmem:s13], [sflag:$0x3], $0x400, $0x38;
	[tilespmem:$0x19080] =	vst v63  }
0x42c: {  	_ =	swait.ge [sflag:s1], $0x400  }
0x42d: {  	[sflag:s1] =	ssyncset.done $0x0  }
0x42e: {  	[sflag:s1] =	ssyncadd.s32 $0xFFFFFC00  }
0x42f: {  	s26 =	sld [smem:$0x1C0];
	_ =	sdelay $0x1  }
0x430: {  	v58 =	vmul.f32 v12, v12;
	s16 =	sld [smem:$0x1C1]  }
0x431: {  	s20 =	simm.s32 $0xCC00;
	s18 =	sld [smem:$0x5C0];
	s17 =	sshll.u32 s26, $0x4  }
0x432: {  	v1 =	vadd.f32 v24, v1;
	s28 =	simm.s32 $0xEC00;
	s22 =	simm.s32 $0x10C00;
	v6 =	vadd.f32 v58, v15;
	s17 =	sand.u32 $0x1FFFFFF0, s17  }
0x433: {  	v4 =	vadd.f32 v4, v7;
	v5 =	vadd.f32 v5, v11;
	s30 =	simm.s32 $0x12C00;
	s19 =	sld [smem:$0x3C0];
	s21 =	sadd.s32 s5, s17  }
0x434: {  	v59 =	vmul.f32 v18, v18;
	v60 =	vmul.f32 v20, v20;
	v0 =	vadd.f32 v6, v0;
	s17 =	sadd.s32 s3, s17;
	s29 =	sshll.u32 s18, $0x4;
	s18 =	simm.s32 $0x5C1  }
0x435: {  	v8 =	vmul.f32 v9, v9;
	v9 =	vadd.f32 v25, v22;
	v3 =	vmul.f32 v10, v10;
	[tilespmem:s20], [sflag:$0x2] =	stream.linear.gather [hbm4b:s21+s2], $0x80, $0x38;
	[tilespmem:$0x19080] =	vst v63  }
0x436: {  	v62 =	vadd.f32 v59, v60;
	v0 =	vadd.f32 v5, v0;
	v10 =	vmul.f32 v13, v13;
	s20 =	simm.s32 $0x200;
	s21 =	sand.u32 $0x1FFFFFF0, s29;
	s19 =	sshll.u32 s19, $0x4  }
0x437: {  	v1 =	vadd.f32 v9, v1;
	v3 =	vadd.f32 v26, v3;
	[tilespmem:s28], [sflag:$0x2] =	stream.linear.gather [hbm4b:s17+s2], $0x80, $0x38;
	[tilespmem:$0x19080] =	vst v63  }
0x438: {  	v61 =	vadd.f32 v8, v10;
	v8 =	vmul.f32 v50, v50;
	v10 =	vmul.f32 v14, v14;
	s23 =	sadd.s32 s5, s21;
	s21 =	sadd.s32 s3, s21;
	s19 =	sand.u32 $0x1FFFFFF0, s19  }
0x439: {  	v0 =	vadd.f32 v2, v0;
	v1 =	vadd.f32 v4, v1;
	[tilespmem:s22], [sflag:$0x2] =	stream.linear.gather [hbm4b:s23+s2], $0x80, $0x38;
	[tilespmem:$0x19080] =	vst v63  }
0x43a: {  	v3 =	vadd.f32 v3, v21;
	v63 =	vadd.f32 v10, v8;
	s17 =	simm.s32 $0x400;
	s24 =	sadd.s32 s4, s19;
	s22 =	simm.s32 $0x14C00  }
0x43b: {  	v1 =	vadd.f32 v62, v1;
	[tilespmem:s30], [sflag:$0x2] =	stream.linear.gather [hbm4b:s21+s2], $0x80, $0x38;
	[tilespmem:$0x19080] =	vst v63  }
0x43c: {  	v9 =	vadd.f32 v61, v3;
	v0 =	vadd.f32 v63, v0;
	s23 =	sadd.s32 s6, s19;
	s19 =	simm.s32 $0x5C2;
	s21 =	simm.s32 $0x16C00  }
.LBB2_32:
0x43d: {  	[tilespmem:s22], [sflag:$0x2] =	stream.linear.gather [hbm4b:s24+s2], $0x80, $0x38;
	[tilespmem:$0x19080] =	vst v63  }
0x43e: {  	s25 =	smov.u32 s17  }
0x43f: {  	p0 =	sne.s32 s17, $0x7E00;
	s17 =	sadd.s32 $0x200, s17;
	s26 =	sld [smem:s19+$0xFFFFFC00]  }
0x440: {  	[tilespmem:s21], [sflag:$0x2] =	stream.linear.gather [hbm4b:s23+s2], $0x80, $0x38;
	[tilespmem:$0x19080] =	vst v63  }
0x441: {  	s16 =	sshll.u32 s16, $0x4  }
0x442: {  	s20 =	sshra.s32 s20, $0x2;
	s16 =	sand.u32 $0x1FFFFFF0, s16;
	s21 =	sld [smem:s18+$0x0]  }
0x443: {  	s22 =	sadd.s32 $0xCC00, s20;
	s23 =	sadd.s32 s5, s16;
	s18 =	sld [smem:s18+$0xFFFFFE00]  }
0x444: {  	[tilespmem:s22], [sflag:$0x2] =	stream.linear.gather [hbm4b:s23+s2], $0x80, $0x38;
	[tilespmem:$0x19080] =	vst v63  }
0x445: {  	s16 =	sadd.s32 s3, s16;
	s22 =	sadd.s32 $0xEC00, s20;
	s21 =	sshll.u32 s21, $0x4  }
0x446: {  	[tilespmem:s22], [sflag:$0x2] =	stream.linear.gather [hbm4b:s16+s2], $0x80, $0x38;
	[tilespmem:$0x19080] =	vst v63  }
0x447: {  	s16 =	sadd.s32 $0x10C00, s20;
	s21 =	sand.u32 $0x1FFFFFF0, s21;
	s18 =	sshll.u32 s18, $0x4  }
0x448: {  	s28 =	sadd.s32 $0x12C00, s20;
	s22 =	sadd.s32 s5, s21;
	s29 =	sadd.s32 s3, s21  }
0x449: {  	[tilespmem:s16], [sflag:$0x2] =	stream.linear.gather [hbm4b:s22+s2], $0x80, $0x38;
	[tilespmem:$0x19080] =	vst v63  }
.Ltmp15:
0x44a: {  	_ = 	snop;
	(pc) =	sbr.rel @p0 .LBB2_32-.Ltmp15, $4  }
0x44b: {  	s21 =	sadd.s32 $0x16C00, s20;
	s22 =	sadd.s32 $0x14C00, s20;
	s16 =	sand.u32 $0x1FFFFFF0, s18  }
0x44c: {  	s24 =	sadd.s32 s4, s16;
	s23 =	sadd.s32 s6, s16;
	s16 =	smov.u32 s26  }
0x44d: {  	[tilespmem:s28], [sflag:$0x2] =	stream.linear.gather [hbm4b:s29+s2], $0x80, $0x38;
	[tilespmem:$0x19080] =	vst v63  }
0x44e: {  	s20 =	smov.u32 s25;
	s18 =	smov.u32 s19;
	s19 =	sadd.s32 $0x1, s19  }
0x44f: {  	[tilespmem:s22], [sflag:$0x2] =	stream.linear.gather [hbm4b:s24+s2], $0x80, $0x38;
	[tilespmem:$0x19080] =	vst v63  }
0x450: {  	s16 =	sshll.u32 s16, $0x4;
	s17 =	sld [smem:s18+$0x0]  }
0x451: {  	s19 =	sshra.s32 s20, $0x2;
	s29 =	sld [smem:s18+$0xFFFFFE00];
	s16 =	sand.u32 $0x1FFFFFF0, s16  }
0x452: {  	[tilespmem:s21], [sflag:$0x2] =	stream.linear.gather [hbm4b:s23+s2], $0x80, $0x38;
	[tilespmem:$0x19080] =	vst v63  }
0x453: {  	s20 =	sadd.s32 $0xCC00, s19;
	s30 =	sadd.s32 s5, s16;
	s17 =	sshll.u32 s17, $0x4  }
0x454: {  	[tilespmem:s20], [sflag:$0x2] =	stream.linear.gather [hbm4b:s30+s2], $0x80, $0x38;
	[tilespmem:$0x19080] =	vst v63  }
0x455: {  	s21 =	sadd.s32 $0xEC00, s19;
	s16 =	sadd.s32 s3, s16;
	s22 =	sand.u32 $0x1FFFFFF0, s17  }
0x456: {  	[tilespmem:s21], [sflag:$0x2] =	stream.linear.gather [hbm4b:s16+s2], $0x80, $0x38;
	[tilespmem:$0x19080] =	vst v63  }
0x457: {  	s23 =	sadd.s32 $0x10C00, s19;
	s18 =	sshll.u32 s29, $0x4;
	s24 =	sadd.s32 s5, s22  }
0x458: {  	[tilespmem:s23], [sflag:$0x2] =	stream.linear.gather [hbm4b:s24+s2], $0x80, $0x38;
	[tilespmem:$0x19080] =	vst v63  }
0x459: {  	s25 =	sadd.s32 $0x12C00, s19;
	s18 =	sand.u32 $0x1FFFFFF0, s18;
	s16 =	sadd.s32 s3, s22  }
0x45a: {  	[tilespmem:s25], [sflag:$0x2] =	stream.linear.gather [hbm4b:s16+s2], $0x80, $0x38;
	[tilespmem:$0x19080] =	vst v63  }
0x45b: {  	s26 =	sadd.s32 $0x14C00, s19;
	s28 =	sadd.s32 s4, s18  }
0x45c: {  	[tilespmem:s26], [sflag:$0x2] =	stream.linear.gather [hbm4b:s28+s2], $0x80, $0x38;
	[tilespmem:$0x19080] =	vst v63  }
0x45d: {  	s29 =	sadd.s32 $0x16C00, s19;
	s30 =	sadd.s32 s6, s18  }
0x45e: {  	[tilespmem:s29], [sflag:$0x2] =	stream.linear.gather [hbm4b:s30+s2], $0x80, $0x38;
	[tilespmem:$0x19080] =	vst v63  }
0x45f: {  	_ =	swait.ge [sflag:s10], $0x2000  }
0x460: {  	[sflag:s10] =	ssyncset.done $0x0  }
0x461: {  	[sflag:s10] =	ssyncadd.s32 $0xFFFFE000  }
0x462: {  	_ =	swait.ge [sflag:s10], $0x2000  }
0x463: {  	[sflag:s10] =	ssyncset.done $0x0  }
0x464: {  	[sflag:s10] =	ssyncadd.s32 $0xFFFFE000  }
0x465: {  	_ =	swait.ge [sflag:s10], $0x2000  }
0x466: {  	[sflag:s10] =	ssyncset.done $0x0  }
0x467: {  	[sflag:s10] =	ssyncadd.s32 $0xFFFFE000  }
0x468: {  	_ =	swait.ge [sflag:s10], $0x2000  }
0x469: {  	[sflag:s10] =	ssyncset.done $0x0  }
0x46a: {  	[sflag:s10] =	ssyncadd.s32 $0xFFFFE000  }
0x46b: {  	_ =	swait.ge [sflag:s10], $0x2000  }
0x46c: {  	[sflag:s10] =	ssyncset.done $0x0  }
0x46d: {  	[sflag:s10] =	ssyncadd.s32 $0xFFFFE000  }
0x46e: {  	_ =	swait.ge [sflag:s10], $0x2000  }
0x46f: {  	[sflag:s10] =	ssyncset.done $0x0  }
0x470: {  	s17 =	simm.s32 $0x0;
	[sflag:s10] =	ssyncadd.s32 $0xFFFFE000  }
0x471: {  	v8 =	vld [tilespmem:s17+$0xC20]  }
0x472: {  	v7 =	vld [tilespmem:s17+$0x8C00]  }
0x473: {  	v2 =	vld [tilespmem:s17+$0x4C20]  }
0x474: {  	v11 =	vld [tilespmem:s17+$0x6C20]  }
0x475: {  	v4 =	vld [tilespmem:s17+$0x2C20]  }
0x476: {  	v3 =	vld [tilespmem:s17+$0xAC10]  }
0x477: {  	v14 =	vld [tilespmem:s17+$0x8C10]  }
0x478: {  	v12 =	vld [tilespmem:s17+$0xAC00]  }
0x479: {  	v13 =	vld [tilespmem:s17+$0xC10]  }
0x47a: {  	v20 =	vld [tilespmem:s17+$0x6C10]  }
0x47b: {  	v17 =	vld [tilespmem:s17+$0x2C10]  }
0x47c: {  	v21 =	vld [tilespmem:s17+$0x4C10];
	v15 =	vmul.f32 v11, v4;
	v16 =	vmul.f32 v4, v4  }
0x47d: {  	v24 =	vld [tilespmem:s17+$0x6C00];
	v18 =	vmul.f32 v3, v3;
	v19 =	vmul.f32 v2, v4  }
0x47e: {  	v10 =	vld [tilespmem:s17+$0x2C00];
	v22 =	vmul.f32 v12, v12;
	v4 =	vmul.f32 v11, v11  }
0x47f: {  	v23 =	vld [tilespmem:s17+$0x4C00];
	v25 =	vmul.f32 v14, v14;
	v26 =	vmul.f32 v8, v8  }
0x480: {  	v30 =	vld [tilespmem:s17+$0xC00];
	v27 =	vmul.f32 v20, v13;
	v6 =	vmul.f32 v2, v2  }
0x481: {  	v28 =	vmul.f32 v7, v7;
	v5 =	vmul.f32 v17, v17  }
0x482: {  	v29 =	vmul.f32 v20, v17;
	v17 =	vmul.f32 v21, v17  }
0x483: {  	v31 =	vmul.f32 v24, v10;
	v33 =	vmul.f32 v24, v24;
	v25 =	vadd.f32 v18, v25  }
0x484: {  	v18 =	vmul.f32 v2, v8;
	v2 =	vadd.f32 v16, v26;
	v16 =	vadd.f32 v22, v28  }
0x485: {  	v34 =	vmul.f32 v23, v30;
	v22 =	vmul.f32 v11, v8;
	v8 =	vld [tilespmem:s17+$0x8C20]  }
0x486: {  	v26 =	vmul.f32 v23, v23;
	v28 =	vmul.f32 v21, v13;
	v32 =	vadd.f32 v16, v9;
	v16 =	vld [tilespmem:s17+$0xAC20]  }
0x487: {  	v11 =	vmul.f32 v13, v13;
	v13 =	vld [tilespmem:s17+$0x8C30];
	v27 =	vsub.f32 v27, v17;
	v18 =	vadd.f32 v15, v18  }
0x488: {  	v15 =	vmul.f32 v30, v30;
	v29 =	vadd.f32 v29, v28;
	v9 =	vld [tilespmem:s17+$0xAC30];
	v28 =	vmul.f32 v23, v10  }
0x489: {  	v17 =	vld [tilespmem:s17+$0x6C30];
	v19 =	vsub.f32 v22, v19;
	v22 =	vmul.f32 v21, v21;
	v30 =	vmul.f32 v24, v30  }
0x48a: {  	v23 =	vadd.f32 v33, v26;
	v24 =	vmul.f32 v20, v20;
	v20 =	vld [tilespmem:s17+$0x4C30];
	v26 =	vmul.f32 v29, v14  }
0x48b: {  	s19 =	simm.s32 $0x200;
	s18 =	simm.s32 $0x18C00;
	s16 =	simm.s32 $0x18C00;
	v14 =	vld [tilespmem:s17+$0x2C30];
	v29 =	vadd.f32 v31, v34;
	v21 =	vadd.f32 v25, v32;
	v25 =	vmul.f32 v16, v16  }
.LBB2_34:
0x48c: {  	p0 =	sne.s32 s19, $0x7E00  }
0x48d: {  	v1 =	vadd.f32 v23, v1;
	v23 =	vmul.f32 v8, v8;
	v31 =	vmul.f32 v9, v9;
	s18 =	sadd.s32 $0x10, s18;
	s20 =	smov.u32 s19;
	s19 =	sadd.s32 $0x200, s19  }
0x48e: {  	v28 =	vsub.f32 v30, v28;
	v10 =	vmul.f32 v10, v10;
	v22 =	vadd.f32 v24, v22;
	v24 =	vld [tilespmem:s17+$0xC30]  }
0x48f: {  	v7 =	vmul.f32 v29, v7;
	v23 =	vadd.f32 v25, v23;
	v25 =	vmul.f32 v13, v13  }
0x490: {  	v4 =	vadd.f32 v4, v6;
	v12 =	vmul.f32 v28, v12;
	v6 =	vmul.f32 v17, v14  }
0x491: {  	v7 =	vadd.f32 $0.0e+00, v7;
	v29 =	vmul.f32 v17, v17;
	v28 =	vmul.f32 v20, v14  }
0x492: {  	v21 =	vadd.f32 v23, v21;
	v23 =	vmul.f32 v20, v20;
	v25 =	vadd.f32 v31, v25  }
0x493: {  	v10 =	vadd.f32 v10, v15;
	v7 =	vadd.f32 v7, v12;
	v12 =	vmul.f32 v20, v24  }
0x494: {  	v3 =	vmul.f32 v27, v3;
	v5 =	vadd.f32 v5, v11;
	v11 =	vmul.f32 v24, v24  }
0x495: {  	v1 =	vadd.f32 v22, v1;
	v7 =	vadd.f32 v26, v7;
	v15 =	vmul.f32 v17, v24  }
0x496: {  	v0 =	vadd.f32 v10, v0;
	v10 =	vmul.f32 v14, v14;
	v6 =	vadd.f32 v6, v12  }
0x497: {  	v3 =	vadd.f32 v7, v3;
	v7 =	vmul.f32 v18, v8;
	v8 =	vsub.f32 v15, v28  }
0x498: {  	v0 =	vadd.f32 v5, v0;
	v5 =	vadd.f32 v29, v23  }
0x499: {  	v10 =	vadd.f32 v10, v11;
	v3 =	vadd.f32 v7, v3;
	v7 =	vmul.f32 v19, v16  }
0x49a: {  	v0 =	vadd.f32 v2, v0;
	v11 =	vadd.f32 v25, v21;
	v2 =	vmul.f32 v6, v13  }
0x49b: {  	v1 =	vadd.f32 v4, v1;
	v3 =	vadd.f32 v3, v7  }
0x49c: {  	v4 =	vmul.f32 v8, v9;
	v0 =	vadd.f32 v10, v0  }
0x49d: {  	v1 =	vadd.f32 v5, v1;
	v2 =	vadd.f32 v2, v3;
	_ =	sdelay $0x1  }
0x49e: {  	s17 =	sshra.s32 s20, $0x2;
	v2 =	vadd.f32 v2, v4;
	_ =	sdelay $0x1  }
0x49f: {  	[tilespmem:s16+$0x0] =	vst v2;
	s16 =	smov.u32 s18  }
0x4a0: {  	v9 =	vld [tilespmem:s17+$0xC20]  }
0x4a1: {  	v7 =	vld [tilespmem:s17+$0x8C00]  }
0x4a2: {  	v2 =	vld [tilespmem:s17+$0x4C20]  }
0x4a3: {  	v13 =	vld [tilespmem:s17+$0x6C20]  }
0x4a4: {  	v4 =	vld [tilespmem:s17+$0x2C20]  }
0x4a5: {  	v3 =	vld [tilespmem:s17+$0xAC10]  }
0x4a6: {  	v14 =	vld [tilespmem:s17+$0x8C10]  }
0x4a7: {  	v12 =	vld [tilespmem:s17+$0xAC00]  }
0x4a8: {  	v15 =	vld [tilespmem:s17+$0xC10]  }
0x4a9: {  	v20 =	vld [tilespmem:s17+$0x6C10];
	v16 =	vmul.f32 v13, v4;
	v8 =	vmul.f32 v4, v4  }
0x4aa: {  	v19 =	vmul.f32 v2, v4;
	v17 =	vld [tilespmem:s17+$0x2C10];
	v18 =	vmul.f32 v3, v3  }
0x4ab: {  	v21 =	vld [tilespmem:s17+$0x4C10]  }
0x4ac: {  	v4 =	vmul.f32 v13, v13;
	v24 =	vld [tilespmem:s17+$0x6C00];
	v22 =	vmul.f32 v12, v12  }
0x4ad: {  	v26 =	vmul.f32 v9, v9;
	v25 =	vmul.f32 v14, v14;
	v23 =	vld [tilespmem:s17+$0x4C00]  }
0x4ae: {  	v6 =	vmul.f32 v2, v2;
	v10 =	vld [tilespmem:s17+$0x2C00];
	v27 =	vmul.f32 v20, v15  }
0x4af: {  	v28 =	vmul.f32 v7, v7;
	v25 =	vadd.f32 v18, v25;
	v30 =	vld [tilespmem:s17+$0xC00];
	v5 =	vmul.f32 v17, v17  }
0x4b0: {  	v18 =	vmul.f32 v2, v9;
	v2 =	vadd.f32 v8, v26;
	v29 =	vmul.f32 v20, v17  }
0x4b1: {  	v13 =	vmul.f32 v13, v9;
	v22 =	vadd.f32 v22, v28;
	v17 =	vmul.f32 v21, v17;
	v8 =	vld [tilespmem:s17+$0x8C20]  }
0x4b2: {  	v18 =	vadd.f32 v16, v18;
	v9 =	vmul.f32 v21, v15;
	v26 =	vmul.f32 v23, v23  }
0x4b3: {  	v32 =	vadd.f32 v22, v11;
	v11 =	vmul.f32 v15, v15;
	v31 =	vmul.f32 v24, v10;
	v16 =	vld [tilespmem:s17+$0xAC20]  }
.Ltmp16:
0x4b4: {  	v22 =	vmul.f32 v24, v24;
	v29 =	vadd.f32 v29, v9;
	v15 =	vmul.f32 v30, v30;
	v9 =	vld [tilespmem:s17+$0xAC30];
	(pc) =	sbr.rel @p0 .LBB2_34-.Ltmp16, $4  }
0x4b5: {  	v19 =	vsub.f32 v13, v19;
	v28 =	vmul.f32 v23, v10;
	v33 =	vmul.f32 v23, v30;
	v13 =	vld [tilespmem:s17+$0x8C30]  }
0x4b6: {  	v23 =	vadd.f32 v22, v26;
	v26 =	vmul.f32 v29, v14;
	v22 =	vmul.f32 v21, v21;
	v14 =	vld [tilespmem:s17+$0x2C30]  }
0x4b7: {  	v27 =	vsub.f32 v27, v17;
	v30 =	vmul.f32 v24, v30;
	v29 =	vadd.f32 v31, v33;
	v17 =	vld [tilespmem:s17+$0x6C30]  }
0x4b8: {  	v24 =	vmul.f32 v20, v20;
	v21 =	vadd.f32 v25, v32;
	v25 =	vmul.f32 v16, v16;
	v20 =	vld [tilespmem:s17+$0x4C30]  }
0x4b9: {  	v28 =	vsub.f32 v30, v28;
	v7 =	vmul.f32 v29, v7;
	_ =	sdelay $0x1  }
0x4ba: {  	v12 =	vmul.f32 v28, v12;
	v7 =	vadd.f32 $0.0e+00, v7  }
0x4bb: {  	v28 =	vld [tilespmem:s17+$0xC30]  }
0x4bc: {  	v7 =	vadd.f32 v7, v12;
	_ =	sdelay $0x1  }
0x4bd: {  	v3 =	vmul.f32 v27, v3;
	v7 =	vadd.f32 v26, v7  }
0x4be: {  	v12 =	vmul.f32 v17, v14  }
0x4bf: {  	v26 =	vmul.f32 v20, v28;
	v3 =	vadd.f32 v7, v3;
	v7 =	vmul.f32 v18, v8  }
0x4c0: {  	v27 =	vmul.f32 v17, v28;
	v18 =	vmul.f32 v20, v14  }
0x4c1: {  	v12 =	vadd.f32 v12, v26;
	v3 =	vadd.f32 v7, v3;
	v7 =	vmul.f32 v19, v16;
	_ =	sdelay $0x1  }
0x4c2: {  	v16 =	vsub.f32 v27, v18;
	v12 =	vmul.f32 v12, v13;
	v3 =	vadd.f32 v3, v7;
	_ =	sdelay $0x1  }
0x4c3: {  	v7 =	vmul.f32 v16, v9;
	v3 =	vadd.f32 v12, v3;
	_ =	sdelay $0x1  }
0x4c4: {  	v3 =	vadd.f32 v3, v7;
	_ =	sdelay $0x1  }
0x4c5: {  	s30 =	simm.s32 $0x0;
	s18 =	rddreg [dreg:$0xc];
	[tilespmem:s16+$0x0] =	vst v3;
	s16 =	simm.s32 $0x18C00  }
0x4c6: {  	[hbm4b:s18+s30] =	stream.linear.scatter [tilespmem:s16], [sflag:$0x3], $0x400, $0x38;
	[tilespmem:$0x19080] =	vst v63  }
0x4c7: {  	_ =	swait.ge [sflag:s1], $0x400  }
0x4c8: {  	[sflag:s1] =	ssyncset.done $0x0  }
0x4c9: {  	[sflag:s1] =	ssyncadd.s32 $0xFFFFFC00  }
0x4ca: {  	_ =	swait.ge [sflag:s14], $0x2000  }
0x4cb: {  	[sflag:s14] =	ssyncset.done $0x0  }
0x4cc: {  	[sflag:s14] =	ssyncadd.s32 $0xFFFFE000  }
0x4cd: {  	_ =	swait.ge [sflag:s14], $0x2000  }
0x4ce: {  	[sflag:s14] =	ssyncset.done $0x0  }
0x4cf: {  	[sflag:s14] =	ssyncadd.s32 $0xFFFFE000  }
0x4d0: {  	_ =	swait.ge [sflag:s14], $0x2000  }
0x4d1: {  	[sflag:s14] =	ssyncset.done $0x0  }
0x4d2: {  	[sflag:s14] =	ssyncadd.s32 $0xFFFFE000  }
0x4d3: {  	_ =	swait.ge [sflag:s14], $0x2000  }
0x4d4: {  	[sflag:s14] =	ssyncset.done $0x0  }
0x4d5: {  	[sflag:s14] =	ssyncadd.s32 $0xFFFFE000  }
0x4d6: {  	_ =	swait.ge [sflag:s14], $0x2000  }
0x4d7: {  	[sflag:s14] =	ssyncset.done $0x0  }
0x4d8: {  	[sflag:s14] =	ssyncadd.s32 $0xFFFFE000  }
0x4d9: {  	_ =	swait.ge [sflag:s14], $0x2000  }
0x4da: {  	[sflag:s14] =	ssyncset.done $0x0  }
0x4db: {  	s18 =	simm.s32 $0x0;
	[sflag:s14] =	ssyncadd.s32 $0xFFFFE000  }
0x4dc: {  	v12 =	vld [tilespmem:s18+$0xCC20]  }
0x4dd: {  	v7 =	vmul.f32 v8, v8;
	v3 =	vld [tilespmem:s18+$0x14C00]  }
0x4de: {  	v6 =	vadd.f32 v4, v6;
	v8 =	vmul.f32 v10, v10;
	v10 =	vld [tilespmem:s18+$0x10C20]  }
0x4df: {  	v16 =	vadd.f32 v23, v1;
	v1 =	vadd.f32 v25, v7;
	v18 =	vld [tilespmem:s18+$0x12C20]  }
0x4e0: {  	v5 =	vadd.f32 v5, v11;
	v11 =	vmul.f32 v14, v14;
	v8 =	vadd.f32 v8, v15;
	v15 =	vld [tilespmem:s18+$0xEC20]  }
0x4e1: {  	v13 =	vmul.f32 v13, v13;
	v9 =	vmul.f32 v9, v9;
	v19 =	vadd.f32 v1, v21;
	v1 =	vld [tilespmem:s18+$0x16C10]  }
0x4e2: {  	v17 =	vmul.f32 v17, v17;
	v7 =	vadd.f32 v24, v22;
	v0 =	vadd.f32 v8, v0;
	v21 =	vld [tilespmem:s18+$0x14C10]  }
0x4e3: {  	v20 =	vmul.f32 v20, v20;
	v8 =	vadd.f32 v9, v13;
	v9 =	vmul.f32 v28, v28;
	v4 =	vld [tilespmem:s18+$0x16C00]  }
0x4e4: {  	v7 =	vadd.f32 v7, v16;
	v0 =	vadd.f32 v5, v0;
	v14 =	vld [tilespmem:s18+$0xCC10]  }
0x4e5: {  	v5 =	vadd.f32 v17, v20;
	v9 =	vadd.f32 v11, v9;
	v22 =	vld [tilespmem:s18+$0x12C10]  }
0x4e6: {  	v0 =	vadd.f32 v2, v0;
	v16 =	vld [tilespmem:s18+$0xEC10];
	v11 =	vmul.f32 v18, v15;
	v2 =	vmul.f32 v15, v15  }
0x4e7: {  	v17 =	vadd.f32 v8, v19;
	v23 =	vld [tilespmem:s18+$0x10C10];
	v19 =	vmul.f32 v1, v1;
	v20 =	vmul.f32 v10, v15  }
0x4e8: {  	v6 =	vadd.f32 v6, v7;
	v30 =	vld [tilespmem:s18+$0xCC00];
	v24 =	vmul.f32 v4, v4;
	v8 =	vmul.f32 v18, v18  }
0x4e9: {  	v0 =	vadd.f32 v9, v0;
	v25 =	vld [tilespmem:s18+$0x10C00];
	v9 =	vmul.f32 v21, v21;
	v26 =	vmul.f32 v12, v12  }
0x4ea: {  	v29 =	vmul.f32 v22, v14;
	v13 =	vmul.f32 v10, v10  }
0x4eb: {  	v5 =	vadd.f32 v5, v6;
	v6 =	vmul.f32 v3, v3;
	v7 =	vmul.f32 v16, v16  }
0x4ec: {  	v28 =	vld [tilespmem:s18+$0x12C00];
	v10 =	vmul.f32 v10, v12;
	v32 =	vmul.f32 v23, v16  }
0x4ed: {  	v15 =	vld [tilespmem:s18+$0xEC00];
	v12 =	vmul.f32 v18, v12;
	v18 =	vmul.f32 v30, v30  }
0x4ee: {  	v34 =	vmul.f32 v25, v30;
	v31 =	vadd.f32 v19, v9;
	v19 =	vmul.f32 v22, v16  }
0x4ef: {  	v2 =	vadd.f32 v2, v26;
	v6 =	vadd.f32 v24, v6;
	v9 =	vld [tilespmem:s18+$0x14C20];
	v26 =	vmul.f32 v25, v25  }
0x4f0: {  	v24 =	vmul.f32 v23, v14;
	v11 =	vadd.f32 v11, v10;
	v16 =	vmul.f32 v14, v14;
	v10 =	vld [tilespmem:s18+$0x16C20]  }
0x4f1: {  	v14 =	vsub.f32 v12, v20;
	v12 =	vld [tilespmem:s18+$0x14C30];
	v33 =	vadd.f32 v6, v17;
	v17 =	vmul.f32 v28, v28  }
0x4f2: {  	v30 =	vmul.f32 v28, v30;
	v19 =	vadd.f32 v19, v24;
	v6 =	vld [tilespmem:s18+$0x16C30];
	v27 =	vmul.f32 v28, v15  }
0x4f3: {  	v20 =	vld [tilespmem:s18+$0x12C30];
	v24 =	vmul.f32 v25, v15;
	v25 =	vmul.f32 v23, v23;
	v26 =	vadd.f32 v17, v26  }
0x4f4: {  	v19 =	vmul.f32 v19, v21;
	v17 =	vld [tilespmem:s18+$0xEC30];
	v21 =	vsub.f32 v29, v32;
	v29 =	vmul.f32 v22, v22  }
0x4f5: {  	s19 =	simm.s32 $0x200;
	s17 =	simm.s32 $0x18C00;
	v23 =	vadd.f32 v31, v33;
	v22 =	vld [tilespmem:s18+$0x10C30];
	v27 =	vadd.f32 v27, v34;
	v28 =	vmul.f32 v10, v10  }
.LBB2_36:
0x4f6: {  	p0 =	sne.s32 s19, $0x7E00  }
0x4f7: {  	v5 =	vadd.f32 v26, v5;
	v26 =	vmul.f32 v9, v9;
	v31 =	vmul.f32 v6, v6;
	s16 =	sadd.s32 $0x10, s16;
	s20 =	smov.u32 s19;
	s19 =	sadd.s32 $0x200, s19  }
0x4f8: {  	v24 =	vsub.f32 v30, v24;
	v15 =	vmul.f32 v15, v15;
	v25 =	vadd.f32 v29, v25;
	v29 =	vld [tilespmem:s18+$0xCC30]  }
0x4f9: {  	v3 =	vmul.f32 v27, v3;
	v27 =	vmul.f32 v12, v12;
	v26 =	vadd.f32 v28, v26  }
0x4fa: {  	v8 =	vadd.f32 v8, v13;
	v4 =	vmul.f32 v24, v4;
	v13 =	vmul.f32 v20, v17  }
0x4fb: {  	v3 =	vadd.f32 $0.0e+00, v3;
	v28 =	vmul.f32 v20, v20;
	v24 =	vmul.f32 v22, v17  }
0x4fc: {  	v27 =	vadd.f32 v31, v27;
	v23 =	vadd.f32 v26, v23;
	v26 =	vmul.f32 v22, v22  }
0x4fd: {  	v3 =	vadd.f32 v3, v4;
	v4 =	vadd.f32 v15, v18;
	v15 =	vmul.f32 v22, v29  }
0x4fe: {  	v1 =	vmul.f32 v21, v1;
	v7 =	vadd.f32 v7, v16;
	v16 =	vmul.f32 v29, v29  }
0x4ff: {  	v5 =	vadd.f32 v25, v5;
	v3 =	vadd.f32 v19, v3;
	v18 =	vmul.f32 v20, v29  }
0x500: {  	v0 =	vadd.f32 v4, v0;
	v4 =	vadd.f32 v13, v15;
	v13 =	vmul.f32 v17, v17  }
0x501: {  	v1 =	vadd.f32 v3, v1;
	v3 =	vmul.f32 v11, v9;
	v9 =	vsub.f32 v18, v24  }
0x502: {  	v0 =	vadd.f32 v7, v0;
	v7 =	vadd.f32 v28, v26  }
0x503: {  	v1 =	vadd.f32 v3, v1;
	v3 =	vmul.f32 v14, v10;
	v10 =	vadd.f32 v13, v16  }
0x504: {  	v0 =	vadd.f32 v2, v0;
	v2 =	vmul.f32 v4, v12;
	v12 =	vadd.f32 v27, v23  }
0x505: {  	v1 =	vadd.f32 v1, v3;
	v3 =	vadd.f32 v8, v5  }
0x506: {  	v4 =	vmul.f32 v9, v6;
	v0 =	vadd.f32 v10, v0  }
0x507: {  	v1 =	vadd.f32 v2, v1;
	v5 =	vadd.f32 v7, v3;
	_ =	sdelay $0x1  }
0x508: {  	s18 =	sshra.s32 s20, $0x2;
	v1 =	vadd.f32 v1, v4;
	_ =	sdelay $0x1  }
0x509: {  	[tilespmem:s17+$0x0] =	vst v1;
	s17 =	smov.u32 s16  }
0x50a: {  	v6 =	vld [tilespmem:s18+$0xCC20]  }
0x50b: {  	v3 =	vld [tilespmem:s18+$0x14C00]  }
0x50c: {  	v2 =	vld [tilespmem:s18+$0x10C20]  }
0x50d: {  	v10 =	vld [tilespmem:s18+$0x12C20]  }
0x50e: {  	v7 =	vld [tilespmem:s18+$0xEC20]  }
0x50f: {  	v1 =	vld [tilespmem:s18+$0x16C10]  }
0x510: {  	v17 =	vld [tilespmem:s18+$0x14C10]  }
0x511: {  	v4 =	vld [tilespmem:s18+$0x16C00]  }
0x512: {  	v14 =	vld [tilespmem:s18+$0xCC10]  }
0x513: {  	v22 =	vld [tilespmem:s18+$0x12C10];
	v11 =	vmul.f32 v10, v7;
	v9 =	vmul.f32 v7, v7  }
0x514: {  	v19 =	vmul.f32 v2, v7;
	v16 =	vld [tilespmem:s18+$0xEC10];
	v18 =	vmul.f32 v1, v1  }
0x515: {  	v20 =	vld [tilespmem:s18+$0x10C10]  }
0x516: {  	v8 =	vmul.f32 v10, v10;
	v21 =	vld [tilespmem:s18+$0x12C00];
	v23 =	vmul.f32 v4, v4  }
0x517: {  	v26 =	vmul.f32 v6, v6;
	v25 =	vmul.f32 v17, v17;
	v24 =	vld [tilespmem:s18+$0x10C00]  }
0x518: {  	v13 =	vmul.f32 v2, v2;
	v15 =	vld [tilespmem:s18+$0xEC00];
	v28 =	vmul.f32 v22, v14  }
0x519: {  	v27 =	vmul.f32 v3, v3;
	v31 =	vadd.f32 v18, v25;
	v29 =	vld [tilespmem:s18+$0xCC00];
	v7 =	vmul.f32 v16, v16  }
0x51a: {  	v18 =	vmul.f32 v2, v6;
	v2 =	vadd.f32 v9, v26;
	v25 =	vmul.f32 v22, v16  }
0x51b: {  	v26 =	vmul.f32 v10, v6;
	v23 =	vadd.f32 v23, v27;
	v32 =	vmul.f32 v20, v16;
	v9 =	vld [tilespmem:s18+$0x14C20]  }
0x51c: {  	v11 =	vadd.f32 v11, v18;
	v6 =	vmul.f32 v20, v14;
	v27 =	vmul.f32 v24, v24  }
0x51d: {  	v23 =	vadd.f32 v23, v12;
	v16 =	vmul.f32 v14, v14;
	v30 =	vmul.f32 v21, v15;
	v10 =	vld [tilespmem:s18+$0x16C20]  }
.Ltmp17:
0x51e: {  	v33 =	vmul.f32 v21, v21;
	v25 =	vadd.f32 v25, v6;
	v18 =	vmul.f32 v29, v29;
	v6 =	vld [tilespmem:s18+$0x16C30];
	(pc) =	sbr.rel @p0 .LBB2_36-.Ltmp17, $4  }
0x51f: {  	v14 =	vsub.f32 v26, v19;
	v34 =	vmul.f32 v24, v29;
	v24 =	vmul.f32 v24, v15;
	v12 =	vld [tilespmem:s18+$0x14C30]  }
0x520: {  	v26 =	vadd.f32 v33, v27;
	v19 =	vmul.f32 v25, v17;
	v25 =	vmul.f32 v20, v20;
	v17 =	vld [tilespmem:s18+$0xEC30]  }
0x521: {  	v27 =	vadd.f32 v30, v34;
	v30 =	vmul.f32 v21, v29;
	v21 =	vsub.f32 v28, v32;
	v20 =	vld [tilespmem:s18+$0x12C30]  }
0x522: {  	v23 =	vadd.f32 v31, v23;
	v29 =	vmul.f32 v22, v22;
	v28 =	vmul.f32 v10, v10;
	v22 =	vld [tilespmem:s18+$0x10C30]  }
0x523: {  	v24 =	vsub.f32 v30, v24;
	v3 =	vmul.f32 v27, v3;
	_ =	sdelay $0x1  }
0x524: {  	v44 =	vmul.f32 v9, v9;
	v4 =	vmul.f32 v24, v4;
	v3 =	vadd.f32 $0.0e+00, v3  }
0x525: {  	v5 =	vadd.f32 v26, v5;
	v45 =	vmul.f32 v6, v6;
	v46 =	vld [tilespmem:s18+$0xCC30];
	v15 =	vmul.f32 v15, v15  }
0x526: {  	v47 =	vadd.f32 v8, v13;
	v1 =	vmul.f32 v21, v1;
	v3 =	vadd.f32 v3, v4  }
0x527: {  	v54 =	vmul.f32 v11, v9;
	v7 =	vadd.f32 v7, v16;
	v57 =	vmul.f32 v14, v10  }
0x528: {  	v25 =	vadd.f32 v29, v25;
	v59 =	vmul.f32 v12, v12;
	v3 =	vadd.f32 v19, v3  }
0x529: {  	v27 =	vadd.f32 v28, v44;
	v15 =	vadd.f32 v15, v18;
	v58 =	vmul.f32 v17, v17  }
0x52a: {  	v48 =	vmul.f32 v20, v17;
	v53 =	vmul.f32 v22, v46;
	v1 =	vadd.f32 v3, v1  }
0x52b: {  	v50 =	vmul.f32 v20, v20;
	v5 =	vadd.f32 v25, v5;
	v49 =	vmul.f32 v22, v17  }
0x52c: {  	v56 =	vmul.f32 v20, v46;
	v8 =	vadd.f32 v48, v53;
	v1 =	vadd.f32 v54, v1  }
0x52d: {  	v51 =	vadd.f32 v27, v23;
	v52 =	vmul.f32 v22, v22;
	v0 =	vadd.f32 v15, v0  }
0x52e: {  	v11 =	vsub.f32 v56, v49;
	v8 =	vmul.f32 v8, v12;
	v1 =	vadd.f32 v1, v57  }
0x52f: {  	v55 =	vmul.f32 v46, v46;
	v62 =	vadd.f32 v47, v5;
	v0 =	vadd.f32 v7, v0  }
0x530: {  	v60 =	vadd.f32 v50, v52;
	v61 =	vmul.f32 v11, v6;
	v1 =	vadd.f32 v8, v1  }
0x531: {  	v9 =	vadd.f32 v58, v55;
	v0 =	vadd.f32 v2, v0  }
0x532: {  	v3 =	vadd.f32 v45, v59;
	v1 =	vadd.f32 v1, v61  }
0x533: {  	v2 =	vadd.f32 v60, v62;
	v0 =	vadd.f32 v9, v0  }
0x534: {  	s16 =	rddreg [dreg:$0xd];
	[tilespmem:s17+$0x0] =	vst v1  }
0x535: {  	v63 =	vadd.f32 v3, v51;
	v0 =	vadd.f32 v2, v0;
	[hbm4b:s16+s2] =	stream.linear.scatter [tilespmem:s13], [sflag:$0x3], $0x400, $0x38;
	[tilespmem:$0x19080] =	vst v63  }
0x536: {  	_ =	swait.ge [sflag:s1], $0x400  }
0x537: {  	v0 =	vadd.f32 v63, v0;
	[sflag:s1] =	ssyncset.done $0x0  }
0x538: {  	[sflag:s1] =	ssyncadd.s32 $0xFFFFFC00  }
0x539: {  	s29 =	simm.s32 $0x19000;
	s28 =	rddreg [dreg:$0xe];
	[tilespmem:$0x19000] =	vst v0  }
0x53a: {  	[hbm4b:s28+s2] =	stream.linear.scatter [tilespmem:s29], [sflag:$0x3], $0x80, $0x38;
	[tilespmem:$0x19080] =	vst v63  }
0x53b: {  	_ =	swait.ge [sflag:s1], $0x80  }
0x53c: {  	s15 =	sadd.s32 $0x1, s15;
	s30 =	rddreg [dreg:$0xf]  }
0x53d: {  	p0 =	sne.s32 s15, s30  }
.Ltmp18:
0x53e: {  	_ = 	snop;
	(pc) =	sbr.rel @p0 .LBB2_1-.Ltmp18, $4  }
.Ltmp19:
0x53f: {  	_ = 	snop;
	(pc) =	sbr.rel @!p0 .LBB2_38-.Ltmp19, $4  }
0x540: {  	_ = 	snop  }
0x541: {  	[sflag:s1] =	ssyncset.done $0x0  }
0x542: {  	[sflag:s1] =	ssyncadd.s32 $0xFFFFFF80  }
0x543: {  	_ = 	snop  }
.LBB2_4:
.Ltmp20:
0x544: {  	(pc) =	sbr.rel .LBB2_9-.Ltmp20, $2  }
0x545: {  	_ =	sdelay $0x2  }
0x546: {  	_ = 	snop  }
.LBB2_6:
.Ltmp21:
0x547: {  	(pc) =	sbr.rel .LBB2_9-.Ltmp21, $2  }
0x548: {  	_ =	sdelay $0x2  }
0x549: {  	s25 =	smov.u32 s20;
	s19 =	simm.s32 $0x441;
	s16 =	simm.s32 $0x200  }
.LBB2_38:
0x54a: {  	_ =	sfence.sel $0x180000  }
0x54b: {  	[bflag:$0x0] =	sbarrier.arrive $0xFFFF  }
0x54c: {  	_ =	strace $0x90000047  }
0x54d: {  	s0 =	stileid.u32;
	[bflag:$0x2] =	sbarrier.arrive $0xFFFF  }
0x54e: {  	p0 =	sne.s32 s0, $0x0;
	s0 =	rddreg [dreg:$0x2]  }
0x54f: {  	s0 =	sadd.s32 @!p0 $0x100000, s0  }
0x550: {  	[sflag:s0] =	ssyncadd.tile.s32 @!p0 $0x1;
	_ =	shalt  }
.Lfunc_end2:
_tile_overlayer_lowered:
.L_overlay_start_2:
0x551: {  	(tag) =	ssettag $0x2  }
0x552: {  	s0 =	rddreg [dreg:$0x0];
	s2 =	stileid.u32  }
0x553: {  	s1 =	rddreg [dreg:$0x1];
	p0 =	sne.s32 s2, $0x0  }
0x554: {  	s3 =	rddreg [dreg:$0x2];
	[bflag:$0x3] =	sbarrier.arrive $0xFFFF;
	s2 =	simm.s32 @!p0 $0x1C03  }
0x555: {  	[timem:s3], [sflag:s2] =	dma.local @!p0 [hbm:s0], s1  }
0x556: {  	s0 =	simm.s32 @!p0 $0x3  }
0x557: {  	_ =	swait.ge @!p0 [sflag:s0], s1  }
0x558: {  	s1 =	ssub.s32 @!p0 $0x0, s1;
	[sflag:s0] =	ssyncset.done @!p0 $0x0  }
0x559: {  	[sflag:s0] =	ssyncadd.s32 @!p0 s1  }
0x55a: {  	[bflag:$0x3] =	sbarrier.arrive $0xFFFF  }
0x55b: {  	_ =	shalt  }

</sc_bundles>
